<compile_context>
chip_gen: v7x
topology: tpu7x:2x2x1
jax: 0.10.2.dev20260603
libtpu: 0.0.44.dev20260713+nightly
codegen_flags: <defaults>
</compile_context>

<pallas_src>
import functools

import jax
import jax.numpy as jnp
from jax import lax
from jax.experimental import pallas as pl
from jax.experimental.pallas import tpu as pltpu
from jax.experimental.pallas import tpu_sc as plsc

_N = 10000
_E = 320000
_D = 128
_H = 128
_C = 16
_G = 64

_NC = 2
_NS = 16
_CHUNK = 80
_CPT = _E // (_NC * _NS * _CHUNK)
_N_PAD = 10240
_ROWS_PER_TILE = _N_PAD // _NS


_R = 4


def _seg_sum_body(feat, y_hbm, rh_hbm, esd_hbm, out_hbm,
                  acc_sh, idx0, idx1, idx2, idx3,
                  rows0, rows1, rows2, rows3,
                  sem_i0, sem_i1, sem_i2, sem_i3,
                  sem_g0, sem_g1, sem_g2, sem_g3,
                  sem_s0, sem_s1, sem_s2, sem_s3):
    c = lax.axis_index("c")
    s = lax.axis_index("s")
    w = c * _NS + s
    idxs = (idx0, idx1, idx2, idx3)
    rows = (rows0, rows1, rows2, rows3)
    isems = (sem_i0, sem_i1, sem_i2, sem_i3)
    gsems = (sem_g0, sem_g1, sem_g2, sem_g3)
    ssems = (sem_s0, sem_s1, sem_s2, sem_s3)
    cbase = w * _CPT

    base_r = s * _ROWS_PER_TILE
    last_full = (_N - (_NS - 1) * _ROWS_PER_TILE)

    @pl.when(s < _NS - 1)
    def _():
        pltpu.sync_copy(rh_hbm.at[pl.ds(base_r, _ROWS_PER_TILE)],
                        acc_sh.at[pl.ds(base_r, _ROWS_PER_TILE)])

    @pl.when(s == _NS - 1)
    def _():
        lr = (_NS - 1) * _ROWS_PER_TILE
        pltpu.sync_copy(rh_hbm.at[pl.ds(lr, last_full)],
                        acc_sh.at[pl.ds(lr, last_full)])

    plsc.subcore_barrier()

    def load_idx(j, b):
        return pltpu.async_copy(esd_hbm.at[cbase + j], idxs[b], isems[b])

    def wait_scat(b):
        pltpu.make_async_copy(rows[b], acc_sh.at[idxs[b].at[1]],
                              ssems[b]).wait()

    def step(j, b, has_next2, has_prev2):
        s2 = (b + 2) % _R
        if has_next2:
            if has_prev2:
                wait_scat(s2)
            hi = load_idx(j + 2, s2)
        pltpu.make_async_copy(y_hbm.at[idxs[b].at[0]], rows[b],
                              gsems[b]).wait()
        if has_next2:
            hi.wait()
            pltpu.async_copy(y_hbm.at[idxs[s2].at[0]], rows[s2], gsems[s2])
        pltpu.async_copy(rows[b], acc_sh.at[idxs[b].at[1]], ssems[b], add=True)

    load_idx(0, 0).wait()
    pltpu.async_copy(y_hbm.at[idx0.at[0]], rows0, sem_g0)
    load_idx(1, 1).wait()
    pltpu.async_copy(y_hbm.at[idx1.at[0]], rows1, sem_g1)
    step(0, 0, True, False)
    step(1, 1, True, False)
    step(2, 2, True, True)
    step(3, 3, True, True)

    def body(k, carry):
        j = 4 * k
        for b in range(_R):
            step(j + b, b, True, True)
        return carry

    nk = (_CPT - 3) // 4
    lax.fori_loop(1, nk, body, 0)
    for j in range(4 * nk, _CPT):
        step(j, j % _R, j + 2 < _CPT, True)
    for j in range(_CPT - _R, _CPT):
        wait_scat(j % _R)
    plsc.subcore_barrier()

    row_off = c * _N_PAD + base_r
    pltpu.sync_copy(acc_sh.at[pl.ds(base_r, _ROWS_PER_TILE)],
                    out_hbm.at[pl.ds(row_off, _ROWS_PER_TILE)])


@functools.lru_cache(maxsize=None)
def _make_seg_sum(feat):
    mesh = plsc.VectorSubcoreMesh(core_axis_name="c", subcore_axis_name="s",
                                  num_cores=_NC, num_subcores=_NS)
    return pl.kernel(
        functools.partial(_seg_sum_body, feat),
        out_type=jax.ShapeDtypeStruct((_NC * _N_PAD, feat), jnp.float32),
        mesh=mesh,
        scratch_types=(
            [pltpu.VMEM_SHARED((_N_PAD, feat), jnp.float32)]
            + [pltpu.VMEM((2, _CHUNK), jnp.int32) for _ in range(_R)]
            + [pltpu.VMEM((_CHUNK, feat), jnp.float32) for _ in range(_R)]
            + [pltpu.SemaphoreType.DMA for _ in range(3 * _R)]
        ),
    )


_BLK = 1000
_GRID = _N // _BLK


def _front_body(x_ref, wrel_ref, wroot_ref, b_ref, y_ref, r_ref):
    xb = x_ref[...]
    y_ref[...] = jnp.dot(xb, wrel_ref[...], preferred_element_type=jnp.float32)
    r_ref[...] = 0.5 * (jnp.dot(xb, wroot_ref[...],
                                preferred_element_type=jnp.float32)
                        + b_ref[...])


def _mid_body(fo, acc_a_ref, acc_b_ref, wrel_ref, wroot_ref, b_ref,
              y_ref, r2_ref):
    h = jnp.maximum(acc_a_ref[...] + acc_b_ref[...], 0.0)
    y_ref[...] = jnp.dot(h, wrel_ref[...], preferred_element_type=jnp.float32)
    r2_ref[...] = 0.5 * (jnp.dot(h, wroot_ref[...],
                                 preferred_element_type=jnp.float32)
                         + b_ref[...])


def _make_front(fin, fo):
    return pl.pallas_call(
        _front_body,
        grid=(_GRID,),
        in_specs=[
            pl.BlockSpec((_BLK, fin), lambda i: (i, 0)),
            pl.BlockSpec((fin, fo), lambda i: (0, 0)),
            pl.BlockSpec((fin, fo), lambda i: (0, 0)),
            pl.BlockSpec((1, fo), lambda i: (0, 0)),
        ],
        out_specs=[
            pl.BlockSpec((_BLK, fo), lambda i: (i, 0)),
            pl.BlockSpec((_BLK, fo), lambda i: (i, 0)),
        ],
        out_shape=[
            jax.ShapeDtypeStruct((_N_PAD, fo), jnp.float32),
            jax.ShapeDtypeStruct((_N_PAD, fo), jnp.float32),
        ],
    )


_BLKP = 1024
_GRIDP = _N_PAD // _BLKP


def _make_mid(fin, fo):
    return pl.pallas_call(
        functools.partial(_mid_body, fo),
        grid=(_GRIDP,),
        in_specs=[
            pl.BlockSpec((_BLKP, fin), lambda i: (i, 0)),
            pl.BlockSpec((_BLKP, fin), lambda i: (i + _GRIDP, 0)),
            pl.BlockSpec((fin, fo), lambda i: (0, 0)),
            pl.BlockSpec((fin, fo), lambda i: (0, 0)),
            pl.BlockSpec((1, fo), lambda i: (0, 0)),
        ],
        out_specs=[
            pl.BlockSpec((_BLKP, fo), lambda i: (i, 0)),
            pl.BlockSpec((_BLKP, fo), lambda i: (i, 0)),
        ],
        out_shape=[
            jax.ShapeDtypeStruct((_N_PAD, fo), jnp.float32),
            jax.ShapeDtypeStruct((_N_PAD, fo), jnp.float32),
        ],
    )


_front128 = _make_front(_D, _H)
_mid128 = _make_mid(_H, _H)


def _pool_body(acc_a_ref, acc_b_ref, batch_ref, out_ref, cnt_ref):
    i = pl.program_id(0)
    t = (acc_a_ref[...] + acc_b_ref[...])[:, :_C]
    bvec = batch_ref[0, 0, :]
    onehot = (bvec[:, None] ==
              lax.broadcasted_iota(jnp.int32, (_BLKP, _G), 1)).astype(jnp.float32)
    dims = (((0,), (0,)), ((), ()))
    sums = lax.dot_general(onehot, t, dims, preferred_element_type=jnp.float32)
    cnts = lax.dot_general(onehot, jnp.ones((_BLKP, _C), jnp.float32), dims,
                           preferred_element_type=jnp.float32)

    @pl.when(i == 0)
    def _():
        out_ref[...] = sums
        cnt_ref[...] = cnts

    @pl.when(i > 0)
    def _():
        out_ref[...] += sums
        cnt_ref[...] += cnts

    @pl.when(i == pl.num_programs(0) - 1)
    def _():
        out_ref[...] = out_ref[...] / jnp.maximum(cnt_ref[...], 1.0)


_pool = pl.pallas_call(
    _pool_body,
    grid=(_GRIDP,),
    in_specs=[
        pl.BlockSpec((_BLKP, _H), lambda i: (i, 0)),
        pl.BlockSpec((_BLKP, _H), lambda i: (i + _GRIDP, 0)),
        pl.BlockSpec((1, 1, _BLKP), lambda i: (i, 0, 0)),
    ],
    out_specs=pl.BlockSpec((_G, _C), lambda i: (0, 0)),
    out_shape=jax.ShapeDtypeStruct((_G, _C), jnp.float32),
    scratch_shapes=[pltpu.VMEM((_G, _C), jnp.float32)],
)


def kernel(x, edge_index, batch, W1_rel, W1_root, b1, W2_rel, W2_root, b2,
           W3_rel, W3_root, b3):
    esd = jnp.stack([edge_index[0].reshape(-1, _CHUNK),
                     edge_index[1].reshape(-1, _CHUNK)], axis=1)
    seg128 = _make_seg_sum(_H)
    W3_rel_p = jnp.pad(W3_rel, ((0, 0), (0, _H - _C)))
    W3_root_p = jnp.pad(W3_root, ((0, 0), (0, _H - _C)))
    b3_p = jnp.pad(b3, (0, _H - _C))
    batch_p = jnp.concatenate([batch, jnp.full((_N_PAD - _N,), _G, jnp.int32)])
    y1, rh1 = _front128(x, W1_rel, W1_root, b1.reshape(1, _H))
    acc1 = seg128(y1, rh1, esd)
    y2, rh2 = _mid128(acc1, acc1, W2_rel, W2_root, b2.reshape(1, _H))
    acc2 = seg128(y2, rh2, esd)
    y3, rh3 = _mid128(acc2, acc2, W3_rel_p, W3_root_p, b3_p.reshape(1, _H))
    acc3 = seg128(y3, rh3, esd)
    return _pool(acc3, acc3, batch_p.reshape(_GRIDP, 1, _BLKP))

# --- scband reference (transcript-rebuilt; emitter-appended) ---
"""Pipeline reference for scband-gcn-85229331022439 (READ-ONLY COPY).

The authoritative reference and input builder live on the scoring server;
editing this copy changes nothing except your own understanding.
"""

import jax, jax.numpy as jnp
import numpy as np

N = 10000
E = 320000
D = 128
H = 128
C = 16
G = 64


def setup_inputs(seed: int = 0) -> dict:
    key = jax.random.key(seed)
    ks = jax.random.split(key, 12)
    x = jax.random.normal(ks[0], (N, D), dtype=jnp.float32)
    edge_index = jax.random.randint(ks[1], (2, E), 0, N, dtype=jnp.int32)
    batch = jnp.sort(jax.random.randint(ks[2], (N,), 0, G, dtype=jnp.int32))
    s_d = 1.0 / np.sqrt(D)
    s_h = 1.0 / np.sqrt(H)
    W1_rel = jax.random.normal(ks[3], (D, H), dtype=jnp.float32) * s_d
    W1_root = jax.random.normal(ks[4], (D, H), dtype=jnp.float32) * s_d
    b1 = jnp.zeros((H,), dtype=jnp.float32)
    W2_rel = jax.random.normal(ks[5], (H, H), dtype=jnp.float32) * s_h
    W2_root = jax.random.normal(ks[6], (H, H), dtype=jnp.float32) * s_h
    b2 = jnp.zeros((H,), dtype=jnp.float32)
    W3_rel = jax.random.normal(ks[7], (H, C), dtype=jnp.float32) * s_h
    W3_root = jax.random.normal(ks[8], (H, C), dtype=jnp.float32) * s_h
    b3 = jnp.zeros((C,), dtype=jnp.float32)
    return {"x": x, "edge_index": edge_index, "batch": batch,
            "W1_rel": W1_rel, "W1_root": W1_root, "b1": b1,
            "W2_rel": W2_rel, "W2_root": W2_root, "b2": b2,
            "W3_rel": W3_rel, "W3_root": W3_root, "b3": b3}


def _graph_conv(x, edge_index, W_rel, W_root, b, num_nodes):
    # PyG GraphConv (aggr='add'): out_i = W_root x_i + b + W_rel * sum_{j in N(i)} x_j
    src = edge_index[0]
    dst = edge_index[1]
    msg = jnp.take(x, src, axis=0)
    agg = jax.ops.segment_sum(msg, dst, num_segments=num_nodes)
    return agg @ W_rel + x @ W_root + b


def _global_mean_pool(x, batch, num_graphs):
    sums = jax.ops.segment_sum(x, batch, num_segments=num_graphs)
    counts = jax.ops.segment_sum(jnp.ones((x.shape[0],), dtype=x.dtype), batch, num_segments=num_graphs)
    return sums / jnp.maximum(counts, 1.0)[:, None]


def reference(x, edge_index, batch, W1_rel, W1_root, b1, W2_rel, W2_root, b2, W3_rel, W3_root, b3):
    h = _graph_conv(x, edge_index, W1_rel, W1_root, b1, N)
    h = jax.nn.relu(h)
    h = _graph_conv(h, edge_index, W2_rel, W2_root, b2, N)
    h = jax.nn.relu(h)
    # dropout p=0.5 is identity in eval mode (training=False)
    h = _graph_conv(h, edge_index, W3_rel, W3_root, b3, N)
    return _global_mean_pool(h, batch, G)

if __name__ == "__main__":
    import jax
    _d = setup_inputs()
    print(jax.jit(kernel)(*tuple(_d.values())))

</pallas_src>

<mosaic_0001>
#map = affine_map<(d0, d1) -> (0, 0)>
#map1 = affine_map<(d0, d1) -> (0, 0, 0)>
module attributes {stable_mosaic.version = 14 : i64} {
  func.func @_seg_sum_body(%arg0: i32, %arg1: i32, %arg2: memref<10240x128xf32, #tpu.memory_space<hbm>>, %arg3: memref<10240x128xf32, #tpu.memory_space<hbm>>, %arg4: memref<4000x2x80xi32, #tpu.memory_space<hbm>>, %arg5: memref<20480x128xf32, #tpu.memory_space<hbm>>, %arg6: memref<10240x128xf32, #tpu.memory_space<vmem_shared>>, %arg7: memref<2x80xi32, #tpu.memory_space<vmem>>, %arg8: memref<2x80xi32, #tpu.memory_space<vmem>>, %arg9: memref<2x80xi32, #tpu.memory_space<vmem>>, %arg10: memref<2x80xi32, #tpu.memory_space<vmem>>, %arg11: memref<80x128xf32, #tpu.memory_space<vmem>>, %arg12: memref<80x128xf32, #tpu.memory_space<vmem>>, %arg13: memref<80x128xf32, #tpu.memory_space<vmem>>, %arg14: memref<80x128xf32, #tpu.memory_space<vmem>>, %arg15: memref<!tpu.dma_semaphore, #tpu.memory_space<semaphore_mem>>, %arg16: memref<!tpu.dma_semaphore, #tpu.memory_space<semaphore_mem>>, %arg17: memref<!tpu.dma_semaphore, #tpu.memory_space<semaphore_mem>>, %arg18: memref<!tpu.dma_semaphore, #tpu.memory_space<semaphore_mem>>, %arg19: memref<!tpu.dma_semaphore, #tpu.memory_space<semaphore_mem>>, %arg20: memref<!tpu.dma_semaphore, #tpu.memory_space<semaphore_mem>>, %arg21: memref<!tpu.dma_semaphore, #tpu.memory_space<semaphore_mem>>, %arg22: memref<!tpu.dma_semaphore, #tpu.memory_space<semaphore_mem>>, %arg23: memref<!tpu.dma_semaphore, #tpu.memory_space<semaphore_mem>>, %arg24: memref<!tpu.dma_semaphore, #tpu.memory_space<semaphore_mem>>, %arg25: memref<!tpu.dma_semaphore, #tpu.memory_space<semaphore_mem>>, %arg26: memref<!tpu.dma_semaphore, #tpu.memory_space<semaphore_mem>>) attributes {dimension_semantics = [#tpu.dimension_semantics<core_parallel>, #tpu.dimension_semantics<subcore_parallel>], iteration_bounds = array<i64: 2, 16>, scalar_prefetch = 0 : i64, scratch_operands = 21 : i64, tpu.core_type = #tpu.core_type<sc_vector_subcore>, window_params = [{transform_indices = #map}, {transform_indices = #map}, {transform_indices = #map1}, {transform_indices = #map}]} {
    %mul3A = arith.constant 16 : i32
    %mul3A_0 = arith.muli %arg0, %mul3A : i32
    %add3A = arith.addi %mul3A_0, %arg1 : i32
    %mul3A_1 = arith.constant 125 : i32
    %mul3A_2 = arith.muli %add3A, %mul3A_1 : i32
    %mul3A_3 = arith.constant 640 : i32
    %mul3A_4 = arith.muli %arg1, %mul3A_3 : i32
    %lt3A = arith.constant 15 : i32
    %lt3A_5 = arith.cmpi slt, %arg1, %lt3A : i32
    %convert_element_type3A = arith.extui %lt3A_5 : i1 to i32
    %cond3A = arith.constant 0 : i32
    %cond3A_6 = arith.cmpi ne, %convert_element_type3A, %cond3A : i32
    scf.if %cond3A_6 {
      "tpu.region"() ({
        %run_scoped3A = tpu.sem_alloc : memref<!tpu.dma_semaphore, #tpu.memory_space<semaphore_mem>>
        %dma_start3A_432 = arith.constant 0 : i32
        %dma_start3A_433 = tpu.memref_slice %arg6[%mul3A_4, %dma_start3A_432] : memref<10240x128xf32, #tpu.memory_space<vmem_shared>> -> memref<640x128xf32, #tpu.memory_space<vmem_shared>>
        %dma_start3A_434 = arith.constant 0 : i32
        %dma_start3A_435 = tpu.memref_slice %arg3[%mul3A_4, %dma_start3A_434] : memref<10240x128xf32, #tpu.memory_space<hbm>> -> memref<640x128xf32, #tpu.memory_space<hbm>>
        tpu.enqueue_dma source(%dma_start3A_435 : memref<640x128xf32, #tpu.memory_space<hbm>>) target(%dma_start3A_433 : memref<640x128xf32, #tpu.memory_space<vmem_shared>>) target_semaphore(%run_scoped3A : memref<!tpu.dma_semaphore, #tpu.memory_space<semaphore_mem>>)
        %dma_wait3A_436 = arith.constant 0 : i32
        %dma_wait3A_437 = tpu.memref_slice %arg6[%mul3A_4, %dma_wait3A_436] : memref<10240x128xf32, #tpu.memory_space<vmem_shared>> -> memref<640x128xf32, #tpu.memory_space<vmem_shared>>
        %dma_wait3A_438 = arith.constant 0 : i32
        %dma_wait3A_439 = tpu.memref_slice %arg3[%mul3A_4, %dma_wait3A_438] : memref<10240x128xf32, #tpu.memory_space<hbm>> -> memref<640x128xf32, #tpu.memory_space<hbm>>
        tpu.wait_dma2 semaphore(%run_scoped3A : memref<!tpu.dma_semaphore, #tpu.memory_space<semaphore_mem>>) src(%dma_wait3A_439 : memref<640x128xf32, #tpu.memory_space<hbm>>) dst(%dma_wait3A_437 : memref<640x128xf32, #tpu.memory_space<vmem_shared>>)
        tpu.yield
      }) : () -> ()
    } else {
    }
    %eq3A = arith.constant 15 : i32
    %eq3A_7 = arith.cmpi eq, %arg1, %eq3A : i32
    %convert_element_type3A_8 = arith.extui %eq3A_7 : i1 to i32
    %cond3A_9 = arith.constant 0 : i32
    %cond3A_10 = arith.cmpi ne, %convert_element_type3A_8, %cond3A_9 : i32
    scf.if %cond3A_10 {
      "tpu.region"() ({
        %run_scoped3A = tpu.sem_alloc : memref<!tpu.dma_semaphore, #tpu.memory_space<semaphore_mem>>
        %dma_start3A_432 = arith.constant 9600 : i32
        %dma_start3A_433 = arith.constant 0 : i32
        %dma_start3A_434 = tpu.memref_slice %arg6[%dma_start3A_432, %dma_start3A_433] : memref<10240x128xf32, #tpu.memory_space<vmem_shared>> -> memref<400x128xf32, #tpu.memory_space<vmem_shared>>
        %dma_start3A_435 = arith.constant 9600 : i32
        %dma_start3A_436 = arith.constant 0 : i32
        %dma_start3A_437 = tpu.memref_slice %arg3[%dma_start3A_435, %dma_start3A_436] : memref<10240x128xf32, #tpu.memory_space<hbm>> -> memref<400x128xf32, #tpu.memory_space<hbm>>
        tpu.enqueue_dma source(%dma_start3A_437 : memref<400x128xf32, #tpu.memory_space<hbm>>) target(%dma_start3A_434 : memref<400x128xf32, #tpu.memory_space<vmem_shared>>) target_semaphore(%run_scoped3A : memref<!tpu.dma_semaphore, #tpu.memory_space<semaphore_mem>>)
        %dma_wait3A_438 = arith.constant 9600 : i32
        %dma_wait3A_439 = arith.constant 0 : i32
        %dma_wait3A_440 = tpu.memref_slice %arg6[%dma_wait3A_438, %dma_wait3A_439] : memref<10240x128xf32, #tpu.memory_space<vmem_shared>> -> memref<400x128xf32, #tpu.memory_space<vmem_shared>>
        %dma_wait3A_441 = arith.constant 9600 : i32
        %dma_wait3A_442 = arith.constant 0 : i32
        %dma_wait3A_443 = tpu.memref_slice %arg3[%dma_wait3A_441, %dma_wait3A_442] : memref<10240x128xf32, #tpu.memory_space<hbm>> -> memref<400x128xf32, #tpu.memory_space<hbm>>
        tpu.wait_dma2 semaphore(%run_scoped3A : memref<!tpu.dma_semaphore, #tpu.memory_space<semaphore_mem>>) src(%dma_wait3A_443 : memref<400x128xf32, #tpu.memory_space<hbm>>) dst(%dma_wait3A_440 : memref<400x128xf32, #tpu.memory_space<vmem_shared>>)
        tpu.yield
      }) : () -> ()
    } else {
    }
    %barrier3A = arith.constant 0 : index
    tpu.barrier barrier_id(%barrier3A)
    %add3A_11 = arith.constant 0 : i32
    %add3A_12 = arith.addi %mul3A_2, %add3A_11 : i32
    %dma_start3A = arith.constant 0 : i32
    %dma_start3A_13 = arith.constant 0 : i32
    %dma_start3A_14 = tpu.memref_slice %arg4[%add3A_12, %dma_start3A, %dma_start3A_13] : memref<4000x2x80xi32, #tpu.memory_space<hbm>> -> memref<1x2x80xi32, #tpu.memory_space<hbm>>
    %dma_start3A_15 = tpu.memref_squeeze %dma_start3A_14 : memref<1x2x80xi32, #tpu.memory_space<hbm>> -> memref<2x80xi32, #tpu.memory_space<hbm>>
    %dma_start3A_16 = arith.constant 0 : i32
    %dma_start3A_17 = arith.constant 0 : i32
    %dma_start3A_18 = tpu.memref_slice %arg4[%add3A_12, %dma_start3A_16, %dma_start3A_17] : memref<4000x2x80xi32, #tpu.memory_space<hbm>> -> memref<1x2x80xi32, #tpu.memory_space<hbm>>
    %dma_start3A_19 = tpu.memref_squeeze %dma_start3A_18 : memref<1x2x80xi32, #tpu.memory_space<hbm>> -> memref<2x80xi32, #tpu.memory_space<hbm>>
    tpu.enqueue_dma source(%dma_start3A_19 : memref<2x80xi32, #tpu.memory_space<hbm>>) target(%arg7 : memref<2x80xi32, #tpu.memory_space<vmem>>) target_semaphore(%arg15 : memref<!tpu.dma_semaphore, #tpu.memory_space<semaphore_mem>>)
    %dma_wait3A = arith.constant 0 : i32
    %dma_wait3A_20 = arith.constant 0 : i32
    %dma_wait3A_21 = tpu.memref_slice %arg4[%add3A_12, %dma_wait3A, %dma_wait3A_20] : memref<4000x2x80xi32, #tpu.memory_space<hbm>> -> memref<1x2x80xi32, #tpu.memory_space<hbm>>
    %dma_wait3A_22 = tpu.memref_squeeze %dma_wait3A_21 : memref<1x2x80xi32, #tpu.memory_space<hbm>> -> memref<2x80xi32, #tpu.memory_space<hbm>>
    %dma_wait3A_23 = arith.constant 0 : i32
    %dma_wait3A_24 = arith.constant 0 : i32
    %dma_wait3A_25 = tpu.memref_slice %arg4[%add3A_12, %dma_wait3A_23, %dma_wait3A_24] : memref<4000x2x80xi32, #tpu.memory_space<hbm>> -> memref<1x2x80xi32, #tpu.memory_space<hbm>>
    %dma_wait3A_26 = tpu.memref_squeeze %dma_wait3A_25 : memref<1x2x80xi32, #tpu.memory_space<hbm>> -> memref<2x80xi32, #tpu.memory_space<hbm>>
    tpu.wait_dma2 semaphore(%arg15 : memref<!tpu.dma_semaphore, #tpu.memory_space<semaphore_mem>>) src(%dma_wait3A_26 : memref<2x80xi32, #tpu.memory_space<hbm>>) dst(%arg7 : memref<2x80xi32, #tpu.memory_space<vmem>>)
    %dma_start3A_27 = arith.constant 0 : i32
    %dma_start3A_28 = arith.constant 0 : i32
    %dma_start3A_29 = tpu.memref_slice %arg7[%dma_start3A_27, %dma_start3A_28] : memref<2x80xi32, #tpu.memory_space<vmem>> -> memref<1x80xi32, #tpu.memory_space<vmem>>
    %dma_start3A_30 = tpu.memref_squeeze %dma_start3A_29 : memref<1x80xi32, #tpu.memory_space<vmem>> -> memref<80xi32, #tpu.memory_space<vmem>>
    %dma_start3A_31 = arith.constant 0 : i32
    %dma_start3A_32 = arith.constant 0 : i32
    %dma_start3A_33 = tpu.memref_slice %arg2[%dma_start3A_31, %dma_start3A_32] : memref<10240x128xf32, #tpu.memory_space<hbm>> -> memref<10240x128xf32, #tpu.memory_space<hbm>>
    tpu.enqueue_indirect_dma source(%dma_start3A_33 : memref<10240x128xf32, #tpu.memory_space<hbm>>) target(%arg11 : memref<80x128xf32, #tpu.memory_space<vmem>>) offsets(%dma_start3A_30 : memref<80xi32, #tpu.memory_space<vmem>>) semaphore(%arg19 : memref<!tpu.dma_semaphore, #tpu.memory_space<semaphore_mem>>)
    %add3A_34 = arith.constant 1 : i32
    %add3A_35 = arith.addi %mul3A_2, %add3A_34 : i32
    %dma_start3A_36 = arith.constant 0 : i32
    %dma_start3A_37 = arith.constant 0 : i32
    %dma_start3A_38 = tpu.memref_slice %arg4[%add3A_35, %dma_start3A_36, %dma_start3A_37] : memref<4000x2x80xi32, #tpu.memory_space<hbm>> -> memref<1x2x80xi32, #tpu.memory_space<hbm>>
    %dma_start3A_39 = tpu.memref_squeeze %dma_start3A_38 : memref<1x2x80xi32, #tpu.memory_space<hbm>> -> memref<2x80xi32, #tpu.memory_space<hbm>>
    %dma_start3A_40 = arith.constant 0 : i32
    %dma_start3A_41 = arith.constant 0 : i32
    %dma_start3A_42 = tpu.memref_slice %arg4[%add3A_35, %dma_start3A_40, %dma_start3A_41] : memref<4000x2x80xi32, #tpu.memory_space<hbm>> -> memref<1x2x80xi32, #tpu.memory_space<hbm>>
    %dma_start3A_43 = tpu.memref_squeeze %dma_start3A_42 : memref<1x2x80xi32, #tpu.memory_space<hbm>> -> memref<2x80xi32, #tpu.memory_space<hbm>>
    tpu.enqueue_dma source(%dma_start3A_43 : memref<2x80xi32, #tpu.memory_space<hbm>>) target(%arg8 : memref<2x80xi32, #tpu.memory_space<vmem>>) target_semaphore(%arg16 : memref<!tpu.dma_semaphore, #tpu.memory_space<semaphore_mem>>)
    %dma_wait3A_44 = arith.constant 0 : i32
    %dma_wait3A_45 = arith.constant 0 : i32
    %dma_wait3A_46 = tpu.memref_slice %arg4[%add3A_35, %dma_wait3A_44, %dma_wait3A_45] : memref<4000x2x80xi32, #tpu.memory_space<hbm>> -> memref<1x2x80xi32, #tpu.memory_space<hbm>>
    %dma_wait3A_47 = tpu.memref_squeeze %dma_wait3A_46 : memref<1x2x80xi32, #tpu.memory_space<hbm>> -> memref<2x80xi32, #tpu.memory_space<hbm>>
    %dma_wait3A_48 = arith.constant 0 : i32
    %dma_wait3A_49 = arith.constant 0 : i32
    %dma_wait3A_50 = tpu.memref_slice %arg4[%add3A_35, %dma_wait3A_48, %dma_wait3A_49] : memref<4000x2x80xi32, #tpu.memory_space<hbm>> -> memref<1x2x80xi32, #tpu.memory_space<hbm>>
    %dma_wait3A_51 = tpu.memref_squeeze %dma_wait3A_50 : memref<1x2x80xi32, #tpu.memory_space<hbm>> -> memref<2x80xi32, #tpu.memory_space<hbm>>
    tpu.wait_dma2 semaphore(%arg16 : memref<!tpu.dma_semaphore, #tpu.memory_space<semaphore_mem>>) src(%dma_wait3A_51 : memref<2x80xi32, #tpu.memory_space<hbm>>) dst(%arg8 : memref<2x80xi32, #tpu.memory_space<vmem>>)
    %dma_start3A_52 = arith.constant 0 : i32
    %dma_start3A_53 = arith.constant 0 : i32
    %dma_start3A_54 = tpu.memref_slice %arg8[%dma_start3A_52, %dma_start3A_53] : memref<2x80xi32, #tpu.memory_space<vmem>> -> memref<1x80xi32, #tpu.memory_space<vmem>>
    %dma_start3A_55 = tpu.memref_squeeze %dma_start3A_54 : memref<1x80xi32, #tpu.memory_space<vmem>> -> memref<80xi32, #tpu.memory_space<vmem>>
    %dma_start3A_56 = arith.constant 0 : i32
    %dma_start3A_57 = arith.constant 0 : i32
    %dma_start3A_58 = tpu.memref_slice %arg2[%dma_start3A_56, %dma_start3A_57] : memref<10240x128xf32, #tpu.memory_space<hbm>> -> memref<10240x128xf32, #tpu.memory_space<hbm>>
    tpu.enqueue_indirect_dma source(%dma_start3A_58 : memref<10240x128xf32, #tpu.memory_space<hbm>>) target(%arg12 : memref<80x128xf32, #tpu.memory_space<vmem>>) offsets(%dma_start3A_55 : memref<80xi32, #tpu.memory_space<vmem>>) semaphore(%arg20 : memref<!tpu.dma_semaphore, #tpu.memory_space<semaphore_mem>>)
    %add3A_59 = arith.constant 2 : i32
    %add3A_60 = arith.addi %mul3A_2, %add3A_59 : i32
    %dma_start3A_61 = arith.constant 0 : i32
    %dma_start3A_62 = arith.constant 0 : i32
    %dma_start3A_63 = tpu.memref_slice %arg4[%add3A_60, %dma_start3A_61, %dma_start3A_62] : memref<4000x2x80xi32, #tpu.memory_space<hbm>> -> memref<1x2x80xi32, #tpu.memory_space<hbm>>
    %dma_start3A_64 = tpu.memref_squeeze %dma_start3A_63 : memref<1x2x80xi32, #tpu.memory_space<hbm>> -> memref<2x80xi32, #tpu.memory_space<hbm>>
    %dma_start3A_65 = arith.constant 0 : i32
    %dma_start3A_66 = arith.constant 0 : i32
    %dma_start3A_67 = tpu.memref_slice %arg4[%add3A_60, %dma_start3A_65, %dma_start3A_66] : memref<4000x2x80xi32, #tpu.memory_space<hbm>> -> memref<1x2x80xi32, #tpu.memory_space<hbm>>
    %dma_start3A_68 = tpu.memref_squeeze %dma_start3A_67 : memref<1x2x80xi32, #tpu.memory_space<hbm>> -> memref<2x80xi32, #tpu.memory_space<hbm>>
    tpu.enqueue_dma source(%dma_start3A_68 : memref<2x80xi32, #tpu.memory_space<hbm>>) target(%arg9 : memref<2x80xi32, #tpu.memory_space<vmem>>) target_semaphore(%arg17 : memref<!tpu.dma_semaphore, #tpu.memory_space<semaphore_mem>>)
    %dma_wait3A_69 = arith.constant 0 : i32
    %dma_wait3A_70 = arith.constant 0 : i32
    %dma_wait3A_71 = tpu.memref_slice %arg7[%dma_wait3A_69, %dma_wait3A_70] : memref<2x80xi32, #tpu.memory_space<vmem>> -> memref<1x80xi32, #tpu.memory_space<vmem>>
    %dma_wait3A_72 = tpu.memref_squeeze %dma_wait3A_71 : memref<1x80xi32, #tpu.memory_space<vmem>> -> memref<80xi32, #tpu.memory_space<vmem>>
    %dma_wait3A_73 = arith.constant 0 : i32
    %dma_wait3A_74 = arith.constant 0 : i32
    %dma_wait3A_75 = tpu.memref_slice %arg2[%dma_wait3A_73, %dma_wait3A_74] : memref<10240x128xf32, #tpu.memory_space<hbm>> -> memref<10240x128xf32, #tpu.memory_space<hbm>>
    tpu.wait_indirect_dma semaphore(%arg19 : memref<!tpu.dma_semaphore, #tpu.memory_space<semaphore_mem>>) src(%dma_wait3A_75 : memref<10240x128xf32, #tpu.memory_space<hbm>>) dst(%arg11 : memref<80x128xf32, #tpu.memory_space<vmem>>)
    %dma_wait3A_76 = arith.constant 0 : i32
    %dma_wait3A_77 = arith.constant 0 : i32
    %dma_wait3A_78 = tpu.memref_slice %arg4[%add3A_60, %dma_wait3A_76, %dma_wait3A_77] : memref<4000x2x80xi32, #tpu.memory_space<hbm>> -> memref<1x2x80xi32, #tpu.memory_space<hbm>>
    %dma_wait3A_79 = tpu.memref_squeeze %dma_wait3A_78 : memref<1x2x80xi32, #tpu.memory_space<hbm>> -> memref<2x80xi32, #tpu.memory_space<hbm>>
    %dma_wait3A_80 = arith.constant 0 : i32
    %dma_wait3A_81 = arith.constant 0 : i32
    %dma_wait3A_82 = tpu.memref_slice %arg4[%add3A_60, %dma_wait3A_80, %dma_wait3A_81] : memref<4000x2x80xi32, #tpu.memory_space<hbm>> -> memref<1x2x80xi32, #tpu.memory_space<hbm>>
    %dma_wait3A_83 = tpu.memref_squeeze %dma_wait3A_82 : memref<1x2x80xi32, #tpu.memory_space<hbm>> -> memref<2x80xi32, #tpu.memory_space<hbm>>
    tpu.wait_dma2 semaphore(%arg17 : memref<!tpu.dma_semaphore, #tpu.memory_space<semaphore_mem>>) src(%dma_wait3A_83 : memref<2x80xi32, #tpu.memory_space<hbm>>) dst(%arg9 : memref<2x80xi32, #tpu.memory_space<vmem>>)
    %dma_start3A_84 = arith.constant 0 : i32
    %dma_start3A_85 = arith.constant 0 : i32
    %dma_start3A_86 = tpu.memref_slice %arg9[%dma_start3A_84, %dma_start3A_85] : memref<2x80xi32, #tpu.memory_space<vmem>> -> memref<1x80xi32, #tpu.memory_space<vmem>>
    %dma_start3A_87 = tpu.memref_squeeze %dma_start3A_86 : memref<1x80xi32, #tpu.memory_space<vmem>> -> memref<80xi32, #tpu.memory_space<vmem>>
    %dma_start3A_88 = arith.constant 0 : i32
    %dma_start3A_89 = arith.constant 0 : i32
    %dma_start3A_90 = tpu.memref_slice %arg2[%dma_start3A_88, %dma_start3A_89] : memref<10240x128xf32, #tpu.memory_space<hbm>> -> memref<10240x128xf32, #tpu.memory_space<hbm>>
    tpu.enqueue_indirect_dma source(%dma_start3A_90 : memref<10240x128xf32, #tpu.memory_space<hbm>>) target(%arg13 : memref<80x128xf32, #tpu.memory_space<vmem>>) offsets(%dma_start3A_87 : memref<80xi32, #tpu.memory_space<vmem>>) semaphore(%arg21 : memref<!tpu.dma_semaphore, #tpu.memory_space<semaphore_mem>>)
    %dma_start3A_91 = arith.constant 1 : i32
    %dma_start3A_92 = arith.constant 0 : i32
    %dma_start3A_93 = tpu.memref_slice %arg7[%dma_start3A_91, %dma_start3A_92] : memref<2x80xi32, #tpu.memory_space<vmem>> -> memref<1x80xi32, #tpu.memory_space<vmem>>
    %dma_start3A_94 = tpu.memref_squeeze %dma_start3A_93 : memref<1x80xi32, #tpu.memory_space<vmem>> -> memref<80xi32, #tpu.memory_space<vmem>>
    %dma_start3A_95 = arith.constant 0 : i32
    %dma_start3A_96 = arith.constant 0 : i32
    %dma_start3A_97 = tpu.memref_slice %arg6[%dma_start3A_95, %dma_start3A_96] : memref<10240x128xf32, #tpu.memory_space<vmem_shared>> -> memref<10240x128xf32, #tpu.memory_space<vmem_shared>>
    tpu.enqueue_indirect_dma source(%arg11 : memref<80x128xf32, #tpu.memory_space<vmem>>) target(%dma_start3A_97 : memref<10240x128xf32, #tpu.memory_space<vmem_shared>>) offsets(%dma_start3A_94 : memref<80xi32, #tpu.memory_space<vmem>>) semaphore(%arg23 : memref<!tpu.dma_semaphore, #tpu.memory_space<semaphore_mem>>) {add = true}
    %add3A_98 = arith.constant 3 : i32
    %add3A_99 = arith.addi %mul3A_2, %add3A_98 : i32
    %dma_start3A_100 = arith.constant 0 : i32
    %dma_start3A_101 = arith.constant 0 : i32
    %dma_start3A_102 = tpu.memref_slice %arg4[%add3A_99, %dma_start3A_100, %dma_start3A_101] : memref<4000x2x80xi32, #tpu.memory_space<hbm>> -> memref<1x2x80xi32, #tpu.memory_space<hbm>>
    %dma_start3A_103 = tpu.memref_squeeze %dma_start3A_102 : memref<1x2x80xi32, #tpu.memory_space<hbm>> -> memref<2x80xi32, #tpu.memory_space<hbm>>
    %dma_start3A_104 = arith.constant 0 : i32
    %dma_start3A_105 = arith.constant 0 : i32
    %dma_start3A_106 = tpu.memref_slice %arg4[%add3A_99, %dma_start3A_104, %dma_start3A_105] : memref<4000x2x80xi32, #tpu.memory_space<hbm>> -> memref<1x2x80xi32, #tpu.memory_space<hbm>>
    %dma_start3A_107 = tpu.memref_squeeze %dma_start3A_106 : memref<1x2x80xi32, #tpu.memory_space<hbm>> -> memref<2x80xi32, #tpu.memory_space<hbm>>
    tpu.enqueue_dma source(%dma_start3A_107 : memref<2x80xi32, #tpu.memory_space<hbm>>) target(%arg10 : memref<2x80xi32, #tpu.memory_space<vmem>>) target_semaphore(%arg18 : memref<!tpu.dma_semaphore, #tpu.memory_space<semaphore_mem>>)
    %dma_wait3A_108 = arith.constant 0 : i32
    %dma_wait3A_109 = arith.constant 0 : i32
    %dma_wait3A_110 = tpu.memref_slice %arg8[%dma_wait3A_108, %dma_wait3A_109] : memref<2x80xi32, #tpu.memory_space<vmem>> -> memref<1x80xi32, #tpu.memory_space<vmem>>
    %dma_wait3A_111 = tpu.memref_squeeze %dma_wait3A_110 : memref<1x80xi32, #tpu.memory_space<vmem>> -> memref<80xi32, #tpu.memory_space<vmem>>
    %dma_wait3A_112 = arith.constant 0 : i32
    %dma_wait3A_113 = arith.constant 0 : i32
    %dma_wait3A_114 = tpu.memref_slice %arg2[%dma_wait3A_112, %dma_wait3A_113] : memref<10240x128xf32, #tpu.memory_space<hbm>> -> memref<10240x128xf32, #tpu.memory_space<hbm>>
    tpu.wait_indirect_dma semaphore(%arg20 : memref<!tpu.dma_semaphore, #tpu.memory_space<semaphore_mem>>) src(%dma_wait3A_114 : memref<10240x128xf32, #tpu.memory_space<hbm>>) dst(%arg12 : memref<80x128xf32, #tpu.memory_space<vmem>>)
    %dma_wait3A_115 = arith.constant 0 : i32
    %dma_wait3A_116 = arith.constant 0 : i32
    %dma_wait3A_117 = tpu.memref_slice %arg4[%add3A_99, %dma_wait3A_115, %dma_wait3A_116] : memref<4000x2x80xi32, #tpu.memory_space<hbm>> -> memref<1x2x80xi32, #tpu.memory_space<hbm>>
    %dma_wait3A_118 = tpu.memref_squeeze %dma_wait3A_117 : memref<1x2x80xi32, #tpu.memory_space<hbm>> -> memref<2x80xi32, #tpu.memory_space<hbm>>
    %dma_wait3A_119 = arith.constant 0 : i32
    %dma_wait3A_120 = arith.constant 0 : i32
    %dma_wait3A_121 = tpu.memref_slice %arg4[%add3A_99, %dma_wait3A_119, %dma_wait3A_120] : memref<4000x2x80xi32, #tpu.memory_space<hbm>> -> memref<1x2x80xi32, #tpu.memory_space<hbm>>
    %dma_wait3A_122 = tpu.memref_squeeze %dma_wait3A_121 : memref<1x2x80xi32, #tpu.memory_space<hbm>> -> memref<2x80xi32, #tpu.memory_space<hbm>>
    tpu.wait_dma2 semaphore(%arg18 : memref<!tpu.dma_semaphore, #tpu.memory_space<semaphore_mem>>) src(%dma_wait3A_122 : memref<2x80xi32, #tpu.memory_space<hbm>>) dst(%arg10 : memref<2x80xi32, #tpu.memory_space<vmem>>)
    %dma_start3A_123 = arith.constant 0 : i32
    %dma_start3A_124 = arith.constant 0 : i32
    %dma_start3A_125 = tpu.memref_slice %arg10[%dma_start3A_123, %dma_start3A_124] : memref<2x80xi32, #tpu.memory_space<vmem>> -> memref<1x80xi32, #tpu.memory_space<vmem>>
    %dma_start3A_126 = tpu.memref_squeeze %dma_start3A_125 : memref<1x80xi32, #tpu.memory_space<vmem>> -> memref<80xi32, #tpu.memory_space<vmem>>
    %dma_start3A_127 = arith.constant 0 : i32
    %dma_start3A_128 = arith.constant 0 : i32
    %dma_start3A_129 = tpu.memref_slice %arg2[%dma_start3A_127, %dma_start3A_128] : memref<10240x128xf32, #tpu.memory_space<hbm>> -> memref<10240x128xf32, #tpu.memory_space<hbm>>
    tpu.enqueue_indirect_dma source(%dma_start3A_129 : memref<10240x128xf32, #tpu.memory_space<hbm>>) target(%arg14 : memref<80x128xf32, #tpu.memory_space<vmem>>) offsets(%dma_start3A_126 : memref<80xi32, #tpu.memory_space<vmem>>) semaphore(%arg22 : memref<!tpu.dma_semaphore, #tpu.memory_space<semaphore_mem>>)
    %dma_start3A_130 = arith.constant 1 : i32
    %dma_start3A_131 = arith.constant 0 : i32
    %dma_start3A_132 = tpu.memref_slice %arg8[%dma_start3A_130, %dma_start3A_131] : memref<2x80xi32, #tpu.memory_space<vmem>> -> memref<1x80xi32, #tpu.memory_space<vmem>>
    %dma_start3A_133 = tpu.memref_squeeze %dma_start3A_132 : memref<1x80xi32, #tpu.memory_space<vmem>> -> memref<80xi32, #tpu.memory_space<vmem>>
    %dma_start3A_134 = arith.constant 0 : i32
    %dma_start3A_135 = arith.constant 0 : i32
    %dma_start3A_136 = tpu.memref_slice %arg6[%dma_start3A_134, %dma_start3A_135] : memref<10240x128xf32, #tpu.memory_space<vmem_shared>> -> memref<10240x128xf32, #tpu.memory_space<vmem_shared>>
    tpu.enqueue_indirect_dma source(%arg12 : memref<80x128xf32, #tpu.memory_space<vmem>>) target(%dma_start3A_136 : memref<10240x128xf32, #tpu.memory_space<vmem_shared>>) offsets(%dma_start3A_133 : memref<80xi32, #tpu.memory_space<vmem>>) semaphore(%arg24 : memref<!tpu.dma_semaphore, #tpu.memory_space<semaphore_mem>>) {add = true}
    %dma_wait3A_137 = arith.constant 1 : i32
    %dma_wait3A_138 = arith.constant 0 : i32
    %dma_wait3A_139 = tpu.memref_slice %arg7[%dma_wait3A_137, %dma_wait3A_138] : memref<2x80xi32, #tpu.memory_space<vmem>> -> memref<1x80xi32, #tpu.memory_space<vmem>>
    %dma_wait3A_140 = tpu.memref_squeeze %dma_wait3A_139 : memref<1x80xi32, #tpu.memory_space<vmem>> -> memref<80xi32, #tpu.memory_space<vmem>>
    %dma_wait3A_141 = arith.constant 0 : i32
    %dma_wait3A_142 = arith.constant 0 : i32
    %dma_wait3A_143 = tpu.memref_slice %arg6[%dma_wait3A_141, %dma_wait3A_142] : memref<10240x128xf32, #tpu.memory_space<vmem_shared>> -> memref<10240x128xf32, #tpu.memory_space<vmem_shared>>
    tpu.wait_indirect_dma semaphore(%arg23 : memref<!tpu.dma_semaphore, #tpu.memory_space<semaphore_mem>>) src(%arg11 : memref<80x128xf32, #tpu.memory_space<vmem>>) dst(%dma_wait3A_143 : memref<10240x128xf32, #tpu.memory_space<vmem_shared>>)
    %add3A_144 = arith.constant 4 : i32
    %add3A_145 = arith.addi %mul3A_2, %add3A_144 : i32
    %dma_start3A_146 = arith.constant 0 : i32
    %dma_start3A_147 = arith.constant 0 : i32
    %dma_start3A_148 = tpu.memref_slice %arg4[%add3A_145, %dma_start3A_146, %dma_start3A_147] : memref<4000x2x80xi32, #tpu.memory_space<hbm>> -> memref<1x2x80xi32, #tpu.memory_space<hbm>>
    %dma_start3A_149 = tpu.memref_squeeze %dma_start3A_148 : memref<1x2x80xi32, #tpu.memory_space<hbm>> -> memref<2x80xi32, #tpu.memory_space<hbm>>
    %dma_start3A_150 = arith.constant 0 : i32
    %dma_start3A_151 = arith.constant 0 : i32
    %dma_start3A_152 = tpu.memref_slice %arg4[%add3A_145, %dma_start3A_150, %dma_start3A_151] : memref<4000x2x80xi32, #tpu.memory_space<hbm>> -> memref<1x2x80xi32, #tpu.memory_space<hbm>>
    %dma_start3A_153 = tpu.memref_squeeze %dma_start3A_152 : memref<1x2x80xi32, #tpu.memory_space<hbm>> -> memref<2x80xi32, #tpu.memory_space<hbm>>
    tpu.enqueue_dma source(%dma_start3A_153 : memref<2x80xi32, #tpu.memory_space<hbm>>) target(%arg7 : memref<2x80xi32, #tpu.memory_space<vmem>>) target_semaphore(%arg15 : memref<!tpu.dma_semaphore, #tpu.memory_space<semaphore_mem>>)
    %dma_wait3A_154 = arith.constant 0 : i32
    %dma_wait3A_155 = arith.constant 0 : i32
    %dma_wait3A_156 = tpu.memref_slice %arg9[%dma_wait3A_154, %dma_wait3A_155] : memref<2x80xi32, #tpu.memory_space<vmem>> -> memref<1x80xi32, #tpu.memory_space<vmem>>
    %dma_wait3A_157 = tpu.memref_squeeze %dma_wait3A_156 : memref<1x80xi32, #tpu.memory_space<vmem>> -> memref<80xi32, #tpu.memory_space<vmem>>
    %dma_wait3A_158 = arith.constant 0 : i32
    %dma_wait3A_159 = arith.constant 0 : i32
    %dma_wait3A_160 = tpu.memref_slice %arg2[%dma_wait3A_158, %dma_wait3A_159] : memref<10240x128xf32, #tpu.memory_space<hbm>> -> memref<10240x128xf32, #tpu.memory_space<hbm>>
    tpu.wait_indirect_dma semaphore(%arg21 : memref<!tpu.dma_semaphore, #tpu.memory_space<semaphore_mem>>) src(%dma_wait3A_160 : memref<10240x128xf32, #tpu.memory_space<hbm>>) dst(%arg13 : memref<80x128xf32, #tpu.memory_space<vmem>>)
    %dma_wait3A_161 = arith.constant 0 : i32
    %dma_wait3A_162 = arith.constant 0 : i32
    %dma_wait3A_163 = tpu.memref_slice %arg4[%add3A_145, %dma_wait3A_161, %dma_wait3A_162] : memref<4000x2x80xi32, #tpu.memory_space<hbm>> -> memref<1x2x80xi32, #tpu.memory_space<hbm>>
    %dma_wait3A_164 = tpu.memref_squeeze %dma_wait3A_163 : memref<1x2x80xi32, #tpu.memory_space<hbm>> -> memref<2x80xi32, #tpu.memory_space<hbm>>
    %dma_wait3A_165 = arith.constant 0 : i32
    %dma_wait3A_166 = arith.constant 0 : i32
    %dma_wait3A_167 = tpu.memref_slice %arg4[%add3A_145, %dma_wait3A_165, %dma_wait3A_166] : memref<4000x2x80xi32, #tpu.memory_space<hbm>> -> memref<1x2x80xi32, #tpu.memory_space<hbm>>
    %dma_wait3A_168 = tpu.memref_squeeze %dma_wait3A_167 : memref<1x2x80xi32, #tpu.memory_space<hbm>> -> memref<2x80xi32, #tpu.memory_space<hbm>>
    tpu.wait_dma2 semaphore(%arg15 : memref<!tpu.dma_semaphore, #tpu.memory_space<semaphore_mem>>) src(%dma_wait3A_168 : memref<2x80xi32, #tpu.memory_space<hbm>>) dst(%arg7 : memref<2x80xi32, #tpu.memory_space<vmem>>)
    %dma_start3A_169 = arith.constant 0 : i32
    %dma_start3A_170 = arith.constant 0 : i32
    %dma_start3A_171 = tpu.memref_slice %arg7[%dma_start3A_169, %dma_start3A_170] : memref<2x80xi32, #tpu.memory_space<vmem>> -> memref<1x80xi32, #tpu.memory_space<vmem>>
    %dma_start3A_172 = tpu.memref_squeeze %dma_start3A_171 : memref<1x80xi32, #tpu.memory_space<vmem>> -> memref<80xi32, #tpu.memory_space<vmem>>
    %dma_start3A_173 = arith.constant 0 : i32
    %dma_start3A_174 = arith.constant 0 : i32
    %dma_start3A_175 = tpu.memref_slice %arg2[%dma_start3A_173, %dma_start3A_174] : memref<10240x128xf32, #tpu.memory_space<hbm>> -> memref<10240x128xf32, #tpu.memory_space<hbm>>
    tpu.enqueue_indirect_dma source(%dma_start3A_175 : memref<10240x128xf32, #tpu.memory_space<hbm>>) target(%arg11 : memref<80x128xf32, #tpu.memory_space<vmem>>) offsets(%dma_start3A_172 : memref<80xi32, #tpu.memory_space<vmem>>) semaphore(%arg19 : memref<!tpu.dma_semaphore, #tpu.memory_space<semaphore_mem>>)
    %dma_start3A_176 = arith.constant 1 : i32
    %dma_start3A_177 = arith.constant 0 : i32
    %dma_start3A_178 = tpu.memref_slice %arg9[%dma_start3A_176, %dma_start3A_177] : memref<2x80xi32, #tpu.memory_space<vmem>> -> memref<1x80xi32, #tpu.memory_space<vmem>>
    %dma_start3A_179 = tpu.memref_squeeze %dma_start3A_178 : memref<1x80xi32, #tpu.memory_space<vmem>> -> memref<80xi32, #tpu.memory_space<vmem>>
    %dma_start3A_180 = arith.constant 0 : i32
    %dma_start3A_181 = arith.constant 0 : i32
    %dma_start3A_182 = tpu.memref_slice %arg6[%dma_start3A_180, %dma_start3A_181] : memref<10240x128xf32, #tpu.memory_space<vmem_shared>> -> memref<10240x128xf32, #tpu.memory_space<vmem_shared>>
    tpu.enqueue_indirect_dma source(%arg13 : memref<80x128xf32, #tpu.memory_space<vmem>>) target(%dma_start3A_182 : memref<10240x128xf32, #tpu.memory_space<vmem_shared>>) offsets(%dma_start3A_179 : memref<80xi32, #tpu.memory_space<vmem>>) semaphore(%arg25 : memref<!tpu.dma_semaphore, #tpu.memory_space<semaphore_mem>>) {add = true}
    %dma_wait3A_183 = arith.constant 1 : i32
    %dma_wait3A_184 = arith.constant 0 : i32
    %dma_wait3A_185 = tpu.memref_slice %arg8[%dma_wait3A_183, %dma_wait3A_184] : memref<2x80xi32, #tpu.memory_space<vmem>> -> memref<1x80xi32, #tpu.memory_space<vmem>>
    %dma_wait3A_186 = tpu.memref_squeeze %dma_wait3A_185 : memref<1x80xi32, #tpu.memory_space<vmem>> -> memref<80xi32, #tpu.memory_space<vmem>>
    %dma_wait3A_187 = arith.constant 0 : i32
    %dma_wait3A_188 = arith.constant 0 : i32
    %dma_wait3A_189 = tpu.memref_slice %arg6[%dma_wait3A_187, %dma_wait3A_188] : memref<10240x128xf32, #tpu.memory_space<vmem_shared>> -> memref<10240x128xf32, #tpu.memory_space<vmem_shared>>
    tpu.wait_indirect_dma semaphore(%arg24 : memref<!tpu.dma_semaphore, #tpu.memory_space<semaphore_mem>>) src(%arg12 : memref<80x128xf32, #tpu.memory_space<vmem>>) dst(%dma_wait3A_189 : memref<10240x128xf32, #tpu.memory_space<vmem_shared>>)
    %add3A_190 = arith.constant 5 : i32
    %add3A_191 = arith.addi %mul3A_2, %add3A_190 : i32
    %dma_start3A_192 = arith.constant 0 : i32
    %dma_start3A_193 = arith.constant 0 : i32
    %dma_start3A_194 = tpu.memref_slice %arg4[%add3A_191, %dma_start3A_192, %dma_start3A_193] : memref<4000x2x80xi32, #tpu.memory_space<hbm>> -> memref<1x2x80xi32, #tpu.memory_space<hbm>>
    %dma_start3A_195 = tpu.memref_squeeze %dma_start3A_194 : memref<1x2x80xi32, #tpu.memory_space<hbm>> -> memref<2x80xi32, #tpu.memory_space<hbm>>
    %dma_start3A_196 = arith.constant 0 : i32
    %dma_start3A_197 = arith.constant 0 : i32
    %dma_start3A_198 = tpu.memref_slice %arg4[%add3A_191, %dma_start3A_196, %dma_start3A_197] : memref<4000x2x80xi32, #tpu.memory_space<hbm>> -> memref<1x2x80xi32, #tpu.memory_space<hbm>>
    %dma_start3A_199 = tpu.memref_squeeze %dma_start3A_198 : memref<1x2x80xi32, #tpu.memory_space<hbm>> -> memref<2x80xi32, #tpu.memory_space<hbm>>
    tpu.enqueue_dma source(%dma_start3A_199 : memref<2x80xi32, #tpu.memory_space<hbm>>) target(%arg8 : memref<2x80xi32, #tpu.memory_space<vmem>>) target_semaphore(%arg16 : memref<!tpu.dma_semaphore, #tpu.memory_space<semaphore_mem>>)
    %dma_wait3A_200 = arith.constant 0 : i32
    %dma_wait3A_201 = arith.constant 0 : i32
    %dma_wait3A_202 = tpu.memref_slice %arg10[%dma_wait3A_200, %dma_wait3A_201] : memref<2x80xi32, #tpu.memory_space<vmem>> -> memref<1x80xi32, #tpu.memory_space<vmem>>
    %dma_wait3A_203 = tpu.memref_squeeze %dma_wait3A_202 : memref<1x80xi32, #tpu.memory_space<vmem>> -> memref<80xi32, #tpu.memory_space<vmem>>
    %dma_wait3A_204 = arith.constant 0 : i32
    %dma_wait3A_205 = arith.constant 0 : i32
    %dma_wait3A_206 = tpu.memref_slice %arg2[%dma_wait3A_204, %dma_wait3A_205] : memref<10240x128xf32, #tpu.memory_space<hbm>> -> memref<10240x128xf32, #tpu.memory_space<hbm>>
    tpu.wait_indirect_dma semaphore(%arg22 : memref<!tpu.dma_semaphore, #tpu.memory_space<semaphore_mem>>) src(%dma_wait3A_206 : memref<10240x128xf32, #tpu.memory_space<hbm>>) dst(%arg14 : memref<80x128xf32, #tpu.memory_space<vmem>>)
    %dma_wait3A_207 = arith.constant 0 : i32
    %dma_wait3A_208 = arith.constant 0 : i32
    %dma_wait3A_209 = tpu.memref_slice %arg4[%add3A_191, %dma_wait3A_207, %dma_wait3A_208] : memref<4000x2x80xi32, #tpu.memory_space<hbm>> -> memref<1x2x80xi32, #tpu.memory_space<hbm>>
    %dma_wait3A_210 = tpu.memref_squeeze %dma_wait3A_209 : memref<1x2x80xi32, #tpu.memory_space<hbm>> -> memref<2x80xi32, #tpu.memory_space<hbm>>
    %dma_wait3A_211 = arith.constant 0 : i32
    %dma_wait3A_212 = arith.constant 0 : i32
    %dma_wait3A_213 = tpu.memref_slice %arg4[%add3A_191, %dma_wait3A_211, %dma_wait3A_212] : memref<4000x2x80xi32, #tpu.memory_space<hbm>> -> memref<1x2x80xi32, #tpu.memory_space<hbm>>
    %dma_wait3A_214 = tpu.memref_squeeze %dma_wait3A_213 : memref<1x2x80xi32, #tpu.memory_space<hbm>> -> memref<2x80xi32, #tpu.memory_space<hbm>>
    tpu.wait_dma2 semaphore(%arg16 : memref<!tpu.dma_semaphore, #tpu.memory_space<semaphore_mem>>) src(%dma_wait3A_214 : memref<2x80xi32, #tpu.memory_space<hbm>>) dst(%arg8 : memref<2x80xi32, #tpu.memory_space<vmem>>)
    %dma_start3A_215 = arith.constant 0 : i32
    %dma_start3A_216 = arith.constant 0 : i32
    %dma_start3A_217 = tpu.memref_slice %arg8[%dma_start3A_215, %dma_start3A_216] : memref<2x80xi32, #tpu.memory_space<vmem>> -> memref<1x80xi32, #tpu.memory_space<vmem>>
    %dma_start3A_218 = tpu.memref_squeeze %dma_start3A_217 : memref<1x80xi32, #tpu.memory_space<vmem>> -> memref<80xi32, #tpu.memory_space<vmem>>
    %dma_start3A_219 = arith.constant 0 : i32
    %dma_start3A_220 = arith.constant 0 : i32
    %dma_start3A_221 = tpu.memref_slice %arg2[%dma_start3A_219, %dma_start3A_220] : memref<10240x128xf32, #tpu.memory_space<hbm>> -> memref<10240x128xf32, #tpu.memory_space<hbm>>
    tpu.enqueue_indirect_dma source(%dma_start3A_221 : memref<10240x128xf32, #tpu.memory_space<hbm>>) target(%arg12 : memref<80x128xf32, #tpu.memory_space<vmem>>) offsets(%dma_start3A_218 : memref<80xi32, #tpu.memory_space<vmem>>) semaphore(%arg20 : memref<!tpu.dma_semaphore, #tpu.memory_space<semaphore_mem>>)
    %dma_start3A_222 = arith.constant 1 : i32
    %dma_start3A_223 = arith.constant 0 : i32
    %dma_start3A_224 = tpu.memref_slice %arg10[%dma_start3A_222, %dma_start3A_223] : memref<2x80xi32, #tpu.memory_space<vmem>> -> memref<1x80xi32, #tpu.memory_space<vmem>>
    %dma_start3A_225 = tpu.memref_squeeze %dma_start3A_224 : memref<1x80xi32, #tpu.memory_space<vmem>> -> memref<80xi32, #tpu.memory_space<vmem>>
    %dma_start3A_226 = arith.constant 0 : i32
    %dma_start3A_227 = arith.constant 0 : i32
    %dma_start3A_228 = tpu.memref_slice %arg6[%dma_start3A_226, %dma_start3A_227] : memref<10240x128xf32, #tpu.memory_space<vmem_shared>> -> memref<10240x128xf32, #tpu.memory_space<vmem_shared>>
    tpu.enqueue_indirect_dma source(%arg14 : memref<80x128xf32, #tpu.memory_space<vmem>>) target(%dma_start3A_228 : memref<10240x128xf32, #tpu.memory_space<vmem_shared>>) offsets(%dma_start3A_225 : memref<80xi32, #tpu.memory_space<vmem>>) semaphore(%arg26 : memref<!tpu.dma_semaphore, #tpu.memory_space<semaphore_mem>>) {add = true}
    %scan3A = arith.constant 0 : i32
    %scan3A_229 = arith.constant 1 : i32
    %scan3A_230 = arith.constant 29 : i32
    %scan3A_231 = arith.addi %scan3A_229, %scan3A_230 : i32
    %scan3A_232 = arith.constant 1 : i32
    scf.for %scan3A_432 = %scan3A_229 to %scan3A_231 step %scan3A_232  : i32 {
      %mul3A_433 = arith.constant 4 : i32
      %mul3A_434 = arith.muli %mul3A_433, %scan3A_432 : i32
      %add3A_435 = arith.constant 0 : i32
      %add3A_436 = arith.addi %mul3A_434, %add3A_435 : i32
      %dma_wait3A_437 = arith.constant 1 : i32
      %dma_wait3A_438 = arith.constant 0 : i32
      %dma_wait3A_439 = tpu.memref_slice %arg9[%dma_wait3A_437, %dma_wait3A_438] : memref<2x80xi32, #tpu.memory_space<vmem>> -> memref<1x80xi32, #tpu.memory_space<vmem>>
      %dma_wait3A_440 = tpu.memref_squeeze %dma_wait3A_439 : memref<1x80xi32, #tpu.memory_space<vmem>> -> memref<80xi32, #tpu.memory_space<vmem>>
      %dma_wait3A_441 = arith.constant 0 : i32
      %dma_wait3A_442 = arith.constant 0 : i32
      %dma_wait3A_443 = tpu.memref_slice %arg6[%dma_wait3A_441, %dma_wait3A_442] : memref<10240x128xf32, #tpu.memory_space<vmem_shared>> -> memref<10240x128xf32, #tpu.memory_space<vmem_shared>>
      tpu.wait_indirect_dma semaphore(%arg25 : memref<!tpu.dma_semaphore, #tpu.memory_space<semaphore_mem>>) src(%arg13 : memref<80x128xf32, #tpu.memory_space<vmem>>) dst(%dma_wait3A_443 : memref<10240x128xf32, #tpu.memory_space<vmem_shared>>)
      %add3A_444 = arith.constant 2 : i32
      %add3A_445 = arith.addi %add3A_436, %add3A_444 : i32
      %add3A_446 = arith.addi %mul3A_2, %add3A_445 : i32
      %dma_start3A_447 = arith.constant 0 : i32
      %dma_start3A_448 = arith.constant 0 : i32
      %dma_start3A_449 = tpu.memref_slice %arg4[%add3A_446, %dma_start3A_447, %dma_start3A_448] : memref<4000x2x80xi32, #tpu.memory_space<hbm>> -> memref<1x2x80xi32, #tpu.memory_space<hbm>>
      %dma_start3A_450 = tpu.memref_squeeze %dma_start3A_449 : memref<1x2x80xi32, #tpu.memory_space<hbm>> -> memref<2x80xi32, #tpu.memory_space<hbm>>
      %dma_start3A_451 = arith.constant 0 : i32
      %dma_start3A_452 = arith.constant 0 : i32
      %dma_start3A_453 = tpu.memref_slice %arg4[%add3A_446, %dma_start3A_451, %dma_start3A_452] : memref<4000x2x80xi32, #tpu.memory_space<hbm>> -> memref<1x2x80xi32, #tpu.memory_space<hbm>>
      %dma_start3A_454 = tpu.memref_squeeze %dma_start3A_453 : memref<1x2x80xi32, #tpu.memory_space<hbm>> -> memref<2x80xi32, #tpu.memory_space<hbm>>
      tpu.enqueue_dma source(%dma_start3A_454 : memref<2x80xi32, #tpu.memory_space<hbm>>) target(%arg9 : memref<2x80xi32, #tpu.memory_space<vmem>>) target_semaphore(%arg17 : memref<!tpu.dma_semaphore, #tpu.memory_space<semaphore_mem>>)
      %dma_wait3A_455 = arith.constant 0 : i32
      %dma_wait3A_456 = arith.constant 0 : i32
      %dma_wait3A_457 = tpu.memref_slice %arg7[%dma_wait3A_455, %dma_wait3A_456] : memref<2x80xi32, #tpu.memory_space<vmem>> -> memref<1x80xi32, #tpu.memory_space<vmem>>
      %dma_wait3A_458 = tpu.memref_squeeze %dma_wait3A_457 : memref<1x80xi32, #tpu.memory_space<vmem>> -> memref<80xi32, #tpu.memory_space<vmem>>
      %dma_wait3A_459 = arith.constant 0 : i32
      %dma_wait3A_460 = arith.constant 0 : i32
      %dma_wait3A_461 = tpu.memref_slice %arg2[%dma_wait3A_459, %dma_wait3A_460] : memref<10240x128xf32, #tpu.memory_space<hbm>> -> memref<10240x128xf32, #tpu.memory_space<hbm>>
      tpu.wait_indirect_dma semaphore(%arg19 : memref<!tpu.dma_semaphore, #tpu.memory_space<semaphore_mem>>) src(%dma_wait3A_461 : memref<10240x128xf32, #tpu.memory_space<hbm>>) dst(%arg11 : memref<80x128xf32, #tpu.memory_space<vmem>>)
      %dma_wait3A_462 = arith.constant 0 : i32
      %dma_wait3A_463 = arith.constant 0 : i32
      %dma_wait3A_464 = tpu.memref_slice %arg4[%add3A_446, %dma_wait3A_462, %dma_wait3A_463] : memref<4000x2x80xi32, #tpu.memory_space<hbm>> -> memref<1x2x80xi32, #tpu.memory_space<hbm>>
      %dma_wait3A_465 = tpu.memref_squeeze %dma_wait3A_464 : memref<1x2x80xi32, #tpu.memory_space<hbm>> -> memref<2x80xi32, #tpu.memory_space<hbm>>
      %dma_wait3A_466 = arith.constant 0 : i32
      %dma_wait3A_467 = arith.constant 0 : i32
      %dma_wait3A_468 = tpu.memref_slice %arg4[%add3A_446, %dma_wait3A_466, %dma_wait3A_467] : memref<4000x2x80xi32, #tpu.memory_space<hbm>> -> memref<1x2x80xi32, #tpu.memory_space<hbm>>
      %dma_wait3A_469 = tpu.memref_squeeze %dma_wait3A_468 : memref<1x2x80xi32, #tpu.memory_space<hbm>> -> memref<2x80xi32, #tpu.memory_space<hbm>>
      tpu.wait_dma2 semaphore(%arg17 : memref<!tpu.dma_semaphore, #tpu.memory_space<semaphore_mem>>) src(%dma_wait3A_469 : memref<2x80xi32, #tpu.memory_space<hbm>>) dst(%arg9 : memref<2x80xi32, #tpu.memory_space<vmem>>)
      %dma_start3A_470 = arith.constant 0 : i32
      %dma_start3A_471 = arith.constant 0 : i32
      %dma_start3A_472 = tpu.memref_slice %arg9[%dma_start3A_470, %dma_start3A_471] : memref<2x80xi32, #tpu.memory_space<vmem>> -> memref<1x80xi32, #tpu.memory_space<vmem>>
      %dma_start3A_473 = tpu.memref_squeeze %dma_start3A_472 : memref<1x80xi32, #tpu.memory_space<vmem>> -> memref<80xi32, #tpu.memory_space<vmem>>
      %dma_start3A_474 = arith.constant 0 : i32
      %dma_start3A_475 = arith.constant 0 : i32
      %dma_start3A_476 = tpu.memref_slice %arg2[%dma_start3A_474, %dma_start3A_475] : memref<10240x128xf32, #tpu.memory_space<hbm>> -> memref<10240x128xf32, #tpu.memory_space<hbm>>
      tpu.enqueue_indirect_dma source(%dma_start3A_476 : memref<10240x128xf32, #tpu.memory_space<hbm>>) target(%arg13 : memref<80x128xf32, #tpu.memory_space<vmem>>) offsets(%dma_start3A_473 : memref<80xi32, #tpu.memory_space<vmem>>) semaphore(%arg21 : memref<!tpu.dma_semaphore, #tpu.memory_space<semaphore_mem>>)
      %dma_start3A_477 = arith.constant 1 : i32
      %dma_start3A_478 = arith.constant 0 : i32
      %dma_start3A_479 = tpu.memref_slice %arg7[%dma_start3A_477, %dma_start3A_478] : memref<2x80xi32, #tpu.memory_space<vmem>> -> memref<1x80xi32, #tpu.memory_space<vmem>>
      %dma_start3A_480 = tpu.memref_squeeze %dma_start3A_479 : memref<1x80xi32, #tpu.memory_space<vmem>> -> memref<80xi32, #tpu.memory_space<vmem>>
      %dma_start3A_481 = arith.constant 0 : i32
      %dma_start3A_482 = arith.constant 0 : i32
      %dma_start3A_483 = tpu.memref_slice %arg6[%dma_start3A_481, %dma_start3A_482] : memref<10240x128xf32, #tpu.memory_space<vmem_shared>> -> memref<10240x128xf32, #tpu.memory_space<vmem_shared>>
      tpu.enqueue_indirect_dma source(%arg11 : memref<80x128xf32, #tpu.memory_space<vmem>>) target(%dma_start3A_483 : memref<10240x128xf32, #tpu.memory_space<vmem_shared>>) offsets(%dma_start3A_480 : memref<80xi32, #tpu.memory_space<vmem>>) semaphore(%arg23 : memref<!tpu.dma_semaphore, #tpu.memory_space<semaphore_mem>>) {add = true}
      %add3A_484 = arith.constant 1 : i32
      %add3A_485 = arith.addi %mul3A_434, %add3A_484 : i32
      %dma_wait3A_486 = arith.constant 1 : i32
      %dma_wait3A_487 = arith.constant 0 : i32
      %dma_wait3A_488 = tpu.memref_slice %arg10[%dma_wait3A_486, %dma_wait3A_487] : memref<2x80xi32, #tpu.memory_space<vmem>> -> memref<1x80xi32, #tpu.memory_space<vmem>>
      %dma_wait3A_489 = tpu.memref_squeeze %dma_wait3A_488 : memref<1x80xi32, #tpu.memory_space<vmem>> -> memref<80xi32, #tpu.memory_space<vmem>>
      %dma_wait3A_490 = arith.constant 0 : i32
      %dma_wait3A_491 = arith.constant 0 : i32
      %dma_wait3A_492 = tpu.memref_slice %arg6[%dma_wait3A_490, %dma_wait3A_491] : memref<10240x128xf32, #tpu.memory_space<vmem_shared>> -> memref<10240x128xf32, #tpu.memory_space<vmem_shared>>
      tpu.wait_indirect_dma semaphore(%arg26 : memref<!tpu.dma_semaphore, #tpu.memory_space<semaphore_mem>>) src(%arg14 : memref<80x128xf32, #tpu.memory_space<vmem>>) dst(%dma_wait3A_492 : memref<10240x128xf32, #tpu.memory_space<vmem_shared>>)
      %add3A_493 = arith.constant 2 : i32
      %add3A_494 = arith.addi %add3A_485, %add3A_493 : i32
      %add3A_495 = arith.addi %mul3A_2, %add3A_494 : i32
      %dma_start3A_496 = arith.constant 0 : i32
      %dma_start3A_497 = arith.constant 0 : i32
      %dma_start3A_498 = tpu.memref_slice %arg4[%add3A_495, %dma_start3A_496, %dma_start3A_497] : memref<4000x2x80xi32, #tpu.memory_space<hbm>> -> memref<1x2x80xi32, #tpu.memory_space<hbm>>
      %dma_start3A_499 = tpu.memref_squeeze %dma_start3A_498 : memref<1x2x80xi32, #tpu.memory_space<hbm>> -> memref<2x80xi32, #tpu.memory_space<hbm>>
      %dma_start3A_500 = arith.constant 0 : i32
      %dma_start3A_501 = arith.constant 0 : i32
      %dma_start3A_502 = tpu.memref_slice %arg4[%add3A_495, %dma_start3A_500, %dma_start3A_501] : memref<4000x2x80xi32, #tpu.memory_space<hbm>> -> memref<1x2x80xi32, #tpu.memory_space<hbm>>
      %dma_start3A_503 = tpu.memref_squeeze %dma_start3A_502 : memref<1x2x80xi32, #tpu.memory_space<hbm>> -> memref<2x80xi32, #tpu.memory_space<hbm>>
      tpu.enqueue_dma source(%dma_start3A_503 : memref<2x80xi32, #tpu.memory_space<hbm>>) target(%arg10 : memref<2x80xi32, #tpu.memory_space<vmem>>) target_semaphore(%arg18 : memref<!tpu.dma_semaphore, #tpu.memory_space<semaphore_mem>>)
      %dma_wait3A_504 = arith.constant 0 : i32
      %dma_wait3A_505 = arith.constant 0 : i32
      %dma_wait3A_506 = tpu.memref_slice %arg8[%dma_wait3A_504, %dma_wait3A_505] : memref<2x80xi32, #tpu.memory_space<vmem>> -> memref<1x80xi32, #tpu.memory_space<vmem>>
      %dma_wait3A_507 = tpu.memref_squeeze %dma_wait3A_506 : memref<1x80xi32, #tpu.memory_space<vmem>> -> memref<80xi32, #tpu.memory_space<vmem>>
      %dma_wait3A_508 = arith.constant 0 : i32
      %dma_wait3A_509 = arith.constant 0 : i32
      %dma_wait3A_510 = tpu.memref_slice %arg2[%dma_wait3A_508, %dma_wait3A_509] : memref<10240x128xf32, #tpu.memory_space<hbm>> -> memref<10240x128xf32, #tpu.memory_space<hbm>>
      tpu.wait_indirect_dma semaphore(%arg20 : memref<!tpu.dma_semaphore, #tpu.memory_space<semaphore_mem>>) src(%dma_wait3A_510 : memref<10240x128xf32, #tpu.memory_space<hbm>>) dst(%arg12 : memref<80x128xf32, #tpu.memory_space<vmem>>)
      %dma_wait3A_511 = arith.constant 0 : i32
      %dma_wait3A_512 = arith.constant 0 : i32
      %dma_wait3A_513 = tpu.memref_slice %arg4[%add3A_495, %dma_wait3A_511, %dma_wait3A_512] : memref<4000x2x80xi32, #tpu.memory_space<hbm>> -> memref<1x2x80xi32, #tpu.memory_space<hbm>>
      %dma_wait3A_514 = tpu.memref_squeeze %dma_wait3A_513 : memref<1x2x80xi32, #tpu.memory_space<hbm>> -> memref<2x80xi32, #tpu.memory_space<hbm>>
      %dma_wait3A_515 = arith.constant 0 : i32
      %dma_wait3A_516 = arith.constant 0 : i32
      %dma_wait3A_517 = tpu.memref_slice %arg4[%add3A_495, %dma_wait3A_515, %dma_wait3A_516] : memref<4000x2x80xi32, #tpu.memory_space<hbm>> -> memref<1x2x80xi32, #tpu.memory_space<hbm>>
      %dma_wait3A_518 = tpu.memref_squeeze %dma_wait3A_517 : memref<1x2x80xi32, #tpu.memory_space<hbm>> -> memref<2x80xi32, #tpu.memory_space<hbm>>
      tpu.wait_dma2 semaphore(%arg18 : memref<!tpu.dma_semaphore, #tpu.memory_space<semaphore_mem>>) src(%dma_wait3A_518 : memref<2x80xi32, #tpu.memory_space<hbm>>) dst(%arg10 : memref<2x80xi32, #tpu.memory_space<vmem>>)
      %dma_start3A_519 = arith.constant 0 : i32
      %dma_start3A_520 = arith.constant 0 : i32
      %dma_start3A_521 = tpu.memref_slice %arg10[%dma_start3A_519, %dma_start3A_520] : memref<2x80xi32, #tpu.memory_space<vmem>> -> memref<1x80xi32, #tpu.memory_space<vmem>>
      %dma_start3A_522 = tpu.memref_squeeze %dma_start3A_521 : memref<1x80xi32, #tpu.memory_space<vmem>> -> memref<80xi32, #tpu.memory_space<vmem>>
      %dma_start3A_523 = arith.constant 0 : i32
      %dma_start3A_524 = arith.constant 0 : i32
      %dma_start3A_525 = tpu.memref_slice %arg2[%dma_start3A_523, %dma_start3A_524] : memref<10240x128xf32, #tpu.memory_space<hbm>> -> memref<10240x128xf32, #tpu.memory_space<hbm>>
      tpu.enqueue_indirect_dma source(%dma_start3A_525 : memref<10240x128xf32, #tpu.memory_space<hbm>>) target(%arg14 : memref<80x128xf32, #tpu.memory_space<vmem>>) offsets(%dma_start3A_522 : memref<80xi32, #tpu.memory_space<vmem>>) semaphore(%arg22 : memref<!tpu.dma_semaphore, #tpu.memory_space<semaphore_mem>>)
      %dma_start3A_526 = arith.constant 1 : i32
      %dma_start3A_527 = arith.constant 0 : i32
      %dma_start3A_528 = tpu.memref_slice %arg8[%dma_start3A_526, %dma_start3A_527] : memref<2x80xi32, #tpu.memory_space<vmem>> -> memref<1x80xi32, #tpu.memory_space<vmem>>
      %dma_start3A_529 = tpu.memref_squeeze %dma_start3A_528 : memref<1x80xi32, #tpu.memory_space<vmem>> -> memref<80xi32, #tpu.memory_space<vmem>>
      %dma_start3A_530 = arith.constant 0 : i32
      %dma_start3A_531 = arith.constant 0 : i32
      %dma_start3A_532 = tpu.memref_slice %arg6[%dma_start3A_530, %dma_start3A_531] : memref<10240x128xf32, #tpu.memory_space<vmem_shared>> -> memref<10240x128xf32, #tpu.memory_space<vmem_shared>>
      tpu.enqueue_indirect_dma source(%arg12 : memref<80x128xf32, #tpu.memory_space<vmem>>) target(%dma_start3A_532 : memref<10240x128xf32, #tpu.memory_space<vmem_shared>>) offsets(%dma_start3A_529 : memref<80xi32, #tpu.memory_space<vmem>>) semaphore(%arg24 : memref<!tpu.dma_semaphore, #tpu.memory_space<semaphore_mem>>) {add = true}
      %add3A_533 = arith.constant 2 : i32
      %add3A_534 = arith.addi %mul3A_434, %add3A_533 : i32
      %dma_wait3A_535 = arith.constant 1 : i32
      %dma_wait3A_536 = arith.constant 0 : i32
      %dma_wait3A_537 = tpu.memref_slice %arg7[%dma_wait3A_535, %dma_wait3A_536] : memref<2x80xi32, #tpu.memory_space<vmem>> -> memref<1x80xi32, #tpu.memory_space<vmem>>
      %dma_wait3A_538 = tpu.memref_squeeze %dma_wait3A_537 : memref<1x80xi32, #tpu.memory_space<vmem>> -> memref<80xi32, #tpu.memory_space<vmem>>
      %dma_wait3A_539 = arith.constant 0 : i32
      %dma_wait3A_540 = arith.constant 0 : i32
      %dma_wait3A_541 = tpu.memref_slice %arg6[%dma_wait3A_539, %dma_wait3A_540] : memref<10240x128xf32, #tpu.memory_space<vmem_shared>> -> memref<10240x128xf32, #tpu.memory_space<vmem_shared>>
      tpu.wait_indirect_dma semaphore(%arg23 : memref<!tpu.dma_semaphore, #tpu.memory_space<semaphore_mem>>) src(%arg11 : memref<80x128xf32, #tpu.memory_space<vmem>>) dst(%dma_wait3A_541 : memref<10240x128xf32, #tpu.memory_space<vmem_shared>>)
      %add3A_542 = arith.constant 2 : i32
      %add3A_543 = arith.addi %add3A_534, %add3A_542 : i32
      %add3A_544 = arith.addi %mul3A_2, %add3A_543 : i32
      %dma_start3A_545 = arith.constant 0 : i32
      %dma_start3A_546 = arith.constant 0 : i32
      %dma_start3A_547 = tpu.memref_slice %arg4[%add3A_544, %dma_start3A_545, %dma_start3A_546] : memref<4000x2x80xi32, #tpu.memory_space<hbm>> -> memref<1x2x80xi32, #tpu.memory_space<hbm>>
      %dma_start3A_548 = tpu.memref_squeeze %dma_start3A_547 : memref<1x2x80xi32, #tpu.memory_space<hbm>> -> memref<2x80xi32, #tpu.memory_space<hbm>>
      %dma_start3A_549 = arith.constant 0 : i32
      %dma_start3A_550 = arith.constant 0 : i32
      %dma_start3A_551 = tpu.memref_slice %arg4[%add3A_544, %dma_start3A_549, %dma_start3A_550] : memref<4000x2x80xi32, #tpu.memory_space<hbm>> -> memref<1x2x80xi32, #tpu.memory_space<hbm>>
      %dma_start3A_552 = tpu.memref_squeeze %dma_start3A_551 : memref<1x2x80xi32, #tpu.memory_space<hbm>> -> memref<2x80xi32, #tpu.memory_space<hbm>>
      tpu.enqueue_dma source(%dma_start3A_552 : memref<2x80xi32, #tpu.memory_space<hbm>>) target(%arg7 : memref<2x80xi32, #tpu.memory_space<vmem>>) target_semaphore(%arg15 : memref<!tpu.dma_semaphore, #tpu.memory_space<semaphore_mem>>)
      %dma_wait3A_553 = arith.constant 0 : i32
      %dma_wait3A_554 = arith.constant 0 : i32
      %dma_wait3A_555 = tpu.memref_slice %arg9[%dma_wait3A_553, %dma_wait3A_554] : memref<2x80xi32, #tpu.memory_space<vmem>> -> memref<1x80xi32, #tpu.memory_space<vmem>>
      %dma_wait3A_556 = tpu.memref_squeeze %dma_wait3A_555 : memref<1x80xi32, #tpu.memory_space<vmem>> -> memref<80xi32, #tpu.memory_space<vmem>>
      %dma_wait3A_557 = arith.constant 0 : i32
      %dma_wait3A_558 = arith.constant 0 : i32
      %dma_wait3A_559 = tpu.memref_slice %arg2[%dma_wait3A_557, %dma_wait3A_558] : memref<10240x128xf32, #tpu.memory_space<hbm>> -> memref<10240x128xf32, #tpu.memory_space<hbm>>
      tpu.wait_indirect_dma semaphore(%arg21 : memref<!tpu.dma_semaphore, #tpu.memory_space<semaphore_mem>>) src(%dma_wait3A_559 : memref<10240x128xf32, #tpu.memory_space<hbm>>) dst(%arg13 : memref<80x128xf32, #tpu.memory_space<vmem>>)
      %dma_wait3A_560 = arith.constant 0 : i32
      %dma_wait3A_561 = arith.constant 0 : i32
      %dma_wait3A_562 = tpu.memref_slice %arg4[%add3A_544, %dma_wait3A_560, %dma_wait3A_561] : memref<4000x2x80xi32, #tpu.memory_space<hbm>> -> memref<1x2x80xi32, #tpu.memory_space<hbm>>
      %dma_wait3A_563 = tpu.memref_squeeze %dma_wait3A_562 : memref<1x2x80xi32, #tpu.memory_space<hbm>> -> memref<2x80xi32, #tpu.memory_space<hbm>>
      %dma_wait3A_564 = arith.constant 0 : i32
      %dma_wait3A_565 = arith.constant 0 : i32
      %dma_wait3A_566 = tpu.memref_slice %arg4[%add3A_544, %dma_wait3A_564, %dma_wait3A_565] : memref<4000x2x80xi32, #tpu.memory_space<hbm>> -> memref<1x2x80xi32, #tpu.memory_space<hbm>>
      %dma_wait3A_567 = tpu.memref_squeeze %dma_wait3A_566 : memref<1x2x80xi32, #tpu.memory_space<hbm>> -> memref<2x80xi32, #tpu.memory_space<hbm>>
      tpu.wait_dma2 semaphore(%arg15 : memref<!tpu.dma_semaphore, #tpu.memory_space<semaphore_mem>>) src(%dma_wait3A_567 : memref<2x80xi32, #tpu.memory_space<hbm>>) dst(%arg7 : memref<2x80xi32, #tpu.memory_space<vmem>>)
      %dma_start3A_568 = arith.constant 0 : i32
      %dma_start3A_569 = arith.constant 0 : i32
      %dma_start3A_570 = tpu.memref_slice %arg7[%dma_start3A_568, %dma_start3A_569] : memref<2x80xi32, #tpu.memory_space<vmem>> -> memref<1x80xi32, #tpu.memory_space<vmem>>
      %dma_start3A_571 = tpu.memref_squeeze %dma_start3A_570 : memref<1x80xi32, #tpu.memory_space<vmem>> -> memref<80xi32, #tpu.memory_space<vmem>>
      %dma_start3A_572 = arith.constant 0 : i32
      %dma_start3A_573 = arith.constant 0 : i32
      %dma_start3A_574 = tpu.memref_slice %arg2[%dma_start3A_572, %dma_start3A_573] : memref<10240x128xf32, #tpu.memory_space<hbm>> -> memref<10240x128xf32, #tpu.memory_space<hbm>>
      tpu.enqueue_indirect_dma source(%dma_start3A_574 : memref<10240x128xf32, #tpu.memory_space<hbm>>) target(%arg11 : memref<80x128xf32, #tpu.memory_space<vmem>>) offsets(%dma_start3A_571 : memref<80xi32, #tpu.memory_space<vmem>>) semaphore(%arg19 : memref<!tpu.dma_semaphore, #tpu.memory_space<semaphore_mem>>)
      %dma_start3A_575 = arith.constant 1 : i32
      %dma_start3A_576 = arith.constant 0 : i32
      %dma_start3A_577 = tpu.memref_slice %arg9[%dma_start3A_575, %dma_start3A_576] : memref<2x80xi32, #tpu.memory_space<vmem>> -> memref<1x80xi32, #tpu.memory_space<vmem>>
      %dma_start3A_578 = tpu.memref_squeeze %dma_start3A_577 : memref<1x80xi32, #tpu.memory_space<vmem>> -> memref<80xi32, #tpu.memory_space<vmem>>
      %dma_start3A_579 = arith.constant 0 : i32
      %dma_start3A_580 = arith.constant 0 : i32
      %dma_start3A_581 = tpu.memref_slice %arg6[%dma_start3A_579, %dma_start3A_580] : memref<10240x128xf32, #tpu.memory_space<vmem_shared>> -> memref<10240x128xf32, #tpu.memory_space<vmem_shared>>
      tpu.enqueue_indirect_dma source(%arg13 : memref<80x128xf32, #tpu.memory_space<vmem>>) target(%dma_start3A_581 : memref<10240x128xf32, #tpu.memory_space<vmem_shared>>) offsets(%dma_start3A_578 : memref<80xi32, #tpu.memory_space<vmem>>) semaphore(%arg25 : memref<!tpu.dma_semaphore, #tpu.memory_space<semaphore_mem>>) {add = true}
      %add3A_582 = arith.constant 3 : i32
      %add3A_583 = arith.addi %mul3A_434, %add3A_582 : i32
      %dma_wait3A_584 = arith.constant 1 : i32
      %dma_wait3A_585 = arith.constant 0 : i32
      %dma_wait3A_586 = tpu.memref_slice %arg8[%dma_wait3A_584, %dma_wait3A_585] : memref<2x80xi32, #tpu.memory_space<vmem>> -> memref<1x80xi32, #tpu.memory_space<vmem>>
      %dma_wait3A_587 = tpu.memref_squeeze %dma_wait3A_586 : memref<1x80xi32, #tpu.memory_space<vmem>> -> memref<80xi32, #tpu.memory_space<vmem>>
      %dma_wait3A_588 = arith.constant 0 : i32
      %dma_wait3A_589 = arith.constant 0 : i32
      %dma_wait3A_590 = tpu.memref_slice %arg6[%dma_wait3A_588, %dma_wait3A_589] : memref<10240x128xf32, #tpu.memory_space<vmem_shared>> -> memref<10240x128xf32, #tpu.memory_space<vmem_shared>>
      tpu.wait_indirect_dma semaphore(%arg24 : memref<!tpu.dma_semaphore, #tpu.memory_space<semaphore_mem>>) src(%arg12 : memref<80x128xf32, #tpu.memory_space<vmem>>) dst(%dma_wait3A_590 : memref<10240x128xf32, #tpu.memory_space<vmem_shared>>)
      %add3A_591 = arith.constant 2 : i32
      %add3A_592 = arith.addi %add3A_583, %add3A_591 : i32
      %add3A_593 = arith.addi %mul3A_2, %add3A_592 : i32
      %dma_start3A_594 = arith.constant 0 : i32
      %dma_start3A_595 = arith.constant 0 : i32
      %dma_start3A_596 = tpu.memref_slice %arg4[%add3A_593, %dma_start3A_594, %dma_start3A_595] : memref<4000x2x80xi32, #tpu.memory_space<hbm>> -> memref<1x2x80xi32, #tpu.memory_space<hbm>>
      %dma_start3A_597 = tpu.memref_squeeze %dma_start3A_596 : memref<1x2x80xi32, #tpu.memory_space<hbm>> -> memref<2x80xi32, #tpu.memory_space<hbm>>
      %dma_start3A_598 = arith.constant 0 : i32
      %dma_start3A_599 = arith.constant 0 : i32
      %dma_start3A_600 = tpu.memref_slice %arg4[%add3A_593, %dma_start3A_598, %dma_start3A_599] : memref<4000x2x80xi32, #tpu.memory_space<hbm>> -> memref<1x2x80xi32, #tpu.memory_space<hbm>>
      %dma_start3A_601 = tpu.memref_squeeze %dma_start3A_600 : memref<1x2x80xi32, #tpu.memory_space<hbm>> -> memref<2x80xi32, #tpu.memory_space<hbm>>
      tpu.enqueue_dma source(%dma_start3A_601 : memref<2x80xi32, #tpu.memory_space<hbm>>) target(%arg8 : memref<2x80xi32, #tpu.memory_space<vmem>>) target_semaphore(%arg16 : memref<!tpu.dma_semaphore, #tpu.memory_space<semaphore_mem>>)
      %dma_wait3A_602 = arith.constant 0 : i32
      %dma_wait3A_603 = arith.constant 0 : i32
      %dma_wait3A_604 = tpu.memref_slice %arg10[%dma_wait3A_602, %dma_wait3A_603] : memref<2x80xi32, #tpu.memory_space<vmem>> -> memref<1x80xi32, #tpu.memory_space<vmem>>
      %dma_wait3A_605 = tpu.memref_squeeze %dma_wait3A_604 : memref<1x80xi32, #tpu.memory_space<vmem>> -> memref<80xi32, #tpu.memory_space<vmem>>
      %dma_wait3A_606 = arith.constant 0 : i32
      %dma_wait3A_607 = arith.constant 0 : i32
      %dma_wait3A_608 = tpu.memref_slice %arg2[%dma_wait3A_606, %dma_wait3A_607] : memref<10240x128xf32, #tpu.memory_space<hbm>> -> memref<10240x128xf32, #tpu.memory_space<hbm>>
      tpu.wait_indirect_dma semaphore(%arg22 : memref<!tpu.dma_semaphore, #tpu.memory_space<semaphore_mem>>) src(%dma_wait3A_608 : memref<10240x128xf32, #tpu.memory_space<hbm>>) dst(%arg14 : memref<80x128xf32, #tpu.memory_space<vmem>>)
      %dma_wait3A_609 = arith.constant 0 : i32
      %dma_wait3A_610 = arith.constant 0 : i32
      %dma_wait3A_611 = tpu.memref_slice %arg4[%add3A_593, %dma_wait3A_609, %dma_wait3A_610] : memref<4000x2x80xi32, #tpu.memory_space<hbm>> -> memref<1x2x80xi32, #tpu.memory_space<hbm>>
      %dma_wait3A_612 = tpu.memref_squeeze %dma_wait3A_611 : memref<1x2x80xi32, #tpu.memory_space<hbm>> -> memref<2x80xi32, #tpu.memory_space<hbm>>
      %dma_wait3A_613 = arith.constant 0 : i32
      %dma_wait3A_614 = arith.constant 0 : i32
      %dma_wait3A_615 = tpu.memref_slice %arg4[%add3A_593, %dma_wait3A_613, %dma_wait3A_614] : memref<4000x2x80xi32, #tpu.memory_space<hbm>> -> memref<1x2x80xi32, #tpu.memory_space<hbm>>
      %dma_wait3A_616 = tpu.memref_squeeze %dma_wait3A_615 : memref<1x2x80xi32, #tpu.memory_space<hbm>> -> memref<2x80xi32, #tpu.memory_space<hbm>>
      tpu.wait_dma2 semaphore(%arg16 : memref<!tpu.dma_semaphore, #tpu.memory_space<semaphore_mem>>) src(%dma_wait3A_616 : memref<2x80xi32, #tpu.memory_space<hbm>>) dst(%arg8 : memref<2x80xi32, #tpu.memory_space<vmem>>)
      %dma_start3A_617 = arith.constant 0 : i32
      %dma_start3A_618 = arith.constant 0 : i32
      %dma_start3A_619 = tpu.memref_slice %arg8[%dma_start3A_617, %dma_start3A_618] : memref<2x80xi32, #tpu.memory_space<vmem>> -> memref<1x80xi32, #tpu.memory_space<vmem>>
      %dma_start3A_620 = tpu.memref_squeeze %dma_start3A_619 : memref<1x80xi32, #tpu.memory_space<vmem>> -> memref<80xi32, #tpu.memory_space<vmem>>
      %dma_start3A_621 = arith.constant 0 : i32
      %dma_start3A_622 = arith.constant 0 : i32
      %dma_start3A_623 = tpu.memref_slice %arg2[%dma_start3A_621, %dma_start3A_622] : memref<10240x128xf32, #tpu.memory_space<hbm>> -> memref<10240x128xf32, #tpu.memory_space<hbm>>
      tpu.enqueue_indirect_dma source(%dma_start3A_623 : memref<10240x128xf32, #tpu.memory_space<hbm>>) target(%arg12 : memref<80x128xf32, #tpu.memory_space<vmem>>) offsets(%dma_start3A_620 : memref<80xi32, #tpu.memory_space<vmem>>) semaphore(%arg20 : memref<!tpu.dma_semaphore, #tpu.memory_space<semaphore_mem>>)
      %dma_start3A_624 = arith.constant 1 : i32
      %dma_start3A_625 = arith.constant 0 : i32
      %dma_start3A_626 = tpu.memref_slice %arg10[%dma_start3A_624, %dma_start3A_625] : memref<2x80xi32, #tpu.memory_space<vmem>> -> memref<1x80xi32, #tpu.memory_space<vmem>>
      %dma_start3A_627 = tpu.memref_squeeze %dma_start3A_626 : memref<1x80xi32, #tpu.memory_space<vmem>> -> memref<80xi32, #tpu.memory_space<vmem>>
      %dma_start3A_628 = arith.constant 0 : i32
      %dma_start3A_629 = arith.constant 0 : i32
      %dma_start3A_630 = tpu.memref_slice %arg6[%dma_start3A_628, %dma_start3A_629] : memref<10240x128xf32, #tpu.memory_space<vmem_shared>> -> memref<10240x128xf32, #tpu.memory_space<vmem_shared>>
      tpu.enqueue_indirect_dma source(%arg14 : memref<80x128xf32, #tpu.memory_space<vmem>>) target(%dma_start3A_630 : memref<10240x128xf32, #tpu.memory_space<vmem_shared>>) offsets(%dma_start3A_627 : memref<80xi32, #tpu.memory_space<vmem>>) semaphore(%arg26 : memref<!tpu.dma_semaphore, #tpu.memory_space<semaphore_mem>>) {add = true}
    }
    %scan3A_233 = arith.constant 29 : i32
    %dma_wait3A_234 = arith.constant 1 : i32
    %dma_wait3A_235 = arith.constant 0 : i32
    %dma_wait3A_236 = tpu.memref_slice %arg9[%dma_wait3A_234, %dma_wait3A_235] : memref<2x80xi32, #tpu.memory_space<vmem>> -> memref<1x80xi32, #tpu.memory_space<vmem>>
    %dma_wait3A_237 = tpu.memref_squeeze %dma_wait3A_236 : memref<1x80xi32, #tpu.memory_space<vmem>> -> memref<80xi32, #tpu.memory_space<vmem>>
    %dma_wait3A_238 = arith.constant 0 : i32
    %dma_wait3A_239 = arith.constant 0 : i32
    %dma_wait3A_240 = tpu.memref_slice %arg6[%dma_wait3A_238, %dma_wait3A_239] : memref<10240x128xf32, #tpu.memory_space<vmem_shared>> -> memref<10240x128xf32, #tpu.memory_space<vmem_shared>>
    tpu.wait_indirect_dma semaphore(%arg25 : memref<!tpu.dma_semaphore, #tpu.memory_space<semaphore_mem>>) src(%arg13 : memref<80x128xf32, #tpu.memory_space<vmem>>) dst(%dma_wait3A_240 : memref<10240x128xf32, #tpu.memory_space<vmem_shared>>)
    %add3A_241 = arith.constant 122 : i32
    %add3A_242 = arith.addi %mul3A_2, %add3A_241 : i32
    %dma_start3A_243 = arith.constant 0 : i32
    %dma_start3A_244 = arith.constant 0 : i32
    %dma_start3A_245 = tpu.memref_slice %arg4[%add3A_242, %dma_start3A_243, %dma_start3A_244] : memref<4000x2x80xi32, #tpu.memory_space<hbm>> -> memref<1x2x80xi32, #tpu.memory_space<hbm>>
    %dma_start3A_246 = tpu.memref_squeeze %dma_start3A_245 : memref<1x2x80xi32, #tpu.memory_space<hbm>> -> memref<2x80xi32, #tpu.memory_space<hbm>>
    %dma_start3A_247 = arith.constant 0 : i32
    %dma_start3A_248 = arith.constant 0 : i32
    %dma_start3A_249 = tpu.memref_slice %arg4[%add3A_242, %dma_start3A_247, %dma_start3A_248] : memref<4000x2x80xi32, #tpu.memory_space<hbm>> -> memref<1x2x80xi32, #tpu.memory_space<hbm>>
    %dma_start3A_250 = tpu.memref_squeeze %dma_start3A_249 : memref<1x2x80xi32, #tpu.memory_space<hbm>> -> memref<2x80xi32, #tpu.memory_space<hbm>>
    tpu.enqueue_dma source(%dma_start3A_250 : memref<2x80xi32, #tpu.memory_space<hbm>>) target(%arg9 : memref<2x80xi32, #tpu.memory_space<vmem>>) target_semaphore(%arg17 : memref<!tpu.dma_semaphore, #tpu.memory_space<semaphore_mem>>)
    %dma_wait3A_251 = arith.constant 0 : i32
    %dma_wait3A_252 = arith.constant 0 : i32
    %dma_wait3A_253 = tpu.memref_slice %arg7[%dma_wait3A_251, %dma_wait3A_252] : memref<2x80xi32, #tpu.memory_space<vmem>> -> memref<1x80xi32, #tpu.memory_space<vmem>>
    %dma_wait3A_254 = tpu.memref_squeeze %dma_wait3A_253 : memref<1x80xi32, #tpu.memory_space<vmem>> -> memref<80xi32, #tpu.memory_space<vmem>>
    %dma_wait3A_255 = arith.constant 0 : i32
    %dma_wait3A_256 = arith.constant 0 : i32
    %dma_wait3A_257 = tpu.memref_slice %arg2[%dma_wait3A_255, %dma_wait3A_256] : memref<10240x128xf32, #tpu.memory_space<hbm>> -> memref<10240x128xf32, #tpu.memory_space<hbm>>
    tpu.wait_indirect_dma semaphore(%arg19 : memref<!tpu.dma_semaphore, #tpu.memory_space<semaphore_mem>>) src(%dma_wait3A_257 : memref<10240x128xf32, #tpu.memory_space<hbm>>) dst(%arg11 : memref<80x128xf32, #tpu.memory_space<vmem>>)
    %dma_wait3A_258 = arith.constant 0 : i32
    %dma_wait3A_259 = arith.constant 0 : i32
    %dma_wait3A_260 = tpu.memref_slice %arg4[%add3A_242, %dma_wait3A_258, %dma_wait3A_259] : memref<4000x2x80xi32, #tpu.memory_space<hbm>> -> memref<1x2x80xi32, #tpu.memory_space<hbm>>
    %dma_wait3A_261 = tpu.memref_squeeze %dma_wait3A_260 : memref<1x2x80xi32, #tpu.memory_space<hbm>> -> memref<2x80xi32, #tpu.memory_space<hbm>>
    %dma_wait3A_262 = arith.constant 0 : i32
    %dma_wait3A_263 = arith.constant 0 : i32
    %dma_wait3A_264 = tpu.memref_slice %arg4[%add3A_242, %dma_wait3A_262, %dma_wait3A_263] : memref<4000x2x80xi32, #tpu.memory_space<hbm>> -> memref<1x2x80xi32, #tpu.memory_space<hbm>>
    %dma_wait3A_265 = tpu.memref_squeeze %dma_wait3A_264 : memref<1x2x80xi32, #tpu.memory_space<hbm>> -> memref<2x80xi32, #tpu.memory_space<hbm>>
    tpu.wait_dma2 semaphore(%arg17 : memref<!tpu.dma_semaphore, #tpu.memory_space<semaphore_mem>>) src(%dma_wait3A_265 : memref<2x80xi32, #tpu.memory_space<hbm>>) dst(%arg9 : memref<2x80xi32, #tpu.memory_space<vmem>>)
    %dma_start3A_266 = arith.constant 0 : i32
    %dma_start3A_267 = arith.constant 0 : i32
    %dma_start3A_268 = tpu.memref_slice %arg9[%dma_start3A_266, %dma_start3A_267] : memref<2x80xi32, #tpu.memory_space<vmem>> -> memref<1x80xi32, #tpu.memory_space<vmem>>
    %dma_start3A_269 = tpu.memref_squeeze %dma_start3A_268 : memref<1x80xi32, #tpu.memory_space<vmem>> -> memref<80xi32, #tpu.memory_space<vmem>>
    %dma_start3A_270 = arith.constant 0 : i32
    %dma_start3A_271 = arith.constant 0 : i32
    %dma_start3A_272 = tpu.memref_slice %arg2[%dma_start3A_270, %dma_start3A_271] : memref<10240x128xf32, #tpu.memory_space<hbm>> -> memref<10240x128xf32, #tpu.memory_space<hbm>>
    tpu.enqueue_indirect_dma source(%dma_start3A_272 : memref<10240x128xf32, #tpu.memory_space<hbm>>) target(%arg13 : memref<80x128xf32, #tpu.memory_space<vmem>>) offsets(%dma_start3A_269 : memref<80xi32, #tpu.memory_space<vmem>>) semaphore(%arg21 : memref<!tpu.dma_semaphore, #tpu.memory_space<semaphore_mem>>)
    %dma_start3A_273 = arith.constant 1 : i32
    %dma_start3A_274 = arith.constant 0 : i32
    %dma_start3A_275 = tpu.memref_slice %arg7[%dma_start3A_273, %dma_start3A_274] : memref<2x80xi32, #tpu.memory_space<vmem>> -> memref<1x80xi32, #tpu.memory_space<vmem>>
    %dma_start3A_276 = tpu.memref_squeeze %dma_start3A_275 : memref<1x80xi32, #tpu.memory_space<vmem>> -> memref<80xi32, #tpu.memory_space<vmem>>
    %dma_start3A_277 = arith.constant 0 : i32
    %dma_start3A_278 = arith.constant 0 : i32
    %dma_start3A_279 = tpu.memref_slice %arg6[%dma_start3A_277, %dma_start3A_278] : memref<10240x128xf32, #tpu.memory_space<vmem_shared>> -> memref<10240x128xf32, #tpu.memory_space<vmem_shared>>
    tpu.enqueue_indirect_dma source(%arg11 : memref<80x128xf32, #tpu.memory_space<vmem>>) target(%dma_start3A_279 : memref<10240x128xf32, #tpu.memory_space<vmem_shared>>) offsets(%dma_start3A_276 : memref<80xi32, #tpu.memory_space<vmem>>) semaphore(%arg23 : memref<!tpu.dma_semaphore, #tpu.memory_space<semaphore_mem>>) {add = true}
    %dma_wait3A_280 = arith.constant 1 : i32
    %dma_wait3A_281 = arith.constant 0 : i32
    %dma_wait3A_282 = tpu.memref_slice %arg10[%dma_wait3A_280, %dma_wait3A_281] : memref<2x80xi32, #tpu.memory_space<vmem>> -> memref<1x80xi32, #tpu.memory_space<vmem>>
    %dma_wait3A_283 = tpu.memref_squeeze %dma_wait3A_282 : memref<1x80xi32, #tpu.memory_space<vmem>> -> memref<80xi32, #tpu.memory_space<vmem>>
    %dma_wait3A_284 = arith.constant 0 : i32
    %dma_wait3A_285 = arith.constant 0 : i32
    %dma_wait3A_286 = tpu.memref_slice %arg6[%dma_wait3A_284, %dma_wait3A_285] : memref<10240x128xf32, #tpu.memory_space<vmem_shared>> -> memref<10240x128xf32, #tpu.memory_space<vmem_shared>>
    tpu.wait_indirect_dma semaphore(%arg26 : memref<!tpu.dma_semaphore, #tpu.memory_space<semaphore_mem>>) src(%arg14 : memref<80x128xf32, #tpu.memory_space<vmem>>) dst(%dma_wait3A_286 : memref<10240x128xf32, #tpu.memory_space<vmem_shared>>)
    %add3A_287 = arith.constant 123 : i32
    %add3A_288 = arith.addi %mul3A_2, %add3A_287 : i32
    %dma_start3A_289 = arith.constant 0 : i32
    %dma_start3A_290 = arith.constant 0 : i32
    %dma_start3A_291 = tpu.memref_slice %arg4[%add3A_288, %dma_start3A_289, %dma_start3A_290] : memref<4000x2x80xi32, #tpu.memory_space<hbm>> -> memref<1x2x80xi32, #tpu.memory_space<hbm>>
    %dma_start3A_292 = tpu.memref_squeeze %dma_start3A_291 : memref<1x2x80xi32, #tpu.memory_space<hbm>> -> memref<2x80xi32, #tpu.memory_space<hbm>>
    %dma_start3A_293 = arith.constant 0 : i32
    %dma_start3A_294 = arith.constant 0 : i32
    %dma_start3A_295 = tpu.memref_slice %arg4[%add3A_288, %dma_start3A_293, %dma_start3A_294] : memref<4000x2x80xi32, #tpu.memory_space<hbm>> -> memref<1x2x80xi32, #tpu.memory_space<hbm>>
    %dma_start3A_296 = tpu.memref_squeeze %dma_start3A_295 : memref<1x2x80xi32, #tpu.memory_space<hbm>> -> memref<2x80xi32, #tpu.memory_space<hbm>>
    tpu.enqueue_dma source(%dma_start3A_296 : memref<2x80xi32, #tpu.memory_space<hbm>>) target(%arg10 : memref<2x80xi32, #tpu.memory_space<vmem>>) target_semaphore(%arg18 : memref<!tpu.dma_semaphore, #tpu.memory_space<semaphore_mem>>)
    %dma_wait3A_297 = arith.constant 0 : i32
    %dma_wait3A_298 = arith.constant 0 : i32
    %dma_wait3A_299 = tpu.memref_slice %arg8[%dma_wait3A_297, %dma_wait3A_298] : memref<2x80xi32, #tpu.memory_space<vmem>> -> memref<1x80xi32, #tpu.memory_space<vmem>>
    %dma_wait3A_300 = tpu.memref_squeeze %dma_wait3A_299 : memref<1x80xi32, #tpu.memory_space<vmem>> -> memref<80xi32, #tpu.memory_space<vmem>>
    %dma_wait3A_301 = arith.constant 0 : i32
    %dma_wait3A_302 = arith.constant 0 : i32
    %dma_wait3A_303 = tpu.memref_slice %arg2[%dma_wait3A_301, %dma_wait3A_302] : memref<10240x128xf32, #tpu.memory_space<hbm>> -> memref<10240x128xf32, #tpu.memory_space<hbm>>
    tpu.wait_indirect_dma semaphore(%arg20 : memref<!tpu.dma_semaphore, #tpu.memory_space<semaphore_mem>>) src(%dma_wait3A_303 : memref<10240x128xf32, #tpu.memory_space<hbm>>) dst(%arg12 : memref<80x128xf32, #tpu.memory_space<vmem>>)
    %dma_wait3A_304 = arith.constant 0 : i32
    %dma_wait3A_305 = arith.constant 0 : i32
    %dma_wait3A_306 = tpu.memref_slice %arg4[%add3A_288, %dma_wait3A_304, %dma_wait3A_305] : memref<4000x2x80xi32, #tpu.memory_space<hbm>> -> memref<1x2x80xi32, #tpu.memory_space<hbm>>
    %dma_wait3A_307 = tpu.memref_squeeze %dma_wait3A_306 : memref<1x2x80xi32, #tpu.memory_space<hbm>> -> memref<2x80xi32, #tpu.memory_space<hbm>>
    %dma_wait3A_308 = arith.constant 0 : i32
    %dma_wait3A_309 = arith.constant 0 : i32
    %dma_wait3A_310 = tpu.memref_slice %arg4[%add3A_288, %dma_wait3A_308, %dma_wait3A_309] : memref<4000x2x80xi32, #tpu.memory_space<hbm>> -> memref<1x2x80xi32, #tpu.memory_space<hbm>>
    %dma_wait3A_311 = tpu.memref_squeeze %dma_wait3A_310 : memref<1x2x80xi32, #tpu.memory_space<hbm>> -> memref<2x80xi32, #tpu.memory_space<hbm>>
    tpu.wait_dma2 semaphore(%arg18 : memref<!tpu.dma_semaphore, #tpu.memory_space<semaphore_mem>>) src(%dma_wait3A_311 : memref<2x80xi32, #tpu.memory_space<hbm>>) dst(%arg10 : memref<2x80xi32, #tpu.memory_space<vmem>>)
    %dma_start3A_312 = arith.constant 0 : i32
    %dma_start3A_313 = arith.constant 0 : i32
    %dma_start3A_314 = tpu.memref_slice %arg10[%dma_start3A_312, %dma_start3A_313] : memref<2x80xi32, #tpu.memory_space<vmem>> -> memref<1x80xi32, #tpu.memory_space<vmem>>
    %dma_start3A_315 = tpu.memref_squeeze %dma_start3A_314 : memref<1x80xi32, #tpu.memory_space<vmem>> -> memref<80xi32, #tpu.memory_space<vmem>>
    %dma_start3A_316 = arith.constant 0 : i32
    %dma_start3A_317 = arith.constant 0 : i32
    %dma_start3A_318 = tpu.memref_slice %arg2[%dma_start3A_316, %dma_start3A_317] : memref<10240x128xf32, #tpu.memory_space<hbm>> -> memref<10240x128xf32, #tpu.memory_space<hbm>>
    tpu.enqueue_indirect_dma source(%dma_start3A_318 : memref<10240x128xf32, #tpu.memory_space<hbm>>) target(%arg14 : memref<80x128xf32, #tpu.memory_space<vmem>>) offsets(%dma_start3A_315 : memref<80xi32, #tpu.memory_space<vmem>>) semaphore(%arg22 : memref<!tpu.dma_semaphore, #tpu.memory_space<semaphore_mem>>)
    %dma_start3A_319 = arith.constant 1 : i32
    %dma_start3A_320 = arith.constant 0 : i32
    %dma_start3A_321 = tpu.memref_slice %arg8[%dma_start3A_319, %dma_start3A_320] : memref<2x80xi32, #tpu.memory_space<vmem>> -> memref<1x80xi32, #tpu.memory_space<vmem>>
    %dma_start3A_322 = tpu.memref_squeeze %dma_start3A_321 : memref<1x80xi32, #tpu.memory_space<vmem>> -> memref<80xi32, #tpu.memory_space<vmem>>
    %dma_start3A_323 = arith.constant 0 : i32
    %dma_start3A_324 = arith.constant 0 : i32
    %dma_start3A_325 = tpu.memref_slice %arg6[%dma_start3A_323, %dma_start3A_324] : memref<10240x128xf32, #tpu.memory_space<vmem_shared>> -> memref<10240x128xf32, #tpu.memory_space<vmem_shared>>
    tpu.enqueue_indirect_dma source(%arg12 : memref<80x128xf32, #tpu.memory_space<vmem>>) target(%dma_start3A_325 : memref<10240x128xf32, #tpu.memory_space<vmem_shared>>) offsets(%dma_start3A_322 : memref<80xi32, #tpu.memory_space<vmem>>) semaphore(%arg24 : memref<!tpu.dma_semaphore, #tpu.memory_space<semaphore_mem>>) {add = true}
    %dma_wait3A_326 = arith.constant 1 : i32
    %dma_wait3A_327 = arith.constant 0 : i32
    %dma_wait3A_328 = tpu.memref_slice %arg7[%dma_wait3A_326, %dma_wait3A_327] : memref<2x80xi32, #tpu.memory_space<vmem>> -> memref<1x80xi32, #tpu.memory_space<vmem>>
    %dma_wait3A_329 = tpu.memref_squeeze %dma_wait3A_328 : memref<1x80xi32, #tpu.memory_space<vmem>> -> memref<80xi32, #tpu.memory_space<vmem>>
    %dma_wait3A_330 = arith.constant 0 : i32
    %dma_wait3A_331 = arith.constant 0 : i32
    %dma_wait3A_332 = tpu.memref_slice %arg6[%dma_wait3A_330, %dma_wait3A_331] : memref<10240x128xf32, #tpu.memory_space<vmem_shared>> -> memref<10240x128xf32, #tpu.memory_space<vmem_shared>>
    tpu.wait_indirect_dma semaphore(%arg23 : memref<!tpu.dma_semaphore, #tpu.memory_space<semaphore_mem>>) src(%arg11 : memref<80x128xf32, #tpu.memory_space<vmem>>) dst(%dma_wait3A_332 : memref<10240x128xf32, #tpu.memory_space<vmem_shared>>)
    %add3A_333 = arith.constant 124 : i32
    %add3A_334 = arith.addi %mul3A_2, %add3A_333 : i32
    %dma_start3A_335 = arith.constant 0 : i32
    %dma_start3A_336 = arith.constant 0 : i32
    %dma_start3A_337 = tpu.memref_slice %arg4[%add3A_334, %dma_start3A_335, %dma_start3A_336] : memref<4000x2x80xi32, #tpu.memory_space<hbm>> -> memref<1x2x80xi32, #tpu.memory_space<hbm>>
    %dma_start3A_338 = tpu.memref_squeeze %dma_start3A_337 : memref<1x2x80xi32, #tpu.memory_space<hbm>> -> memref<2x80xi32, #tpu.memory_space<hbm>>
    %dma_start3A_339 = arith.constant 0 : i32
    %dma_start3A_340 = arith.constant 0 : i32
    %dma_start3A_341 = tpu.memref_slice %arg4[%add3A_334, %dma_start3A_339, %dma_start3A_340] : memref<4000x2x80xi32, #tpu.memory_space<hbm>> -> memref<1x2x80xi32, #tpu.memory_space<hbm>>
    %dma_start3A_342 = tpu.memref_squeeze %dma_start3A_341 : memref<1x2x80xi32, #tpu.memory_space<hbm>> -> memref<2x80xi32, #tpu.memory_space<hbm>>
    tpu.enqueue_dma source(%dma_start3A_342 : memref<2x80xi32, #tpu.memory_space<hbm>>) target(%arg7 : memref<2x80xi32, #tpu.memory_space<vmem>>) target_semaphore(%arg15 : memref<!tpu.dma_semaphore, #tpu.memory_space<semaphore_mem>>)
    %dma_wait3A_343 = arith.constant 0 : i32
    %dma_wait3A_344 = arith.constant 0 : i32
    %dma_wait3A_345 = tpu.memref_slice %arg9[%dma_wait3A_343, %dma_wait3A_344] : memref<2x80xi32, #tpu.memory_space<vmem>> -> memref<1x80xi32, #tpu.memory_space<vmem>>
    %dma_wait3A_346 = tpu.memref_squeeze %dma_wait3A_345 : memref<1x80xi32, #tpu.memory_space<vmem>> -> memref<80xi32, #tpu.memory_space<vmem>>
    %dma_wait3A_347 = arith.constant 0 : i32
    %dma_wait3A_348 = arith.constant 0 : i32
    %dma_wait3A_349 = tpu.memref_slice %arg2[%dma_wait3A_347, %dma_wait3A_348] : memref<10240x128xf32, #tpu.memory_space<hbm>> -> memref<10240x128xf32, #tpu.memory_space<hbm>>
    tpu.wait_indirect_dma semaphore(%arg21 : memref<!tpu.dma_semaphore, #tpu.memory_space<semaphore_mem>>) src(%dma_wait3A_349 : memref<10240x128xf32, #tpu.memory_space<hbm>>) dst(%arg13 : memref<80x128xf32, #tpu.memory_space<vmem>>)
    %dma_wait3A_350 = arith.constant 0 : i32
    %dma_wait3A_351 = arith.constant 0 : i32
    %dma_wait3A_352 = tpu.memref_slice %arg4[%add3A_334, %dma_wait3A_350, %dma_wait3A_351] : memref<4000x2x80xi32, #tpu.memory_space<hbm>> -> memref<1x2x80xi32, #tpu.memory_space<hbm>>
    %dma_wait3A_353 = tpu.memref_squeeze %dma_wait3A_352 : memref<1x2x80xi32, #tpu.memory_space<hbm>> -> memref<2x80xi32, #tpu.memory_space<hbm>>
    %dma_wait3A_354 = arith.constant 0 : i32
    %dma_wait3A_355 = arith.constant 0 : i32
    %dma_wait3A_356 = tpu.memref_slice %arg4[%add3A_334, %dma_wait3A_354, %dma_wait3A_355] : memref<4000x2x80xi32, #tpu.memory_space<hbm>> -> memref<1x2x80xi32, #tpu.memory_space<hbm>>
    %dma_wait3A_357 = tpu.memref_squeeze %dma_wait3A_356 : memref<1x2x80xi32, #tpu.memory_space<hbm>> -> memref<2x80xi32, #tpu.memory_space<hbm>>
    tpu.wait_dma2 semaphore(%arg15 : memref<!tpu.dma_semaphore, #tpu.memory_space<semaphore_mem>>) src(%dma_wait3A_357 : memref<2x80xi32, #tpu.memory_space<hbm>>) dst(%arg7 : memref<2x80xi32, #tpu.memory_space<vmem>>)
    %dma_start3A_358 = arith.constant 0 : i32
    %dma_start3A_359 = arith.constant 0 : i32
    %dma_start3A_360 = tpu.memref_slice %arg7[%dma_start3A_358, %dma_start3A_359] : memref<2x80xi32, #tpu.memory_space<vmem>> -> memref<1x80xi32, #tpu.memory_space<vmem>>
    %dma_start3A_361 = tpu.memref_squeeze %dma_start3A_360 : memref<1x80xi32, #tpu.memory_space<vmem>> -> memref<80xi32, #tpu.memory_space<vmem>>
    %dma_start3A_362 = arith.constant 0 : i32
    %dma_start3A_363 = arith.constant 0 : i32
    %dma_start3A_364 = tpu.memref_slice %arg2[%dma_start3A_362, %dma_start3A_363] : memref<10240x128xf32, #tpu.memory_space<hbm>> -> memref<10240x128xf32, #tpu.memory_space<hbm>>
    tpu.enqueue_indirect_dma source(%dma_start3A_364 : memref<10240x128xf32, #tpu.memory_space<hbm>>) target(%arg11 : memref<80x128xf32, #tpu.memory_space<vmem>>) offsets(%dma_start3A_361 : memref<80xi32, #tpu.memory_space<vmem>>) semaphore(%arg19 : memref<!tpu.dma_semaphore, #tpu.memory_space<semaphore_mem>>)
    %dma_start3A_365 = arith.constant 1 : i32
    %dma_start3A_366 = arith.constant 0 : i32
    %dma_start3A_367 = tpu.memref_slice %arg9[%dma_start3A_365, %dma_start3A_366] : memref<2x80xi32, #tpu.memory_space<vmem>> -> memref<1x80xi32, #tpu.memory_space<vmem>>
    %dma_start3A_368 = tpu.memref_squeeze %dma_start3A_367 : memref<1x80xi32, #tpu.memory_space<vmem>> -> memref<80xi32, #tpu.memory_space<vmem>>
    %dma_start3A_369 = arith.constant 0 : i32
    %dma_start3A_370 = arith.constant 0 : i32
    %dma_start3A_371 = tpu.memref_slice %arg6[%dma_start3A_369, %dma_start3A_370] : memref<10240x128xf32, #tpu.memory_space<vmem_shared>> -> memref<10240x128xf32, #tpu.memory_space<vmem_shared>>
    tpu.enqueue_indirect_dma source(%arg13 : memref<80x128xf32, #tpu.memory_space<vmem>>) target(%dma_start3A_371 : memref<10240x128xf32, #tpu.memory_space<vmem_shared>>) offsets(%dma_start3A_368 : memref<80xi32, #tpu.memory_space<vmem>>) semaphore(%arg25 : memref<!tpu.dma_semaphore, #tpu.memory_space<semaphore_mem>>) {add = true}
    %dma_wait3A_372 = arith.constant 0 : i32
    %dma_wait3A_373 = arith.constant 0 : i32
    %dma_wait3A_374 = tpu.memref_slice %arg10[%dma_wait3A_372, %dma_wait3A_373] : memref<2x80xi32, #tpu.memory_space<vmem>> -> memref<1x80xi32, #tpu.memory_space<vmem>>
    %dma_wait3A_375 = tpu.memref_squeeze %dma_wait3A_374 : memref<1x80xi32, #tpu.memory_space<vmem>> -> memref<80xi32, #tpu.memory_space<vmem>>
    %dma_wait3A_376 = arith.constant 0 : i32
    %dma_wait3A_377 = arith.constant 0 : i32
    %dma_wait3A_378 = tpu.memref_slice %arg2[%dma_wait3A_376, %dma_wait3A_377] : memref<10240x128xf32, #tpu.memory_space<hbm>> -> memref<10240x128xf32, #tpu.memory_space<hbm>>
    tpu.wait_indirect_dma semaphore(%arg22 : memref<!tpu.dma_semaphore, #tpu.memory_space<semaphore_mem>>) src(%dma_wait3A_378 : memref<10240x128xf32, #tpu.memory_space<hbm>>) dst(%arg14 : memref<80x128xf32, #tpu.memory_space<vmem>>)
    %dma_start3A_379 = arith.constant 1 : i32
    %dma_start3A_380 = arith.constant 0 : i32
    %dma_start3A_381 = tpu.memref_slice %arg10[%dma_start3A_379, %dma_start3A_380] : memref<2x80xi32, #tpu.memory_space<vmem>> -> memref<1x80xi32, #tpu.memory_space<vmem>>
    %dma_start3A_382 = tpu.memref_squeeze %dma_start3A_381 : memref<1x80xi32, #tpu.memory_space<vmem>> -> memref<80xi32, #tpu.memory_space<vmem>>
    %dma_start3A_383 = arith.constant 0 : i32
    %dma_start3A_384 = arith.constant 0 : i32
    %dma_start3A_385 = tpu.memref_slice %arg6[%dma_start3A_383, %dma_start3A_384] : memref<10240x128xf32, #tpu.memory_space<vmem_shared>> -> memref<10240x128xf32, #tpu.memory_space<vmem_shared>>
    tpu.enqueue_indirect_dma source(%arg14 : memref<80x128xf32, #tpu.memory_space<vmem>>) target(%dma_start3A_385 : memref<10240x128xf32, #tpu.memory_space<vmem_shared>>) offsets(%dma_start3A_382 : memref<80xi32, #tpu.memory_space<vmem>>) semaphore(%arg26 : memref<!tpu.dma_semaphore, #tpu.memory_space<semaphore_mem>>) {add = true}
    %dma_wait3A_386 = arith.constant 0 : i32
    %dma_wait3A_387 = arith.constant 0 : i32
    %dma_wait3A_388 = tpu.memref_slice %arg7[%dma_wait3A_386, %dma_wait3A_387] : memref<2x80xi32, #tpu.memory_space<vmem>> -> memref<1x80xi32, #tpu.memory_space<vmem>>
    %dma_wait3A_389 = tpu.memref_squeeze %dma_wait3A_388 : memref<1x80xi32, #tpu.memory_space<vmem>> -> memref<80xi32, #tpu.memory_space<vmem>>
    %dma_wait3A_390 = arith.constant 0 : i32
    %dma_wait3A_391 = arith.constant 0 : i32
    %dma_wait3A_392 = tpu.memref_slice %arg2[%dma_wait3A_390, %dma_wait3A_391] : memref<10240x128xf32, #tpu.memory_space<hbm>> -> memref<10240x128xf32, #tpu.memory_space<hbm>>
    tpu.wait_indirect_dma semaphore(%arg19 : memref<!tpu.dma_semaphore, #tpu.memory_space<semaphore_mem>>) src(%dma_wait3A_392 : memref<10240x128xf32, #tpu.memory_space<hbm>>) dst(%arg11 : memref<80x128xf32, #tpu.memory_space<vmem>>)
    %dma_start3A_393 = arith.constant 1 : i32
    %dma_start3A_394 = arith.constant 0 : i32
    %dma_start3A_395 = tpu.memref_slice %arg7[%dma_start3A_393, %dma_start3A_394] : memref<2x80xi32, #tpu.memory_space<vmem>> -> memref<1x80xi32, #tpu.memory_space<vmem>>
    %dma_start3A_396 = tpu.memref_squeeze %dma_start3A_395 : memref<1x80xi32, #tpu.memory_space<vmem>> -> memref<80xi32, #tpu.memory_space<vmem>>
    %dma_start3A_397 = arith.constant 0 : i32
    %dma_start3A_398 = arith.constant 0 : i32
    %dma_start3A_399 = tpu.memref_slice %arg6[%dma_start3A_397, %dma_start3A_398] : memref<10240x128xf32, #tpu.memory_space<vmem_shared>> -> memref<10240x128xf32, #tpu.memory_space<vmem_shared>>
    tpu.enqueue_indirect_dma source(%arg11 : memref<80x128xf32, #tpu.memory_space<vmem>>) target(%dma_start3A_399 : memref<10240x128xf32, #tpu.memory_space<vmem_shared>>) offsets(%dma_start3A_396 : memref<80xi32, #tpu.memory_space<vmem>>) semaphore(%arg23 : memref<!tpu.dma_semaphore, #tpu.memory_space<semaphore_mem>>) {add = true}
    %dma_wait3A_400 = arith.constant 1 : i32
    %dma_wait3A_401 = arith.constant 0 : i32
    %dma_wait3A_402 = tpu.memref_slice %arg8[%dma_wait3A_400, %dma_wait3A_401] : memref<2x80xi32, #tpu.memory_space<vmem>> -> memref<1x80xi32, #tpu.memory_space<vmem>>
    %dma_wait3A_403 = tpu.memref_squeeze %dma_wait3A_402 : memref<1x80xi32, #tpu.memory_space<vmem>> -> memref<80xi32, #tpu.memory_space<vmem>>
    %dma_wait3A_404 = arith.constant 0 : i32
    %dma_wait3A_405 = arith.constant 0 : i32
    %dma_wait3A_406 = tpu.memref_slice %arg6[%dma_wait3A_404, %dma_wait3A_405] : memref<10240x128xf32, #tpu.memory_space<vmem_shared>> -> memref<10240x128xf32, #tpu.memory_space<vmem_shared>>
    tpu.wait_indirect_dma semaphore(%arg24 : memref<!tpu.dma_semaphore, #tpu.memory_space<semaphore_mem>>) src(%arg12 : memref<80x128xf32, #tpu.memory_space<vmem>>) dst(%dma_wait3A_406 : memref<10240x128xf32, #tpu.memory_space<vmem_shared>>)
    %dma_wait3A_407 = arith.constant 1 : i32
    %dma_wait3A_408 = arith.constant 0 : i32
    %dma_wait3A_409 = tpu.memref_slice %arg9[%dma_wait3A_407, %dma_wait3A_408] : memref<2x80xi32, #tpu.memory_space<vmem>> -> memref<1x80xi32, #tpu.memory_space<vmem>>
    %dma_wait3A_410 = tpu.memref_squeeze %dma_wait3A_409 : memref<1x80xi32, #tpu.memory_space<vmem>> -> memref<80xi32, #tpu.memory_space<vmem>>
    %dma_wait3A_411 = arith.constant 0 : i32
    %dma_wait3A_412 = arith.constant 0 : i32
    %dma_wait3A_413 = tpu.memref_slice %arg6[%dma_wait3A_411, %dma_wait3A_412] : memref<10240x128xf32, #tpu.memory_space<vmem_shared>> -> memref<10240x128xf32, #tpu.memory_space<vmem_shared>>
    tpu.wait_indirect_dma semaphore(%arg25 : memref<!tpu.dma_semaphore, #tpu.memory_space<semaphore_mem>>) src(%arg13 : memref<80x128xf32, #tpu.memory_space<vmem>>) dst(%dma_wait3A_413 : memref<10240x128xf32, #tpu.memory_space<vmem_shared>>)
    %dma_wait3A_414 = arith.constant 1 : i32
    %dma_wait3A_415 = arith.constant 0 : i32
    %dma_wait3A_416 = tpu.memref_slice %arg10[%dma_wait3A_414, %dma_wait3A_415] : memref<2x80xi32, #tpu.memory_space<vmem>> -> memref<1x80xi32, #tpu.memory_space<vmem>>
    %dma_wait3A_417 = tpu.memref_squeeze %dma_wait3A_416 : memref<1x80xi32, #tpu.memory_space<vmem>> -> memref<80xi32, #tpu.memory_space<vmem>>
    %dma_wait3A_418 = arith.constant 0 : i32
    %dma_wait3A_419 = arith.constant 0 : i32
    %dma_wait3A_420 = tpu.memref_slice %arg6[%dma_wait3A_418, %dma_wait3A_419] : memref<10240x128xf32, #tpu.memory_space<vmem_shared>> -> memref<10240x128xf32, #tpu.memory_space<vmem_shared>>
    tpu.wait_indirect_dma semaphore(%arg26 : memref<!tpu.dma_semaphore, #tpu.memory_space<semaphore_mem>>) src(%arg14 : memref<80x128xf32, #tpu.memory_space<vmem>>) dst(%dma_wait3A_420 : memref<10240x128xf32, #tpu.memory_space<vmem_shared>>)
    %dma_wait3A_421 = arith.constant 1 : i32
    %dma_wait3A_422 = arith.constant 0 : i32
    %dma_wait3A_423 = tpu.memref_slice %arg7[%dma_wait3A_421, %dma_wait3A_422] : memref<2x80xi32, #tpu.memory_space<vmem>> -> memref<1x80xi32, #tpu.memory_space<vmem>>
    %dma_wait3A_424 = tpu.memref_squeeze %dma_wait3A_423 : memref<1x80xi32, #tpu.memory_space<vmem>> -> memref<80xi32, #tpu.memory_space<vmem>>
    %dma_wait3A_425 = arith.constant 0 : i32
    %dma_wait3A_426 = arith.constant 0 : i32
    %dma_wait3A_427 = tpu.memref_slice %arg6[%dma_wait3A_425, %dma_wait3A_426] : memref<10240x128xf32, #tpu.memory_space<vmem_shared>> -> memref<10240x128xf32, #tpu.memory_space<vmem_shared>>
    tpu.wait_indirect_dma semaphore(%arg23 : memref<!tpu.dma_semaphore, #tpu.memory_space<semaphore_mem>>) src(%arg11 : memref<80x128xf32, #tpu.memory_space<vmem>>) dst(%dma_wait3A_427 : memref<10240x128xf32, #tpu.memory_space<vmem_shared>>)
    %barrier3A_428 = arith.constant 0 : index
    tpu.barrier barrier_id(%barrier3A_428)
    %mul3A_429 = arith.constant 10240 : i32
    %mul3A_430 = arith.muli %arg0, %mul3A_429 : i32
    %add3A_431 = arith.addi %mul3A_430, %mul3A_4 : i32
    "tpu.region"() ({
      %run_scoped3A = tpu.sem_alloc : memref<!tpu.dma_semaphore, #tpu.memory_space<semaphore_mem>>
      %dma_start3A_432 = arith.constant 0 : i32
      %dma_start3A_433 = tpu.memref_slice %arg5[%add3A_431, %dma_start3A_432] : memref<20480x128xf32, #tpu.memory_space<hbm>> -> memref<640x128xf32, #tpu.memory_space<hbm>>
      %dma_start3A_434 = arith.constant 0 : i32
      %dma_start3A_435 = tpu.memref_slice %arg6[%mul3A_4, %dma_start3A_434] : memref<10240x128xf32, #tpu.memory_space<vmem_shared>> -> memref<640x128xf32, #tpu.memory_space<vmem_shared>>
      tpu.enqueue_dma source(%dma_start3A_435 : memref<640x128xf32, #tpu.memory_space<vmem_shared>>) target(%dma_start3A_433 : memref<640x128xf32, #tpu.memory_space<hbm>>) target_semaphore(%run_scoped3A : memref<!tpu.dma_semaphore, #tpu.memory_space<semaphore_mem>>)
      %dma_wait3A_436 = arith.constant 0 : i32
      %dma_wait3A_437 = tpu.memref_slice %arg5[%add3A_431, %dma_wait3A_436] : memref<20480x128xf32, #tpu.memory_space<hbm>> -> memref<640x128xf32, #tpu.memory_space<hbm>>
      %dma_wait3A_438 = arith.constant 0 : i32
      %dma_wait3A_439 = tpu.memref_slice %arg6[%mul3A_4, %dma_wait3A_438] : memref<10240x128xf32, #tpu.memory_space<vmem_shared>> -> memref<640x128xf32, #tpu.memory_space<vmem_shared>>
      tpu.wait_dma2 semaphore(%run_scoped3A : memref<!tpu.dma_semaphore, #tpu.memory_space<semaphore_mem>>) src(%dma_wait3A_439 : memref<640x128xf32, #tpu.memory_space<vmem_shared>>) dst(%dma_wait3A_437 : memref<640x128xf32, #tpu.memory_space<hbm>>)
      tpu.yield
    }) : () -> ()
    return
  }
}

#map = affine_map<(d0, d1) -> (0, 0)>
#map1 = affine_map<(d0, d1) -> (0, 0, 0)>
module attributes {stable_mosaic.version = 14 : i64} {
  func.func @_seg_sum_body(%arg0: i32, %arg1: i32, %arg2: memref<10240x128xf32, #tpu.memory_space<hbm>>, %arg3: memref<10240x128xf32, #tpu.memory_space<hbm>>, %arg4: memref<4000x2x80xi32, #tpu.memory_space<hbm>>, %arg5: memref<20480x128xf32, #tpu.memory_space<hbm>>, %arg6: memref<10240x128xf32, #tpu.memory_space<vmem_shared>>, %arg7: memref<2x80xi32, #tpu.memory_space<vmem>>, %arg8: memref<2x80xi32, #tpu.memory_space<vmem>>, %arg9: memref<2x80xi32, #tpu.memory_space<vmem>>, %arg10: memref<2x80xi32, #tpu.memory_space<vmem>>, %arg11: memref<80x128xf32, #tpu.memory_space<vmem>>, %arg12: memref<80x128xf32, #tpu.memory_space<vmem>>, %arg13: memref<80x128xf32, #tpu.memory_space<vmem>>, %arg14: memref<80x128xf32, #tpu.memory_space<vmem>>, %arg15: memref<!tpu.dma_semaphore, #tpu.memory_space<semaphore_mem>>, %arg16: memref<!tpu.dma_semaphore, #tpu.memory_space<semaphore_mem>>, %arg17: memref<!tpu.dma_semaphore, #tpu.memory_space<semaphore_mem>>, %arg18: memref<!tpu.dma_semaphore, #tpu.memory_space<semaphore_mem>>, %arg19: memref<!tpu.dma_semaphore, #tpu.memory_space<semaphore_mem>>, %arg20: memref<!tpu.dma_semaphore, #tpu.memory_space<semaphore_mem>>, %arg21: memref<!tpu.dma_semaphore, #tpu.memory_space<semaphore_mem>>, %arg22: memref<!tpu.dma_semaphore, #tpu.memory_space<semaphore_mem>>, %arg23: memref<!tpu.dma_semaphore, #tpu.memory_space<semaphore_mem>>, %arg24: memref<!tpu.dma_semaphore, #tpu.memory_space<semaphore_mem>>, %arg25: memref<!tpu.dma_semaphore, #tpu.memory_space<semaphore_mem>>, %arg26: memref<!tpu.dma_semaphore, #tpu.memory_space<semaphore_mem>>) attributes {dimension_semantics = [#tpu.dimension_semantics<core_parallel>, #tpu.dimension_semantics<subcore_parallel>], iteration_bounds = array<i64: 2, 16>, scalar_prefetch = 0 : i64, scratch_operands = 21 : i64, tpu.core_type = #tpu.core_type<sc_vector_subcore>, window_params = [{transform_indices = #map}, {transform_indices = #map}, {transform_indices = #map1}, {transform_indices = #map}]} {
    %mul3A = arith.constant 16 : i32
    %mul3A_0 = arith.muli %arg0, %mul3A : i32
    %add3A = arith.addi %mul3A_0, %arg1 : i32
    %mul3A_1 = arith.constant 125 : i32
    %mul3A_2 = arith.muli %add3A, %mul3A_1 : i32
    %mul3A_3 = arith.constant 640 : i32
    %mul3A_4 = arith.muli %arg1, %mul3A_3 : i32
    %lt3A = arith.constant 15 : i32
    %lt3A_5 = arith.cmpi slt, %arg1, %lt3A : i32
    %convert_element_type3A = arith.extui %lt3A_5 : i1 to i32
    %cond3A = arith.constant 0 : i32
    %cond3A_6 = arith.cmpi ne, %convert_element_type3A, %cond3A : i32
    scf.if %cond3A_6 {
      "tpu.region"() ({
        %run_scoped3A = tpu.sem_alloc : memref<!tpu.dma_semaphore, #tpu.memory_space<semaphore_mem>>
        %dma_start3A_432 = arith.constant 0 : i32
        %dma_start3A_433 = tpu.memref_slice %arg6[%mul3A_4, %dma_start3A_432] : memref<10240x128xf32, #tpu.memory_space<vmem_shared>> -> memref<640x128xf32, #tpu.memory_space<vmem_shared>>
        %dma_start3A_434 = arith.constant 0 : i32
        %dma_start3A_435 = tpu.memref_slice %arg3[%mul3A_4, %dma_start3A_434] : memref<10240x128xf32, #tpu.memory_space<hbm>> -> memref<640x128xf32, #tpu.memory_space<hbm>>
        tpu.enqueue_dma source(%dma_start3A_435 : memref<640x128xf32, #tpu.memory_space<hbm>>) target(%dma_start3A_433 : memref<640x128xf32, #tpu.memory_space<vmem_shared>>) target_semaphore(%run_scoped3A : memref<!tpu.dma_semaphore, #tpu.memory_space<semaphore_mem>>)
        %dma_wait3A_436 = arith.constant 0 : i32
        %dma_wait3A_437 = tpu.memref_slice %arg6[%mul3A_4, %dma_wait3A_436] : memref<10240x128xf32, #tpu.memory_space<vmem_shared>> -> memref<640x128xf32, #tpu.memory_space<vmem_shared>>
        %dma_wait3A_438 = arith.constant 0 : i32
        %dma_wait3A_439 = tpu.memref_slice %arg3[%mul3A_4, %dma_wait3A_438] : memref<10240x128xf32, #tpu.memory_space<hbm>> -> memref<640x128xf32, #tpu.memory_space<hbm>>
        tpu.wait_dma2 semaphore(%run_scoped3A : memref<!tpu.dma_semaphore, #tpu.memory_space<semaphore_mem>>) src(%dma_wait3A_439 : memref<640x128xf32, #tpu.memory_space<hbm>>) dst(%dma_wait3A_437 : memref<640x128xf32, #tpu.memory_space<vmem_shared>>)
        tpu.yield
      }) : () -> ()
    } else {
    }
    %eq3A = arith.constant 15 : i32
    %eq3A_7 = arith.cmpi eq, %arg1, %eq3A : i32
    %convert_element_type3A_8 = arith.extui %eq3A_7 : i1 to i32
    %cond3A_9 = arith.constant 0 : i32
    %cond3A_10 = arith.cmpi ne, %convert_element_type3A_8, %cond3A_9 : i32
    scf.if %cond3A_10 {
      "tpu.region"() ({
        %run_scoped3A = tpu.sem_alloc : memref<!tpu.dma_semaphore, #tpu.memory_space<semaphore_mem>>
        %dma_start3A_432 = arith.constant 9600 : i32
        %dma_start3A_433 = arith.constant 0 : i32
        %dma_start3A_434 = tpu.memref_slice %arg6[%dma_start3A_432, %dma_start3A_433] : memref<10240x128xf32, #tpu.memory_space<vmem_shared>> -> memref<400x128xf32, #tpu.memory_space<vmem_shared>>
        %dma_start3A_435 = arith.constant 9600 : i32
        %dma_start3A_436 = arith.constant 0 : i32
        %dma_start3A_437 = tpu.memref_slice %arg3[%dma_start3A_435, %dma_start3A_436] : memref<10240x128xf32, #tpu.memory_space<hbm>> -> memref<400x128xf32, #tpu.memory_space<hbm>>
        tpu.enqueue_dma source(%dma_start3A_437 : memref<400x128xf32, #tpu.memory_space<hbm>>) target(%dma_start3A_434 : memref<400x128xf32, #tpu.memory_space<vmem_shared>>) target_semaphore(%run_scoped3A : memref<!tpu.dma_semaphore, #tpu.memory_space<semaphore_mem>>)
        %dma_wait3A_438 = arith.constant 9600 : i32
        %dma_wait3A_439 = arith.constant 0 : i32
        %dma_wait3A_440 = tpu.memref_slice %arg6[%dma_wait3A_438, %dma_wait3A_439] : memref<10240x128xf32, #tpu.memory_space<vmem_shared>> -> memref<400x128xf32, #tpu.memory_space<vmem_shared>>
        %dma_wait3A_441 = arith.constant 9600 : i32
        %dma_wait3A_442 = arith.constant 0 : i32
        %dma_wait3A_443 = tpu.memref_slice %arg3[%dma_wait3A_441, %dma_wait3A_442] : memref<10240x128xf32, #tpu.memory_space<hbm>> -> memref<400x128xf32, #tpu.memory_space<hbm>>
        tpu.wait_dma2 semaphore(%run_scoped3A : memref<!tpu.dma_semaphore, #tpu.memory_space<semaphore_mem>>) src(%dma_wait3A_443 : memref<400x128xf32, #tpu.memory_space<hbm>>) dst(%dma_wait3A_440 : memref<400x128xf32, #tpu.memory_space<vmem_shared>>)
        tpu.yield
      }) : () -> ()
    } else {
    }
    %barrier3A = arith.constant 0 : index
    tpu.barrier barrier_id(%barrier3A)
    %add3A_11 = arith.constant 0 : i32
    %add3A_12 = arith.addi %mul3A_2, %add3A_11 : i32
    %dma_start3A = arith.constant 0 : i32
    %dma_start3A_13 = arith.constant 0 : i32
    %dma_start3A_14 = tpu.memref_slice %arg4[%add3A_12, %dma_start3A, %dma_start3A_13] : memref<4000x2x80xi32, #tpu.memory_space<hbm>> -> memref<1x2x80xi32, #tpu.memory_space<hbm>>
    %dma_start3A_15 = tpu.memref_squeeze %dma_start3A_14 : memref<1x2x80xi32, #tpu.memory_space<hbm>> -> memref<2x80xi32, #tpu.memory_space<hbm>>
    %dma_start3A_16 = arith.constant 0 : i32
    %dma_start3A_17 = arith.constant 0 : i32
    %dma_start3A_18 = tpu.memref_slice %arg4[%add3A_12, %dma_start3A_16, %dma_start3A_17] : memref<4000x2x80xi32, #tpu.memory_space<hbm>> -> memref<1x2x80xi32, #tpu.memory_space<hbm>>
    %dma_start3A_19 = tpu.memref_squeeze %dma_start3A_18 : memref<1x2x80xi32, #tpu.memory_space<hbm>> -> memref<2x80xi32, #tpu.memory_space<hbm>>
    tpu.enqueue_dma source(%dma_start3A_19 : memref<2x80xi32, #tpu.memory_space<hbm>>) target(%arg7 : memref<2x80xi32, #tpu.memory_space<vmem>>) target_semaphore(%arg15 : memref<!tpu.dma_semaphore, #tpu.memory_space<semaphore_mem>>)
    %dma_wait3A = arith.constant 0 : i32
    %dma_wait3A_20 = arith.constant 0 : i32
    %dma_wait3A_21 = tpu.memref_slice %arg4[%add3A_12, %dma_wait3A, %dma_wait3A_20] : memref<4000x2x80xi32, #tpu.memory_space<hbm>> -> memref<1x2x80xi32, #tpu.memory_space<hbm>>
    %dma_wait3A_22 = tpu.memref_squeeze %dma_wait3A_21 : memref<1x2x80xi32, #tpu.memory_space<hbm>> -> memref<2x80xi32, #tpu.memory_space<hbm>>
    %dma_wait3A_23 = arith.constant 0 : i32
    %dma_wait3A_24 = arith.constant 0 : i32
    %dma_wait3A_25 = tpu.memref_slice %arg4[%add3A_12, %dma_wait3A_23, %dma_wait3A_24] : memref<4000x2x80xi32, #tpu.memory_space<hbm>> -> memref<1x2x80xi32, #tpu.memory_space<hbm>>
    %dma_wait3A_26 = tpu.memref_squeeze %dma_wait3A_25 : memref<1x2x80xi32, #tpu.memory_space<hbm>> -> memref<2x80xi32, #tpu.memory_space<hbm>>
    tpu.wait_dma2 semaphore(%arg15 : memref<!tpu.dma_semaphore, #tpu.memory_space<semaphore_mem>>) src(%dma_wait3A_26 : memref<2x80xi32, #tpu.memory_space<hbm>>) dst(%arg7 : memref<2x80xi32, #tpu.memory_space<vmem>>)
    %dma_start3A_27 = arith.constant 0 : i32
    %dma_start3A_28 = arith.constant 0 : i32
    %dma_start3A_29 = tpu.memref_slice %arg7[%dma_start3A_27, %dma_start3A_28] : memref<2x80xi32, #tpu.memory_space<vmem>> -> memref<1x80xi32, #tpu.memory_space<vmem>>
    %dma_start3A_30 = tpu.memref_squeeze %dma_start3A_29 : memref<1x80xi32, #tpu.memory_space<vmem>> -> memref<80xi32, #tpu.memory_space<vmem>>
    %dma_start3A_31 = arith.constant 0 : i32
    %dma_start3A_32 = arith.constant 0 : i32
    %dma_start3A_33 = tpu.memref_slice %arg2[%dma_start3A_31, %dma_start3A_32] : memref<10240x128xf32, #tpu.memory_space<hbm>> -> memref<10240x128xf32, #tpu.memory_space<hbm>>
    tpu.enqueue_indirect_dma source(%dma_start3A_33 : memref<10240x128xf32, #tpu.memory_space<hbm>>) target(%arg11 : memref<80x128xf32, #tpu.memory_space<vmem>>) offsets(%dma_start3A_30 : memref<80xi32, #tpu.memory_space<vmem>>) semaphore(%arg19 : memref<!tpu.dma_semaphore, #tpu.memory_space<semaphore_mem>>)
    %add3A_34 = arith.constant 1 : i32
    %add3A_35 = arith.addi %mul3A_2, %add3A_34 : i32
    %dma_start3A_36 = arith.constant 0 : i32
    %dma_start3A_37 = arith.constant 0 : i32
    %dma_start3A_38 = tpu.memref_slice %arg4[%add3A_35, %dma_start3A_36, %dma_start3A_37] : memref<4000x2x80xi32, #tpu.memory_space<hbm>> -> memref<1x2x80xi32, #tpu.memory_space<hbm>>
    %dma_start3A_39 = tpu.memref_squeeze %dma_start3A_38 : memref<1x2x80xi32, #tpu.memory_space<hbm>> -> memref<2x80xi32, #tpu.memory_space<hbm>>
    %dma_start3A_40 = arith.constant 0 : i32
    %dma_start3A_41 = arith.constant 0 : i32
    %dma_start3A_42 = tpu.memref_slice %arg4[%add3A_35, %dma_start3A_40, %dma_start3A_41] : memref<4000x2x80xi32, #tpu.memory_space<hbm>> -> memref<1x2x80xi32, #tpu.memory_space<hbm>>
    %dma_start3A_43 = tpu.memref_squeeze %dma_start3A_42 : memref<1x2x80xi32, #tpu.memory_space<hbm>> -> memref<2x80xi32, #tpu.memory_space<hbm>>
    tpu.enqueue_dma source(%dma_start3A_43 : memref<2x80xi32, #tpu.memory_space<hbm>>) target(%arg8 : memref<2x80xi32, #tpu.memory_space<vmem>>) target_semaphore(%arg16 : memref<!tpu.dma_semaphore, #tpu.memory_space<semaphore_mem>>)
    %dma_wait3A_44 = arith.constant 0 : i32
    %dma_wait3A_45 = arith.constant 0 : i32
    %dma_wait3A_46 = tpu.memref_slice %arg4[%add3A_35, %dma_wait3A_44, %dma_wait3A_45] : memref<4000x2x80xi32, #tpu.memory_space<hbm>> -> memref<1x2x80xi32, #tpu.memory_space<hbm>>
    %dma_wait3A_47 = tpu.memref_squeeze %dma_wait3A_46 : memref<1x2x80xi32, #tpu.memory_space<hbm>> -> memref<2x80xi32, #tpu.memory_space<hbm>>
    %dma_wait3A_48 = arith.constant 0 : i32
    %dma_wait3A_49 = arith.constant 0 : i32
    %dma_wait3A_50 = tpu.memref_slice %arg4[%add3A_35, %dma_wait3A_48, %dma_wait3A_49] : memref<4000x2x80xi32, #tpu.memory_space<hbm>> -> memref<1x2x80xi32, #tpu.memory_space<hbm>>
    %dma_wait3A_51 = tpu.memref_squeeze %dma_wait3A_50 : memref<1x2x80xi32, #tpu.memory_space<hbm>> -> memref<2x80xi32, #tpu.memory_space<hbm>>
    tpu.wait_dma2 semaphore(%arg16 : memref<!tpu.dma_semaphore, #tpu.memory_space<semaphore_mem>>) src(%dma_wait3A_51 : memref<2x80xi32, #tpu.memory_space<hbm>>) dst(%arg8 : memref<2x80xi32, #tpu.memory_space<vmem>>)
    %dma_start3A_52 = arith.constant 0 : i32
    %dma_start3A_53 = arith.constant 0 : i32
    %dma_start3A_54 = tpu.memref_slice %arg8[%dma_start3A_52, %dma_start3A_53] : memref<2x80xi32, #tpu.memory_space<vmem>> -> memref<1x80xi32, #tpu.memory_space<vmem>>
    %dma_start3A_55 = tpu.memref_squeeze %dma_start3A_54 : memref<1x80xi32, #tpu.memory_space<vmem>> -> memref<80xi32, #tpu.memory_space<vmem>>
    %dma_start3A_56 = arith.constant 0 : i32
    %dma_start3A_57 = arith.constant 0 : i32
    %dma_start3A_58 = tpu.memref_slice %arg2[%dma_start3A_56, %dma_start3A_57] : memref<10240x128xf32, #tpu.memory_space<hbm>> -> memref<10240x128xf32, #tpu.memory_space<hbm>>
    tpu.enqueue_indirect_dma source(%dma_start3A_58 : memref<10240x128xf32, #tpu.memory_space<hbm>>) target(%arg12 : memref<80x128xf32, #tpu.memory_space<vmem>>) offsets(%dma_start3A_55 : memref<80xi32, #tpu.memory_space<vmem>>) semaphore(%arg20 : memref<!tpu.dma_semaphore, #tpu.memory_space<semaphore_mem>>)
    %add3A_59 = arith.constant 2 : i32
    %add3A_60 = arith.addi %mul3A_2, %add3A_59 : i32
    %dma_start3A_61 = arith.constant 0 : i32
    %dma_start3A_62 = arith.constant 0 : i32
    %dma_start3A_63 = tpu.memref_slice %arg4[%add3A_60, %dma_start3A_61, %dma_start3A_62] : memref<4000x2x80xi32, #tpu.memory_space<hbm>> -> memref<1x2x80xi32, #tpu.memory_space<hbm>>
    %dma_start3A_64 = tpu.memref_squeeze %dma_start3A_63 : memref<1x2x80xi32, #tpu.memory_space<hbm>> -> memref<2x80xi32, #tpu.memory_space<hbm>>
    %dma_start3A_65 = arith.constant 0 : i32
    %dma_start3A_66 = arith.constant 0 : i32
    %dma_start3A_67 = tpu.memref_slice %arg4[%add3A_60, %dma_start3A_65, %dma_start3A_66] : memref<4000x2x80xi32, #tpu.memory_space<hbm>> -> memref<1x2x80xi32, #tpu.memory_space<hbm>>
    %dma_start3A_68 = tpu.memref_squeeze %dma_start3A_67 : memref<1x2x80xi32, #tpu.memory_space<hbm>> -> memref<2x80xi32, #tpu.memory_space<hbm>>
    tpu.enqueue_dma source(%dma_start3A_68 : memref<2x80xi32, #tpu.memory_space<hbm>>) target(%arg9 : memref<2x80xi32, #tpu.memory_space<vmem>>) target_semaphore(%arg17 : memref<!tpu.dma_semaphore, #tpu.memory_space<semaphore_mem>>)
    %dma_wait3A_69 = arith.constant 0 : i32
    %dma_wait3A_70 = arith.constant 0 : i32
    %dma_wait3A_71 = tpu.memref_slice %arg7[%dma_wait3A_69, %dma_wait3A_70] : memref<2x80xi32, #tpu.memory_space<vmem>> -> memref<1x80xi32, #tpu.memory_space<vmem>>
    %dma_wait3A_72 = tpu.memref_squeeze %dma_wait3A_71 : memref<1x80xi32, #tpu.memory_space<vmem>> -> memref<80xi32, #tpu.memory_space<vmem>>
    %dma_wait3A_73 = arith.constant 0 : i32
    %dma_wait3A_74 = arith.constant 0 : i32
    %dma_wait3A_75 = tpu.memref_slice %arg2[%dma_wait3A_73, %dma_wait3A_74] : memref<10240x128xf32, #tpu.memory_space<hbm>> -> memref<10240x128xf32, #tpu.memory_space<hbm>>
    tpu.wait_indirect_dma semaphore(%arg19 : memref<!tpu.dma_semaphore, #tpu.memory_space<semaphore_mem>>) src(%dma_wait3A_75 : memref<10240x128xf32, #tpu.memory_space<hbm>>) dst(%arg11 : memref<80x128xf32, #tpu.memory_space<vmem>>)
    %dma_wait3A_76 = arith.constant 0 : i32
    %dma_wait3A_77 = arith.constant 0 : i32
    %dma_wait3A_78 = tpu.memref_slice %arg4[%add3A_60, %dma_wait3A_76, %dma_wait3A_77] : memref<4000x2x80xi32, #tpu.memory_space<hbm>> -> memref<1x2x80xi32, #tpu.memory_space<hbm>>
    %dma_wait3A_79 = tpu.memref_squeeze %dma_wait3A_78 : memref<1x2x80xi32, #tpu.memory_space<hbm>> -> memref<2x80xi32, #tpu.memory_space<hbm>>
    %dma_wait3A_80 = arith.constant 0 : i32
    %dma_wait3A_81 = arith.constant 0 : i32
    %dma_wait3A_82 = tpu.memref_slice %arg4[%add3A_60, %dma_wait3A_80, %dma_wait3A_81] : memref<4000x2x80xi32, #tpu.memory_space<hbm>> -> memref<1x2x80xi32, #tpu.memory_space<hbm>>
    %dma_wait3A_83 = tpu.memref_squeeze %dma_wait3A_82 : memref<1x2x80xi32, #tpu.memory_space<hbm>> -> memref<2x80xi32, #tpu.memory_space<hbm>>
    tpu.wait_dma2 semaphore(%arg17 : memref<!tpu.dma_semaphore, #tpu.memory_space<semaphore_mem>>) src(%dma_wait3A_83 : memref<2x80xi32, #tpu.memory_space<hbm>>) dst(%arg9 : memref<2x80xi32, #tpu.memory_space<vmem>>)
    %dma_start3A_84 = arith.constant 0 : i32
    %dma_start3A_85 = arith.constant 0 : i32
    %dma_start3A_86 = tpu.memref_slice %arg9[%dma_start3A_84, %dma_start3A_85] : memref<2x80xi32, #tpu.memory_space<vmem>> -> memref<1x80xi32, #tpu.memory_space<vmem>>
    %dma_start3A_87 = tpu.memref_squeeze %dma_start3A_86 : memref<1x80xi32, #tpu.memory_space<vmem>> -> memref<80xi32, #tpu.memory_space<vmem>>
    %dma_start3A_88 = arith.constant 0 : i32
    %dma_start3A_89 = arith.constant 0 : i32
    %dma_start3A_90 = tpu.memref_slice %arg2[%dma_start3A_88, %dma_start3A_89] : memref<10240x128xf32, #tpu.memory_space<hbm>> -> memref<10240x128xf32, #tpu.memory_space<hbm>>
    tpu.enqueue_indirect_dma source(%dma_start3A_90 : memref<10240x128xf32, #tpu.memory_space<hbm>>) target(%arg13 : memref<80x128xf32, #tpu.memory_space<vmem>>) offsets(%dma_start3A_87 : memref<80xi32, #tpu.memory_space<vmem>>) semaphore(%arg21 : memref<!tpu.dma_semaphore, #tpu.memory_space<semaphore_mem>>)
    %dma_start3A_91 = arith.constant 1 : i32
    %dma_start3A_92 = arith.constant 0 : i32
    %dma_start3A_93 = tpu.memref_slice %arg7[%dma_start3A_91, %dma_start3A_92] : memref<2x80xi32, #tpu.memory_space<vmem>> -> memref<1x80xi32, #tpu.memory_space<vmem>>
    %dma_start3A_94 = tpu.memref_squeeze %dma_start3A_93 : memref<1x80xi32, #tpu.memory_space<vmem>> -> memref<80xi32, #tpu.memory_space<vmem>>
    %dma_start3A_95 = arith.constant 0 : i32
    %dma_start3A_96 = arith.constant 0 : i32
    %dma_start3A_97 = tpu.memref_slice %arg6[%dma_start3A_95, %dma_start3A_96] : memref<10240x128xf32, #tpu.memory_space<vmem_shared>> -> memref<10240x128xf32, #tpu.memory_space<vmem_shared>>
    tpu.enqueue_indirect_dma source(%arg11 : memref<80x128xf32, #tpu.memory_space<vmem>>) target(%dma_start3A_97 : memref<10240x128xf32, #tpu.memory_space<vmem_shared>>) offsets(%dma_start3A_94 : memref<80xi32, #tpu.memory_space<vmem>>) semaphore(%arg23 : memref<!tpu.dma_semaphore, #tpu.memory_space<semaphore_mem>>) {add = true}
    %add3A_98 = arith.constant 3 : i32
    %add3A_99 = arith.addi %mul3A_2, %add3A_98 : i32
    %dma_start3A_100 = arith.constant 0 : i32
    %dma_start3A_101 = arith.constant 0 : i32
    %dma_start3A_102 = tpu.memref_slice %arg4[%add3A_99, %dma_start3A_100, %dma_start3A_101] : memref<4000x2x80xi32, #tpu.memory_space<hbm>> -> memref<1x2x80xi32, #tpu.memory_space<hbm>>
    %dma_start3A_103 = tpu.memref_squeeze %dma_start3A_102 : memref<1x2x80xi32, #tpu.memory_space<hbm>> -> memref<2x80xi32, #tpu.memory_space<hbm>>
    %dma_start3A_104 = arith.constant 0 : i32
    %dma_start3A_105 = arith.constant 0 : i32
    %dma_start3A_106 = tpu.memref_slice %arg4[%add3A_99, %dma_start3A_104, %dma_start3A_105] : memref<4000x2x80xi32, #tpu.memory_space<hbm>> -> memref<1x2x80xi32, #tpu.memory_space<hbm>>
    %dma_start3A_107 = tpu.memref_squeeze %dma_start3A_106 : memref<1x2x80xi32, #tpu.memory_space<hbm>> -> memref<2x80xi32, #tpu.memory_space<hbm>>
    tpu.enqueue_dma source(%dma_start3A_107 : memref<2x80xi32, #tpu.memory_space<hbm>>) target(%arg10 : memref<2x80xi32, #tpu.memory_space<vmem>>) target_semaphore(%arg18 : memref<!tpu.dma_semaphore, #tpu.memory_space<semaphore_mem>>)
    %dma_wait3A_108 = arith.constant 0 : i32
    %dma_wait3A_109 = arith.constant 0 : i32
    %dma_wait3A_110 = tpu.memref_slice %arg8[%dma_wait3A_108, %dma_wait3A_109] : memref<2x80xi32, #tpu.memory_space<vmem>> -> memref<1x80xi32, #tpu.memory_space<vmem>>
    %dma_wait3A_111 = tpu.memref_squeeze %dma_wait3A_110 : memref<1x80xi32, #tpu.memory_space<vmem>> -> memref<80xi32, #tpu.memory_space<vmem>>
    %dma_wait3A_112 = arith.constant 0 : i32
    %dma_wait3A_113 = arith.constant 0 : i32
    %dma_wait3A_114 = tpu.memref_slice %arg2[%dma_wait3A_112, %dma_wait3A_113] : memref<10240x128xf32, #tpu.memory_space<hbm>> -> memref<10240x128xf32, #tpu.memory_space<hbm>>
    tpu.wait_indirect_dma semaphore(%arg20 : memref<!tpu.dma_semaphore, #tpu.memory_space<semaphore_mem>>) src(%dma_wait3A_114 : memref<10240x128xf32, #tpu.memory_space<hbm>>) dst(%arg12 : memref<80x128xf32, #tpu.memory_space<vmem>>)
    %dma_wait3A_115 = arith.constant 0 : i32
    %dma_wait3A_116 = arith.constant 0 : i32
    %dma_wait3A_117 = tpu.memref_slice %arg4[%add3A_99, %dma_wait3A_115, %dma_wait3A_116] : memref<4000x2x80xi32, #tpu.memory_space<hbm>> -> memref<1x2x80xi32, #tpu.memory_space<hbm>>
    %dma_wait3A_118 = tpu.memref_squeeze %dma_wait3A_117 : memref<1x2x80xi32, #tpu.memory_space<hbm>> -> memref<2x80xi32, #tpu.memory_space<hbm>>
    %dma_wait3A_119 = arith.constant 0 : i32
    %dma_wait3A_120 = arith.constant 0 : i32
    %dma_wait3A_121 = tpu.memref_slice %arg4[%add3A_99, %dma_wait3A_119, %dma_wait3A_120] : memref<4000x2x80xi32, #tpu.memory_space<hbm>> -> memref<1x2x80xi32, #tpu.memory_space<hbm>>
    %dma_wait3A_122 = tpu.memref_squeeze %dma_wait3A_121 : memref<1x2x80xi32, #tpu.memory_space<hbm>> -> memref<2x80xi32, #tpu.memory_space<hbm>>
    tpu.wait_dma2 semaphore(%arg18 : memref<!tpu.dma_semaphore, #tpu.memory_space<semaphore_mem>>) src(%dma_wait3A_122 : memref<2x80xi32, #tpu.memory_space<hbm>>) dst(%arg10 : memref<2x80xi32, #tpu.memory_space<vmem>>)
    %dma_start3A_123 = arith.constant 0 : i32
    %dma_start3A_124 = arith.constant 0 : i32
    %dma_start3A_125 = tpu.memref_slice %arg10[%dma_start3A_123, %dma_start3A_124] : memref<2x80xi32, #tpu.memory_space<vmem>> -> memref<1x80xi32, #tpu.memory_space<vmem>>
    %dma_start3A_126 = tpu.memref_squeeze %dma_start3A_125 : memref<1x80xi32, #tpu.memory_space<vmem>> -> memref<80xi32, #tpu.memory_space<vmem>>
    %dma_start3A_127 = arith.constant 0 : i32
    %dma_start3A_128 = arith.constant 0 : i32
    %dma_start3A_129 = tpu.memref_slice %arg2[%dma_start3A_127, %dma_start3A_128] : memref<10240x128xf32, #tpu.memory_space<hbm>> -> memref<10240x128xf32, #tpu.memory_space<hbm>>
    tpu.enqueue_indirect_dma source(%dma_start3A_129 : memref<10240x128xf32, #tpu.memory_space<hbm>>) target(%arg14 : memref<80x128xf32, #tpu.memory_space<vmem>>) offsets(%dma_start3A_126 : memref<80xi32, #tpu.memory_space<vmem>>) semaphore(%arg22 : memref<!tpu.dma_semaphore, #tpu.memory_space<semaphore_mem>>)
    %dma_start3A_130 = arith.constant 1 : i32
    %dma_start3A_131 = arith.constant 0 : i32
    %dma_start3A_132 = tpu.memref_slice %arg8[%dma_start3A_130, %dma_start3A_131] : memref<2x80xi32, #tpu.memory_space<vmem>> -> memref<1x80xi32, #tpu.memory_space<vmem>>
    %dma_start3A_133 = tpu.memref_squeeze %dma_start3A_132 : memref<1x80xi32, #tpu.memory_space<vmem>> -> memref<80xi32, #tpu.memory_space<vmem>>
    %dma_start3A_134 = arith.constant 0 : i32
    %dma_start3A_135 = arith.constant 0 : i32
    %dma_start3A_136 = tpu.memref_slice %arg6[%dma_start3A_134, %dma_start3A_135] : memref<10240x128xf32, #tpu.memory_space<vmem_shared>> -> memref<10240x128xf32, #tpu.memory_space<vmem_shared>>
    tpu.enqueue_indirect_dma source(%arg12 : memref<80x128xf32, #tpu.memory_space<vmem>>) target(%dma_start3A_136 : memref<10240x128xf32, #tpu.memory_space<vmem_shared>>) offsets(%dma_start3A_133 : memref<80xi32, #tpu.memory_space<vmem>>) semaphore(%arg24 : memref<!tpu.dma_semaphore, #tpu.memory_space<semaphore_mem>>) {add = true}
    %dma_wait3A_137 = arith.constant 1 : i32
    %dma_wait3A_138 = arith.constant 0 : i32
    %dma_wait3A_139 = tpu.memref_slice %arg7[%dma_wait3A_137, %dma_wait3A_138] : memref<2x80xi32, #tpu.memory_space<vmem>> -> memref<1x80xi32, #tpu.memory_space<vmem>>
    %dma_wait3A_140 = tpu.memref_squeeze %dma_wait3A_139 : memref<1x80xi32, #tpu.memory_space<vmem>> -> memref<80xi32, #tpu.memory_space<vmem>>
    %dma_wait3A_141 = arith.constant 0 : i32
    %dma_wait3A_142 = arith.constant 0 : i32
    %dma_wait3A_143 = tpu.memref_slice %arg6[%dma_wait3A_141, %dma_wait3A_142] : memref<10240x128xf32, #tpu.memory_space<vmem_shared>> -> memref<10240x128xf32, #tpu.memory_space<vmem_shared>>
    tpu.wait_indirect_dma semaphore(%arg23 : memref<!tpu.dma_semaphore, #tpu.memory_space<semaphore_mem>>) src(%arg11 : memref<80x128xf32, #tpu.memory_space<vmem>>) dst(%dma_wait3A_143 : memref<10240x128xf32, #tpu.memory_space<vmem_shared>>)
    %add3A_144 = arith.constant 4 : i32
    %add3A_145 = arith.addi %mul3A_2, %add3A_144 : i32
    %dma_start3A_146 = arith.constant 0 : i32
    %dma_start3A_147 = arith.constant 0 : i32
    %dma_start3A_148 = tpu.memref_slice %arg4[%add3A_145, %dma_start3A_146, %dma_start3A_147] : memref<4000x2x80xi32, #tpu.memory_space<hbm>> -> memref<1x2x80xi32, #tpu.memory_space<hbm>>
    %dma_start3A_149 = tpu.memref_squeeze %dma_start3A_148 : memref<1x2x80xi32, #tpu.memory_space<hbm>> -> memref<2x80xi32, #tpu.memory_space<hbm>>
    %dma_start3A_150 = arith.constant 0 : i32
    %dma_start3A_151 = arith.constant 0 : i32
    %dma_start3A_152 = tpu.memref_slice %arg4[%add3A_145, %dma_start3A_150, %dma_start3A_151] : memref<4000x2x80xi32, #tpu.memory_space<hbm>> -> memref<1x2x80xi32, #tpu.memory_space<hbm>>
    %dma_start3A_153 = tpu.memref_squeeze %dma_start3A_152 : memref<1x2x80xi32, #tpu.memory_space<hbm>> -> memref<2x80xi32, #tpu.memory_space<hbm>>
    tpu.enqueue_dma source(%dma_start3A_153 : memref<2x80xi32, #tpu.memory_space<hbm>>) target(%arg7 : memref<2x80xi32, #tpu.memory_space<vmem>>) target_semaphore(%arg15 : memref<!tpu.dma_semaphore, #tpu.memory_space<semaphore_mem>>)
    %dma_wait3A_154 = arith.constant 0 : i32
    %dma_wait3A_155 = arith.constant 0 : i32
    %dma_wait3A_156 = tpu.memref_slice %arg9[%dma_wait3A_154, %dma_wait3A_155] : memref<2x80xi32, #tpu.memory_space<vmem>> -> memref<1x80xi32, #tpu.memory_space<vmem>>
    %dma_wait3A_157 = tpu.memref_squeeze %dma_wait3A_156 : memref<1x80xi32, #tpu.memory_space<vmem>> -> memref<80xi32, #tpu.memory_space<vmem>>
    %dma_wait3A_158 = arith.constant 0 : i32
    %dma_wait3A_159 = arith.constant 0 : i32
    %dma_wait3A_160 = tpu.memref_slice %arg2[%dma_wait3A_158, %dma_wait3A_159] : memref<10240x128xf32, #tpu.memory_space<hbm>> -> memref<10240x128xf32, #tpu.memory_space<hbm>>
    tpu.wait_indirect_dma semaphore(%arg21 : memref<!tpu.dma_semaphore, #tpu.memory_space<semaphore_mem>>) src(%dma_wait3A_160 : memref<10240x128xf32, #tpu.memory_space<hbm>>) dst(%arg13 : memref<80x128xf32, #tpu.memory_space<vmem>>)
    %dma_wait3A_161 = arith.constant 0 : i32
    %dma_wait3A_162 = arith.constant 0 : i32
    %dma_wait3A_163 = tpu.memref_slice %arg4[%add3A_145, %dma_wait3A_161, %dma_wait3A_162] : memref<4000x2x80xi32, #tpu.memory_space<hbm>> -> memref<1x2x80xi32, #tpu.memory_space<hbm>>
    %dma_wait3A_164 = tpu.memref_squeeze %dma_wait3A_163 : memref<1x2x80xi32, #tpu.memory_space<hbm>> -> memref<2x80xi32, #tpu.memory_space<hbm>>
    %dma_wait3A_165 = arith.constant 0 : i32
    %dma_wait3A_166 = arith.constant 0 : i32
    %dma_wait3A_167 = tpu.memref_slice %arg4[%add3A_145, %dma_wait3A_165, %dma_wait3A_166] : memref<4000x2x80xi32, #tpu.memory_space<hbm>> -> memref<1x2x80xi32, #tpu.memory_space<hbm>>
    %dma_wait3A_168 = tpu.memref_squeeze %dma_wait3A_167 : memref<1x2x80xi32, #tpu.memory_space<hbm>> -> memref<2x80xi32, #tpu.memory_space<hbm>>
    tpu.wait_dma2 semaphore(%arg15 : memref<!tpu.dma_semaphore, #tpu.memory_space<semaphore_mem>>) src(%dma_wait3A_168 : memref<2x80xi32, #tpu.memory_space<hbm>>) dst(%arg7 : memref<2x80xi32, #tpu.memory_space<vmem>>)
    %dma_start3A_169 = arith.constant 0 : i32
    %dma_start3A_170 = arith.constant 0 : i32
    %dma_start3A_171 = tpu.memref_slice %arg7[%dma_start3A_169, %dma_start3A_170] : memref<2x80xi32, #tpu.memory_space<vmem>> -> memref<1x80xi32, #tpu.memory_space<vmem>>
    %dma_start3A_172 = tpu.memref_squeeze %dma_start3A_171 : memref<1x80xi32, #tpu.memory_space<vmem>> -> memref<80xi32, #tpu.memory_space<vmem>>
    %dma_start3A_173 = arith.constant 0 : i32
    %dma_start3A_174 = arith.constant 0 : i32
    %dma_start3A_175 = tpu.memref_slice %arg2[%dma_start3A_173, %dma_start3A_174] : memref<10240x128xf32, #tpu.memory_space<hbm>> -> memref<10240x128xf32, #tpu.memory_space<hbm>>
    tpu.enqueue_indirect_dma source(%dma_start3A_175 : memref<10240x128xf32, #tpu.memory_space<hbm>>) target(%arg11 : memref<80x128xf32, #tpu.memory_space<vmem>>) offsets(%dma_start3A_172 : memref<80xi32, #tpu.memory_space<vmem>>) semaphore(%arg19 : memref<!tpu.dma_semaphore, #tpu.memory_space<semaphore_mem>>)
    %dma_start3A_176 = arith.constant 1 : i32
    %dma_start3A_177 = arith.constant 0 : i32
    %dma_start3A_178 = tpu.memref_slice %arg9[%dma_start3A_176, %dma_start3A_177] : memref<2x80xi32, #tpu.memory_space<vmem>> -> memref<1x80xi32, #tpu.memory_space<vmem>>
    %dma_start3A_179 = tpu.memref_squeeze %dma_start3A_178 : memref<1x80xi32, #tpu.memory_space<vmem>> -> memref<80xi32, #tpu.memory_space<vmem>>
    %dma_start3A_180 = arith.constant 0 : i32
    %dma_start3A_181 = arith.constant 0 : i32
    %dma_start3A_182 = tpu.memref_slice %arg6[%dma_start3A_180, %dma_start3A_181] : memref<10240x128xf32, #tpu.memory_space<vmem_shared>> -> memref<10240x128xf32, #tpu.memory_space<vmem_shared>>
    tpu.enqueue_indirect_dma source(%arg13 : memref<80x128xf32, #tpu.memory_space<vmem>>) target(%dma_start3A_182 : memref<10240x128xf32, #tpu.memory_space<vmem_shared>>) offsets(%dma_start3A_179 : memref<80xi32, #tpu.memory_space<vmem>>) semaphore(%arg25 : memref<!tpu.dma_semaphore, #tpu.memory_space<semaphore_mem>>) {add = true}
    %dma_wait3A_183 = arith.constant 1 : i32
    %dma_wait3A_184 = arith.constant 0 : i32
    %dma_wait3A_185 = tpu.memref_slice %arg8[%dma_wait3A_183, %dma_wait3A_184] : memref<2x80xi32, #tpu.memory_space<vmem>> -> memref<1x80xi32, #tpu.memory_space<vmem>>
    %dma_wait3A_186 = tpu.memref_squeeze %dma_wait3A_185 : memref<1x80xi32, #tpu.memory_space<vmem>> -> memref<80xi32, #tpu.memory_space<vmem>>
    %dma_wait3A_187 = arith.constant 0 : i32
    %dma_wait3A_188 = arith.constant 0 : i32
    %dma_wait3A_189 = tpu.memref_slice %arg6[%dma_wait3A_187, %dma_wait3A_188] : memref<10240x128xf32, #tpu.memory_space<vmem_shared>> -> memref<10240x128xf32, #tpu.memory_space<vmem_shared>>
    tpu.wait_indirect_dma semaphore(%arg24 : memref<!tpu.dma_semaphore, #tpu.memory_space<semaphore_mem>>) src(%arg12 : memref<80x128xf32, #tpu.memory_space<vmem>>) dst(%dma_wait3A_189 : memref<10240x128xf32, #tpu.memory_space<vmem_shared>>)
    %add3A_190 = arith.constant 5 : i32
    %add3A_191 = arith.addi %mul3A_2, %add3A_190 : i32
    %dma_start3A_192 = arith.constant 0 : i32
    %dma_start3A_193 = arith.constant 0 : i32
    %dma_start3A_194 = tpu.memref_slice %arg4[%add3A_191, %dma_start3A_192, %dma_start3A_193] : memref<4000x2x80xi32, #tpu.memory_space<hbm>> -> memref<1x2x80xi32, #tpu.memory_space<hbm>>
    %dma_start3A_195 = tpu.memref_squeeze %dma_start3A_194 : memref<1x2x80xi32, #tpu.memory_space<hbm>> -> memref<2x80xi32, #tpu.memory_space<hbm>>
    %dma_start3A_196 = arith.constant 0 : i32
    %dma_start3A_197 = arith.constant 0 : i32
    %dma_start3A_198 = tpu.memref_slice %arg4[%add3A_191, %dma_start3A_196, %dma_start3A_197] : memref<4000x2x80xi32, #tpu.memory_space<hbm>> -> memref<1x2x80xi32, #tpu.memory_space<hbm>>
    %dma_start3A_199 = tpu.memref_squeeze %dma_start3A_198 : memref<1x2x80xi32, #tpu.memory_space<hbm>> -> memref<2x80xi32, #tpu.memory_space<hbm>>
    tpu.enqueue_dma source(%dma_start3A_199 : memref<2x80xi32, #tpu.memory_space<hbm>>) target(%arg8 : memref<2x80xi32, #tpu.memory_space<vmem>>) target_semaphore(%arg16 : memref<!tpu.dma_semaphore, #tpu.memory_space<semaphore_mem>>)
    %dma_wait3A_200 = arith.constant 0 : i32
    %dma_wait3A_201 = arith.constant 0 : i32
    %dma_wait3A_202 = tpu.memref_slice %arg10[%dma_wait3A_200, %dma_wait3A_201] : memref<2x80xi32, #tpu.memory_space<vmem>> -> memref<1x80xi32, #tpu.memory_space<vmem>>
    %dma_wait3A_203 = tpu.memref_squeeze %dma_wait3A_202 : memref<1x80xi32, #tpu.memory_space<vmem>> -> memref<80xi32, #tpu.memory_space<vmem>>
    %dma_wait3A_204 = arith.constant 0 : i32
    %dma_wait3A_205 = arith.constant 0 : i32
    %dma_wait3A_206 = tpu.memref_slice %arg2[%dma_wait3A_204, %dma_wait3A_205] : memref<10240x128xf32, #tpu.memory_space<hbm>> -> memref<10240x128xf32, #tpu.memory_space<hbm>>
    tpu.wait_indirect_dma semaphore(%arg22 : memref<!tpu.dma_semaphore, #tpu.memory_space<semaphore_mem>>) src(%dma_wait3A_206 : memref<10240x128xf32, #tpu.memory_space<hbm>>) dst(%arg14 : memref<80x128xf32, #tpu.memory_space<vmem>>)
    %dma_wait3A_207 = arith.constant 0 : i32
    %dma_wait3A_208 = arith.constant 0 : i32
    %dma_wait3A_209 = tpu.memref_slice %arg4[%add3A_191, %dma_wait3A_207, %dma_wait3A_208] : memref<4000x2x80xi32, #tpu.memory_space<hbm>> -> memref<1x2x80xi32, #tpu.memory_space<hbm>>
    %dma_wait3A_210 = tpu.memref_squeeze %dma_wait3A_209 : memref<1x2x80xi32, #tpu.memory_space<hbm>> -> memref<2x80xi32, #tpu.memory_space<hbm>>
    %dma_wait3A_211 = arith.constant 0 : i32
    %dma_wait3A_212 = arith.constant 0 : i32
    %dma_wait3A_213 = tpu.memref_slice %arg4[%add3A_191, %dma_wait3A_211, %dma_wait3A_212] : memref<4000x2x80xi32, #tpu.memory_space<hbm>> -> memref<1x2x80xi32, #tpu.memory_space<hbm>>
    %dma_wait3A_214 = tpu.memref_squeeze %dma_wait3A_213 : memref<1x2x80xi32, #tpu.memory_space<hbm>> -> memref<2x80xi32, #tpu.memory_space<hbm>>
    tpu.wait_dma2 semaphore(%arg16 : memref<!tpu.dma_semaphore, #tpu.memory_space<semaphore_mem>>) src(%dma_wait3A_214 : memref<2x80xi32, #tpu.memory_space<hbm>>) dst(%arg8 : memref<2x80xi32, #tpu.memory_space<vmem>>)
    %dma_start3A_215 = arith.constant 0 : i32
    %dma_start3A_216 = arith.constant 0 : i32
    %dma_start3A_217 = tpu.memref_slice %arg8[%dma_start3A_215, %dma_start3A_216] : memref<2x80xi32, #tpu.memory_space<vmem>> -> memref<1x80xi32, #tpu.memory_space<vmem>>
    %dma_start3A_218 = tpu.memref_squeeze %dma_start3A_217 : memref<1x80xi32, #tpu.memory_space<vmem>> -> memref<80xi32, #tpu.memory_space<vmem>>
    %dma_start3A_219 = arith.constant 0 : i32
    %dma_start3A_220 = arith.constant 0 : i32
    %dma_start3A_221 = tpu.memref_slice %arg2[%dma_start3A_219, %dma_start3A_220] : memref<10240x128xf32, #tpu.memory_space<hbm>> -> memref<10240x128xf32, #tpu.memory_space<hbm>>
    tpu.enqueue_indirect_dma source(%dma_start3A_221 : memref<10240x128xf32, #tpu.memory_space<hbm>>) target(%arg12 : memref<80x128xf32, #tpu.memory_space<vmem>>) offsets(%dma_start3A_218 : memref<80xi32, #tpu.memory_space<vmem>>) semaphore(%arg20 : memref<!tpu.dma_semaphore, #tpu.memory_space<semaphore_mem>>)
    %dma_start3A_222 = arith.constant 1 : i32
    %dma_start3A_223 = arith.constant 0 : i32
    %dma_start3A_224 = tpu.memref_slice %arg10[%dma_start3A_222, %dma_start3A_223] : memref<2x80xi32, #tpu.memory_space<vmem>> -> memref<1x80xi32, #tpu.memory_space<vmem>>
    %dma_start3A_225 = tpu.memref_squeeze %dma_start3A_224 : memref<1x80xi32, #tpu.memory_space<vmem>> -> memref<80xi32, #tpu.memory_space<vmem>>
    %dma_start3A_226 = arith.constant 0 : i32
    %dma_start3A_227 = arith.constant 0 : i32
    %dma_start3A_228 = tpu.memref_slice %arg6[%dma_start3A_226, %dma_start3A_227] : memref<10240x128xf32, #tpu.memory_space<vmem_shared>> -> memref<10240x128xf32, #tpu.memory_space<vmem_shared>>
    tpu.enqueue_indirect_dma source(%arg14 : memref<80x128xf32, #tpu.memory_space<vmem>>) target(%dma_start3A_228 : memref<10240x128xf32, #tpu.memory_space<vmem_shared>>) offsets(%dma_start3A_225 : memref<80xi32, #tpu.memory_space<vmem>>) semaphore(%arg26 : memref<!tpu.dma_semaphore, #tpu.memory_space<semaphore_mem>>) {add = true}
    %scan3A = arith.constant 0 : i32
    %scan3A_229 = arith.constant 1 : i32
    %scan3A_230 = arith.constant 29 : i32
    %scan3A_231 = arith.addi %scan3A_229, %scan3A_230 : i32
    %scan3A_232 = arith.constant 1 : i32
    scf.for %scan3A_432 = %scan3A_229 to %scan3A_231 step %scan3A_232  : i32 {
      %mul3A_433 = arith.constant 4 : i32
      %mul3A_434 = arith.muli %mul3A_433, %scan3A_432 : i32
      %add3A_435 = arith.constant 0 : i32
      %add3A_436 = arith.addi %mul3A_434, %add3A_435 : i32
      %dma_wait3A_437 = arith.constant 1 : i32
      %dma_wait3A_438 = arith.constant 0 : i32
      %dma_wait3A_439 = tpu.memref_slice %arg9[%dma_wait3A_437, %dma_wait3A_438] : memref<2x80xi32, #tpu.memory_space<vmem>> -> memref<1x80xi32, #tpu.memory_space<vmem>>
      %dma_wait3A_440 = tpu.memref_squeeze %dma_wait3A_439 : memref<1x80xi32, #tpu.memory_space<vmem>> -> memref<80xi32, #tpu.memory_space<vmem>>
      %dma_wait3A_441 = arith.constant 0 : i32
      %dma_wait3A_442 = arith.constant 0 : i32
      %dma_wait3A_443 = tpu.memref_slice %arg6[%dma_wait3A_441, %dma_wait3A_442] : memref<10240x128xf32, #tpu.memory_space<vmem_shared>> -> memref<10240x128xf32, #tpu.memory_space<vmem_shared>>
      tpu.wait_indirect_dma semaphore(%arg25 : memref<!tpu.dma_semaphore, #tpu.memory_space<semaphore_mem>>) src(%arg13 : memref<80x128xf32, #tpu.memory_space<vmem>>) dst(%dma_wait3A_443 : memref<10240x128xf32, #tpu.memory_space<vmem_shared>>)
      %add3A_444 = arith.constant 2 : i32
      %add3A_445 = arith.addi %add3A_436, %add3A_444 : i32
      %add3A_446 = arith.addi %mul3A_2, %add3A_445 : i32
      %dma_start3A_447 = arith.constant 0 : i32
      %dma_start3A_448 = arith.constant 0 : i32
      %dma_start3A_449 = tpu.memref_slice %arg4[%add3A_446, %dma_start3A_447, %dma_start3A_448] : memref<4000x2x80xi32, #tpu.memory_space<hbm>> -> memref<1x2x80xi32, #tpu.memory_space<hbm>>
      %dma_start3A_450 = tpu.memref_squeeze %dma_start3A_449 : memref<1x2x80xi32, #tpu.memory_space<hbm>> -> memref<2x80xi32, #tpu.memory_space<hbm>>
      %dma_start3A_451 = arith.constant 0 : i32
      %dma_start3A_452 = arith.constant 0 : i32
      %dma_start3A_453 = tpu.memref_slice %arg4[%add3A_446, %dma_start3A_451, %dma_start3A_452] : memref<4000x2x80xi32, #tpu.memory_space<hbm>> -> memref<1x2x80xi32, #tpu.memory_space<hbm>>
      %dma_start3A_454 = tpu.memref_squeeze %dma_start3A_453 : memref<1x2x80xi32, #tpu.memory_space<hbm>> -> memref<2x80xi32, #tpu.memory_space<hbm>>
      tpu.enqueue_dma source(%dma_start3A_454 : memref<2x80xi32, #tpu.memory_space<hbm>>) target(%arg9 : memref<2x80xi32, #tpu.memory_space<vmem>>) target_semaphore(%arg17 : memref<!tpu.dma_semaphore, #tpu.memory_space<semaphore_mem>>)
      %dma_wait3A_455 = arith.constant 0 : i32
      %dma_wait3A_456 = arith.constant 0 : i32
      %dma_wait3A_457 = tpu.memref_slice %arg7[%dma_wait3A_455, %dma_wait3A_456] : memref<2x80xi32, #tpu.memory_space<vmem>> -> memref<1x80xi32, #tpu.memory_space<vmem>>
      %dma_wait3A_458 = tpu.memref_squeeze %dma_wait3A_457 : memref<1x80xi32, #tpu.memory_space<vmem>> -> memref<80xi32, #tpu.memory_space<vmem>>
      %dma_wait3A_459 = arith.constant 0 : i32
      %dma_wait3A_460 = arith.constant 0 : i32
      %dma_wait3A_461 = tpu.memref_slice %arg2[%dma_wait3A_459, %dma_wait3A_460] : memref<10240x128xf32, #tpu.memory_space<hbm>> -> memref<10240x128xf32, #tpu.memory_space<hbm>>
      tpu.wait_indirect_dma semaphore(%arg19 : memref<!tpu.dma_semaphore, #tpu.memory_space<semaphore_mem>>) src(%dma_wait3A_461 : memref<10240x128xf32, #tpu.memory_space<hbm>>) dst(%arg11 : memref<80x128xf32, #tpu.memory_space<vmem>>)
      %dma_wait3A_462 = arith.constant 0 : i32
      %dma_wait3A_463 = arith.constant 0 : i32
      %dma_wait3A_464 = tpu.memref_slice %arg4[%add3A_446, %dma_wait3A_462, %dma_wait3A_463] : memref<4000x2x80xi32, #tpu.memory_space<hbm>> -> memref<1x2x80xi32, #tpu.memory_space<hbm>>
      %dma_wait3A_465 = tpu.memref_squeeze %dma_wait3A_464 : memref<1x2x80xi32, #tpu.memory_space<hbm>> -> memref<2x80xi32, #tpu.memory_space<hbm>>
      %dma_wait3A_466 = arith.constant 0 : i32
      %dma_wait3A_467 = arith.constant 0 : i32
      %dma_wait3A_468 = tpu.memref_slice %arg4[%add3A_446, %dma_wait3A_466, %dma_wait3A_467] : memref<4000x2x80xi32, #tpu.memory_space<hbm>> -> memref<1x2x80xi32, #tpu.memory_space<hbm>>
      %dma_wait3A_469 = tpu.memref_squeeze %dma_wait3A_468 : memref<1x2x80xi32, #tpu.memory_space<hbm>> -> memref<2x80xi32, #tpu.memory_space<hbm>>
      tpu.wait_dma2 semaphore(%arg17 : memref<!tpu.dma_semaphore, #tpu.memory_space<semaphore_mem>>) src(%dma_wait3A_469 : memref<2x80xi32, #tpu.memory_space<hbm>>) dst(%arg9 : memref<2x80xi32, #tpu.memory_space<vmem>>)
      %dma_start3A_470 = arith.constant 0 : i32
      %dma_start3A_471 = arith.constant 0 : i32
      %dma_start3A_472 = tpu.memref_slice %arg9[%dma_start3A_470, %dma_start3A_471] : memref<2x80xi32, #tpu.memory_space<vmem>> -> memref<1x80xi32, #tpu.memory_space<vmem>>
      %dma_start3A_473 = tpu.memref_squeeze %dma_start3A_472 : memref<1x80xi32, #tpu.memory_space<vmem>> -> memref<80xi32, #tpu.memory_space<vmem>>
      %dma_start3A_474 = arith.constant 0 : i32
      %dma_start3A_475 = arith.constant 0 : i32
      %dma_start3A_476 = tpu.memref_slice %arg2[%dma_start3A_474, %dma_start3A_475] : memref<10240x128xf32, #tpu.memory_space<hbm>> -> memref<10240x128xf32, #tpu.memory_space<hbm>>
      tpu.enqueue_indirect_dma source(%dma_start3A_476 : memref<10240x128xf32, #tpu.memory_space<hbm>>) target(%arg13 : memref<80x128xf32, #tpu.memory_space<vmem>>) offsets(%dma_start3A_473 : memref<80xi32, #tpu.memory_space<vmem>>) semaphore(%arg21 : memref<!tpu.dma_semaphore, #tpu.memory_space<semaphore_mem>>)
      %dma_start3A_477 = arith.constant 1 : i32
      %dma_start3A_478 = arith.constant 0 : i32
      %dma_start3A_479 = tpu.memref_slice %arg7[%dma_start3A_477, %dma_start3A_478] : memref<2x80xi32, #tpu.memory_space<vmem>> -> memref<1x80xi32, #tpu.memory_space<vmem>>
      %dma_start3A_480 = tpu.memref_squeeze %dma_start3A_479 : memref<1x80xi32, #tpu.memory_space<vmem>> -> memref<80xi32, #tpu.memory_space<vmem>>
      %dma_start3A_481 = arith.constant 0 : i32
      %dma_start3A_482 = arith.constant 0 : i32
      %dma_start3A_483 = tpu.memref_slice %arg6[%dma_start3A_481, %dma_start3A_482] : memref<10240x128xf32, #tpu.memory_space<vmem_shared>> -> memref<10240x128xf32, #tpu.memory_space<vmem_shared>>
      tpu.enqueue_indirect_dma source(%arg11 : memref<80x128xf32, #tpu.memory_space<vmem>>) target(%dma_start3A_483 : memref<10240x128xf32, #tpu.memory_space<vmem_shared>>) offsets(%dma_start3A_480 : memref<80xi32, #tpu.memory_space<vmem>>) semaphore(%arg23 : memref<!tpu.dma_semaphore, #tpu.memory_space<semaphore_mem>>) {add = true}
      %add3A_484 = arith.constant 1 : i32
      %add3A_485 = arith.addi %mul3A_434, %add3A_484 : i32
      %dma_wait3A_486 = arith.constant 1 : i32
      %dma_wait3A_487 = arith.constant 0 : i32
      %dma_wait3A_488 = tpu.memref_slice %arg10[%dma_wait3A_486, %dma_wait3A_487] : memref<2x80xi32, #tpu.memory_space<vmem>> -> memref<1x80xi32, #tpu.memory_space<vmem>>
      %dma_wait3A_489 = tpu.memref_squeeze %dma_wait3A_488 : memref<1x80xi32, #tpu.memory_space<vmem>> -> memref<80xi32, #tpu.memory_space<vmem>>
      %dma_wait3A_490 = arith.constant 0 : i32
      %dma_wait3A_491 = arith.constant 0 : i32
      %dma_wait3A_492 = tpu.memref_slice %arg6[%dma_wait3A_490, %dma_wait3A_491] : memref<10240x128xf32, #tpu.memory_space<vmem_shared>> -> memref<10240x128xf32, #tpu.memory_space<vmem_shared>>
      tpu.wait_indirect_dma semaphore(%arg26 : memref<!tpu.dma_semaphore, #tpu.memory_space<semaphore_mem>>) src(%arg14 : memref<80x128xf32, #tpu.memory_space<vmem>>) dst(%dma_wait3A_492 : memref<10240x128xf32, #tpu.memory_space<vmem_shared>>)
      %add3A_493 = arith.constant 2 : i32
      %add3A_494 = arith.addi %add3A_485, %add3A_493 : i32
      %add3A_495 = arith.addi %mul3A_2, %add3A_494 : i32
      %dma_start3A_496 = arith.constant 0 : i32
      %dma_start3A_497 = arith.constant 0 : i32
      %dma_start3A_498 = tpu.memref_slice %arg4[%add3A_495, %dma_start3A_496, %dma_start3A_497] : memref<4000x2x80xi32, #tpu.memory_space<hbm>> -> memref<1x2x80xi32, #tpu.memory_space<hbm>>
      %dma_start3A_499 = tpu.memref_squeeze %dma_start3A_498 : memref<1x2x80xi32, #tpu.memory_space<hbm>> -> memref<2x80xi32, #tpu.memory_space<hbm>>
      %dma_start3A_500 = arith.constant 0 : i32
      %dma_start3A_501 = arith.constant 0 : i32
      %dma_start3A_502 = tpu.memref_slice %arg4[%add3A_495, %dma_start3A_500, %dma_start3A_501] : memref<4000x2x80xi32, #tpu.memory_space<hbm>> -> memref<1x2x80xi32, #tpu.memory_space<hbm>>
      %dma_start3A_503 = tpu.memref_squeeze %dma_start3A_502 : memref<1x2x80xi32, #tpu.memory_space<hbm>> -> memref<2x80xi32, #tpu.memory_space<hbm>>
      tpu.enqueue_dma source(%dma_start3A_503 : memref<2x80xi32, #tpu.memory_space<hbm>>) target(%arg10 : memref<2x80xi32, #tpu.memory_space<vmem>>) target_semaphore(%arg18 : memref<!tpu.dma_semaphore, #tpu.memory_space<semaphore_mem>>)
      %dma_wait3A_504 = arith.constant 0 : i32
      %dma_wait3A_505 = arith.constant 0 : i32
      %dma_wait3A_506 = tpu.memref_slice %arg8[%dma_wait3A_504, %dma_wait3A_505] : memref<2x80xi32, #tpu.memory_space<vmem>> -> memref<1x80xi32, #tpu.memory_space<vmem>>
      %dma_wait3A_507 = tpu.memref_squeeze %dma_wait3A_506 : memref<1x80xi32, #tpu.memory_space<vmem>> -> memref<80xi32, #tpu.memory_space<vmem>>
      %dma_wait3A_508 = arith.constant 0 : i32
      %dma_wait3A_509 = arith.constant 0 : i32
      %dma_wait3A_510 = tpu.memref_slice %arg2[%dma_wait3A_508, %dma_wait3A_509] : memref<10240x128xf32, #tpu.memory_space<hbm>> -> memref<10240x128xf32, #tpu.memory_space<hbm>>
      tpu.wait_indirect_dma semaphore(%arg20 : memref<!tpu.dma_semaphore, #tpu.memory_space<semaphore_mem>>) src(%dma_wait3A_510 : memref<10240x128xf32, #tpu.memory_space<hbm>>) dst(%arg12 : memref<80x128xf32, #tpu.memory_space<vmem>>)
      %dma_wait3A_511 = arith.constant 0 : i32
      %dma_wait3A_512 = arith.constant 0 : i32
      %dma_wait3A_513 = tpu.memref_slice %arg4[%add3A_495, %dma_wait3A_511, %dma_wait3A_512] : memref<4000x2x80xi32, #tpu.memory_space<hbm>> -> memref<1x2x80xi32, #tpu.memory_space<hbm>>
      %dma_wait3A_514 = tpu.memref_squeeze %dma_wait3A_513 : memref<1x2x80xi32, #tpu.memory_space<hbm>> -> memref<2x80xi32, #tpu.memory_space<hbm>>
      %dma_wait3A_515 = arith.constant 0 : i32
      %dma_wait3A_516 = arith.constant 0 : i32
      %dma_wait3A_517 = tpu.memref_slice %arg4[%add3A_495, %dma_wait3A_515, %dma_wait3A_516] : memref<4000x2x80xi32, #tpu.memory_space<hbm>> -> memref<1x2x80xi32, #tpu.memory_space<hbm>>
      %dma_wait3A_518 = tpu.memref_squeeze %dma_wait3A_517 : memref<1x2x80xi32, #tpu.memory_space<hbm>> -> memref<2x80xi32, #tpu.memory_space<hbm>>
      tpu.wait_dma2 semaphore(%arg18 : memref<!tpu.dma_semaphore, #tpu.memory_space<semaphore_mem>>) src(%dma_wait3A_518 : memref<2x80xi32, #tpu.memory_space<hbm>>) dst(%arg10 : memref<2x80xi32, #tpu.memory_space<vmem>>)
      %dma_start3A_519 = arith.constant 0 : i32
      %dma_start3A_520 = arith.constant 0 : i32
      %dma_start3A_521 = tpu.memref_slice %arg10[%dma_start3A_519, %dma_start3A_520] : memref<2x80xi32, #tpu.memory_space<vmem>> -> memref<1x80xi32, #tpu.memory_space<vmem>>
      %dma_start3A_522 = tpu.memref_squeeze %dma_start3A_521 : memref<1x80xi32, #tpu.memory_space<vmem>> -> memref<80xi32, #tpu.memory_space<vmem>>
      %dma_start3A_523 = arith.constant 0 : i32
      %dma_start3A_524 = arith.constant 0 : i32
      %dma_start3A_525 = tpu.memref_slice %arg2[%dma_start3A_523, %dma_start3A_524] : memref<10240x128xf32, #tpu.memory_space<hbm>> -> memref<10240x128xf32, #tpu.memory_space<hbm>>
      tpu.enqueue_indirect_dma source(%dma_start3A_525 : memref<10240x128xf32, #tpu.memory_space<hbm>>) target(%arg14 : memref<80x128xf32, #tpu.memory_space<vmem>>) offsets(%dma_start3A_522 : memref<80xi32, #tpu.memory_space<vmem>>) semaphore(%arg22 : memref<!tpu.dma_semaphore, #tpu.memory_space<semaphore_mem>>)
      %dma_start3A_526 = arith.constant 1 : i32
      %dma_start3A_527 = arith.constant 0 : i32
      %dma_start3A_528 = tpu.memref_slice %arg8[%dma_start3A_526, %dma_start3A_527] : memref<2x80xi32, #tpu.memory_space<vmem>> -> memref<1x80xi32, #tpu.memory_space<vmem>>
      %dma_start3A_529 = tpu.memref_squeeze %dma_start3A_528 : memref<1x80xi32, #tpu.memory_space<vmem>> -> memref<80xi32, #tpu.memory_space<vmem>>
      %dma_start3A_530 = arith.constant 0 : i32
      %dma_start3A_531 = arith.constant 0 : i32
      %dma_start3A_532 = tpu.memref_slice %arg6[%dma_start3A_530, %dma_start3A_531] : memref<10240x128xf32, #tpu.memory_space<vmem_shared>> -> memref<10240x128xf32, #tpu.memory_space<vmem_shared>>
      tpu.enqueue_indirect_dma source(%arg12 : memref<80x128xf32, #tpu.memory_space<vmem>>) target(%dma_start3A_532 : memref<10240x128xf32, #tpu.memory_space<vmem_shared>>) offsets(%dma_start3A_529 : memref<80xi32, #tpu.memory_space<vmem>>) semaphore(%arg24 : memref<!tpu.dma_semaphore, #tpu.memory_space<semaphore_mem>>) {add = true}
      %add3A_533 = arith.constant 2 : i32
      %add3A_534 = arith.addi %mul3A_434, %add3A_533 : i32
      %dma_wait3A_535 = arith.constant 1 : i32
      %dma_wait3A_536 = arith.constant 0 : i32
      %dma_wait3A_537 = tpu.memref_slice %arg7[%dma_wait3A_535, %dma_wait3A_536] : memref<2x80xi32, #tpu.memory_space<vmem>> -> memref<1x80xi32, #tpu.memory_space<vmem>>
      %dma_wait3A_538 = tpu.memref_squeeze %dma_wait3A_537 : memref<1x80xi32, #tpu.memory_space<vmem>> -> memref<80xi32, #tpu.memory_space<vmem>>
      %dma_wait3A_539 = arith.constant 0 : i32
      %dma_wait3A_540 = arith.constant 0 : i32
      %dma_wait3A_541 = tpu.memref_slice %arg6[%dma_wait3A_539, %dma_wait3A_540] : memref<10240x128xf32, #tpu.memory_space<vmem_shared>> -> memref<10240x128xf32, #tpu.memory_space<vmem_shared>>
      tpu.wait_indirect_dma semaphore(%arg23 : memref<!tpu.dma_semaphore, #tpu.memory_space<semaphore_mem>>) src(%arg11 : memref<80x128xf32, #tpu.memory_space<vmem>>) dst(%dma_wait3A_541 : memref<10240x128xf32, #tpu.memory_space<vmem_shared>>)
      %add3A_542 = arith.constant 2 : i32
      %add3A_543 = arith.addi %add3A_534, %add3A_542 : i32
      %add3A_544 = arith.addi %mul3A_2, %add3A_543 : i32
      %dma_start3A_545 = arith.constant 0 : i32
      %dma_start3A_546 = arith.constant 0 : i32
      %dma_start3A_547 = tpu.memref_slice %arg4[%add3A_544, %dma_start3A_545, %dma_start3A_546] : memref<4000x2x80xi32, #tpu.memory_space<hbm>> -> memref<1x2x80xi32, #tpu.memory_space<hbm>>
      %dma_start3A_548 = tpu.memref_squeeze %dma_start3A_547 : memref<1x2x80xi32, #tpu.memory_space<hbm>> -> memref<2x80xi32, #tpu.memory_space<hbm>>
      %dma_start3A_549 = arith.constant 0 : i32
      %dma_start3A_550 = arith.constant 0 : i32
      %dma_start3A_551 = tpu.memref_slice %arg4[%add3A_544, %dma_start3A_549, %dma_start3A_550] : memref<4000x2x80xi32, #tpu.memory_space<hbm>> -> memref<1x2x80xi32, #tpu.memory_space<hbm>>
      %dma_start3A_552 = tpu.memref_squeeze %dma_start3A_551 : memref<1x2x80xi32, #tpu.memory_space<hbm>> -> memref<2x80xi32, #tpu.memory_space<hbm>>
      tpu.enqueue_dma source(%dma_start3A_552 : memref<2x80xi32, #tpu.memory_space<hbm>>) target(%arg7 : memref<2x80xi32, #tpu.memory_space<vmem>>) target_semaphore(%arg15 : memref<!tpu.dma_semaphore, #tpu.memory_space<semaphore_mem>>)
      %dma_wait3A_553 = arith.constant 0 : i32
      %dma_wait3A_554 = arith.constant 0 : i32
      %dma_wait3A_555 = tpu.memref_slice %arg9[%dma_wait3A_553, %dma_wait3A_554] : memref<2x80xi32, #tpu.memory_space<vmem>> -> memref<1x80xi32, #tpu.memory_space<vmem>>
      %dma_wait3A_556 = tpu.memref_squeeze %dma_wait3A_555 : memref<1x80xi32, #tpu.memory_space<vmem>> -> memref<80xi32, #tpu.memory_space<vmem>>
      %dma_wait3A_557 = arith.constant 0 : i32
      %dma_wait3A_558 = arith.constant 0 : i32
      %dma_wait3A_559 = tpu.memref_slice %arg2[%dma_wait3A_557, %dma_wait3A_558] : memref<10240x128xf32, #tpu.memory_space<hbm>> -> memref<10240x128xf32, #tpu.memory_space<hbm>>
      tpu.wait_indirect_dma semaphore(%arg21 : memref<!tpu.dma_semaphore, #tpu.memory_space<semaphore_mem>>) src(%dma_wait3A_559 : memref<10240x128xf32, #tpu.memory_space<hbm>>) dst(%arg13 : memref<80x128xf32, #tpu.memory_space<vmem>>)
      %dma_wait3A_560 = arith.constant 0 : i32
      %dma_wait3A_561 = arith.constant 0 : i32
      %dma_wait3A_562 = tpu.memref_slice %arg4[%add3A_544, %dma_wait3A_560, %dma_wait3A_561] : memref<4000x2x80xi32, #tpu.memory_space<hbm>> -> memref<1x2x80xi32, #tpu.memory_space<hbm>>
      %dma_wait3A_563 = tpu.memref_squeeze %dma_wait3A_562 : memref<1x2x80xi32, #tpu.memory_space<hbm>> -> memref<2x80xi32, #tpu.memory_space<hbm>>
      %dma_wait3A_564 = arith.constant 0 : i32
      %dma_wait3A_565 = arith.constant 0 : i32
      %dma_wait3A_566 = tpu.memref_slice %arg4[%add3A_544, %dma_wait3A_564, %dma_wait3A_565] : memref<4000x2x80xi32, #tpu.memory_space<hbm>> -> memref<1x2x80xi32, #tpu.memory_space<hbm>>
      %dma_wait3A_567 = tpu.memref_squeeze %dma_wait3A_566 : memref<1x2x80xi32, #tpu.memory_space<hbm>> -> memref<2x80xi32, #tpu.memory_space<hbm>>
      tpu.wait_dma2 semaphore(%arg15 : memref<!tpu.dma_semaphore, #tpu.memory_space<semaphore_mem>>) src(%dma_wait3A_567 : memref<2x80xi32, #tpu.memory_space<hbm>>) dst(%arg7 : memref<2x80xi32, #tpu.memory_space<vmem>>)
      %dma_start3A_568 = arith.constant 0 : i32
      %dma_start3A_569 = arith.constant 0 : i32
      %dma_start3A_570 = tpu.memref_slice %arg7[%dma_start3A_568, %dma_start3A_569] : memref<2x80xi32, #tpu.memory_space<vmem>> -> memref<1x80xi32, #tpu.memory_space<vmem>>
      %dma_start3A_571 = tpu.memref_squeeze %dma_start3A_570 : memref<1x80xi32, #tpu.memory_space<vmem>> -> memref<80xi32, #tpu.memory_space<vmem>>
      %dma_start3A_572 = arith.constant 0 : i32
      %dma_start3A_573 = arith.constant 0 : i32
      %dma_start3A_574 = tpu.memref_slice %arg2[%dma_start3A_572, %dma_start3A_573] : memref<10240x128xf32, #tpu.memory_space<hbm>> -> memref<10240x128xf32, #tpu.memory_space<hbm>>
      tpu.enqueue_indirect_dma source(%dma_start3A_574 : memref<10240x128xf32, #tpu.memory_space<hbm>>) target(%arg11 : memref<80x128xf32, #tpu.memory_space<vmem>>) offsets(%dma_start3A_571 : memref<80xi32, #tpu.memory_space<vmem>>) semaphore(%arg19 : memref<!tpu.dma_semaphore, #tpu.memory_space<semaphore_mem>>)
      %dma_start3A_575 = arith.constant 1 : i32
      %dma_start3A_576 = arith.constant 0 : i32
      %dma_start3A_577 = tpu.memref_slice %arg9[%dma_start3A_575, %dma_start3A_576] : memref<2x80xi32, #tpu.memory_space<vmem>> -> memref<1x80xi32, #tpu.memory_space<vmem>>
      %dma_start3A_578 = tpu.memref_squeeze %dma_start3A_577 : memref<1x80xi32, #tpu.memory_space<vmem>> -> memref<80xi32, #tpu.memory_space<vmem>>
      %dma_start3A_579 = arith.constant 0 : i32
      %dma_start3A_580 = arith.constant 0 : i32
      %dma_start3A_581 = tpu.memref_slice %arg6[%dma_start3A_579, %dma_start3A_580] : memref<10240x128xf32, #tpu.memory_space<vmem_shared>> -> memref<10240x128xf32, #tpu.memory_space<vmem_shared>>
      tpu.enqueue_indirect_dma source(%arg13 : memref<80x128xf32, #tpu.memory_space<vmem>>) target(%dma_start3A_581 : memref<10240x128xf32, #tpu.memory_space<vmem_shared>>) offsets(%dma_start3A_578 : memref<80xi32, #tpu.memory_space<vmem>>) semaphore(%arg25 : memref<!tpu.dma_semaphore, #tpu.memory_space<semaphore_mem>>) {add = true}
      %add3A_582 = arith.constant 3 : i32
      %add3A_583 = arith.addi %mul3A_434, %add3A_582 : i32
      %dma_wait3A_584 = arith.constant 1 : i32
      %dma_wait3A_585 = arith.constant 0 : i32
      %dma_wait3A_586 = tpu.memref_slice %arg8[%dma_wait3A_584, %dma_wait3A_585] : memref<2x80xi32, #tpu.memory_space<vmem>> -> memref<1x80xi32, #tpu.memory_space<vmem>>
      %dma_wait3A_587 = tpu.memref_squeeze %dma_wait3A_586 : memref<1x80xi32, #tpu.memory_space<vmem>> -> memref<80xi32, #tpu.memory_space<vmem>>
      %dma_wait3A_588 = arith.constant 0 : i32
      %dma_wait3A_589 = arith.constant 0 : i32
      %dma_wait3A_590 = tpu.memref_slice %arg6[%dma_wait3A_588, %dma_wait3A_589] : memref<10240x128xf32, #tpu.memory_space<vmem_shared>> -> memref<10240x128xf32, #tpu.memory_space<vmem_shared>>
      tpu.wait_indirect_dma semaphore(%arg24 : memref<!tpu.dma_semaphore, #tpu.memory_space<semaphore_mem>>) src(%arg12 : memref<80x128xf32, #tpu.memory_space<vmem>>) dst(%dma_wait3A_590 : memref<10240x128xf32, #tpu.memory_space<vmem_shared>>)
      %add3A_591 = arith.constant 2 : i32
      %add3A_592 = arith.addi %add3A_583, %add3A_591 : i32
      %add3A_593 = arith.addi %mul3A_2, %add3A_592 : i32
      %dma_start3A_594 = arith.constant 0 : i32
      %dma_start3A_595 = arith.constant 0 : i32
      %dma_start3A_596 = tpu.memref_slice %arg4[%add3A_593, %dma_start3A_594, %dma_start3A_595] : memref<4000x2x80xi32, #tpu.memory_space<hbm>> -> memref<1x2x80xi32, #tpu.memory_space<hbm>>
      %dma_start3A_597 = tpu.memref_squeeze %dma_start3A_596 : memref<1x2x80xi32, #tpu.memory_space<hbm>> -> memref<2x80xi32, #tpu.memory_space<hbm>>
      %dma_start3A_598 = arith.constant 0 : i32
      %dma_start3A_599 = arith.constant 0 : i32
      %dma_start3A_600 = tpu.memref_slice %arg4[%add3A_593, %dma_start3A_598, %dma_start3A_599] : memref<4000x2x80xi32, #tpu.memory_space<hbm>> -> memref<1x2x80xi32, #tpu.memory_space<hbm>>
      %dma_start3A_601 = tpu.memref_squeeze %dma_start3A_600 : memref<1x2x80xi32, #tpu.memory_space<hbm>> -> memref<2x80xi32, #tpu.memory_space<hbm>>
      tpu.enqueue_dma source(%dma_start3A_601 : memref<2x80xi32, #tpu.memory_space<hbm>>) target(%arg8 : memref<2x80xi32, #tpu.memory_space<vmem>>) target_semaphore(%arg16 : memref<!tpu.dma_semaphore, #tpu.memory_space<semaphore_mem>>)
      %dma_wait3A_602 = arith.constant 0 : i32
      %dma_wait3A_603 = arith.constant 0 : i32
      %dma_wait3A_604 = tpu.memref_slice %arg10[%dma_wait3A_602, %dma_wait3A_603] : memref<2x80xi32, #tpu.memory_space<vmem>> -> memref<1x80xi32, #tpu.memory_space<vmem>>
      %dma_wait3A_605 = tpu.memref_squeeze %dma_wait3A_604 : memref<1x80xi32, #tpu.memory_space<vmem>> -> memref<80xi32, #tpu.memory_space<vmem>>
      %dma_wait3A_606 = arith.constant 0 : i32
      %dma_wait3A_607 = arith.constant 0 : i32
      %dma_wait3A_608 = tpu.memref_slice %arg2[%dma_wait3A_606, %dma_wait3A_607] : memref<10240x128xf32, #tpu.memory_space<hbm>> -> memref<10240x128xf32, #tpu.memory_space<hbm>>
      tpu.wait_indirect_dma semaphore(%arg22 : memref<!tpu.dma_semaphore, #tpu.memory_space<semaphore_mem>>) src(%dma_wait3A_608 : memref<10240x128xf32, #tpu.memory_space<hbm>>) dst(%arg14 : memref<80x128xf32, #tpu.memory_space<vmem>>)
      %dma_wait3A_609 = arith.constant 0 : i32
      %dma_wait3A_610 = arith.constant 0 : i32
      %dma_wait3A_611 = tpu.memref_slice %arg4[%add3A_593, %dma_wait3A_609, %dma_wait3A_610] : memref<4000x2x80xi32, #tpu.memory_space<hbm>> -> memref<1x2x80xi32, #tpu.memory_space<hbm>>
      %dma_wait3A_612 = tpu.memref_squeeze %dma_wait3A_611 : memref<1x2x80xi32, #tpu.memory_space<hbm>> -> memref<2x80xi32, #tpu.memory_space<hbm>>
      %dma_wait3A_613 = arith.constant 0 : i32
      %dma_wait3A_614 = arith.constant 0 : i32
      %dma_wait3A_615 = tpu.memref_slice %arg4[%add3A_593, %dma_wait3A_613, %dma_wait3A_614] : memref<4000x2x80xi32, #tpu.memory_space<hbm>> -> memref<1x2x80xi32, #tpu.memory_space<hbm>>
      %dma_wait3A_616 = tpu.memref_squeeze %dma_wait3A_615 : memref<1x2x80xi32, #tpu.memory_space<hbm>> -> memref<2x80xi32, #tpu.memory_space<hbm>>
      tpu.wait_dma2 semaphore(%arg16 : memref<!tpu.dma_semaphore, #tpu.memory_space<semaphore_mem>>) src(%dma_wait3A_616 : memref<2x80xi32, #tpu.memory_space<hbm>>) dst(%arg8 : memref<2x80xi32, #tpu.memory_space<vmem>>)
      %dma_start3A_617 = arith.constant 0 : i32
      %dma_start3A_618 = arith.constant 0 : i32
      %dma_start3A_619 = tpu.memref_slice %arg8[%dma_start3A_617, %dma_start3A_618] : memref<2x80xi32, #tpu.memory_space<vmem>> -> memref<1x80xi32, #tpu.memory_space<vmem>>
      %dma_start3A_620 = tpu.memref_squeeze %dma_start3A_619 : memref<1x80xi32, #tpu.memory_space<vmem>> -> memref<80xi32, #tpu.memory_space<vmem>>
      %dma_start3A_621 = arith.constant 0 : i32
      %dma_start3A_622 = arith.constant 0 : i32
      %dma_start3A_623 = tpu.memref_slice %arg2[%dma_start3A_621, %dma_start3A_622] : memref<10240x128xf32, #tpu.memory_space<hbm>> -> memref<10240x128xf32, #tpu.memory_space<hbm>>
      tpu.enqueue_indirect_dma source(%dma_start3A_623 : memref<10240x128xf32, #tpu.memory_space<hbm>>) target(%arg12 : memref<80x128xf32, #tpu.memory_space<vmem>>) offsets(%dma_start3A_620 : memref<80xi32, #tpu.memory_space<vmem>>) semaphore(%arg20 : memref<!tpu.dma_semaphore, #tpu.memory_space<semaphore_mem>>)
      %dma_start3A_624 = arith.constant 1 : i32
      %dma_start3A_625 = arith.constant 0 : i32
      %dma_start3A_626 = tpu.memref_slice %arg10[%dma_start3A_624, %dma_start3A_625] : memref<2x80xi32, #tpu.memory_space<vmem>> -> memref<1x80xi32, #tpu.memory_space<vmem>>
      %dma_start3A_627 = tpu.memref_squeeze %dma_start3A_626 : memref<1x80xi32, #tpu.memory_space<vmem>> -> memref<80xi32, #tpu.memory_space<vmem>>
      %dma_start3A_628 = arith.constant 0 : i32
      %dma_start3A_629 = arith.constant 0 : i32
      %dma_start3A_630 = tpu.memref_slice %arg6[%dma_start3A_628, %dma_start3A_629] : memref<10240x128xf32, #tpu.memory_space<vmem_shared>> -> memref<10240x128xf32, #tpu.memory_space<vmem_shared>>
      tpu.enqueue_indirect_dma source(%arg14 : memref<80x128xf32, #tpu.memory_space<vmem>>) target(%dma_start3A_630 : memref<10240x128xf32, #tpu.memory_space<vmem_shared>>) offsets(%dma_start3A_627 : memref<80xi32, #tpu.memory_space<vmem>>) semaphore(%arg26 : memref<!tpu.dma_semaphore, #tpu.memory_space<semaphore_mem>>) {add = true}
    }
    %scan3A_233 = arith.constant 29 : i32
    %dma_wait3A_234 = arith.constant 1 : i32
    %dma_wait3A_235 = arith.constant 0 : i32
    %dma_wait3A_236 = tpu.memref_slice %arg9[%dma_wait3A_234, %dma_wait3A_235] : memref<2x80xi32, #tpu.memory_space<vmem>> -> memref<1x80xi32, #tpu.memory_space<vmem>>
    %dma_wait3A_237 = tpu.memref_squeeze %dma_wait3A_236 : memref<1x80xi32, #tpu.memory_space<vmem>> -> memref<80xi32, #tpu.memory_space<vmem>>
    %dma_wait3A_238 = arith.constant 0 : i32
    %dma_wait3A_239 = arith.constant 0 : i32
    %dma_wait3A_240 = tpu.memref_slice %arg6[%dma_wait3A_238, %dma_wait3A_239] : memref<10240x128xf32, #tpu.memory_space<vmem_shared>> -> memref<10240x128xf32, #tpu.memory_space<vmem_shared>>
    tpu.wait_indirect_dma semaphore(%arg25 : memref<!tpu.dma_semaphore, #tpu.memory_space<semaphore_mem>>) src(%arg13 : memref<80x128xf32, #tpu.memory_space<vmem>>) dst(%dma_wait3A_240 : memref<10240x128xf32, #tpu.memory_space<vmem_shared>>)
    %add3A_241 = arith.constant 122 : i32
    %add3A_242 = arith.addi %mul3A_2, %add3A_241 : i32
    %dma_start3A_243 = arith.constant 0 : i32
    %dma_start3A_244 = arith.constant 0 : i32
    %dma_start3A_245 = tpu.memref_slice %arg4[%add3A_242, %dma_start3A_243, %dma_start3A_244] : memref<4000x2x80xi32, #tpu.memory_space<hbm>> -> memref<1x2x80xi32, #tpu.memory_space<hbm>>
    %dma_start3A_246 = tpu.memref_squeeze %dma_start3A_245 : memref<1x2x80xi32, #tpu.memory_space<hbm>> -> memref<2x80xi32, #tpu.memory_space<hbm>>
    %dma_start3A_247 = arith.constant 0 : i32
    %dma_start3A_248 = arith.constant 0 : i32
    %dma_start3A_249 = tpu.memref_slice %arg4[%add3A_242, %dma_start3A_247, %dma_start3A_248] : memref<4000x2x80xi32, #tpu.memory_space<hbm>> -> memref<1x2x80xi32, #tpu.memory_space<hbm>>
    %dma_start3A_250 = tpu.memref_squeeze %dma_start3A_249 : memref<1x2x80xi32, #tpu.memory_space<hbm>> -> memref<2x80xi32, #tpu.memory_space<hbm>>
    tpu.enqueue_dma source(%dma_start3A_250 : memref<2x80xi32, #tpu.memory_space<hbm>>) target(%arg9 : memref<2x80xi32, #tpu.memory_space<vmem>>) target_semaphore(%arg17 : memref<!tpu.dma_semaphore, #tpu.memory_space<semaphore_mem>>)
    %dma_wait3A_251 = arith.constant 0 : i32
    %dma_wait3A_252 = arith.constant 0 : i32
    %dma_wait3A_253 = tpu.memref_slice %arg7[%dma_wait3A_251, %dma_wait3A_252] : memref<2x80xi32, #tpu.memory_space<vmem>> -> memref<1x80xi32, #tpu.memory_space<vmem>>
    %dma_wait3A_254 = tpu.memref_squeeze %dma_wait3A_253 : memref<1x80xi32, #tpu.memory_space<vmem>> -> memref<80xi32, #tpu.memory_space<vmem>>
    %dma_wait3A_255 = arith.constant 0 : i32
    %dma_wait3A_256 = arith.constant 0 : i32
    %dma_wait3A_257 = tpu.memref_slice %arg2[%dma_wait3A_255, %dma_wait3A_256] : memref<10240x128xf32, #tpu.memory_space<hbm>> -> memref<10240x128xf32, #tpu.memory_space<hbm>>
    tpu.wait_indirect_dma semaphore(%arg19 : memref<!tpu.dma_semaphore, #tpu.memory_space<semaphore_mem>>) src(%dma_wait3A_257 : memref<10240x128xf32, #tpu.memory_space<hbm>>) dst(%arg11 : memref<80x128xf32, #tpu.memory_space<vmem>>)
    %dma_wait3A_258 = arith.constant 0 : i32
    %dma_wait3A_259 = arith.constant 0 : i32
    %dma_wait3A_260 = tpu.memref_slice %arg4[%add3A_242, %dma_wait3A_258, %dma_wait3A_259] : memref<4000x2x80xi32, #tpu.memory_space<hbm>> -> memref<1x2x80xi32, #tpu.memory_space<hbm>>
    %dma_wait3A_261 = tpu.memref_squeeze %dma_wait3A_260 : memref<1x2x80xi32, #tpu.memory_space<hbm>> -> memref<2x80xi32, #tpu.memory_space<hbm>>
    %dma_wait3A_262 = arith.constant 0 : i32
    %dma_wait3A_263 = arith.constant 0 : i32
    %dma_wait3A_264 = tpu.memref_slice %arg4[%add3A_242, %dma_wait3A_262, %dma_wait3A_263] : memref<4000x2x80xi32, #tpu.memory_space<hbm>> -> memref<1x2x80xi32, #tpu.memory_space<hbm>>
    %dma_wait3A_265 = tpu.memref_squeeze %dma_wait3A_264 : memref<1x2x80xi32, #tpu.memory_space<hbm>> -> memref<2x80xi32, #tpu.memory_space<hbm>>
    tpu.wait_dma2 semaphore(%arg17 : memref<!tpu.dma_semaphore, #tpu.memory_space<semaphore_mem>>) src(%dma_wait3A_265 : memref<2x80xi32, #tpu.memory_space<hbm>>) dst(%arg9 : memref<2x80xi32, #tpu.memory_space<vmem>>)
    %dma_start3A_266 = arith.constant 0 : i32
    %dma_start3A_267 = arith.constant 0 : i32
    %dma_start3A_268 = tpu.memref_slice %arg9[%dma_start3A_266, %dma_start3A_267] : memref<2x80xi32, #tpu.memory_space<vmem>> -> memref<1x80xi32, #tpu.memory_space<vmem>>
    %dma_start3A_269 = tpu.memref_squeeze %dma_start3A_268 : memref<1x80xi32, #tpu.memory_space<vmem>> -> memref<80xi32, #tpu.memory_space<vmem>>
    %dma_start3A_270 = arith.constant 0 : i32
    %dma_start3A_271 = arith.constant 0 : i32
    %dma_start3A_272 = tpu.memref_slice %arg2[%dma_start3A_270, %dma_start3A_271] : memref<10240x128xf32, #tpu.memory_space<hbm>> -> memref<10240x128xf32, #tpu.memory_space<hbm>>
    tpu.enqueue_indirect_dma source(%dma_start3A_272 : memref<10240x128xf32, #tpu.memory_space<hbm>>) target(%arg13 : memref<80x128xf32, #tpu.memory_space<vmem>>) offsets(%dma_start3A_269 : memref<80xi32, #tpu.memory_space<vmem>>) semaphore(%arg21 : memref<!tpu.dma_semaphore, #tpu.memory_space<semaphore_mem>>)
    %dma_start3A_273 = arith.constant 1 : i32
    %dma_start3A_274 = arith.constant 0 : i32
    %dma_start3A_275 = tpu.memref_slice %arg7[%dma_start3A_273, %dma_start3A_274] : memref<2x80xi32, #tpu.memory_space<vmem>> -> memref<1x80xi32, #tpu.memory_space<vmem>>
    %dma_start3A_276 = tpu.memref_squeeze %dma_start3A_275 : memref<1x80xi32, #tpu.memory_space<vmem>> -> memref<80xi32, #tpu.memory_space<vmem>>
    %dma_start3A_277 = arith.constant 0 : i32
    %dma_start3A_278 = arith.constant 0 : i32
    %dma_start3A_279 = tpu.memref_slice %arg6[%dma_start3A_277, %dma_start3A_278] : memref<10240x128xf32, #tpu.memory_space<vmem_shared>> -> memref<10240x128xf32, #tpu.memory_space<vmem_shared>>
    tpu.enqueue_indirect_dma source(%arg11 : memref<80x128xf32, #tpu.memory_space<vmem>>) target(%dma_start3A_279 : memref<10240x128xf32, #tpu.memory_space<vmem_shared>>) offsets(%dma_start3A_276 : memref<80xi32, #tpu.memory_space<vmem>>) semaphore(%arg23 : memref<!tpu.dma_semaphore, #tpu.memory_space<semaphore_mem>>) {add = true}
    %dma_wait3A_280 = arith.constant 1 : i32
    %dma_wait3A_281 = arith.constant 0 : i32
    %dma_wait3A_282 = tpu.memref_slice %arg10[%dma_wait3A_280, %dma_wait3A_281] : memref<2x80xi32, #tpu.memory_space<vmem>> -> memref<1x80xi32, #tpu.memory_space<vmem>>
    %dma_wait3A_283 = tpu.memref_squeeze %dma_wait3A_282 : memref<1x80xi32, #tpu.memory_space<vmem>> -> memref<80xi32, #tpu.memory_space<vmem>>
    %dma_wait3A_284 = arith.constant 0 : i32
    %dma_wait3A_285 = arith.constant 0 : i32
    %dma_wait3A_286 = tpu.memref_slice %arg6[%dma_wait3A_284, %dma_wait3A_285] : memref<10240x128xf32, #tpu.memory_space<vmem_shared>> -> memref<10240x128xf32, #tpu.memory_space<vmem_shared>>
    tpu.wait_indirect_dma semaphore(%arg26 : memref<!tpu.dma_semaphore, #tpu.memory_space<semaphore_mem>>) src(%arg14 : memref<80x128xf32, #tpu.memory_space<vmem>>) dst(%dma_wait3A_286 : memref<10240x128xf32, #tpu.memory_space<vmem_shared>>)
    %add3A_287 = arith.constant 123 : i32
    %add3A_288 = arith.addi %mul3A_2, %add3A_287 : i32
    %dma_start3A_289 = arith.constant 0 : i32
    %dma_start3A_290 = arith.constant 0 : i32
    %dma_start3A_291 = tpu.memref_slice %arg4[%add3A_288, %dma_start3A_289, %dma_start3A_290] : memref<4000x2x80xi32, #tpu.memory_space<hbm>> -> memref<1x2x80xi32, #tpu.memory_space<hbm>>
    %dma_start3A_292 = tpu.memref_squeeze %dma_start3A_291 : memref<1x2x80xi32, #tpu.memory_space<hbm>> -> memref<2x80xi32, #tpu.memory_space<hbm>>
    %dma_start3A_293 = arith.constant 0 : i32
    %dma_start3A_294 = arith.constant 0 : i32
    %dma_start3A_295 = tpu.memref_slice %arg4[%add3A_288, %dma_start3A_293, %dma_start3A_294] : memref<4000x2x80xi32, #tpu.memory_space<hbm>> -> memref<1x2x80xi32, #tpu.memory_space<hbm>>
    %dma_start3A_296 = tpu.memref_squeeze %dma_start3A_295 : memref<1x2x80xi32, #tpu.memory_space<hbm>> -> memref<2x80xi32, #tpu.memory_space<hbm>>
    tpu.enqueue_dma source(%dma_start3A_296 : memref<2x80xi32, #tpu.memory_space<hbm>>) target(%arg10 : memref<2x80xi32, #tpu.memory_space<vmem>>) target_semaphore(%arg18 : memref<!tpu.dma_semaphore, #tpu.memory_space<semaphore_mem>>)
    %dma_wait3A_297 = arith.constant 0 : i32
    %dma_wait3A_298 = arith.constant 0 : i32
    %dma_wait3A_299 = tpu.memref_slice %arg8[%dma_wait3A_297, %dma_wait3A_298] : memref<2x80xi32, #tpu.memory_space<vmem>> -> memref<1x80xi32, #tpu.memory_space<vmem>>
    %dma_wait3A_300 = tpu.memref_squeeze %dma_wait3A_299 : memref<1x80xi32, #tpu.memory_space<vmem>> -> memref<80xi32, #tpu.memory_space<vmem>>
    %dma_wait3A_301 = arith.constant 0 : i32
    %dma_wait3A_302 = arith.constant 0 : i32
    %dma_wait3A_303 = tpu.memref_slice %arg2[%dma_wait3A_301, %dma_wait3A_302] : memref<10240x128xf32, #tpu.memory_space<hbm>> -> memref<10240x128xf32, #tpu.memory_space<hbm>>
    tpu.wait_indirect_dma semaphore(%arg20 : memref<!tpu.dma_semaphore, #tpu.memory_space<semaphore_mem>>) src(%dma_wait3A_303 : memref<10240x128xf32, #tpu.memory_space<hbm>>) dst(%arg12 : memref<80x128xf32, #tpu.memory_space<vmem>>)
    %dma_wait3A_304 = arith.constant 0 : i32
    %dma_wait3A_305 = arith.constant 0 : i32
    %dma_wait3A_306 = tpu.memref_slice %arg4[%add3A_288, %dma_wait3A_304, %dma_wait3A_305] : memref<4000x2x80xi32, #tpu.memory_space<hbm>> -> memref<1x2x80xi32, #tpu.memory_space<hbm>>
    %dma_wait3A_307 = tpu.memref_squeeze %dma_wait3A_306 : memref<1x2x80xi32, #tpu.memory_space<hbm>> -> memref<2x80xi32, #tpu.memory_space<hbm>>
    %dma_wait3A_308 = arith.constant 0 : i32
    %dma_wait3A_309 = arith.constant 0 : i32
    %dma_wait3A_310 = tpu.memref_slice %arg4[%add3A_288, %dma_wait3A_308, %dma_wait3A_309] : memref<4000x2x80xi32, #tpu.memory_space<hbm>> -> memref<1x2x80xi32, #tpu.memory_space<hbm>>
    %dma_wait3A_311 = tpu.memref_squeeze %dma_wait3A_310 : memref<1x2x80xi32, #tpu.memory_space<hbm>> -> memref<2x80xi32, #tpu.memory_space<hbm>>
    tpu.wait_dma2 semaphore(%arg18 : memref<!tpu.dma_semaphore, #tpu.memory_space<semaphore_mem>>) src(%dma_wait3A_311 : memref<2x80xi32, #tpu.memory_space<hbm>>) dst(%arg10 : memref<2x80xi32, #tpu.memory_space<vmem>>)
    %dma_start3A_312 = arith.constant 0 : i32
    %dma_start3A_313 = arith.constant 0 : i32
    %dma_start3A_314 = tpu.memref_slice %arg10[%dma_start3A_312, %dma_start3A_313] : memref<2x80xi32, #tpu.memory_space<vmem>> -> memref<1x80xi32, #tpu.memory_space<vmem>>
    %dma_start3A_315 = tpu.memref_squeeze %dma_start3A_314 : memref<1x80xi32, #tpu.memory_space<vmem>> -> memref<80xi32, #tpu.memory_space<vmem>>
    %dma_start3A_316 = arith.constant 0 : i32
    %dma_start3A_317 = arith.constant 0 : i32
    %dma_start3A_318 = tpu.memref_slice %arg2[%dma_start3A_316, %dma_start3A_317] : memref<10240x128xf32, #tpu.memory_space<hbm>> -> memref<10240x128xf32, #tpu.memory_space<hbm>>
    tpu.enqueue_indirect_dma source(%dma_start3A_318 : memref<10240x128xf32, #tpu.memory_space<hbm>>) target(%arg14 : memref<80x128xf32, #tpu.memory_space<vmem>>) offsets(%dma_start3A_315 : memref<80xi32, #tpu.memory_space<vmem>>) semaphore(%arg22 : memref<!tpu.dma_semaphore, #tpu.memory_space<semaphore_mem>>)
    %dma_start3A_319 = arith.constant 1 : i32
    %dma_start3A_320 = arith.constant 0 : i32
    %dma_start3A_321 = tpu.memref_slice %arg8[%dma_start3A_319, %dma_start3A_320] : memref<2x80xi32, #tpu.memory_space<vmem>> -> memref<1x80xi32, #tpu.memory_space<vmem>>
    %dma_start3A_322 = tpu.memref_squeeze %dma_start3A_321 : memref<1x80xi32, #tpu.memory_space<vmem>> -> memref<80xi32, #tpu.memory_space<vmem>>
    %dma_start3A_323 = arith.constant 0 : i32
    %dma_start3A_324 = arith.constant 0 : i32
    %dma_start3A_325 = tpu.memref_slice %arg6[%dma_start3A_323, %dma_start3A_324] : memref<10240x128xf32, #tpu.memory_space<vmem_shared>> -> memref<10240x128xf32, #tpu.memory_space<vmem_shared>>
    tpu.enqueue_indirect_dma source(%arg12 : memref<80x128xf32, #tpu.memory_space<vmem>>) target(%dma_start3A_325 : memref<10240x128xf32, #tpu.memory_space<vmem_shared>>) offsets(%dma_start3A_322 : memref<80xi32, #tpu.memory_space<vmem>>) semaphore(%arg24 : memref<!tpu.dma_semaphore, #tpu.memory_space<semaphore_mem>>) {add = true}
    %dma_wait3A_326 = arith.constant 1 : i32
    %dma_wait3A_327 = arith.constant 0 : i32
    %dma_wait3A_328 = tpu.memref_slice %arg7[%dma_wait3A_326, %dma_wait3A_327] : memref<2x80xi32, #tpu.memory_space<vmem>> -> memref<1x80xi32, #tpu.memory_space<vmem>>
    %dma_wait3A_329 = tpu.memref_squeeze %dma_wait3A_328 : memref<1x80xi32, #tpu.memory_space<vmem>> -> memref<80xi32, #tpu.memory_space<vmem>>
    %dma_wait3A_330 = arith.constant 0 : i32
    %dma_wait3A_331 = arith.constant 0 : i32
    %dma_wait3A_332 = tpu.memref_slice %arg6[%dma_wait3A_330, %dma_wait3A_331] : memref<10240x128xf32, #tpu.memory_space<vmem_shared>> -> memref<10240x128xf32, #tpu.memory_space<vmem_shared>>
    tpu.wait_indirect_dma semaphore(%arg23 : memref<!tpu.dma_semaphore, #tpu.memory_space<semaphore_mem>>) src(%arg11 : memref<80x128xf32, #tpu.memory_space<vmem>>) dst(%dma_wait3A_332 : memref<10240x128xf32, #tpu.memory_space<vmem_shared>>)
    %add3A_333 = arith.constant 124 : i32
    %add3A_334 = arith.addi %mul3A_2, %add3A_333 : i32
    %dma_start3A_335 = arith.constant 0 : i32
    %dma_start3A_336 = arith.constant 0 : i32
    %dma_start3A_337 = tpu.memref_slice %arg4[%add3A_334, %dma_start3A_335, %dma_start3A_336] : memref<4000x2x80xi32, #tpu.memory_space<hbm>> -> memref<1x2x80xi32, #tpu.memory_space<hbm>>
    %dma_start3A_338 = tpu.memref_squeeze %dma_start3A_337 : memref<1x2x80xi32, #tpu.memory_space<hbm>> -> memref<2x80xi32, #tpu.memory_space<hbm>>
    %dma_start3A_339 = arith.constant 0 : i32
    %dma_start3A_340 = arith.constant 0 : i32
    %dma_start3A_341 = tpu.memref_slice %arg4[%add3A_334, %dma_start3A_339, %dma_start3A_340] : memref<4000x2x80xi32, #tpu.memory_space<hbm>> -> memref<1x2x80xi32, #tpu.memory_space<hbm>>
    %dma_start3A_342 = tpu.memref_squeeze %dma_start3A_341 : memref<1x2x80xi32, #tpu.memory_space<hbm>> -> memref<2x80xi32, #tpu.memory_space<hbm>>
    tpu.enqueue_dma source(%dma_start3A_342 : memref<2x80xi32, #tpu.memory_space<hbm>>) target(%arg7 : memref<2x80xi32, #tpu.memory_space<vmem>>) target_semaphore(%arg15 : memref<!tpu.dma_semaphore, #tpu.memory_space<semaphore_mem>>)
    %dma_wait3A_343 = arith.constant 0 : i32
    %dma_wait3A_344 = arith.constant 0 : i32
    %dma_wait3A_345 = tpu.memref_slice %arg9[%dma_wait3A_343, %dma_wait3A_344] : memref<2x80xi32, #tpu.memory_space<vmem>> -> memref<1x80xi32, #tpu.memory_space<vmem>>
    %dma_wait3A_346 = tpu.memref_squeeze %dma_wait3A_345 : memref<1x80xi32, #tpu.memory_space<vmem>> -> memref<80xi32, #tpu.memory_space<vmem>>
    %dma_wait3A_347 = arith.constant 0 : i32
    %dma_wait3A_348 = arith.constant 0 : i32
    %dma_wait3A_349 = tpu.memref_slice %arg2[%dma_wait3A_347, %dma_wait3A_348] : memref<10240x128xf32, #tpu.memory_space<hbm>> -> memref<10240x128xf32, #tpu.memory_space<hbm>>
    tpu.wait_indirect_dma semaphore(%arg21 : memref<!tpu.dma_semaphore, #tpu.memory_space<semaphore_mem>>) src(%dma_wait3A_349 : memref<10240x128xf32, #tpu.memory_space<hbm>>) dst(%arg13 : memref<80x128xf32, #tpu.memory_space<vmem>>)
    %dma_wait3A_350 = arith.constant 0 : i32
    %dma_wait3A_351 = arith.constant 0 : i32
    %dma_wait3A_352 = tpu.memref_slice %arg4[%add3A_334, %dma_wait3A_350, %dma_wait3A_351] : memref<4000x2x80xi32, #tpu.memory_space<hbm>> -> memref<1x2x80xi32, #tpu.memory_space<hbm>>
    %dma_wait3A_353 = tpu.memref_squeeze %dma_wait3A_352 : memref<1x2x80xi32, #tpu.memory_space<hbm>> -> memref<2x80xi32, #tpu.memory_space<hbm>>
    %dma_wait3A_354 = arith.constant 0 : i32
    %dma_wait3A_355 = arith.constant 0 : i32
    %dma_wait3A_356 = tpu.memref_slice %arg4[%add3A_334, %dma_wait3A_354, %dma_wait3A_355] : memref<4000x2x80xi32, #tpu.memory_space<hbm>> -> memref<1x2x80xi32, #tpu.memory_space<hbm>>
    %dma_wait3A_357 = tpu.memref_squeeze %dma_wait3A_356 : memref<1x2x80xi32, #tpu.memory_space<hbm>> -> memref<2x80xi32, #tpu.memory_space<hbm>>
    tpu.wait_dma2 semaphore(%arg15 : memref<!tpu.dma_semaphore, #tpu.memory_space<semaphore_mem>>) src(%dma_wait3A_357 : memref<2x80xi32, #tpu.memory_space<hbm>>) dst(%arg7 : memref<2x80xi32, #tpu.memory_space<vmem>>)
    %dma_start3A_358 = arith.constant 0 : i32
    %dma_start3A_359 = arith.constant 0 : i32
    %dma_start3A_360 = tpu.memref_slice %arg7[%dma_start3A_358, %dma_start3A_359] : memref<2x80xi32, #tpu.memory_space<vmem>> -> memref<1x80xi32, #tpu.memory_space<vmem>>
    %dma_start3A_361 = tpu.memref_squeeze %dma_start3A_360 : memref<1x80xi32, #tpu.memory_space<vmem>> -> memref<80xi32, #tpu.memory_space<vmem>>
    %dma_start3A_362 = arith.constant 0 : i32
    %dma_start3A_363 = arith.constant 0 : i32
    %dma_start3A_364 = tpu.memref_slice %arg2[%dma_start3A_362, %dma_start3A_363] : memref<10240x128xf32, #tpu.memory_space<hbm>> -> memref<10240x128xf32, #tpu.memory_space<hbm>>
    tpu.enqueue_indirect_dma source(%dma_start3A_364 : memref<10240x128xf32, #tpu.memory_space<hbm>>) target(%arg11 : memref<80x128xf32, #tpu.memory_space<vmem>>) offsets(%dma_start3A_361 : memref<80xi32, #tpu.memory_space<vmem>>) semaphore(%arg19 : memref<!tpu.dma_semaphore, #tpu.memory_space<semaphore_mem>>)
    %dma_start3A_365 = arith.constant 1 : i32
    %dma_start3A_366 = arith.constant 0 : i32
    %dma_start3A_367 = tpu.memref_slice %arg9[%dma_start3A_365, %dma_start3A_366] : memref<2x80xi32, #tpu.memory_space<vmem>> -> memref<1x80xi32, #tpu.memory_space<vmem>>
    %dma_start3A_368 = tpu.memref_squeeze %dma_start3A_367 : memref<1x80xi32, #tpu.memory_space<vmem>> -> memref<80xi32, #tpu.memory_space<vmem>>
    %dma_start3A_369 = arith.constant 0 : i32
    %dma_start3A_370 = arith.constant 0 : i32
    %dma_start3A_371 = tpu.memref_slice %arg6[%dma_start3A_369, %dma_start3A_370] : memref<10240x128xf32, #tpu.memory_space<vmem_shared>> -> memref<10240x128xf32, #tpu.memory_space<vmem_shared>>
    tpu.enqueue_indirect_dma source(%arg13 : memref<80x128xf32, #tpu.memory_space<vmem>>) target(%dma_start3A_371 : memref<10240x128xf32, #tpu.memory_space<vmem_shared>>) offsets(%dma_start3A_368 : memref<80xi32, #tpu.memory_space<vmem>>) semaphore(%arg25 : memref<!tpu.dma_semaphore, #tpu.memory_space<semaphore_mem>>) {add = true}
    %dma_wait3A_372 = arith.constant 0 : i32
    %dma_wait3A_373 = arith.constant 0 : i32
    %dma_wait3A_374 = tpu.memref_slice %arg10[%dma_wait3A_372, %dma_wait3A_373] : memref<2x80xi32, #tpu.memory_space<vmem>> -> memref<1x80xi32, #tpu.memory_space<vmem>>
    %dma_wait3A_375 = tpu.memref_squeeze %dma_wait3A_374 : memref<1x80xi32, #tpu.memory_space<vmem>> -> memref<80xi32, #tpu.memory_space<vmem>>
    %dma_wait3A_376 = arith.constant 0 : i32
    %dma_wait3A_377 = arith.constant 0 : i32
    %dma_wait3A_378 = tpu.memref_slice %arg2[%dma_wait3A_376, %dma_wait3A_377] : memref<10240x128xf32, #tpu.memory_space<hbm>> -> memref<10240x128xf32, #tpu.memory_space<hbm>>
    tpu.wait_indirect_dma semaphore(%arg22 : memref<!tpu.dma_semaphore, #tpu.memory_space<semaphore_mem>>) src(%dma_wait3A_378 : memref<10240x128xf32, #tpu.memory_space<hbm>>) dst(%arg14 : memref<80x128xf32, #tpu.memory_space<vmem>>)
    %dma_start3A_379 = arith.constant 1 : i32
    %dma_start3A_380 = arith.constant 0 : i32
    %dma_start3A_381 = tpu.memref_slice %arg10[%dma_start3A_379, %dma_start3A_380] : memref<2x80xi32, #tpu.memory_space<vmem>> -> memref<1x80xi32, #tpu.memory_space<vmem>>
    %dma_start3A_382 = tpu.memref_squeeze %dma_start3A_381 : memref<1x80xi32, #tpu.memory_space<vmem>> -> memref<80xi32, #tpu.memory_space<vmem>>
    %dma_start3A_383 = arith.constant 0 : i32
    %dma_start3A_384 = arith.constant 0 : i32
    %dma_start3A_385 = tpu.memref_slice %arg6[%dma_start3A_383, %dma_start3A_384] : memref<10240x128xf32, #tpu.memory_space<vmem_shared>> -> memref<10240x128xf32, #tpu.memory_space<vmem_shared>>
    tpu.enqueue_indirect_dma source(%arg14 : memref<80x128xf32, #tpu.memory_space<vmem>>) target(%dma_start3A_385 : memref<10240x128xf32, #tpu.memory_space<vmem_shared>>) offsets(%dma_start3A_382 : memref<80xi32, #tpu.memory_space<vmem>>) semaphore(%arg26 : memref<!tpu.dma_semaphore, #tpu.memory_space<semaphore_mem>>) {add = true}
    %dma_wait3A_386 = arith.constant 0 : i32
    %dma_wait3A_387 = arith.constant 0 : i32
    %dma_wait3A_388 = tpu.memref_slice %arg7[%dma_wait3A_386, %dma_wait3A_387] : memref<2x80xi32, #tpu.memory_space<vmem>> -> memref<1x80xi32, #tpu.memory_space<vmem>>
    %dma_wait3A_389 = tpu.memref_squeeze %dma_wait3A_388 : memref<1x80xi32, #tpu.memory_space<vmem>> -> memref<80xi32, #tpu.memory_space<vmem>>
    %dma_wait3A_390 = arith.constant 0 : i32
    %dma_wait3A_391 = arith.constant 0 : i32
    %dma_wait3A_392 = tpu.memref_slice %arg2[%dma_wait3A_390, %dma_wait3A_391] : memref<10240x128xf32, #tpu.memory_space<hbm>> -> memref<10240x128xf32, #tpu.memory_space<hbm>>
    tpu.wait_indirect_dma semaphore(%arg19 : memref<!tpu.dma_semaphore, #tpu.memory_space<semaphore_mem>>) src(%dma_wait3A_392 : memref<10240x128xf32, #tpu.memory_space<hbm>>) dst(%arg11 : memref<80x128xf32, #tpu.memory_space<vmem>>)
    %dma_start3A_393 = arith.constant 1 : i32
    %dma_start3A_394 = arith.constant 0 : i32
    %dma_start3A_395 = tpu.memref_slice %arg7[%dma_start3A_393, %dma_start3A_394] : memref<2x80xi32, #tpu.memory_space<vmem>> -> memref<1x80xi32, #tpu.memory_space<vmem>>
    %dma_start3A_396 = tpu.memref_squeeze %dma_start3A_395 : memref<1x80xi32, #tpu.memory_space<vmem>> -> memref<80xi32, #tpu.memory_space<vmem>>
    %dma_start3A_397 = arith.constant 0 : i32
    %dma_start3A_398 = arith.constant 0 : i32
    %dma_start3A_399 = tpu.memref_slice %arg6[%dma_start3A_397, %dma_start3A_398] : memref<10240x128xf32, #tpu.memory_space<vmem_shared>> -> memref<10240x128xf32, #tpu.memory_space<vmem_shared>>
    tpu.enqueue_indirect_dma source(%arg11 : memref<80x128xf32, #tpu.memory_space<vmem>>) target(%dma_start3A_399 : memref<10240x128xf32, #tpu.memory_space<vmem_shared>>) offsets(%dma_start3A_396 : memref<80xi32, #tpu.memory_space<vmem>>) semaphore(%arg23 : memref<!tpu.dma_semaphore, #tpu.memory_space<semaphore_mem>>) {add = true}
    %dma_wait3A_400 = arith.constant 1 : i32
    %dma_wait3A_401 = arith.constant 0 : i32
    %dma_wait3A_402 = tpu.memref_slice %arg8[%dma_wait3A_400, %dma_wait3A_401] : memref<2x80xi32, #tpu.memory_space<vmem>> -> memref<1x80xi32, #tpu.memory_space<vmem>>
    %dma_wait3A_403 = tpu.memref_squeeze %dma_wait3A_402 : memref<1x80xi32, #tpu.memory_space<vmem>> -> memref<80xi32, #tpu.memory_space<vmem>>
    %dma_wait3A_404 = arith.constant 0 : i32
    %dma_wait3A_405 = arith.constant 0 : i32
    %dma_wait3A_406 = tpu.memref_slice %arg6[%dma_wait3A_404, %dma_wait3A_405] : memref<10240x128xf32, #tpu.memory_space<vmem_shared>> -> memref<10240x128xf32, #tpu.memory_space<vmem_shared>>
    tpu.wait_indirect_dma semaphore(%arg24 : memref<!tpu.dma_semaphore, #tpu.memory_space<semaphore_mem>>) src(%arg12 : memref<80x128xf32, #tpu.memory_space<vmem>>) dst(%dma_wait3A_406 : memref<10240x128xf32, #tpu.memory_space<vmem_shared>>)
    %dma_wait3A_407 = arith.constant 1 : i32
    %dma_wait3A_408 = arith.constant 0 : i32
    %dma_wait3A_409 = tpu.memref_slice %arg9[%dma_wait3A_407, %dma_wait3A_408] : memref<2x80xi32, #tpu.memory_space<vmem>> -> memref<1x80xi32, #tpu.memory_space<vmem>>
    %dma_wait3A_410 = tpu.memref_squeeze %dma_wait3A_409 : memref<1x80xi32, #tpu.memory_space<vmem>> -> memref<80xi32, #tpu.memory_space<vmem>>
    %dma_wait3A_411 = arith.constant 0 : i32
    %dma_wait3A_412 = arith.constant 0 : i32
    %dma_wait3A_413 = tpu.memref_slice %arg6[%dma_wait3A_411, %dma_wait3A_412] : memref<10240x128xf32, #tpu.memory_space<vmem_shared>> -> memref<10240x128xf32, #tpu.memory_space<vmem_shared>>
    tpu.wait_indirect_dma semaphore(%arg25 : memref<!tpu.dma_semaphore, #tpu.memory_space<semaphore_mem>>) src(%arg13 : memref<80x128xf32, #tpu.memory_space<vmem>>) dst(%dma_wait3A_413 : memref<10240x128xf32, #tpu.memory_space<vmem_shared>>)
    %dma_wait3A_414 = arith.constant 1 : i32
    %dma_wait3A_415 = arith.constant 0 : i32
    %dma_wait3A_416 = tpu.memref_slice %arg10[%dma_wait3A_414, %dma_wait3A_415] : memref<2x80xi32, #tpu.memory_space<vmem>> -> memref<1x80xi32, #tpu.memory_space<vmem>>
    %dma_wait3A_417 = tpu.memref_squeeze %dma_wait3A_416 : memref<1x80xi32, #tpu.memory_space<vmem>> -> memref<80xi32, #tpu.memory_space<vmem>>
    %dma_wait3A_418 = arith.constant 0 : i32
    %dma_wait3A_419 = arith.constant 0 : i32
    %dma_wait3A_420 = tpu.memref_slice %arg6[%dma_wait3A_418, %dma_wait3A_419] : memref<10240x128xf32, #tpu.memory_space<vmem_shared>> -> memref<10240x128xf32, #tpu.memory_space<vmem_shared>>
    tpu.wait_indirect_dma semaphore(%arg26 : memref<!tpu.dma_semaphore, #tpu.memory_space<semaphore_mem>>) src(%arg14 : memref<80x128xf32, #tpu.memory_space<vmem>>) dst(%dma_wait3A_420 : memref<10240x128xf32, #tpu.memory_space<vmem_shared>>)
    %dma_wait3A_421 = arith.constant 1 : i32
    %dma_wait3A_422 = arith.constant 0 : i32
    %dma_wait3A_423 = tpu.memref_slice %arg7[%dma_wait3A_421, %dma_wait3A_422] : memref<2x80xi32, #tpu.memory_space<vmem>> -> memref<1x80xi32, #tpu.memory_space<vmem>>
    %dma_wait3A_424 = tpu.memref_squeeze %dma_wait3A_423 : memref<1x80xi32, #tpu.memory_space<vmem>> -> memref<80xi32, #tpu.memory_space<vmem>>
    %dma_wait3A_425 = arith.constant 0 : i32
    %dma_wait3A_426 = arith.constant 0 : i32
    %dma_wait3A_427 = tpu.memref_slice %arg6[%dma_wait3A_425, %dma_wait3A_426] : memref<10240x128xf32, #tpu.memory_space<vmem_shared>> -> memref<10240x128xf32, #tpu.memory_space<vmem_shared>>
    tpu.wait_indirect_dma semaphore(%arg23 : memref<!tpu.dma_semaphore, #tpu.memory_space<semaphore_mem>>) src(%arg11 : memref<80x128xf32, #tpu.memory_space<vmem>>) dst(%dma_wait3A_427 : memref<10240x128xf32, #tpu.memory_space<vmem_shared>>)
    %barrier3A_428 = arith.constant 0 : index
    tpu.barrier barrier_id(%barrier3A_428)
    %mul3A_429 = arith.constant 10240 : i32
    %mul3A_430 = arith.muli %arg0, %mul3A_429 : i32
    %add3A_431 = arith.addi %mul3A_430, %mul3A_4 : i32
    "tpu.region"() ({
      %run_scoped3A = tpu.sem_alloc : memref<!tpu.dma_semaphore, #tpu.memory_space<semaphore_mem>>
      %dma_start3A_432 = arith.constant 0 : i32
      %dma_start3A_433 = tpu.memref_slice %arg5[%add3A_431, %dma_start3A_432] : memref<20480x128xf32, #tpu.memory_space<hbm>> -> memref<640x128xf32, #tpu.memory_space<hbm>>
      %dma_start3A_434 = arith.constant 0 : i32
      %dma_start3A_435 = tpu.memref_slice %arg6[%mul3A_4, %dma_start3A_434] : memref<10240x128xf32, #tpu.memory_space<vmem_shared>> -> memref<640x128xf32, #tpu.memory_space<vmem_shared>>
      tpu.enqueue_dma source(%dma_start3A_435 : memref<640x128xf32, #tpu.memory_space<vmem_shared>>) target(%dma_start3A_433 : memref<640x128xf32, #tpu.memory_space<hbm>>) target_semaphore(%run_scoped3A : memref<!tpu.dma_semaphore, #tpu.memory_space<semaphore_mem>>)
      %dma_wait3A_436 = arith.constant 0 : i32
      %dma_wait3A_437 = tpu.memref_slice %arg5[%add3A_431, %dma_wait3A_436] : memref<20480x128xf32, #tpu.memory_space<hbm>> -> memref<640x128xf32, #tpu.memory_space<hbm>>
      %dma_wait3A_438 = arith.constant 0 : i32
      %dma_wait3A_439 = tpu.memref_slice %arg6[%mul3A_4, %dma_wait3A_438] : memref<10240x128xf32, #tpu.memory_space<vmem_shared>> -> memref<640x128xf32, #tpu.memory_space<vmem_shared>>
      tpu.wait_dma2 semaphore(%run_scoped3A : memref<!tpu.dma_semaphore, #tpu.memory_space<semaphore_mem>>) src(%dma_wait3A_439 : memref<640x128xf32, #tpu.memory_space<vmem_shared>>) dst(%dma_wait3A_437 : memref<640x128xf32, #tpu.memory_space<hbm>>)
      tpu.yield
    }) : () -> ()
    return
  }
}

#map = affine_map<(d0, d1) -> (0, 0)>
#map1 = affine_map<(d0, d1) -> (0, 0, 0)>
module attributes {stable_mosaic.version = 14 : i64} {
  func.func @_seg_sum_body(%arg0: i32, %arg1: i32, %arg2: memref<10240x128xf32, #tpu.memory_space<hbm>>, %arg3: memref<10240x128xf32, #tpu.memory_space<hbm>>, %arg4: memref<4000x2x80xi32, #tpu.memory_space<hbm>>, %arg5: memref<20480x128xf32, #tpu.memory_space<hbm>>, %arg6: memref<10240x128xf32, #tpu.memory_space<vmem_shared>>, %arg7: memref<2x80xi32, #tpu.memory_space<vmem>>, %arg8: memref<2x80xi32, #tpu.memory_space<vmem>>, %arg9: memref<2x80xi32, #tpu.memory_space<vmem>>, %arg10: memref<2x80xi32, #tpu.memory_space<vmem>>, %arg11: memref<80x128xf32, #tpu.memory_space<vmem>>, %arg12: memref<80x128xf32, #tpu.memory_space<vmem>>, %arg13: memref<80x128xf32, #tpu.memory_space<vmem>>, %arg14: memref<80x128xf32, #tpu.memory_space<vmem>>, %arg15: memref<!tpu.dma_semaphore, #tpu.memory_space<semaphore_mem>>, %arg16: memref<!tpu.dma_semaphore, #tpu.memory_space<semaphore_mem>>, %arg17: memref<!tpu.dma_semaphore, #tpu.memory_space<semaphore_mem>>, %arg18: memref<!tpu.dma_semaphore, #tpu.memory_space<semaphore_mem>>, %arg19: memref<!tpu.dma_semaphore, #tpu.memory_space<semaphore_mem>>, %arg20: memref<!tpu.dma_semaphore, #tpu.memory_space<semaphore_mem>>, %arg21: memref<!tpu.dma_semaphore, #tpu.memory_space<semaphore_mem>>, %arg22: memref<!tpu.dma_semaphore, #tpu.memory_space<semaphore_mem>>, %arg23: memref<!tpu.dma_semaphore, #tpu.memory_space<semaphore_mem>>, %arg24: memref<!tpu.dma_semaphore, #tpu.memory_space<semaphore_mem>>, %arg25: memref<!tpu.dma_semaphore, #tpu.memory_space<semaphore_mem>>, %arg26: memref<!tpu.dma_semaphore, #tpu.memory_space<semaphore_mem>>) attributes {dimension_semantics = [#tpu.dimension_semantics<core_parallel>, #tpu.dimension_semantics<subcore_parallel>], iteration_bounds = array<i64: 2, 16>, scalar_prefetch = 0 : i64, scratch_operands = 21 : i64, tpu.core_type = #tpu.core_type<sc_vector_subcore>, window_params = [{transform_indices = #map}, {transform_indices = #map}, {transform_indices = #map1}, {transform_indices = #map}]} {
    %mul3A = arith.constant 16 : i32
    %mul3A_0 = arith.muli %arg0, %mul3A : i32
    %add3A = arith.addi %mul3A_0, %arg1 : i32
    %mul3A_1 = arith.constant 125 : i32
    %mul3A_2 = arith.muli %add3A, %mul3A_1 : i32
    %mul3A_3 = arith.constant 640 : i32
    %mul3A_4 = arith.muli %arg1, %mul3A_3 : i32
    %lt3A = arith.constant 15 : i32
    %lt3A_5 = arith.cmpi slt, %arg1, %lt3A : i32
    %convert_element_type3A = arith.extui %lt3A_5 : i1 to i32
    %cond3A = arith.constant 0 : i32
    %cond3A_6 = arith.cmpi ne, %convert_element_type3A, %cond3A : i32
    scf.if %cond3A_6 {
      "tpu.region"() ({
        %run_scoped3A = tpu.sem_alloc : memref<!tpu.dma_semaphore, #tpu.memory_space<semaphore_mem>>
        %dma_start3A_432 = arith.constant 0 : i32
        %dma_start3A_433 = tpu.memref_slice %arg6[%mul3A_4, %dma_start3A_432] : memref<10240x128xf32, #tpu.memory_space<vmem_shared>> -> memref<640x128xf32, #tpu.memory_space<vmem_shared>>
        %dma_start3A_434 = arith.constant 0 : i32
        %dma_start3A_435 = tpu.memref_slice %arg3[%mul3A_4, %dma_start3A_434] : memref<10240x128xf32, #tpu.memory_space<hbm>> -> memref<640x128xf32, #tpu.memory_space<hbm>>
        tpu.enqueue_dma source(%dma_start3A_435 : memref<640x128xf32, #tpu.memory_space<hbm>>) target(%dma_start3A_433 : memref<640x128xf32, #tpu.memory_space<vmem_shared>>) target_semaphore(%run_scoped3A : memref<!tpu.dma_semaphore, #tpu.memory_space<semaphore_mem>>)
        %dma_wait3A_436 = arith.constant 0 : i32
        %dma_wait3A_437 = tpu.memref_slice %arg6[%mul3A_4, %dma_wait3A_436] : memref<10240x128xf32, #tpu.memory_space<vmem_shared>> -> memref<640x128xf32, #tpu.memory_space<vmem_shared>>
        %dma_wait3A_438 = arith.constant 0 : i32
        %dma_wait3A_439 = tpu.memref_slice %arg3[%mul3A_4, %dma_wait3A_438] : memref<10240x128xf32, #tpu.memory_space<hbm>> -> memref<640x128xf32, #tpu.memory_space<hbm>>
        tpu.wait_dma2 semaphore(%run_scoped3A : memref<!tpu.dma_semaphore, #tpu.memory_space<semaphore_mem>>) src(%dma_wait3A_439 : memref<640x128xf32, #tpu.memory_space<hbm>>) dst(%dma_wait3A_437 : memref<640x128xf32, #tpu.memory_space<vmem_shared>>)
        tpu.yield
      }) : () -> ()
    } else {
    }
    %eq3A = arith.constant 15 : i32
    %eq3A_7 = arith.cmpi eq, %arg1, %eq3A : i32
    %convert_element_type3A_8 = arith.extui %eq3A_7 : i1 to i32
    %cond3A_9 = arith.constant 0 : i32
    %cond3A_10 = arith.cmpi ne, %convert_element_type3A_8, %cond3A_9 : i32
    scf.if %cond3A_10 {
      "tpu.region"() ({
        %run_scoped3A = tpu.sem_alloc : memref<!tpu.dma_semaphore, #tpu.memory_space<semaphore_mem>>
        %dma_start3A_432 = arith.constant 9600 : i32
        %dma_start3A_433 = arith.constant 0 : i32
        %dma_start3A_434 = tpu.memref_slice %arg6[%dma_start3A_432, %dma_start3A_433] : memref<10240x128xf32, #tpu.memory_space<vmem_shared>> -> memref<400x128xf32, #tpu.memory_space<vmem_shared>>
        %dma_start3A_435 = arith.constant 9600 : i32
        %dma_start3A_436 = arith.constant 0 : i32
        %dma_start3A_437 = tpu.memref_slice %arg3[%dma_start3A_435, %dma_start3A_436] : memref<10240x128xf32, #tpu.memory_space<hbm>> -> memref<400x128xf32, #tpu.memory_space<hbm>>
        tpu.enqueue_dma source(%dma_start3A_437 : memref<400x128xf32, #tpu.memory_space<hbm>>) target(%dma_start3A_434 : memref<400x128xf32, #tpu.memory_space<vmem_shared>>) target_semaphore(%run_scoped3A : memref<!tpu.dma_semaphore, #tpu.memory_space<semaphore_mem>>)
        %dma_wait3A_438 = arith.constant 9600 : i32
        %dma_wait3A_439 = arith.constant 0 : i32
        %dma_wait3A_440 = tpu.memref_slice %arg6[%dma_wait3A_438, %dma_wait3A_439] : memref<10240x128xf32, #tpu.memory_space<vmem_shared>> -> memref<400x128xf32, #tpu.memory_space<vmem_shared>>
        %dma_wait3A_441 = arith.constant 9600 : i32
        %dma_wait3A_442 = arith.constant 0 : i32
        %dma_wait3A_443 = tpu.memref_slice %arg3[%dma_wait3A_441, %dma_wait3A_442] : memref<10240x128xf32, #tpu.memory_space<hbm>> -> memref<400x128xf32, #tpu.memory_space<hbm>>
        tpu.wait_dma2 semaphore(%run_scoped3A : memref<!tpu.dma_semaphore, #tpu.memory_space<semaphore_mem>>) src(%dma_wait3A_443 : memref<400x128xf32, #tpu.memory_space<hbm>>) dst(%dma_wait3A_440 : memref<400x128xf32, #tpu.memory_space<vmem_shared>>)
        tpu.yield
      }) : () -> ()
    } else {
    }
    %barrier3A = arith.constant 0 : index
    tpu.barrier barrier_id(%barrier3A)
    %add3A_11 = arith.constant 0 : i32
    %add3A_12 = arith.addi %mul3A_2, %add3A_11 : i32
    %dma_start3A = arith.constant 0 : i32
    %dma_start3A_13 = arith.constant 0 : i32
    %dma_start3A_14 = tpu.memref_slice %arg4[%add3A_12, %dma_start3A, %dma_start3A_13] : memref<4000x2x80xi32, #tpu.memory_space<hbm>> -> memref<1x2x80xi32, #tpu.memory_space<hbm>>
    %dma_start3A_15 = tpu.memref_squeeze %dma_start3A_14 : memref<1x2x80xi32, #tpu.memory_space<hbm>> -> memref<2x80xi32, #tpu.memory_space<hbm>>
    %dma_start3A_16 = arith.constant 0 : i32
    %dma_start3A_17 = arith.constant 0 : i32
    %dma_start3A_18 = tpu.memref_slice %arg4[%add3A_12, %dma_start3A_16, %dma_start3A_17] : memref<4000x2x80xi32, #tpu.memory_space<hbm>> -> memref<1x2x80xi32, #tpu.memory_space<hbm>>
    %dma_start3A_19 = tpu.memref_squeeze %dma_start3A_18 : memref<1x2x80xi32, #tpu.memory_space<hbm>> -> memref<2x80xi32, #tpu.memory_space<hbm>>
    tpu.enqueue_dma source(%dma_start3A_19 : memref<2x80xi32, #tpu.memory_space<hbm>>) target(%arg7 : memref<2x80xi32, #tpu.memory_space<vmem>>) target_semaphore(%arg15 : memref<!tpu.dma_semaphore, #tpu.memory_space<semaphore_mem>>)
    %dma_wait3A = arith.constant 0 : i32
    %dma_wait3A_20 = arith.constant 0 : i32
    %dma_wait3A_21 = tpu.memref_slice %arg4[%add3A_12, %dma_wait3A, %dma_wait3A_20] : memref<4000x2x80xi32, #tpu.memory_space<hbm>> -> memref<1x2x80xi32, #tpu.memory_space<hbm>>
    %dma_wait3A_22 = tpu.memref_squeeze %dma_wait3A_21 : memref<1x2x80xi32, #tpu.memory_space<hbm>> -> memref<2x80xi32, #tpu.memory_space<hbm>>
    %dma_wait3A_23 = arith.constant 0 : i32
    %dma_wait3A_24 = arith.constant 0 : i32
    %dma_wait3A_25 = tpu.memref_slice %arg4[%add3A_12, %dma_wait3A_23, %dma_wait3A_24] : memref<4000x2x80xi32, #tpu.memory_space<hbm>> -> memref<1x2x80xi32, #tpu.memory_space<hbm>>
    %dma_wait3A_26 = tpu.memref_squeeze %dma_wait3A_25 : memref<1x2x80xi32, #tpu.memory_space<hbm>> -> memref<2x80xi32, #tpu.memory_space<hbm>>
    tpu.wait_dma2 semaphore(%arg15 : memref<!tpu.dma_semaphore, #tpu.memory_space<semaphore_mem>>) src(%dma_wait3A_26 : memref<2x80xi32, #tpu.memory_space<hbm>>) dst(%arg7 : memref<2x80xi32, #tpu.memory_space<vmem>>)
    %dma_start3A_27 = arith.constant 0 : i32
    %dma_start3A_28 = arith.constant 0 : i32
    %dma_start3A_29 = tpu.memref_slice %arg7[%dma_start3A_27, %dma_start3A_28] : memref<2x80xi32, #tpu.memory_space<vmem>> -> memref<1x80xi32, #tpu.memory_space<vmem>>
    %dma_start3A_30 = tpu.memref_squeeze %dma_start3A_29 : memref<1x80xi32, #tpu.memory_space<vmem>> -> memref<80xi32, #tpu.memory_space<vmem>>
    %dma_start3A_31 = arith.constant 0 : i32
    %dma_start3A_32 = arith.constant 0 : i32
    %dma_start3A_33 = tpu.memref_slice %arg2[%dma_start3A_31, %dma_start3A_32] : memref<10240x128xf32, #tpu.memory_space<hbm>> -> memref<10240x128xf32, #tpu.memory_space<hbm>>
    tpu.enqueue_indirect_dma source(%dma_start3A_33 : memref<10240x128xf32, #tpu.memory_space<hbm>>) target(%arg11 : memref<80x128xf32, #tpu.memory_space<vmem>>) offsets(%dma_start3A_30 : memref<80xi32, #tpu.memory_space<vmem>>) semaphore(%arg19 : memref<!tpu.dma_semaphore, #tpu.memory_space<semaphore_mem>>)
    %add3A_34 = arith.constant 1 : i32
    %add3A_35 = arith.addi %mul3A_2, %add3A_34 : i32
    %dma_start3A_36 = arith.constant 0 : i32
    %dma_start3A_37 = arith.constant 0 : i32
    %dma_start3A_38 = tpu.memref_slice %arg4[%add3A_35, %dma_start3A_36, %dma_start3A_37] : memref<4000x2x80xi32, #tpu.memory_space<hbm>> -> memref<1x2x80xi32, #tpu.memory_space<hbm>>
    %dma_start3A_39 = tpu.memref_squeeze %dma_start3A_38 : memref<1x2x80xi32, #tpu.memory_space<hbm>> -> memref<2x80xi32, #tpu.memory_space<hbm>>
    %dma_start3A_40 = arith.constant 0 : i32
    %dma_start3A_41 = arith.constant 0 : i32
    %dma_start3A_42 = tpu.memref_slice %arg4[%add3A_35, %dma_start3A_40, %dma_start3A_41] : memref<4000x2x80xi32, #tpu.memory_space<hbm>> -> memref<1x2x80xi32, #tpu.memory_space<hbm>>
    %dma_start3A_43 = tpu.memref_squeeze %dma_start3A_42 : memref<1x2x80xi32, #tpu.memory_space<hbm>> -> memref<2x80xi32, #tpu.memory_space<hbm>>
    tpu.enqueue_dma source(%dma_start3A_43 : memref<2x80xi32, #tpu.memory_space<hbm>>) target(%arg8 : memref<2x80xi32, #tpu.memory_space<vmem>>) target_semaphore(%arg16 : memref<!tpu.dma_semaphore, #tpu.memory_space<semaphore_mem>>)
    %dma_wait3A_44 = arith.constant 0 : i32
    %dma_wait3A_45 = arith.constant 0 : i32
    %dma_wait3A_46 = tpu.memref_slice %arg4[%add3A_35, %dma_wait3A_44, %dma_wait3A_45] : memref<4000x2x80xi32, #tpu.memory_space<hbm>> -> memref<1x2x80xi32, #tpu.memory_space<hbm>>
    %dma_wait3A_47 = tpu.memref_squeeze %dma_wait3A_46 : memref<1x2x80xi32, #tpu.memory_space<hbm>> -> memref<2x80xi32, #tpu.memory_space<hbm>>
    %dma_wait3A_48 = arith.constant 0 : i32
    %dma_wait3A_49 = arith.constant 0 : i32
    %dma_wait3A_50 = tpu.memref_slice %arg4[%add3A_35, %dma_wait3A_48, %dma_wait3A_49] : memref<4000x2x80xi32, #tpu.memory_space<hbm>> -> memref<1x2x80xi32, #tpu.memory_space<hbm>>
    %dma_wait3A_51 = tpu.memref_squeeze %dma_wait3A_50 : memref<1x2x80xi32, #tpu.memory_space<hbm>> -> memref<2x80xi32, #tpu.memory_space<hbm>>
    tpu.wait_dma2 semaphore(%arg16 : memref<!tpu.dma_semaphore, #tpu.memory_space<semaphore_mem>>) src(%dma_wait3A_51 : memref<2x80xi32, #tpu.memory_space<hbm>>) dst(%arg8 : memref<2x80xi32, #tpu.memory_space<vmem>>)
    %dma_start3A_52 = arith.constant 0 : i32
    %dma_start3A_53 = arith.constant 0 : i32
    %dma_start3A_54 = tpu.memref_slice %arg8[%dma_start3A_52, %dma_start3A_53] : memref<2x80xi32, #tpu.memory_space<vmem>> -> memref<1x80xi32, #tpu.memory_space<vmem>>
    %dma_start3A_55 = tpu.memref_squeeze %dma_start3A_54 : memref<1x80xi32, #tpu.memory_space<vmem>> -> memref<80xi32, #tpu.memory_space<vmem>>
    %dma_start3A_56 = arith.constant 0 : i32
    %dma_start3A_57 = arith.constant 0 : i32
    %dma_start3A_58 = tpu.memref_slice %arg2[%dma_start3A_56, %dma_start3A_57] : memref<10240x128xf32, #tpu.memory_space<hbm>> -> memref<10240x128xf32, #tpu.memory_space<hbm>>
    tpu.enqueue_indirect_dma source(%dma_start3A_58 : memref<10240x128xf32, #tpu.memory_space<hbm>>) target(%arg12 : memref<80x128xf32, #tpu.memory_space<vmem>>) offsets(%dma_start3A_55 : memref<80xi32, #tpu.memory_space<vmem>>) semaphore(%arg20 : memref<!tpu.dma_semaphore, #tpu.memory_space<semaphore_mem>>)
    %add3A_59 = arith.constant 2 : i32
    %add3A_60 = arith.addi %mul3A_2, %add3A_59 : i32
    %dma_start3A_61 = arith.constant 0 : i32
    %dma_start3A_62 = arith.constant 0 : i32
    %dma_start3A_63 = tpu.memref_slice %arg4[%add3A_60, %dma_start3A_61, %dma_start3A_62] : memref<4000x2x80xi32, #tpu.memory_space<hbm>> -> memref<1x2x80xi32, #tpu.memory_space<hbm>>
    %dma_start3A_64 = tpu.memref_squeeze %dma_start3A_63 : memref<1x2x80xi32, #tpu.memory_space<hbm>> -> memref<2x80xi32, #tpu.memory_space<hbm>>
    %dma_start3A_65 = arith.constant 0 : i32
    %dma_start3A_66 = arith.constant 0 : i32
    %dma_start3A_67 = tpu.memref_slice %arg4[%add3A_60, %dma_start3A_65, %dma_start3A_66] : memref<4000x2x80xi32, #tpu.memory_space<hbm>> -> memref<1x2x80xi32, #tpu.memory_space<hbm>>
    %dma_start3A_68 = tpu.memref_squeeze %dma_start3A_67 : memref<1x2x80xi32, #tpu.memory_space<hbm>> -> memref<2x80xi32, #tpu.memory_space<hbm>>
    tpu.enqueue_dma source(%dma_start3A_68 : memref<2x80xi32, #tpu.memory_space<hbm>>) target(%arg9 : memref<2x80xi32, #tpu.memory_space<vmem>>) target_semaphore(%arg17 : memref<!tpu.dma_semaphore, #tpu.memory_space<semaphore_mem>>)
    %dma_wait3A_69 = arith.constant 0 : i32
    %dma_wait3A_70 = arith.constant 0 : i32
    %dma_wait3A_71 = tpu.memref_slice %arg7[%dma_wait3A_69, %dma_wait3A_70] : memref<2x80xi32, #tpu.memory_space<vmem>> -> memref<1x80xi32, #tpu.memory_space<vmem>>
    %dma_wait3A_72 = tpu.memref_squeeze %dma_wait3A_71 : memref<1x80xi32, #tpu.memory_space<vmem>> -> memref<80xi32, #tpu.memory_space<vmem>>
    %dma_wait3A_73 = arith.constant 0 : i32
    %dma_wait3A_74 = arith.constant 0 : i32
    %dma_wait3A_75 = tpu.memref_slice %arg2[%dma_wait3A_73, %dma_wait3A_74] : memref<10240x128xf32, #tpu.memory_space<hbm>> -> memref<10240x128xf32, #tpu.memory_space<hbm>>
    tpu.wait_indirect_dma semaphore(%arg19 : memref<!tpu.dma_semaphore, #tpu.memory_space<semaphore_mem>>) src(%dma_wait3A_75 : memref<10240x128xf32, #tpu.memory_space<hbm>>) dst(%arg11 : memref<80x128xf32, #tpu.memory_space<vmem>>)
    %dma_wait3A_76 = arith.constant 0 : i32
    %dma_wait3A_77 = arith.constant 0 : i32
    %dma_wait3A_78 = tpu.memref_slice %arg4[%add3A_60, %dma_wait3A_76, %dma_wait3A_77] : memref<4000x2x80xi32, #tpu.memory_space<hbm>> -> memref<1x2x80xi32, #tpu.memory_space<hbm>>
    %dma_wait3A_79 = tpu.memref_squeeze %dma_wait3A_78 : memref<1x2x80xi32, #tpu.memory_space<hbm>> -> memref<2x80xi32, #tpu.memory_space<hbm>>
    %dma_wait3A_80 = arith.constant 0 : i32
    %dma_wait3A_81 = arith.constant 0 : i32
    %dma_wait3A_82 = tpu.memref_slice %arg4[%add3A_60, %dma_wait3A_80, %dma_wait3A_81] : memref<4000x2x80xi32, #tpu.memory_space<hbm>> -> memref<1x2x80xi32, #tpu.memory_space<hbm>>
    %dma_wait3A_83 = tpu.memref_squeeze %dma_wait3A_82 : memref<1x2x80xi32, #tpu.memory_space<hbm>> -> memref<2x80xi32, #tpu.memory_space<hbm>>
    tpu.wait_dma2 semaphore(%arg17 : memref<!tpu.dma_semaphore, #tpu.memory_space<semaphore_mem>>) src(%dma_wait3A_83 : memref<2x80xi32, #tpu.memory_space<hbm>>) dst(%arg9 : memref<2x80xi32, #tpu.memory_space<vmem>>)
    %dma_start3A_84 = arith.constant 0 : i32
    %dma_start3A_85 = arith.constant 0 : i32
    %dma_start3A_86 = tpu.memref_slice %arg9[%dma_start3A_84, %dma_start3A_85] : memref<2x80xi32, #tpu.memory_space<vmem>> -> memref<1x80xi32, #tpu.memory_space<vmem>>
    %dma_start3A_87 = tpu.memref_squeeze %dma_start3A_86 : memref<1x80xi32, #tpu.memory_space<vmem>> -> memref<80xi32, #tpu.memory_space<vmem>>
    %dma_start3A_88 = arith.constant 0 : i32
    %dma_start3A_89 = arith.constant 0 : i32
    %dma_start3A_90 = tpu.memref_slice %arg2[%dma_start3A_88, %dma_start3A_89] : memref<10240x128xf32, #tpu.memory_space<hbm>> -> memref<10240x128xf32, #tpu.memory_space<hbm>>
    tpu.enqueue_indirect_dma source(%dma_start3A_90 : memref<10240x128xf32, #tpu.memory_space<hbm>>) target(%arg13 : memref<80x128xf32, #tpu.memory_space<vmem>>) offsets(%dma_start3A_87 : memref<80xi32, #tpu.memory_space<vmem>>) semaphore(%arg21 : memref<!tpu.dma_semaphore, #tpu.memory_space<semaphore_mem>>)
    %dma_start3A_91 = arith.constant 1 : i32
    %dma_start3A_92 = arith.constant 0 : i32
    %dma_start3A_93 = tpu.memref_slice %arg7[%dma_start3A_91, %dma_start3A_92] : memref<2x80xi32, #tpu.memory_space<vmem>> -> memref<1x80xi32, #tpu.memory_space<vmem>>
    %dma_start3A_94 = tpu.memref_squeeze %dma_start3A_93 : memref<1x80xi32, #tpu.memory_space<vmem>> -> memref<80xi32, #tpu.memory_space<vmem>>
    %dma_start3A_95 = arith.constant 0 : i32
    %dma_start3A_96 = arith.constant 0 : i32
    %dma_start3A_97 = tpu.memref_slice %arg6[%dma_start3A_95, %dma_start3A_96] : memref<10240x128xf32, #tpu.memory_space<vmem_shared>> -> memref<10240x128xf32, #tpu.memory_space<vmem_shared>>
    tpu.enqueue_indirect_dma source(%arg11 : memref<80x128xf32, #tpu.memory_space<vmem>>) target(%dma_start3A_97 : memref<10240x128xf32, #tpu.memory_space<vmem_shared>>) offsets(%dma_start3A_94 : memref<80xi32, #tpu.memory_space<vmem>>) semaphore(%arg23 : memref<!tpu.dma_semaphore, #tpu.memory_space<semaphore_mem>>) {add = true}
    %add3A_98 = arith.constant 3 : i32
    %add3A_99 = arith.addi %mul3A_2, %add3A_98 : i32
    %dma_start3A_100 = arith.constant 0 : i32
    %dma_start3A_101 = arith.constant 0 : i32
    %dma_start3A_102 = tpu.memref_slice %arg4[%add3A_99, %dma_start3A_100, %dma_start3A_101] : memref<4000x2x80xi32, #tpu.memory_space<hbm>> -> memref<1x2x80xi32, #tpu.memory_space<hbm>>
    %dma_start3A_103 = tpu.memref_squeeze %dma_start3A_102 : memref<1x2x80xi32, #tpu.memory_space<hbm>> -> memref<2x80xi32, #tpu.memory_space<hbm>>
    %dma_start3A_104 = arith.constant 0 : i32
    %dma_start3A_105 = arith.constant 0 : i32
    %dma_start3A_106 = tpu.memref_slice %arg4[%add3A_99, %dma_start3A_104, %dma_start3A_105] : memref<4000x2x80xi32, #tpu.memory_space<hbm>> -> memref<1x2x80xi32, #tpu.memory_space<hbm>>
    %dma_start3A_107 = tpu.memref_squeeze %dma_start3A_106 : memref<1x2x80xi32, #tpu.memory_space<hbm>> -> memref<2x80xi32, #tpu.memory_space<hbm>>
    tpu.enqueue_dma source(%dma_start3A_107 : memref<2x80xi32, #tpu.memory_space<hbm>>) target(%arg10 : memref<2x80xi32, #tpu.memory_space<vmem>>) target_semaphore(%arg18 : memref<!tpu.dma_semaphore, #tpu.memory_space<semaphore_mem>>)
    %dma_wait3A_108 = arith.constant 0 : i32
    %dma_wait3A_109 = arith.constant 0 : i32
    %dma_wait3A_110 = tpu.memref_slice %arg8[%dma_wait3A_108, %dma_wait3A_109] : memref<2x80xi32, #tpu.memory_space<vmem>> -> memref<1x80xi32, #tpu.memory_space<vmem>>
    %dma_wait3A_111 = tpu.memref_squeeze %dma_wait3A_110 : memref<1x80xi32, #tpu.memory_space<vmem>> -> memref<80xi32, #tpu.memory_space<vmem>>
    %dma_wait3A_112 = arith.constant 0 : i32
    %dma_wait3A_113 = arith.constant 0 : i32
    %dma_wait3A_114 = tpu.memref_slice %arg2[%dma_wait3A_112, %dma_wait3A_113] : memref<10240x128xf32, #tpu.memory_space<hbm>> -> memref<10240x128xf32, #tpu.memory_space<hbm>>
    tpu.wait_indirect_dma semaphore(%arg20 : memref<!tpu.dma_semaphore, #tpu.memory_space<semaphore_mem>>) src(%dma_wait3A_114 : memref<10240x128xf32, #tpu.memory_space<hbm>>) dst(%arg12 : memref<80x128xf32, #tpu.memory_space<vmem>>)
    %dma_wait3A_115 = arith.constant 0 : i32
    %dma_wait3A_116 = arith.constant 0 : i32
    %dma_wait3A_117 = tpu.memref_slice %arg4[%add3A_99, %dma_wait3A_115, %dma_wait3A_116] : memref<4000x2x80xi32, #tpu.memory_space<hbm>> -> memref<1x2x80xi32, #tpu.memory_space<hbm>>
    %dma_wait3A_118 = tpu.memref_squeeze %dma_wait3A_117 : memref<1x2x80xi32, #tpu.memory_space<hbm>> -> memref<2x80xi32, #tpu.memory_space<hbm>>
    %dma_wait3A_119 = arith.constant 0 : i32
    %dma_wait3A_120 = arith.constant 0 : i32
    %dma_wait3A_121 = tpu.memref_slice %arg4[%add3A_99, %dma_wait3A_119, %dma_wait3A_120] : memref<4000x2x80xi32, #tpu.memory_space<hbm>> -> memref<1x2x80xi32, #tpu.memory_space<hbm>>
    %dma_wait3A_122 = tpu.memref_squeeze %dma_wait3A_121 : memref<1x2x80xi32, #tpu.memory_space<hbm>> -> memref<2x80xi32, #tpu.memory_space<hbm>>
    tpu.wait_dma2 semaphore(%arg18 : memref<!tpu.dma_semaphore, #tpu.memory_space<semaphore_mem>>) src(%dma_wait3A_122 : memref<2x80xi32, #tpu.memory_space<hbm>>) dst(%arg10 : memref<2x80xi32, #tpu.memory_space<vmem>>)
    %dma_start3A_123 = arith.constant 0 : i32
    %dma_start3A_124 = arith.constant 0 : i32
    %dma_start3A_125 = tpu.memref_slice %arg10[%dma_start3A_123, %dma_start3A_124] : memref<2x80xi32, #tpu.memory_space<vmem>> -> memref<1x80xi32, #tpu.memory_space<vmem>>
    %dma_start3A_126 = tpu.memref_squeeze %dma_start3A_125 : memref<1x80xi32, #tpu.memory_space<vmem>> -> memref<80xi32, #tpu.memory_space<vmem>>
    %dma_start3A_127 = arith.constant 0 : i32
    %dma_start3A_128 = arith.constant 0 : i32
    %dma_start3A_129 = tpu.memref_slice %arg2[%dma_start3A_127, %dma_start3A_128] : memref<10240x128xf32, #tpu.memory_space<hbm>> -> memref<10240x128xf32, #tpu.memory_space<hbm>>
    tpu.enqueue_indirect_dma source(%dma_start3A_129 : memref<10240x128xf32, #tpu.memory_space<hbm>>) target(%arg14 : memref<80x128xf32, #tpu.memory_space<vmem>>) offsets(%dma_start3A_126 : memref<80xi32, #tpu.memory_space<vmem>>) semaphore(%arg22 : memref<!tpu.dma_semaphore, #tpu.memory_space<semaphore_mem>>)
    %dma_start3A_130 = arith.constant 1 : i32
    %dma_start3A_131 = arith.constant 0 : i32
    %dma_start3A_132 = tpu.memref_slice %arg8[%dma_start3A_130, %dma_start3A_131] : memref<2x80xi32, #tpu.memory_space<vmem>> -> memref<1x80xi32, #tpu.memory_space<vmem>>
    %dma_start3A_133 = tpu.memref_squeeze %dma_start3A_132 : memref<1x80xi32, #tpu.memory_space<vmem>> -> memref<80xi32, #tpu.memory_space<vmem>>
    %dma_start3A_134 = arith.constant 0 : i32
    %dma_start3A_135 = arith.constant 0 : i32
    %dma_start3A_136 = tpu.memref_slice %arg6[%dma_start3A_134, %dma_start3A_135] : memref<10240x128xf32, #tpu.memory_space<vmem_shared>> -> memref<10240x128xf32, #tpu.memory_space<vmem_shared>>
    tpu.enqueue_indirect_dma source(%arg12 : memref<80x128xf32, #tpu.memory_space<vmem>>) target(%dma_start3A_136 : memref<10240x128xf32, #tpu.memory_space<vmem_shared>>) offsets(%dma_start3A_133 : memref<80xi32, #tpu.memory_space<vmem>>) semaphore(%arg24 : memref<!tpu.dma_semaphore, #tpu.memory_space<semaphore_mem>>) {add = true}
    %dma_wait3A_137 = arith.constant 1 : i32
    %dma_wait3A_138 = arith.constant 0 : i32
    %dma_wait3A_139 = tpu.memref_slice %arg7[%dma_wait3A_137, %dma_wait3A_138] : memref<2x80xi32, #tpu.memory_space<vmem>> -> memref<1x80xi32, #tpu.memory_space<vmem>>
    %dma_wait3A_140 = tpu.memref_squeeze %dma_wait3A_139 : memref<1x80xi32, #tpu.memory_space<vmem>> -> memref<80xi32, #tpu.memory_space<vmem>>
    %dma_wait3A_141 = arith.constant 0 : i32
    %dma_wait3A_142 = arith.constant 0 : i32
    %dma_wait3A_143 = tpu.memref_slice %arg6[%dma_wait3A_141, %dma_wait3A_142] : memref<10240x128xf32, #tpu.memory_space<vmem_shared>> -> memref<10240x128xf32, #tpu.memory_space<vmem_shared>>
    tpu.wait_indirect_dma semaphore(%arg23 : memref<!tpu.dma_semaphore, #tpu.memory_space<semaphore_mem>>) src(%arg11 : memref<80x128xf32, #tpu.memory_space<vmem>>) dst(%dma_wait3A_143 : memref<10240x128xf32, #tpu.memory_space<vmem_shared>>)
    %add3A_144 = arith.constant 4 : i32
    %add3A_145 = arith.addi %mul3A_2, %add3A_144 : i32
    %dma_start3A_146 = arith.constant 0 : i32
    %dma_start3A_147 = arith.constant 0 : i32
    %dma_start3A_148 = tpu.memref_slice %arg4[%add3A_145, %dma_start3A_146, %dma_start3A_147] : memref<4000x2x80xi32, #tpu.memory_space<hbm>> -> memref<1x2x80xi32, #tpu.memory_space<hbm>>
    %dma_start3A_149 = tpu.memref_squeeze %dma_start3A_148 : memref<1x2x80xi32, #tpu.memory_space<hbm>> -> memref<2x80xi32, #tpu.memory_space<hbm>>
    %dma_start3A_150 = arith.constant 0 : i32
    %dma_start3A_151 = arith.constant 0 : i32
    %dma_start3A_152 = tpu.memref_slice %arg4[%add3A_145, %dma_start3A_150, %dma_start3A_151] : memref<4000x2x80xi32, #tpu.memory_space<hbm>> -> memref<1x2x80xi32, #tpu.memory_space<hbm>>
    %dma_start3A_153 = tpu.memref_squeeze %dma_start3A_152 : memref<1x2x80xi32, #tpu.memory_space<hbm>> -> memref<2x80xi32, #tpu.memory_space<hbm>>
    tpu.enqueue_dma source(%dma_start3A_153 : memref<2x80xi32, #tpu.memory_space<hbm>>) target(%arg7 : memref<2x80xi32, #tpu.memory_space<vmem>>) target_semaphore(%arg15 : memref<!tpu.dma_semaphore, #tpu.memory_space<semaphore_mem>>)
    %dma_wait3A_154 = arith.constant 0 : i32
    %dma_wait3A_155 = arith.constant 0 : i32
    %dma_wait3A_156 = tpu.memref_slice %arg9[%dma_wait3A_154, %dma_wait3A_155] : memref<2x80xi32, #tpu.memory_space<vmem>> -> memref<1x80xi32, #tpu.memory_space<vmem>>
    %dma_wait3A_157 = tpu.memref_squeeze %dma_wait3A_156 : memref<1x80xi32, #tpu.memory_space<vmem>> -> memref<80xi32, #tpu.memory_space<vmem>>
    %dma_wait3A_158 = arith.constant 0 : i32
    %dma_wait3A_159 = arith.constant 0 : i32
    %dma_wait3A_160 = tpu.memref_slice %arg2[%dma_wait3A_158, %dma_wait3A_159] : memref<10240x128xf32, #tpu.memory_space<hbm>> -> memref<10240x128xf32, #tpu.memory_space<hbm>>
    tpu.wait_indirect_dma semaphore(%arg21 : memref<!tpu.dma_semaphore, #tpu.memory_space<semaphore_mem>>) src(%dma_wait3A_160 : memref<10240x128xf32, #tpu.memory_space<hbm>>) dst(%arg13 : memref<80x128xf32, #tpu.memory_space<vmem>>)
    %dma_wait3A_161 = arith.constant 0 : i32
    %dma_wait3A_162 = arith.constant 0 : i32
    %dma_wait3A_163 = tpu.memref_slice %arg4[%add3A_145, %dma_wait3A_161, %dma_wait3A_162] : memref<4000x2x80xi32, #tpu.memory_space<hbm>> -> memref<1x2x80xi32, #tpu.memory_space<hbm>>
    %dma_wait3A_164 = tpu.memref_squeeze %dma_wait3A_163 : memref<1x2x80xi32, #tpu.memory_space<hbm>> -> memref<2x80xi32, #tpu.memory_space<hbm>>
    %dma_wait3A_165 = arith.constant 0 : i32
    %dma_wait3A_166 = arith.constant 0 : i32
    %dma_wait3A_167 = tpu.memref_slice %arg4[%add3A_145, %dma_wait3A_165, %dma_wait3A_166] : memref<4000x2x80xi32, #tpu.memory_space<hbm>> -> memref<1x2x80xi32, #tpu.memory_space<hbm>>
    %dma_wait3A_168 = tpu.memref_squeeze %dma_wait3A_167 : memref<1x2x80xi32, #tpu.memory_space<hbm>> -> memref<2x80xi32, #tpu.memory_space<hbm>>
    tpu.wait_dma2 semaphore(%arg15 : memref<!tpu.dma_semaphore, #tpu.memory_space<semaphore_mem>>) src(%dma_wait3A_168 : memref<2x80xi32, #tpu.memory_space<hbm>>) dst(%arg7 : memref<2x80xi32, #tpu.memory_space<vmem>>)
    %dma_start3A_169 = arith.constant 0 : i32
    %dma_start3A_170 = arith.constant 0 : i32
    %dma_start3A_171 = tpu.memref_slice %arg7[%dma_start3A_169, %dma_start3A_170] : memref<2x80xi32, #tpu.memory_space<vmem>> -> memref<1x80xi32, #tpu.memory_space<vmem>>
    %dma_start3A_172 = tpu.memref_squeeze %dma_start3A_171 : memref<1x80xi32, #tpu.memory_space<vmem>> -> memref<80xi32, #tpu.memory_space<vmem>>
    %dma_start3A_173 = arith.constant 0 : i32
    %dma_start3A_174 = arith.constant 0 : i32
    %dma_start3A_175 = tpu.memref_slice %arg2[%dma_start3A_173, %dma_start3A_174] : memref<10240x128xf32, #tpu.memory_space<hbm>> -> memref<10240x128xf32, #tpu.memory_space<hbm>>
    tpu.enqueue_indirect_dma source(%dma_start3A_175 : memref<10240x128xf32, #tpu.memory_space<hbm>>) target(%arg11 : memref<80x128xf32, #tpu.memory_space<vmem>>) offsets(%dma_start3A_172 : memref<80xi32, #tpu.memory_space<vmem>>) semaphore(%arg19 : memref<!tpu.dma_semaphore, #tpu.memory_space<semaphore_mem>>)
    %dma_start3A_176 = arith.constant 1 : i32
    %dma_start3A_177 = arith.constant 0 : i32
    %dma_start3A_178 = tpu.memref_slice %arg9[%dma_start3A_176, %dma_start3A_177] : memref<2x80xi32, #tpu.memory_space<vmem>> -> memref<1x80xi32, #tpu.memory_space<vmem>>
    %dma_start3A_179 = tpu.memref_squeeze %dma_start3A_178 : memref<1x80xi32, #tpu.memory_space<vmem>> -> memref<80xi32, #tpu.memory_space<vmem>>
    %dma_start3A_180 = arith.constant 0 : i32
    %dma_start3A_181 = arith.constant 0 : i32
    %dma_start3A_182 = tpu.memref_slice %arg6[%dma_start3A_180, %dma_start3A_181] : memref<10240x128xf32, #tpu.memory_space<vmem_shared>> -> memref<10240x128xf32, #tpu.memory_space<vmem_shared>>
    tpu.enqueue_indirect_dma source(%arg13 : memref<80x128xf32, #tpu.memory_space<vmem>>) target(%dma_start3A_182 : memref<10240x128xf32, #tpu.memory_space<vmem_shared>>) offsets(%dma_start3A_179 : memref<80xi32, #tpu.memory_space<vmem>>) semaphore(%arg25 : memref<!tpu.dma_semaphore, #tpu.memory_space<semaphore_mem>>) {add = true}
    %dma_wait3A_183 = arith.constant 1 : i32
    %dma_wait3A_184 = arith.constant 0 : i32
    %dma_wait3A_185 = tpu.memref_slice %arg8[%dma_wait3A_183, %dma_wait3A_184] : memref<2x80xi32, #tpu.memory_space<vmem>> -> memref<1x80xi32, #tpu.memory_space<vmem>>
    %dma_wait3A_186 = tpu.memref_squeeze %dma_wait3A_185 : memref<1x80xi32, #tpu.memory_space<vmem>> -> memref<80xi32, #tpu.memory_space<vmem>>
    %dma_wait3A_187 = arith.constant 0 : i32
    %dma_wait3A_188 = arith.constant 0 : i32
    %dma_wait3A_189 = tpu.memref_slice %arg6[%dma_wait3A_187, %dma_wait3A_188] : memref<10240x128xf32, #tpu.memory_space<vmem_shared>> -> memref<10240x128xf32, #tpu.memory_space<vmem_shared>>
    tpu.wait_indirect_dma semaphore(%arg24 : memref<!tpu.dma_semaphore, #tpu.memory_space<semaphore_mem>>) src(%arg12 : memref<80x128xf32, #tpu.memory_space<vmem>>) dst(%dma_wait3A_189 : memref<10240x128xf32, #tpu.memory_space<vmem_shared>>)
    %add3A_190 = arith.constant 5 : i32
    %add3A_191 = arith.addi %mul3A_2, %add3A_190 : i32
    %dma_start3A_192 = arith.constant 0 : i32
    %dma_start3A_193 = arith.constant 0 : i32
    %dma_start3A_194 = tpu.memref_slice %arg4[%add3A_191, %dma_start3A_192, %dma_start3A_193] : memref<4000x2x80xi32, #tpu.memory_space<hbm>> -> memref<1x2x80xi32, #tpu.memory_space<hbm>>
    %dma_start3A_195 = tpu.memref_squeeze %dma_start3A_194 : memref<1x2x80xi32, #tpu.memory_space<hbm>> -> memref<2x80xi32, #tpu.memory_space<hbm>>
    %dma_start3A_196 = arith.constant 0 : i32
    %dma_start3A_197 = arith.constant 0 : i32
    %dma_start3A_198 = tpu.memref_slice %arg4[%add3A_191, %dma_start3A_196, %dma_start3A_197] : memref<4000x2x80xi32, #tpu.memory_space<hbm>> -> memref<1x2x80xi32, #tpu.memory_space<hbm>>
    %dma_start3A_199 = tpu.memref_squeeze %dma_start3A_198 : memref<1x2x80xi32, #tpu.memory_space<hbm>> -> memref<2x80xi32, #tpu.memory_space<hbm>>
    tpu.enqueue_dma source(%dma_start3A_199 : memref<2x80xi32, #tpu.memory_space<hbm>>) target(%arg8 : memref<2x80xi32, #tpu.memory_space<vmem>>) target_semaphore(%arg16 : memref<!tpu.dma_semaphore, #tpu.memory_space<semaphore_mem>>)
    %dma_wait3A_200 = arith.constant 0 : i32
    %dma_wait3A_201 = arith.constant 0 : i32
    %dma_wait3A_202 = tpu.memref_slice %arg10[%dma_wait3A_200, %dma_wait3A_201] : memref<2x80xi32, #tpu.memory_space<vmem>> -> memref<1x80xi32, #tpu.memory_space<vmem>>
    %dma_wait3A_203 = tpu.memref_squeeze %dma_wait3A_202 : memref<1x80xi32, #tpu.memory_space<vmem>> -> memref<80xi32, #tpu.memory_space<vmem>>
    %dma_wait3A_204 = arith.constant 0 : i32
    %dma_wait3A_205 = arith.constant 0 : i32
    %dma_wait3A_206 = tpu.memref_slice %arg2[%dma_wait3A_204, %dma_wait3A_205] : memref<10240x128xf32, #tpu.memory_space<hbm>> -> memref<10240x128xf32, #tpu.memory_space<hbm>>
    tpu.wait_indirect_dma semaphore(%arg22 : memref<!tpu.dma_semaphore, #tpu.memory_space<semaphore_mem>>) src(%dma_wait3A_206 : memref<10240x128xf32, #tpu.memory_space<hbm>>) dst(%arg14 : memref<80x128xf32, #tpu.memory_space<vmem>>)
    %dma_wait3A_207 = arith.constant 0 : i32
    %dma_wait3A_208 = arith.constant 0 : i32
    %dma_wait3A_209 = tpu.memref_slice %arg4[%add3A_191, %dma_wait3A_207, %dma_wait3A_208] : memref<4000x2x80xi32, #tpu.memory_space<hbm>> -> memref<1x2x80xi32, #tpu.memory_space<hbm>>
    %dma_wait3A_210 = tpu.memref_squeeze %dma_wait3A_209 : memref<1x2x80xi32, #tpu.memory_space<hbm>> -> memref<2x80xi32, #tpu.memory_space<hbm>>
    %dma_wait3A_211 = arith.constant 0 : i32
    %dma_wait3A_212 = arith.constant 0 : i32
    %dma_wait3A_213 = tpu.memref_slice %arg4[%add3A_191, %dma_wait3A_211, %dma_wait3A_212] : memref<4000x2x80xi32, #tpu.memory_space<hbm>> -> memref<1x2x80xi32, #tpu.memory_space<hbm>>
    %dma_wait3A_214 = tpu.memref_squeeze %dma_wait3A_213 : memref<1x2x80xi32, #tpu.memory_space<hbm>> -> memref<2x80xi32, #tpu.memory_space<hbm>>
    tpu.wait_dma2 semaphore(%arg16 : memref<!tpu.dma_semaphore, #tpu.memory_space<semaphore_mem>>) src(%dma_wait3A_214 : memref<2x80xi32, #tpu.memory_space<hbm>>) dst(%arg8 : memref<2x80xi32, #tpu.memory_space<vmem>>)
    %dma_start3A_215 = arith.constant 0 : i32
    %dma_start3A_216 = arith.constant 0 : i32
    %dma_start3A_217 = tpu.memref_slice %arg8[%dma_start3A_215, %dma_start3A_216] : memref<2x80xi32, #tpu.memory_space<vmem>> -> memref<1x80xi32, #tpu.memory_space<vmem>>
    %dma_start3A_218 = tpu.memref_squeeze %dma_start3A_217 : memref<1x80xi32, #tpu.memory_space<vmem>> -> memref<80xi32, #tpu.memory_space<vmem>>
    %dma_start3A_219 = arith.constant 0 : i32
    %dma_start3A_220 = arith.constant 0 : i32
    %dma_start3A_221 = tpu.memref_slice %arg2[%dma_start3A_219, %dma_start3A_220] : memref<10240x128xf32, #tpu.memory_space<hbm>> -> memref<10240x128xf32, #tpu.memory_space<hbm>>
    tpu.enqueue_indirect_dma source(%dma_start3A_221 : memref<10240x128xf32, #tpu.memory_space<hbm>>) target(%arg12 : memref<80x128xf32, #tpu.memory_space<vmem>>) offsets(%dma_start3A_218 : memref<80xi32, #tpu.memory_space<vmem>>) semaphore(%arg20 : memref<!tpu.dma_semaphore, #tpu.memory_space<semaphore_mem>>)
    %dma_start3A_222 = arith.constant 1 : i32
    %dma_start3A_223 = arith.constant 0 : i32
    %dma_start3A_224 = tpu.memref_slice %arg10[%dma_start3A_222, %dma_start3A_223] : memref<2x80xi32, #tpu.memory_space<vmem>> -> memref<1x80xi32, #tpu.memory_space<vmem>>
    %dma_start3A_225 = tpu.memref_squeeze %dma_start3A_224 : memref<1x80xi32, #tpu.memory_space<vmem>> -> memref<80xi32, #tpu.memory_space<vmem>>
    %dma_start3A_226 = arith.constant 0 : i32
    %dma_start3A_227 = arith.constant 0 : i32
    %dma_start3A_228 = tpu.memref_slice %arg6[%dma_start3A_226, %dma_start3A_227] : memref<10240x128xf32, #tpu.memory_space<vmem_shared>> -> memref<10240x128xf32, #tpu.memory_space<vmem_shared>>
    tpu.enqueue_indirect_dma source(%arg14 : memref<80x128xf32, #tpu.memory_space<vmem>>) target(%dma_start3A_228 : memref<10240x128xf32, #tpu.memory_space<vmem_shared>>) offsets(%dma_start3A_225 : memref<80xi32, #tpu.memory_space<vmem>>) semaphore(%arg26 : memref<!tpu.dma_semaphore, #tpu.memory_space<semaphore_mem>>) {add = true}
    %scan3A = arith.constant 0 : i32
    %scan3A_229 = arith.constant 1 : i32
    %scan3A_230 = arith.constant 29 : i32
    %scan3A_231 = arith.addi %scan3A_229, %scan3A_230 : i32
    %scan3A_232 = arith.constant 1 : i32
    scf.for %scan3A_432 = %scan3A_229 to %scan3A_231 step %scan3A_232  : i32 {
      %mul3A_433 = arith.constant 4 : i32
      %mul3A_434 = arith.muli %mul3A_433, %scan3A_432 : i32
      %add3A_435 = arith.constant 0 : i32
      %add3A_436 = arith.addi %mul3A_434, %add3A_435 : i32
      %dma_wait3A_437 = arith.constant 1 : i32
      %dma_wait3A_438 = arith.constant 0 : i32
      %dma_wait3A_439 = tpu.memref_slice %arg9[%dma_wait3A_437, %dma_wait3A_438] : memref<2x80xi32, #tpu.memory_space<vmem>> -> memref<1x80xi32, #tpu.memory_space<vmem>>
      %dma_wait3A_440 = tpu.memref_squeeze %dma_wait3A_439 : memref<1x80xi32, #tpu.memory_space<vmem>> -> memref<80xi32, #tpu.memory_space<vmem>>
      %dma_wait3A_441 = arith.constant 0 : i32
      %dma_wait3A_442 = arith.constant 0 : i32
      %dma_wait3A_443 = tpu.memref_slice %arg6[%dma_wait3A_441, %dma_wait3A_442] : memref<10240x128xf32, #tpu.memory_space<vmem_shared>> -> memref<10240x128xf32, #tpu.memory_space<vmem_shared>>
      tpu.wait_indirect_dma semaphore(%arg25 : memref<!tpu.dma_semaphore, #tpu.memory_space<semaphore_mem>>) src(%arg13 : memref<80x128xf32, #tpu.memory_space<vmem>>) dst(%dma_wait3A_443 : memref<10240x128xf32, #tpu.memory_space<vmem_shared>>)
      %add3A_444 = arith.constant 2 : i32
      %add3A_445 = arith.addi %add3A_436, %add3A_444 : i32
      %add3A_446 = arith.addi %mul3A_2, %add3A_445 : i32
      %dma_start3A_447 = arith.constant 0 : i32
      %dma_start3A_448 = arith.constant 0 : i32
      %dma_start3A_449 = tpu.memref_slice %arg4[%add3A_446, %dma_start3A_447, %dma_start3A_448] : memref<4000x2x80xi32, #tpu.memory_space<hbm>> -> memref<1x2x80xi32, #tpu.memory_space<hbm>>
      %dma_start3A_450 = tpu.memref_squeeze %dma_start3A_449 : memref<1x2x80xi32, #tpu.memory_space<hbm>> -> memref<2x80xi32, #tpu.memory_space<hbm>>
      %dma_start3A_451 = arith.constant 0 : i32
      %dma_start3A_452 = arith.constant 0 : i32
      %dma_start3A_453 = tpu.memref_slice %arg4[%add3A_446, %dma_start3A_451, %dma_start3A_452] : memref<4000x2x80xi32, #tpu.memory_space<hbm>> -> memref<1x2x80xi32, #tpu.memory_space<hbm>>
      %dma_start3A_454 = tpu.memref_squeeze %dma_start3A_453 : memref<1x2x80xi32, #tpu.memory_space<hbm>> -> memref<2x80xi32, #tpu.memory_space<hbm>>
      tpu.enqueue_dma source(%dma_start3A_454 : memref<2x80xi32, #tpu.memory_space<hbm>>) target(%arg9 : memref<2x80xi32, #tpu.memory_space<vmem>>) target_semaphore(%arg17 : memref<!tpu.dma_semaphore, #tpu.memory_space<semaphore_mem>>)
      %dma_wait3A_455 = arith.constant 0 : i32
      %dma_wait3A_456 = arith.constant 0 : i32
      %dma_wait3A_457 = tpu.memref_slice %arg7[%dma_wait3A_455, %dma_wait3A_456] : memref<2x80xi32, #tpu.memory_space<vmem>> -> memref<1x80xi32, #tpu.memory_space<vmem>>
      %dma_wait3A_458 = tpu.memref_squeeze %dma_wait3A_457 : memref<1x80xi32, #tpu.memory_space<vmem>> -> memref<80xi32, #tpu.memory_space<vmem>>
      %dma_wait3A_459 = arith.constant 0 : i32
      %dma_wait3A_460 = arith.constant 0 : i32
      %dma_wait3A_461 = tpu.memref_slice %arg2[%dma_wait3A_459, %dma_wait3A_460] : memref<10240x128xf32, #tpu.memory_space<hbm>> -> memref<10240x128xf32, #tpu.memory_space<hbm>>
      tpu.wait_indirect_dma semaphore(%arg19 : memref<!tpu.dma_semaphore, #tpu.memory_space<semaphore_mem>>) src(%dma_wait3A_461 : memref<10240x128xf32, #tpu.memory_space<hbm>>) dst(%arg11 : memref<80x128xf32, #tpu.memory_space<vmem>>)
      %dma_wait3A_462 = arith.constant 0 : i32
      %dma_wait3A_463 = arith.constant 0 : i32
      %dma_wait3A_464 = tpu.memref_slice %arg4[%add3A_446, %dma_wait3A_462, %dma_wait3A_463] : memref<4000x2x80xi32, #tpu.memory_space<hbm>> -> memref<1x2x80xi32, #tpu.memory_space<hbm>>
      %dma_wait3A_465 = tpu.memref_squeeze %dma_wait3A_464 : memref<1x2x80xi32, #tpu.memory_space<hbm>> -> memref<2x80xi32, #tpu.memory_space<hbm>>
      %dma_wait3A_466 = arith.constant 0 : i32
      %dma_wait3A_467 = arith.constant 0 : i32
      %dma_wait3A_468 = tpu.memref_slice %arg4[%add3A_446, %dma_wait3A_466, %dma_wait3A_467] : memref<4000x2x80xi32, #tpu.memory_space<hbm>> -> memref<1x2x80xi32, #tpu.memory_space<hbm>>
      %dma_wait3A_469 = tpu.memref_squeeze %dma_wait3A_468 : memref<1x2x80xi32, #tpu.memory_space<hbm>> -> memref<2x80xi32, #tpu.memory_space<hbm>>
      tpu.wait_dma2 semaphore(%arg17 : memref<!tpu.dma_semaphore, #tpu.memory_space<semaphore_mem>>) src(%dma_wait3A_469 : memref<2x80xi32, #tpu.memory_space<hbm>>) dst(%arg9 : memref<2x80xi32, #tpu.memory_space<vmem>>)
      %dma_start3A_470 = arith.constant 0 : i32
      %dma_start3A_471 = arith.constant 0 : i32
      %dma_start3A_472 = tpu.memref_slice %arg9[%dma_start3A_470, %dma_start3A_471] : memref<2x80xi32, #tpu.memory_space<vmem>> -> memref<1x80xi32, #tpu.memory_space<vmem>>
      %dma_start3A_473 = tpu.memref_squeeze %dma_start3A_472 : memref<1x80xi32, #tpu.memory_space<vmem>> -> memref<80xi32, #tpu.memory_space<vmem>>
      %dma_start3A_474 = arith.constant 0 : i32
      %dma_start3A_475 = arith.constant 0 : i32
      %dma_start3A_476 = tpu.memref_slice %arg2[%dma_start3A_474, %dma_start3A_475] : memref<10240x128xf32, #tpu.memory_space<hbm>> -> memref<10240x128xf32, #tpu.memory_space<hbm>>
      tpu.enqueue_indirect_dma source(%dma_start3A_476 : memref<10240x128xf32, #tpu.memory_space<hbm>>) target(%arg13 : memref<80x128xf32, #tpu.memory_space<vmem>>) offsets(%dma_start3A_473 : memref<80xi32, #tpu.memory_space<vmem>>) semaphore(%arg21 : memref<!tpu.dma_semaphore, #tpu.memory_space<semaphore_mem>>)
      %dma_start3A_477 = arith.constant 1 : i32
      %dma_start3A_478 = arith.constant 0 : i32
      %dma_start3A_479 = tpu.memref_slice %arg7[%dma_start3A_477, %dma_start3A_478] : memref<2x80xi32, #tpu.memory_space<vmem>> -> memref<1x80xi32, #tpu.memory_space<vmem>>
      %dma_start3A_480 = tpu.memref_squeeze %dma_start3A_479 : memref<1x80xi32, #tpu.memory_space<vmem>> -> memref<80xi32, #tpu.memory_space<vmem>>
      %dma_start3A_481 = arith.constant 0 : i32
      %dma_start3A_482 = arith.constant 0 : i32
      %dma_start3A_483 = tpu.memref_slice %arg6[%dma_start3A_481, %dma_start3A_482] : memref<10240x128xf32, #tpu.memory_space<vmem_shared>> -> memref<10240x128xf32, #tpu.memory_space<vmem_shared>>
      tpu.enqueue_indirect_dma source(%arg11 : memref<80x128xf32, #tpu.memory_space<vmem>>) target(%dma_start3A_483 : memref<10240x128xf32, #tpu.memory_space<vmem_shared>>) offsets(%dma_start3A_480 : memref<80xi32, #tpu.memory_space<vmem>>) semaphore(%arg23 : memref<!tpu.dma_semaphore, #tpu.memory_space<semaphore_mem>>) {add = true}
      %add3A_484 = arith.constant 1 : i32
      %add3A_485 = arith.addi %mul3A_434, %add3A_484 : i32
      %dma_wait3A_486 = arith.constant 1 : i32
      %dma_wait3A_487 = arith.constant 0 : i32
      %dma_wait3A_488 = tpu.memref_slice %arg10[%dma_wait3A_486, %dma_wait3A_487] : memref<2x80xi32, #tpu.memory_space<vmem>> -> memref<1x80xi32, #tpu.memory_space<vmem>>
      %dma_wait3A_489 = tpu.memref_squeeze %dma_wait3A_488 : memref<1x80xi32, #tpu.memory_space<vmem>> -> memref<80xi32, #tpu.memory_space<vmem>>
      %dma_wait3A_490 = arith.constant 0 : i32
      %dma_wait3A_491 = arith.constant 0 : i32
      %dma_wait3A_492 = tpu.memref_slice %arg6[%dma_wait3A_490, %dma_wait3A_491] : memref<10240x128xf32, #tpu.memory_space<vmem_shared>> -> memref<10240x128xf32, #tpu.memory_space<vmem_shared>>
      tpu.wait_indirect_dma semaphore(%arg26 : memref<!tpu.dma_semaphore, #tpu.memory_space<semaphore_mem>>) src(%arg14 : memref<80x128xf32, #tpu.memory_space<vmem>>) dst(%dma_wait3A_492 : memref<10240x128xf32, #tpu.memory_space<vmem_shared>>)
      %add3A_493 = arith.constant 2 : i32
      %add3A_494 = arith.addi %add3A_485, %add3A_493 : i32
      %add3A_495 = arith.addi %mul3A_2, %add3A_494 : i32
      %dma_start3A_496 = arith.constant 0 : i32
      %dma_start3A_497 = arith.constant 0 : i32
      %dma_start3A_498 = tpu.memref_slice %arg4[%add3A_495, %dma_start3A_496, %dma_start3A_497] : memref<4000x2x80xi32, #tpu.memory_space<hbm>> -> memref<1x2x80xi32, #tpu.memory_space<hbm>>
      %dma_start3A_499 = tpu.memref_squeeze %dma_start3A_498 : memref<1x2x80xi32, #tpu.memory_space<hbm>> -> memref<2x80xi32, #tpu.memory_space<hbm>>
      %dma_start3A_500 = arith.constant 0 : i32
      %dma_start3A_501 = arith.constant 0 : i32
      %dma_start3A_502 = tpu.memref_slice %arg4[%add3A_495, %dma_start3A_500, %dma_start3A_501] : memref<4000x2x80xi32, #tpu.memory_space<hbm>> -> memref<1x2x80xi32, #tpu.memory_space<hbm>>
      %dma_start3A_503 = tpu.memref_squeeze %dma_start3A_502 : memref<1x2x80xi32, #tpu.memory_space<hbm>> -> memref<2x80xi32, #tpu.memory_space<hbm>>
      tpu.enqueue_dma source(%dma_start3A_503 : memref<2x80xi32, #tpu.memory_space<hbm>>) target(%arg10 : memref<2x80xi32, #tpu.memory_space<vmem>>) target_semaphore(%arg18 : memref<!tpu.dma_semaphore, #tpu.memory_space<semaphore_mem>>)
      %dma_wait3A_504 = arith.constant 0 : i32
      %dma_wait3A_505 = arith.constant 0 : i32
      %dma_wait3A_506 = tpu.memref_slice %arg8[%dma_wait3A_504, %dma_wait3A_505] : memref<2x80xi32, #tpu.memory_space<vmem>> -> memref<1x80xi32, #tpu.memory_space<vmem>>
      %dma_wait3A_507 = tpu.memref_squeeze %dma_wait3A_506 : memref<1x80xi32, #tpu.memory_space<vmem>> -> memref<80xi32, #tpu.memory_space<vmem>>
      %dma_wait3A_508 = arith.constant 0 : i32
      %dma_wait3A_509 = arith.constant 0 : i32
      %dma_wait3A_510 = tpu.memref_slice %arg2[%dma_wait3A_508, %dma_wait3A_509] : memref<10240x128xf32, #tpu.memory_space<hbm>> -> memref<10240x128xf32, #tpu.memory_space<hbm>>
      tpu.wait_indirect_dma semaphore(%arg20 : memref<!tpu.dma_semaphore, #tpu.memory_space<semaphore_mem>>) src(%dma_wait3A_510 : memref<10240x128xf32, #tpu.memory_space<hbm>>) dst(%arg12 : memref<80x128xf32, #tpu.memory_space<vmem>>)
      %dma_wait3A_511 = arith.constant 0 : i32
      %dma_wait3A_512 = arith.constant 0 : i32
      %dma_wait3A_513 = tpu.memref_slice %arg4[%add3A_495, %dma_wait3A_511, %dma_wait3A_512] : memref<4000x2x80xi32, #tpu.memory_space<hbm>> -> memref<1x2x80xi32, #tpu.memory_space<hbm>>
      %dma_wait3A_514 = tpu.memref_squeeze %dma_wait3A_513 : memref<1x2x80xi32, #tpu.memory_space<hbm>> -> memref<2x80xi32, #tpu.memory_space<hbm>>
      %dma_wait3A_515 = arith.constant 0 : i32
      %dma_wait3A_516 = arith.constant 0 : i32
      %dma_wait3A_517 = tpu.memref_slice %arg4[%add3A_495, %dma_wait3A_515, %dma_wait3A_516] : memref<4000x2x80xi32, #tpu.memory_space<hbm>> -> memref<1x2x80xi32, #tpu.memory_space<hbm>>
      %dma_wait3A_518 = tpu.memref_squeeze %dma_wait3A_517 : memref<1x2x80xi32, #tpu.memory_space<hbm>> -> memref<2x80xi32, #tpu.memory_space<hbm>>
      tpu.wait_dma2 semaphore(%arg18 : memref<!tpu.dma_semaphore, #tpu.memory_space<semaphore_mem>>) src(%dma_wait3A_518 : memref<2x80xi32, #tpu.memory_space<hbm>>) dst(%arg10 : memref<2x80xi32, #tpu.memory_space<vmem>>)
      %dma_start3A_519 = arith.constant 0 : i32
      %dma_start3A_520 = arith.constant 0 : i32
      %dma_start3A_521 = tpu.memref_slice %arg10[%dma_start3A_519, %dma_start3A_520] : memref<2x80xi32, #tpu.memory_space<vmem>> -> memref<1x80xi32, #tpu.memory_space<vmem>>
      %dma_start3A_522 = tpu.memref_squeeze %dma_start3A_521 : memref<1x80xi32, #tpu.memory_space<vmem>> -> memref<80xi32, #tpu.memory_space<vmem>>
      %dma_start3A_523 = arith.constant 0 : i32
      %dma_start3A_524 = arith.constant 0 : i32
      %dma_start3A_525 = tpu.memref_slice %arg2[%dma_start3A_523, %dma_start3A_524] : memref<10240x128xf32, #tpu.memory_space<hbm>> -> memref<10240x128xf32, #tpu.memory_space<hbm>>
      tpu.enqueue_indirect_dma source(%dma_start3A_525 : memref<10240x128xf32, #tpu.memory_space<hbm>>) target(%arg14 : memref<80x128xf32, #tpu.memory_space<vmem>>) offsets(%dma_start3A_522 : memref<80xi32, #tpu.memory_space<vmem>>) semaphore(%arg22 : memref<!tpu.dma_semaphore, #tpu.memory_space<semaphore_mem>>)
      %dma_start3A_526 = arith.constant 1 : i32
      %dma_start3A_527 = arith.constant 0 : i32
      %dma_start3A_528 = tpu.memref_slice %arg8[%dma_start3A_526, %dma_start3A_527] : memref<2x80xi32, #tpu.memory_space<vmem>> -> memref<1x80xi32, #tpu.memory_space<vmem>>
      %dma_start3A_529 = tpu.memref_squeeze %dma_start3A_528 : memref<1x80xi32, #tpu.memory_space<vmem>> -> memref<80xi32, #tpu.memory_space<vmem>>
      %dma_start3A_530 = arith.constant 0 : i32
      %dma_start3A_531 = arith.constant 0 : i32
      %dma_start3A_532 = tpu.memref_slice %arg6[%dma_start3A_530, %dma_start3A_531] : memref<10240x128xf32, #tpu.memory_space<vmem_shared>> -> memref<10240x128xf32, #tpu.memory_space<vmem_shared>>
      tpu.enqueue_indirect_dma source(%arg12 : memref<80x128xf32, #tpu.memory_space<vmem>>) target(%dma_start3A_532 : memref<10240x128xf32, #tpu.memory_space<vmem_shared>>) offsets(%dma_start3A_529 : memref<80xi32, #tpu.memory_space<vmem>>) semaphore(%arg24 : memref<!tpu.dma_semaphore, #tpu.memory_space<semaphore_mem>>) {add = true}
      %add3A_533 = arith.constant 2 : i32
      %add3A_534 = arith.addi %mul3A_434, %add3A_533 : i32
      %dma_wait3A_535 = arith.constant 1 : i32
      %dma_wait3A_536 = arith.constant 0 : i32
      %dma_wait3A_537 = tpu.memref_slice %arg7[%dma_wait3A_535, %dma_wait3A_536] : memref<2x80xi32, #tpu.memory_space<vmem>> -> memref<1x80xi32, #tpu.memory_space<vmem>>
      %dma_wait3A_538 = tpu.memref_squeeze %dma_wait3A_537 : memref<1x80xi32, #tpu.memory_space<vmem>> -> memref<80xi32, #tpu.memory_space<vmem>>
      %dma_wait3A_539 = arith.constant 0 : i32
      %dma_wait3A_540 = arith.constant 0 : i32
      %dma_wait3A_541 = tpu.memref_slice %arg6[%dma_wait3A_539, %dma_wait3A_540] : memref<10240x128xf32, #tpu.memory_space<vmem_shared>> -> memref<10240x128xf32, #tpu.memory_space<vmem_shared>>
      tpu.wait_indirect_dma semaphore(%arg23 : memref<!tpu.dma_semaphore, #tpu.memory_space<semaphore_mem>>) src(%arg11 : memref<80x128xf32, #tpu.memory_space<vmem>>) dst(%dma_wait3A_541 : memref<10240x128xf32, #tpu.memory_space<vmem_shared>>)
      %add3A_542 = arith.constant 2 : i32
      %add3A_543 = arith.addi %add3A_534, %add3A_542 : i32
      %add3A_544 = arith.addi %mul3A_2, %add3A_543 : i32
      %dma_start3A_545 = arith.constant 0 : i32
      %dma_start3A_546 = arith.constant 0 : i32
      %dma_start3A_547 = tpu.memref_slice %arg4[%add3A_544, %dma_start3A_545, %dma_start3A_546] : memref<4000x2x80xi32, #tpu.memory_space<hbm>> -> memref<1x2x80xi32, #tpu.memory_space<hbm>>
      %dma_start3A_548 = tpu.memref_squeeze %dma_start3A_547 : memref<1x2x80xi32, #tpu.memory_space<hbm>> -> memref<2x80xi32, #tpu.memory_space<hbm>>
      %dma_start3A_549 = arith.constant 0 : i32
      %dma_start3A_550 = arith.constant 0 : i32
      %dma_start3A_551 = tpu.memref_slice %arg4[%add3A_544, %dma_start3A_549, %dma_start3A_550] : memref<4000x2x80xi32, #tpu.memory_space<hbm>> -> memref<1x2x80xi32, #tpu.memory_space<hbm>>
      %dma_start3A_552 = tpu.memref_squeeze %dma_start3A_551 : memref<1x2x80xi32, #tpu.memory_space<hbm>> -> memref<2x80xi32, #tpu.memory_space<hbm>>
      tpu.enqueue_dma source(%dma_start3A_552 : memref<2x80xi32, #tpu.memory_space<hbm>>) target(%arg7 : memref<2x80xi32, #tpu.memory_space<vmem>>) target_semaphore(%arg15 : memref<!tpu.dma_semaphore, #tpu.memory_space<semaphore_mem>>)
      %dma_wait3A_553 = arith.constant 0 : i32
      %dma_wait3A_554 = arith.constant 0 : i32
      %dma_wait3A_555 = tpu.memref_slice %arg9[%dma_wait3A_553, %dma_wait3A_554] : memref<2x80xi32, #tpu.memory_space<vmem>> -> memref<1x80xi32, #tpu.memory_space<vmem>>
      %dma_wait3A_556 = tpu.memref_squeeze %dma_wait3A_555 : memref<1x80xi32, #tpu.memory_space<vmem>> -> memref<80xi32, #tpu.memory_space<vmem>>
      %dma_wait3A_557 = arith.constant 0 : i32
      %dma_wait3A_558 = arith.constant 0 : i32
      %dma_wait3A_559 = tpu.memref_slice %arg2[%dma_wait3A_557, %dma_wait3A_558] : memref<10240x128xf32, #tpu.memory_space<hbm>> -> memref<10240x128xf32, #tpu.memory_space<hbm>>
      tpu.wait_indirect_dma semaphore(%arg21 : memref<!tpu.dma_semaphore, #tpu.memory_space<semaphore_mem>>) src(%dma_wait3A_559 : memref<10240x128xf32, #tpu.memory_space<hbm>>) dst(%arg13 : memref<80x128xf32, #tpu.memory_space<vmem>>)
      %dma_wait3A_560 = arith.constant 0 : i32
      %dma_wait3A_561 = arith.constant 0 : i32
      %dma_wait3A_562 = tpu.memref_slice %arg4[%add3A_544, %dma_wait3A_560, %dma_wait3A_561] : memref<4000x2x80xi32, #tpu.memory_space<hbm>> -> memref<1x2x80xi32, #tpu.memory_space<hbm>>
      %dma_wait3A_563 = tpu.memref_squeeze %dma_wait3A_562 : memref<1x2x80xi32, #tpu.memory_space<hbm>> -> memref<2x80xi32, #tpu.memory_space<hbm>>
      %dma_wait3A_564 = arith.constant 0 : i32
      %dma_wait3A_565 = arith.constant 0 : i32
      %dma_wait3A_566 = tpu.memref_slice %arg4[%add3A_544, %dma_wait3A_564, %dma_wait3A_565] : memref<4000x2x80xi32, #tpu.memory_space<hbm>> -> memref<1x2x80xi32, #tpu.memory_space<hbm>>
      %dma_wait3A_567 = tpu.memref_squeeze %dma_wait3A_566 : memref<1x2x80xi32, #tpu.memory_space<hbm>> -> memref<2x80xi32, #tpu.memory_space<hbm>>
      tpu.wait_dma2 semaphore(%arg15 : memref<!tpu.dma_semaphore, #tpu.memory_space<semaphore_mem>>) src(%dma_wait3A_567 : memref<2x80xi32, #tpu.memory_space<hbm>>) dst(%arg7 : memref<2x80xi32, #tpu.memory_space<vmem>>)
      %dma_start3A_568 = arith.constant 0 : i32
      %dma_start3A_569 = arith.constant 0 : i32
      %dma_start3A_570 = tpu.memref_slice %arg7[%dma_start3A_568, %dma_start3A_569] : memref<2x80xi32, #tpu.memory_space<vmem>> -> memref<1x80xi32, #tpu.memory_space<vmem>>
      %dma_start3A_571 = tpu.memref_squeeze %dma_start3A_570 : memref<1x80xi32, #tpu.memory_space<vmem>> -> memref<80xi32, #tpu.memory_space<vmem>>
      %dma_start3A_572 = arith.constant 0 : i32
      %dma_start3A_573 = arith.constant 0 : i32
      %dma_start3A_574 = tpu.memref_slice %arg2[%dma_start3A_572, %dma_start3A_573] : memref<10240x128xf32, #tpu.memory_space<hbm>> -> memref<10240x128xf32, #tpu.memory_space<hbm>>
      tpu.enqueue_indirect_dma source(%dma_start3A_574 : memref<10240x128xf32, #tpu.memory_space<hbm>>) target(%arg11 : memref<80x128xf32, #tpu.memory_space<vmem>>) offsets(%dma_start3A_571 : memref<80xi32, #tpu.memory_space<vmem>>) semaphore(%arg19 : memref<!tpu.dma_semaphore, #tpu.memory_space<semaphore_mem>>)
      %dma_start3A_575 = arith.constant 1 : i32
      %dma_start3A_576 = arith.constant 0 : i32
      %dma_start3A_577 = tpu.memref_slice %arg9[%dma_start3A_575, %dma_start3A_576] : memref<2x80xi32, #tpu.memory_space<vmem>> -> memref<1x80xi32, #tpu.memory_space<vmem>>
      %dma_start3A_578 = tpu.memref_squeeze %dma_start3A_577 : memref<1x80xi32, #tpu.memory_space<vmem>> -> memref<80xi32, #tpu.memory_space<vmem>>
      %dma_start3A_579 = arith.constant 0 : i32
      %dma_start3A_580 = arith.constant 0 : i32
      %dma_start3A_581 = tpu.memref_slice %arg6[%dma_start3A_579, %dma_start3A_580] : memref<10240x128xf32, #tpu.memory_space<vmem_shared>> -> memref<10240x128xf32, #tpu.memory_space<vmem_shared>>
      tpu.enqueue_indirect_dma source(%arg13 : memref<80x128xf32, #tpu.memory_space<vmem>>) target(%dma_start3A_581 : memref<10240x128xf32, #tpu.memory_space<vmem_shared>>) offsets(%dma_start3A_578 : memref<80xi32, #tpu.memory_space<vmem>>) semaphore(%arg25 : memref<!tpu.dma_semaphore, #tpu.memory_space<semaphore_mem>>) {add = true}
      %add3A_582 = arith.constant 3 : i32
      %add3A_583 = arith.addi %mul3A_434, %add3A_582 : i32
      %dma_wait3A_584 = arith.constant 1 : i32
      %dma_wait3A_585 = arith.constant 0 : i32
      %dma_wait3A_586 = tpu.memref_slice %arg8[%dma_wait3A_584, %dma_wait3A_585] : memref<2x80xi32, #tpu.memory_space<vmem>> -> memref<1x80xi32, #tpu.memory_space<vmem>>
      %dma_wait3A_587 = tpu.memref_squeeze %dma_wait3A_586 : memref<1x80xi32, #tpu.memory_space<vmem>> -> memref<80xi32, #tpu.memory_space<vmem>>
      %dma_wait3A_588 = arith.constant 0 : i32
      %dma_wait3A_589 = arith.constant 0 : i32
      %dma_wait3A_590 = tpu.memref_slice %arg6[%dma_wait3A_588, %dma_wait3A_589] : memref<10240x128xf32, #tpu.memory_space<vmem_shared>> -> memref<10240x128xf32, #tpu.memory_space<vmem_shared>>
      tpu.wait_indirect_dma semaphore(%arg24 : memref<!tpu.dma_semaphore, #tpu.memory_space<semaphore_mem>>) src(%arg12 : memref<80x128xf32, #tpu.memory_space<vmem>>) dst(%dma_wait3A_590 : memref<10240x128xf32, #tpu.memory_space<vmem_shared>>)
      %add3A_591 = arith.constant 2 : i32
      %add3A_592 = arith.addi %add3A_583, %add3A_591 : i32
      %add3A_593 = arith.addi %mul3A_2, %add3A_592 : i32
      %dma_start3A_594 = arith.constant 0 : i32
      %dma_start3A_595 = arith.constant 0 : i32
      %dma_start3A_596 = tpu.memref_slice %arg4[%add3A_593, %dma_start3A_594, %dma_start3A_595] : memref<4000x2x80xi32, #tpu.memory_space<hbm>> -> memref<1x2x80xi32, #tpu.memory_space<hbm>>
      %dma_start3A_597 = tpu.memref_squeeze %dma_start3A_596 : memref<1x2x80xi32, #tpu.memory_space<hbm>> -> memref<2x80xi32, #tpu.memory_space<hbm>>
      %dma_start3A_598 = arith.constant 0 : i32
      %dma_start3A_599 = arith.constant 0 : i32
      %dma_start3A_600 = tpu.memref_slice %arg4[%add3A_593, %dma_start3A_598, %dma_start3A_599] : memref<4000x2x80xi32, #tpu.memory_space<hbm>> -> memref<1x2x80xi32, #tpu.memory_space<hbm>>
      %dma_start3A_601 = tpu.memref_squeeze %dma_start3A_600 : memref<1x2x80xi32, #tpu.memory_space<hbm>> -> memref<2x80xi32, #tpu.memory_space<hbm>>
      tpu.enqueue_dma source(%dma_start3A_601 : memref<2x80xi32, #tpu.memory_space<hbm>>) target(%arg8 : memref<2x80xi32, #tpu.memory_space<vmem>>) target_semaphore(%arg16 : memref<!tpu.dma_semaphore, #tpu.memory_space<semaphore_mem>>)
      %dma_wait3A_602 = arith.constant 0 : i32
      %dma_wait3A_603 = arith.constant 0 : i32
      %dma_wait3A_604 = tpu.memref_slice %arg10[%dma_wait3A_602, %dma_wait3A_603] : memref<2x80xi32, #tpu.memory_space<vmem>> -> memref<1x80xi32, #tpu.memory_space<vmem>>
      %dma_wait3A_605 = tpu.memref_squeeze %dma_wait3A_604 : memref<1x80xi32, #tpu.memory_space<vmem>> -> memref<80xi32, #tpu.memory_space<vmem>>
      %dma_wait3A_606 = arith.constant 0 : i32
      %dma_wait3A_607 = arith.constant 0 : i32
      %dma_wait3A_608 = tpu.memref_slice %arg2[%dma_wait3A_606, %dma_wait3A_607] : memref<10240x128xf32, #tpu.memory_space<hbm>> -> memref<10240x128xf32, #tpu.memory_space<hbm>>
      tpu.wait_indirect_dma semaphore(%arg22 : memref<!tpu.dma_semaphore, #tpu.memory_space<semaphore_mem>>) src(%dma_wait3A_608 : memref<10240x128xf32, #tpu.memory_space<hbm>>) dst(%arg14 : memref<80x128xf32, #tpu.memory_space<vmem>>)
      %dma_wait3A_609 = arith.constant 0 : i32
      %dma_wait3A_610 = arith.constant 0 : i32
      %dma_wait3A_611 = tpu.memref_slice %arg4[%add3A_593, %dma_wait3A_609, %dma_wait3A_610] : memref<4000x2x80xi32, #tpu.memory_space<hbm>> -> memref<1x2x80xi32, #tpu.memory_space<hbm>>
      %dma_wait3A_612 = tpu.memref_squeeze %dma_wait3A_611 : memref<1x2x80xi32, #tpu.memory_space<hbm>> -> memref<2x80xi32, #tpu.memory_space<hbm>>
      %dma_wait3A_613 = arith.constant 0 : i32
      %dma_wait3A_614 = arith.constant 0 : i32
      %dma_wait3A_615 = tpu.memref_slice %arg4[%add3A_593, %dma_wait3A_613, %dma_wait3A_614] : memref<4000x2x80xi32, #tpu.memory_space<hbm>> -> memref<1x2x80xi32, #tpu.memory_space<hbm>>
      %dma_wait3A_616 = tpu.memref_squeeze %dma_wait3A_615 : memref<1x2x80xi32, #tpu.memory_space<hbm>> -> memref<2x80xi32, #tpu.memory_space<hbm>>
      tpu.wait_dma2 semaphore(%arg16 : memref<!tpu.dma_semaphore, #tpu.memory_space<semaphore_mem>>) src(%dma_wait3A_616 : memref<2x80xi32, #tpu.memory_space<hbm>>) dst(%arg8 : memref<2x80xi32, #tpu.memory_space<vmem>>)
      %dma_start3A_617 = arith.constant 0 : i32
      %dma_start3A_618 = arith.constant 0 : i32
      %dma_start3A_619 = tpu.memref_slice %arg8[%dma_start3A_617, %dma_start3A_618] : memref<2x80xi32, #tpu.memory_space<vmem>> -> memref<1x80xi32, #tpu.memory_space<vmem>>
      %dma_start3A_620 = tpu.memref_squeeze %dma_start3A_619 : memref<1x80xi32, #tpu.memory_space<vmem>> -> memref<80xi32, #tpu.memory_space<vmem>>
      %dma_start3A_621 = arith.constant 0 : i32
      %dma_start3A_622 = arith.constant 0 : i32
      %dma_start3A_623 = tpu.memref_slice %arg2[%dma_start3A_621, %dma_start3A_622] : memref<10240x128xf32, #tpu.memory_space<hbm>> -> memref<10240x128xf32, #tpu.memory_space<hbm>>
      tpu.enqueue_indirect_dma source(%dma_start3A_623 : memref<10240x128xf32, #tpu.memory_space<hbm>>) target(%arg12 : memref<80x128xf32, #tpu.memory_space<vmem>>) offsets(%dma_start3A_620 : memref<80xi32, #tpu.memory_space<vmem>>) semaphore(%arg20 : memref<!tpu.dma_semaphore, #tpu.memory_space<semaphore_mem>>)
      %dma_start3A_624 = arith.constant 1 : i32
      %dma_start3A_625 = arith.constant 0 : i32
      %dma_start3A_626 = tpu.memref_slice %arg10[%dma_start3A_624, %dma_start3A_625] : memref<2x80xi32, #tpu.memory_space<vmem>> -> memref<1x80xi32, #tpu.memory_space<vmem>>
      %dma_start3A_627 = tpu.memref_squeeze %dma_start3A_626 : memref<1x80xi32, #tpu.memory_space<vmem>> -> memref<80xi32, #tpu.memory_space<vmem>>
      %dma_start3A_628 = arith.constant 0 : i32
      %dma_start3A_629 = arith.constant 0 : i32
      %dma_start3A_630 = tpu.memref_slice %arg6[%dma_start3A_628, %dma_start3A_629] : memref<10240x128xf32, #tpu.memory_space<vmem_shared>> -> memref<10240x128xf32, #tpu.memory_space<vmem_shared>>
      tpu.enqueue_indirect_dma source(%arg14 : memref<80x128xf32, #tpu.memory_space<vmem>>) target(%dma_start3A_630 : memref<10240x128xf32, #tpu.memory_space<vmem_shared>>) offsets(%dma_start3A_627 : memref<80xi32, #tpu.memory_space<vmem>>) semaphore(%arg26 : memref<!tpu.dma_semaphore, #tpu.memory_space<semaphore_mem>>) {add = true}
    }
    %scan3A_233 = arith.constant 29 : i32
    %dma_wait3A_234 = arith.constant 1 : i32
    %dma_wait3A_235 = arith.constant 0 : i32
    %dma_wait3A_236 = tpu.memref_slice %arg9[%dma_wait3A_234, %dma_wait3A_235] : memref<2x80xi32, #tpu.memory_space<vmem>> -> memref<1x80xi32, #tpu.memory_space<vmem>>
    %dma_wait3A_237 = tpu.memref_squeeze %dma_wait3A_236 : memref<1x80xi32, #tpu.memory_space<vmem>> -> memref<80xi32, #tpu.memory_space<vmem>>
    %dma_wait3A_238 = arith.constant 0 : i32
    %dma_wait3A_239 = arith.constant 0 : i32
    %dma_wait3A_240 = tpu.memref_slice %arg6[%dma_wait3A_238, %dma_wait3A_239] : memref<10240x128xf32, #tpu.memory_space<vmem_shared>> -> memref<10240x128xf32, #tpu.memory_space<vmem_shared>>
    tpu.wait_indirect_dma semaphore(%arg25 : memref<!tpu.dma_semaphore, #tpu.memory_space<semaphore_mem>>) src(%arg13 : memref<80x128xf32, #tpu.memory_space<vmem>>) dst(%dma_wait3A_240 : memref<10240x128xf32, #tpu.memory_space<vmem_shared>>)
    %add3A_241 = arith.constant 122 : i32
    %add3A_242 = arith.addi %mul3A_2, %add3A_241 : i32
    %dma_start3A_243 = arith.constant 0 : i32
    %dma_start3A_244 = arith.constant 0 : i32
    %dma_start3A_245 = tpu.memref_slice %arg4[%add3A_242, %dma_start3A_243, %dma_start3A_244] : memref<4000x2x80xi32, #tpu.memory_space<hbm>> -> memref<1x2x80xi32, #tpu.memory_space<hbm>>
    %dma_start3A_246 = tpu.memref_squeeze %dma_start3A_245 : memref<1x2x80xi32, #tpu.memory_space<hbm>> -> memref<2x80xi32, #tpu.memory_space<hbm>>
    %dma_start3A_247 = arith.constant 0 : i32
    %dma_start3A_248 = arith.constant 0 : i32
    %dma_start3A_249 = tpu.memref_slice %arg4[%add3A_242, %dma_start3A_247, %dma_start3A_248] : memref<4000x2x80xi32, #tpu.memory_space<hbm>> -> memref<1x2x80xi32, #tpu.memory_space<hbm>>
    %dma_start3A_250 = tpu.memref_squeeze %dma_start3A_249 : memref<1x2x80xi32, #tpu.memory_space<hbm>> -> memref<2x80xi32, #tpu.memory_space<hbm>>
    tpu.enqueue_dma source(%dma_start3A_250 : memref<2x80xi32, #tpu.memory_space<hbm>>) target(%arg9 : memref<2x80xi32, #tpu.memory_space<vmem>>) target_semaphore(%arg17 : memref<!tpu.dma_semaphore, #tpu.memory_space<semaphore_mem>>)
    %dma_wait3A_251 = arith.constant 0 : i32
    %dma_wait3A_252 = arith.constant 0 : i32
    %dma_wait3A_253 = tpu.memref_slice %arg7[%dma_wait3A_251, %dma_wait3A_252] : memref<2x80xi32, #tpu.memory_space<vmem>> -> memref<1x80xi32, #tpu.memory_space<vmem>>
    %dma_wait3A_254 = tpu.memref_squeeze %dma_wait3A_253 : memref<1x80xi32, #tpu.memory_space<vmem>> -> memref<80xi32, #tpu.memory_space<vmem>>
    %dma_wait3A_255 = arith.constant 0 : i32
    %dma_wait3A_256 = arith.constant 0 : i32
    %dma_wait3A_257 = tpu.memref_slice %arg2[%dma_wait3A_255, %dma_wait3A_256] : memref<10240x128xf32, #tpu.memory_space<hbm>> -> memref<10240x128xf32, #tpu.memory_space<hbm>>
    tpu.wait_indirect_dma semaphore(%arg19 : memref<!tpu.dma_semaphore, #tpu.memory_space<semaphore_mem>>) src(%dma_wait3A_257 : memref<10240x128xf32, #tpu.memory_space<hbm>>) dst(%arg11 : memref<80x128xf32, #tpu.memory_space<vmem>>)
    %dma_wait3A_258 = arith.constant 0 : i32
    %dma_wait3A_259 = arith.constant 0 : i32
    %dma_wait3A_260 = tpu.memref_slice %arg4[%add3A_242, %dma_wait3A_258, %dma_wait3A_259] : memref<4000x2x80xi32, #tpu.memory_space<hbm>> -> memref<1x2x80xi32, #tpu.memory_space<hbm>>
    %dma_wait3A_261 = tpu.memref_squeeze %dma_wait3A_260 : memref<1x2x80xi32, #tpu.memory_space<hbm>> -> memref<2x80xi32, #tpu.memory_space<hbm>>
    %dma_wait3A_262 = arith.constant 0 : i32
    %dma_wait3A_263 = arith.constant 0 : i32
    %dma_wait3A_264 = tpu.memref_slice %arg4[%add3A_242, %dma_wait3A_262, %dma_wait3A_263] : memref<4000x2x80xi32, #tpu.memory_space<hbm>> -> memref<1x2x80xi32, #tpu.memory_space<hbm>>
    %dma_wait3A_265 = tpu.memref_squeeze %dma_wait3A_264 : memref<1x2x80xi32, #tpu.memory_space<hbm>> -> memref<2x80xi32, #tpu.memory_space<hbm>>
    tpu.wait_dma2 semaphore(%arg17 : memref<!tpu.dma_semaphore, #tpu.memory_space<semaphore_mem>>) src(%dma_wait3A_265 : memref<2x80xi32, #tpu.memory_space<hbm>>) dst(%arg9 : memref<2x80xi32, #tpu.memory_space<vmem>>)
    %dma_start3A_266 = arith.constant 0 : i32
    %dma_start3A_267 = arith.constant 0 : i32
    %dma_start3A_268 = tpu.memref_slice %arg9[%dma_start3A_266, %dma_start3A_267] : memref<2x80xi32, #tpu.memory_space<vmem>> -> memref<1x80xi32, #tpu.memory_space<vmem>>
    %dma_start3A_269 = tpu.memref_squeeze %dma_start3A_268 : memref<1x80xi32, #tpu.memory_space<vmem>> -> memref<80xi32, #tpu.memory_space<vmem>>
    %dma_start3A_270 = arith.constant 0 : i32
    %dma_start3A_271 = arith.constant 0 : i32
    %dma_start3A_272 = tpu.memref_slice %arg2[%dma_start3A_270, %dma_start3A_271] : memref<10240x128xf32, #tpu.memory_space<hbm>> -> memref<10240x128xf32, #tpu.memory_space<hbm>>
    tpu.enqueue_indirect_dma source(%dma_start3A_272 : memref<10240x128xf32, #tpu.memory_space<hbm>>) target(%arg13 : memref<80x128xf32, #tpu.memory_space<vmem>>) offsets(%dma_start3A_269 : memref<80xi32, #tpu.memory_space<vmem>>) semaphore(%arg21 : memref<!tpu.dma_semaphore, #tpu.memory_space<semaphore_mem>>)
    %dma_start3A_273 = arith.constant 1 : i32
    %dma_start3A_274 = arith.constant 0 : i32
    %dma_start3A_275 = tpu.memref_slice %arg7[%dma_start3A_273, %dma_start3A_274] : memref<2x80xi32, #tpu.memory_space<vmem>> -> memref<1x80xi32, #tpu.memory_space<vmem>>
    %dma_start3A_276 = tpu.memref_squeeze %dma_start3A_275 : memref<1x80xi32, #tpu.memory_space<vmem>> -> memref<80xi32, #tpu.memory_space<vmem>>
    %dma_start3A_277 = arith.constant 0 : i32
    %dma_start3A_278 = arith.constant 0 : i32
    %dma_start3A_279 = tpu.memref_slice %arg6[%dma_start3A_277, %dma_start3A_278] : memref<10240x128xf32, #tpu.memory_space<vmem_shared>> -> memref<10240x128xf32, #tpu.memory_space<vmem_shared>>
    tpu.enqueue_indirect_dma source(%arg11 : memref<80x128xf32, #tpu.memory_space<vmem>>) target(%dma_start3A_279 : memref<10240x128xf32, #tpu.memory_space<vmem_shared>>) offsets(%dma_start3A_276 : memref<80xi32, #tpu.memory_space<vmem>>) semaphore(%arg23 : memref<!tpu.dma_semaphore, #tpu.memory_space<semaphore_mem>>) {add = true}
    %dma_wait3A_280 = arith.constant 1 : i32
    %dma_wait3A_281 = arith.constant 0 : i32
    %dma_wait3A_282 = tpu.memref_slice %arg10[%dma_wait3A_280, %dma_wait3A_281] : memref<2x80xi32, #tpu.memory_space<vmem>> -> memref<1x80xi32, #tpu.memory_space<vmem>>
    %dma_wait3A_283 = tpu.memref_squeeze %dma_wait3A_282 : memref<1x80xi32, #tpu.memory_space<vmem>> -> memref<80xi32, #tpu.memory_space<vmem>>
    %dma_wait3A_284 = arith.constant 0 : i32
    %dma_wait3A_285 = arith.constant 0 : i32
    %dma_wait3A_286 = tpu.memref_slice %arg6[%dma_wait3A_284, %dma_wait3A_285] : memref<10240x128xf32, #tpu.memory_space<vmem_shared>> -> memref<10240x128xf32, #tpu.memory_space<vmem_shared>>
    tpu.wait_indirect_dma semaphore(%arg26 : memref<!tpu.dma_semaphore, #tpu.memory_space<semaphore_mem>>) src(%arg14 : memref<80x128xf32, #tpu.memory_space<vmem>>) dst(%dma_wait3A_286 : memref<10240x128xf32, #tpu.memory_space<vmem_shared>>)
    %add3A_287 = arith.constant 123 : i32
    %add3A_288 = arith.addi %mul3A_2, %add3A_287 : i32
    %dma_start3A_289 = arith.constant 0 : i32
    %dma_start3A_290 = arith.constant 0 : i32
    %dma_start3A_291 = tpu.memref_slice %arg4[%add3A_288, %dma_start3A_289, %dma_start3A_290] : memref<4000x2x80xi32, #tpu.memory_space<hbm>> -> memref<1x2x80xi32, #tpu.memory_space<hbm>>
    %dma_start3A_292 = tpu.memref_squeeze %dma_start3A_291 : memref<1x2x80xi32, #tpu.memory_space<hbm>> -> memref<2x80xi32, #tpu.memory_space<hbm>>
    %dma_start3A_293 = arith.constant 0 : i32
    %dma_start3A_294 = arith.constant 0 : i32
    %dma_start3A_295 = tpu.memref_slice %arg4[%add3A_288, %dma_start3A_293, %dma_start3A_294] : memref<4000x2x80xi32, #tpu.memory_space<hbm>> -> memref<1x2x80xi32, #tpu.memory_space<hbm>>
    %dma_start3A_296 = tpu.memref_squeeze %dma_start3A_295 : memref<1x2x80xi32, #tpu.memory_space<hbm>> -> memref<2x80xi32, #tpu.memory_space<hbm>>
    tpu.enqueue_dma source(%dma_start3A_296 : memref<2x80xi32, #tpu.memory_space<hbm>>) target(%arg10 : memref<2x80xi32, #tpu.memory_space<vmem>>) target_semaphore(%arg18 : memref<!tpu.dma_semaphore, #tpu.memory_space<semaphore_mem>>)
    %dma_wait3A_297 = arith.constant 0 : i32
    %dma_wait3A_298 = arith.constant 0 : i32
    %dma_wait3A_299 = tpu.memref_slice %arg8[%dma_wait3A_297, %dma_wait3A_298] : memref<2x80xi32, #tpu.memory_space<vmem>> -> memref<1x80xi32, #tpu.memory_space<vmem>>
    %dma_wait3A_300 = tpu.memref_squeeze %dma_wait3A_299 : memref<1x80xi32, #tpu.memory_space<vmem>> -> memref<80xi32, #tpu.memory_space<vmem>>
    %dma_wait3A_301 = arith.constant 0 : i32
    %dma_wait3A_302 = arith.constant 0 : i32
    %dma_wait3A_303 = tpu.memref_slice %arg2[%dma_wait3A_301, %dma_wait3A_302] : memref<10240x128xf32, #tpu.memory_space<hbm>> -> memref<10240x128xf32, #tpu.memory_space<hbm>>
    tpu.wait_indirect_dma semaphore(%arg20 : memref<!tpu.dma_semaphore, #tpu.memory_space<semaphore_mem>>) src(%dma_wait3A_303 : memref<10240x128xf32, #tpu.memory_space<hbm>>) dst(%arg12 : memref<80x128xf32, #tpu.memory_space<vmem>>)
    %dma_wait3A_304 = arith.constant 0 : i32
    %dma_wait3A_305 = arith.constant 0 : i32
    %dma_wait3A_306 = tpu.memref_slice %arg4[%add3A_288, %dma_wait3A_304, %dma_wait3A_305] : memref<4000x2x80xi32, #tpu.memory_space<hbm>> -> memref<1x2x80xi32, #tpu.memory_space<hbm>>
    %dma_wait3A_307 = tpu.memref_squeeze %dma_wait3A_306 : memref<1x2x80xi32, #tpu.memory_space<hbm>> -> memref<2x80xi32, #tpu.memory_space<hbm>>
    %dma_wait3A_308 = arith.constant 0 : i32
    %dma_wait3A_309 = arith.constant 0 : i32
    %dma_wait3A_310 = tpu.memref_slice %arg4[%add3A_288, %dma_wait3A_308, %dma_wait3A_309] : memref<4000x2x80xi32, #tpu.memory_space<hbm>> -> memref<1x2x80xi32, #tpu.memory_space<hbm>>
    %dma_wait3A_311 = tpu.memref_squeeze %dma_wait3A_310 : memref<1x2x80xi32, #tpu.memory_space<hbm>> -> memref<2x80xi32, #tpu.memory_space<hbm>>
    tpu.wait_dma2 semaphore(%arg18 : memref<!tpu.dma_semaphore, #tpu.memory_space<semaphore_mem>>) src(%dma_wait3A_311 : memref<2x80xi32, #tpu.memory_space<hbm>>) dst(%arg10 : memref<2x80xi32, #tpu.memory_space<vmem>>)
    %dma_start3A_312 = arith.constant 0 : i32
    %dma_start3A_313 = arith.constant 0 : i32
    %dma_start3A_314 = tpu.memref_slice %arg10[%dma_start3A_312, %dma_start3A_313] : memref<2x80xi32, #tpu.memory_space<vmem>> -> memref<1x80xi32, #tpu.memory_space<vmem>>
    %dma_start3A_315 = tpu.memref_squeeze %dma_start3A_314 : memref<1x80xi32, #tpu.memory_space<vmem>> -> memref<80xi32, #tpu.memory_space<vmem>>
    %dma_start3A_316 = arith.constant 0 : i32
    %dma_start3A_317 = arith.constant 0 : i32
    %dma_start3A_318 = tpu.memref_slice %arg2[%dma_start3A_316, %dma_start3A_317] : memref<10240x128xf32, #tpu.memory_space<hbm>> -> memref<10240x128xf32, #tpu.memory_space<hbm>>
    tpu.enqueue_indirect_dma source(%dma_start3A_318 : memref<10240x128xf32, #tpu.memory_space<hbm>>) target(%arg14 : memref<80x128xf32, #tpu.memory_space<vmem>>) offsets(%dma_start3A_315 : memref<80xi32, #tpu.memory_space<vmem>>) semaphore(%arg22 : memref<!tpu.dma_semaphore, #tpu.memory_space<semaphore_mem>>)
    %dma_start3A_319 = arith.constant 1 : i32
    %dma_start3A_320 = arith.constant 0 : i32
    %dma_start3A_321 = tpu.memref_slice %arg8[%dma_start3A_319, %dma_start3A_320] : memref<2x80xi32, #tpu.memory_space<vmem>> -> memref<1x80xi32, #tpu.memory_space<vmem>>
    %dma_start3A_322 = tpu.memref_squeeze %dma_start3A_321 : memref<1x80xi32, #tpu.memory_space<vmem>> -> memref<80xi32, #tpu.memory_space<vmem>>
    %dma_start3A_323 = arith.constant 0 : i32
    %dma_start3A_324 = arith.constant 0 : i32
    %dma_start3A_325 = tpu.memref_slice %arg6[%dma_start3A_323, %dma_start3A_324] : memref<10240x128xf32, #tpu.memory_space<vmem_shared>> -> memref<10240x128xf32, #tpu.memory_space<vmem_shared>>
    tpu.enqueue_indirect_dma source(%arg12 : memref<80x128xf32, #tpu.memory_space<vmem>>) target(%dma_start3A_325 : memref<10240x128xf32, #tpu.memory_space<vmem_shared>>) offsets(%dma_start3A_322 : memref<80xi32, #tpu.memory_space<vmem>>) semaphore(%arg24 : memref<!tpu.dma_semaphore, #tpu.memory_space<semaphore_mem>>) {add = true}
    %dma_wait3A_326 = arith.constant 1 : i32
    %dma_wait3A_327 = arith.constant 0 : i32
    %dma_wait3A_328 = tpu.memref_slice %arg7[%dma_wait3A_326, %dma_wait3A_327] : memref<2x80xi32, #tpu.memory_space<vmem>> -> memref<1x80xi32, #tpu.memory_space<vmem>>
    %dma_wait3A_329 = tpu.memref_squeeze %dma_wait3A_328 : memref<1x80xi32, #tpu.memory_space<vmem>> -> memref<80xi32, #tpu.memory_space<vmem>>
    %dma_wait3A_330 = arith.constant 0 : i32
    %dma_wait3A_331 = arith.constant 0 : i32
    %dma_wait3A_332 = tpu.memref_slice %arg6[%dma_wait3A_330, %dma_wait3A_331] : memref<10240x128xf32, #tpu.memory_space<vmem_shared>> -> memref<10240x128xf32, #tpu.memory_space<vmem_shared>>
    tpu.wait_indirect_dma semaphore(%arg23 : memref<!tpu.dma_semaphore, #tpu.memory_space<semaphore_mem>>) src(%arg11 : memref<80x128xf32, #tpu.memory_space<vmem>>) dst(%dma_wait3A_332 : memref<10240x128xf32, #tpu.memory_space<vmem_shared>>)
    %add3A_333 = arith.constant 124 : i32
    %add3A_334 = arith.addi %mul3A_2, %add3A_333 : i32
    %dma_start3A_335 = arith.constant 0 : i32
    %dma_start3A_336 = arith.constant 0 : i32
    %dma_start3A_337 = tpu.memref_slice %arg4[%add3A_334, %dma_start3A_335, %dma_start3A_336] : memref<4000x2x80xi32, #tpu.memory_space<hbm>> -> memref<1x2x80xi32, #tpu.memory_space<hbm>>
    %dma_start3A_338 = tpu.memref_squeeze %dma_start3A_337 : memref<1x2x80xi32, #tpu.memory_space<hbm>> -> memref<2x80xi32, #tpu.memory_space<hbm>>
    %dma_start3A_339 = arith.constant 0 : i32
    %dma_start3A_340 = arith.constant 0 : i32
    %dma_start3A_341 = tpu.memref_slice %arg4[%add3A_334, %dma_start3A_339, %dma_start3A_340] : memref<4000x2x80xi32, #tpu.memory_space<hbm>> -> memref<1x2x80xi32, #tpu.memory_space<hbm>>
    %dma_start3A_342 = tpu.memref_squeeze %dma_start3A_341 : memref<1x2x80xi32, #tpu.memory_space<hbm>> -> memref<2x80xi32, #tpu.memory_space<hbm>>
    tpu.enqueue_dma source(%dma_start3A_342 : memref<2x80xi32, #tpu.memory_space<hbm>>) target(%arg7 : memref<2x80xi32, #tpu.memory_space<vmem>>) target_semaphore(%arg15 : memref<!tpu.dma_semaphore, #tpu.memory_space<semaphore_mem>>)
    %dma_wait3A_343 = arith.constant 0 : i32
    %dma_wait3A_344 = arith.constant 0 : i32
    %dma_wait3A_345 = tpu.memref_slice %arg9[%dma_wait3A_343, %dma_wait3A_344] : memref<2x80xi32, #tpu.memory_space<vmem>> -> memref<1x80xi32, #tpu.memory_space<vmem>>
    %dma_wait3A_346 = tpu.memref_squeeze %dma_wait3A_345 : memref<1x80xi32, #tpu.memory_space<vmem>> -> memref<80xi32, #tpu.memory_space<vmem>>
    %dma_wait3A_347 = arith.constant 0 : i32
    %dma_wait3A_348 = arith.constant 0 : i32
    %dma_wait3A_349 = tpu.memref_slice %arg2[%dma_wait3A_347, %dma_wait3A_348] : memref<10240x128xf32, #tpu.memory_space<hbm>> -> memref<10240x128xf32, #tpu.memory_space<hbm>>
    tpu.wait_indirect_dma semaphore(%arg21 : memref<!tpu.dma_semaphore, #tpu.memory_space<semaphore_mem>>) src(%dma_wait3A_349 : memref<10240x128xf32, #tpu.memory_space<hbm>>) dst(%arg13 : memref<80x128xf32, #tpu.memory_space<vmem>>)
    %dma_wait3A_350 = arith.constant 0 : i32
    %dma_wait3A_351 = arith.constant 0 : i32
    %dma_wait3A_352 = tpu.memref_slice %arg4[%add3A_334, %dma_wait3A_350, %dma_wait3A_351] : memref<4000x2x80xi32, #tpu.memory_space<hbm>> -> memref<1x2x80xi32, #tpu.memory_space<hbm>>
    %dma_wait3A_353 = tpu.memref_squeeze %dma_wait3A_352 : memref<1x2x80xi32, #tpu.memory_space<hbm>> -> memref<2x80xi32, #tpu.memory_space<hbm>>
    %dma_wait3A_354 = arith.constant 0 : i32
    %dma_wait3A_355 = arith.constant 0 : i32
    %dma_wait3A_356 = tpu.memref_slice %arg4[%add3A_334, %dma_wait3A_354, %dma_wait3A_355] : memref<4000x2x80xi32, #tpu.memory_space<hbm>> -> memref<1x2x80xi32, #tpu.memory_space<hbm>>
    %dma_wait3A_357 = tpu.memref_squeeze %dma_wait3A_356 : memref<1x2x80xi32, #tpu.memory_space<hbm>> -> memref<2x80xi32, #tpu.memory_space<hbm>>
    tpu.wait_dma2 semaphore(%arg15 : memref<!tpu.dma_semaphore, #tpu.memory_space<semaphore_mem>>) src(%dma_wait3A_357 : memref<2x80xi32, #tpu.memory_space<hbm>>) dst(%arg7 : memref<2x80xi32, #tpu.memory_space<vmem>>)
    %dma_start3A_358 = arith.constant 0 : i32
    %dma_start3A_359 = arith.constant 0 : i32
    %dma_start3A_360 = tpu.memref_slice %arg7[%dma_start3A_358, %dma_start3A_359] : memref<2x80xi32, #tpu.memory_space<vmem>> -> memref<1x80xi32, #tpu.memory_space<vmem>>
    %dma_start3A_361 = tpu.memref_squeeze %dma_start3A_360 : memref<1x80xi32, #tpu.memory_space<vmem>> -> memref<80xi32, #tpu.memory_space<vmem>>
    %dma_start3A_362 = arith.constant 0 : i32
    %dma_start3A_363 = arith.constant 0 : i32
    %dma_start3A_364 = tpu.memref_slice %arg2[%dma_start3A_362, %dma_start3A_363] : memref<10240x128xf32, #tpu.memory_space<hbm>> -> memref<10240x128xf32, #tpu.memory_space<hbm>>
    tpu.enqueue_indirect_dma source(%dma_start3A_364 : memref<10240x128xf32, #tpu.memory_space<hbm>>) target(%arg11 : memref<80x128xf32, #tpu.memory_space<vmem>>) offsets(%dma_start3A_361 : memref<80xi32, #tpu.memory_space<vmem>>) semaphore(%arg19 : memref<!tpu.dma_semaphore, #tpu.memory_space<semaphore_mem>>)
    %dma_start3A_365 = arith.constant 1 : i32
    %dma_start3A_366 = arith.constant 0 : i32
    %dma_start3A_367 = tpu.memref_slice %arg9[%dma_start3A_365, %dma_start3A_366] : memref<2x80xi32, #tpu.memory_space<vmem>> -> memref<1x80xi32, #tpu.memory_space<vmem>>
    %dma_start3A_368 = tpu.memref_squeeze %dma_start3A_367 : memref<1x80xi32, #tpu.memory_space<vmem>> -> memref<80xi32, #tpu.memory_space<vmem>>
    %dma_start3A_369 = arith.constant 0 : i32
    %dma_start3A_370 = arith.constant 0 : i32
    %dma_start3A_371 = tpu.memref_slice %arg6[%dma_start3A_369, %dma_start3A_370] : memref<10240x128xf32, #tpu.memory_space<vmem_shared>> -> memref<10240x128xf32, #tpu.memory_space<vmem_shared>>
    tpu.enqueue_indirect_dma source(%arg13 : memref<80x128xf32, #tpu.memory_space<vmem>>) target(%dma_start3A_371 : memref<10240x128xf32, #tpu.memory_space<vmem_shared>>) offsets(%dma_start3A_368 : memref<80xi32, #tpu.memory_space<vmem>>) semaphore(%arg25 : memref<!tpu.dma_semaphore, #tpu.memory_space<semaphore_mem>>) {add = true}
    %dma_wait3A_372 = arith.constant 0 : i32
    %dma_wait3A_373 = arith.constant 0 : i32
    %dma_wait3A_374 = tpu.memref_slice %arg10[%dma_wait3A_372, %dma_wait3A_373] : memref<2x80xi32, #tpu.memory_space<vmem>> -> memref<1x80xi32, #tpu.memory_space<vmem>>
    %dma_wait3A_375 = tpu.memref_squeeze %dma_wait3A_374 : memref<1x80xi32, #tpu.memory_space<vmem>> -> memref<80xi32, #tpu.memory_space<vmem>>
    %dma_wait3A_376 = arith.constant 0 : i32
    %dma_wait3A_377 = arith.constant 0 : i32
    %dma_wait3A_378 = tpu.memref_slice %arg2[%dma_wait3A_376, %dma_wait3A_377] : memref<10240x128xf32, #tpu.memory_space<hbm>> -> memref<10240x128xf32, #tpu.memory_space<hbm>>
    tpu.wait_indirect_dma semaphore(%arg22 : memref<!tpu.dma_semaphore, #tpu.memory_space<semaphore_mem>>) src(%dma_wait3A_378 : memref<10240x128xf32, #tpu.memory_space<hbm>>) dst(%arg14 : memref<80x128xf32, #tpu.memory_space<vmem>>)
    %dma_start3A_379 = arith.constant 1 : i32
    %dma_start3A_380 = arith.constant 0 : i32
    %dma_start3A_381 = tpu.memref_slice %arg10[%dma_start3A_379, %dma_start3A_380] : memref<2x80xi32, #tpu.memory_space<vmem>> -> memref<1x80xi32, #tpu.memory_space<vmem>>
    %dma_start3A_382 = tpu.memref_squeeze %dma_start3A_381 : memref<1x80xi32, #tpu.memory_space<vmem>> -> memref<80xi32, #tpu.memory_space<vmem>>
    %dma_start3A_383 = arith.constant 0 : i32
    %dma_start3A_384 = arith.constant 0 : i32
    %dma_start3A_385 = tpu.memref_slice %arg6[%dma_start3A_383, %dma_start3A_384] : memref<10240x128xf32, #tpu.memory_space<vmem_shared>> -> memref<10240x128xf32, #tpu.memory_space<vmem_shared>>
    tpu.enqueue_indirect_dma source(%arg14 : memref<80x128xf32, #tpu.memory_space<vmem>>) target(%dma_start3A_385 : memref<10240x128xf32, #tpu.memory_space<vmem_shared>>) offsets(%dma_start3A_382 : memref<80xi32, #tpu.memory_space<vmem>>) semaphore(%arg26 : memref<!tpu.dma_semaphore, #tpu.memory_space<semaphore_mem>>) {add = true}
    %dma_wait3A_386 = arith.constant 0 : i32
    %dma_wait3A_387 = arith.constant 0 : i32
    %dma_wait3A_388 = tpu.memref_slice %arg7[%dma_wait3A_386, %dma_wait3A_387] : memref<2x80xi32, #tpu.memory_space<vmem>> -> memref<1x80xi32, #tpu.memory_space<vmem>>
    %dma_wait3A_389 = tpu.memref_squeeze %dma_wait3A_388 : memref<1x80xi32, #tpu.memory_space<vmem>> -> memref<80xi32, #tpu.memory_space<vmem>>
    %dma_wait3A_390 = arith.constant 0 : i32
    %dma_wait3A_391 = arith.constant 0 : i32
    %dma_wait3A_392 = tpu.memref_slice %arg2[%dma_wait3A_390, %dma_wait3A_391] : memref<10240x128xf32, #tpu.memory_space<hbm>> -> memref<10240x128xf32, #tpu.memory_space<hbm>>
    tpu.wait_indirect_dma semaphore(%arg19 : memref<!tpu.dma_semaphore, #tpu.memory_space<semaphore_mem>>) src(%dma_wait3A_392 : memref<10240x128xf32, #tpu.memory_space<hbm>>) dst(%arg11 : memref<80x128xf32, #tpu.memory_space<vmem>>)
    %dma_start3A_393 = arith.constant 1 : i32
    %dma_start3A_394 = arith.constant 0 : i32
    %dma_start3A_395 = tpu.memref_slice %arg7[%dma_start3A_393, %dma_start3A_394] : memref<2x80xi32, #tpu.memory_space<vmem>> -> memref<1x80xi32, #tpu.memory_space<vmem>>
    %dma_start3A_396 = tpu.memref_squeeze %dma_start3A_395 : memref<1x80xi32, #tpu.memory_space<vmem>> -> memref<80xi32, #tpu.memory_space<vmem>>
    %dma_start3A_397 = arith.constant 0 : i32
    %dma_start3A_398 = arith.constant 0 : i32
    %dma_start3A_399 = tpu.memref_slice %arg6[%dma_start3A_397, %dma_start3A_398] : memref<10240x128xf32, #tpu.memory_space<vmem_shared>> -> memref<10240x128xf32, #tpu.memory_space<vmem_shared>>
    tpu.enqueue_indirect_dma source(%arg11 : memref<80x128xf32, #tpu.memory_space<vmem>>) target(%dma_start3A_399 : memref<10240x128xf32, #tpu.memory_space<vmem_shared>>) offsets(%dma_start3A_396 : memref<80xi32, #tpu.memory_space<vmem>>) semaphore(%arg23 : memref<!tpu.dma_semaphore, #tpu.memory_space<semaphore_mem>>) {add = true}
    %dma_wait3A_400 = arith.constant 1 : i32
    %dma_wait3A_401 = arith.constant 0 : i32
    %dma_wait3A_402 = tpu.memref_slice %arg8[%dma_wait3A_400, %dma_wait3A_401] : memref<2x80xi32, #tpu.memory_space<vmem>> -> memref<1x80xi32, #tpu.memory_space<vmem>>
    %dma_wait3A_403 = tpu.memref_squeeze %dma_wait3A_402 : memref<1x80xi32, #tpu.memory_space<vmem>> -> memref<80xi32, #tpu.memory_space<vmem>>
    %dma_wait3A_404 = arith.constant 0 : i32
    %dma_wait3A_405 = arith.constant 0 : i32
    %dma_wait3A_406 = tpu.memref_slice %arg6[%dma_wait3A_404, %dma_wait3A_405] : memref<10240x128xf32, #tpu.memory_space<vmem_shared>> -> memref<10240x128xf32, #tpu.memory_space<vmem_shared>>
    tpu.wait_indirect_dma semaphore(%arg24 : memref<!tpu.dma_semaphore, #tpu.memory_space<semaphore_mem>>) src(%arg12 : memref<80x128xf32, #tpu.memory_space<vmem>>) dst(%dma_wait3A_406 : memref<10240x128xf32, #tpu.memory_space<vmem_shared>>)
    %dma_wait3A_407 = arith.constant 1 : i32
    %dma_wait3A_408 = arith.constant 0 : i32
    %dma_wait3A_409 = tpu.memref_slice %arg9[%dma_wait3A_407, %dma_wait3A_408] : memref<2x80xi32, #tpu.memory_space<vmem>> -> memref<1x80xi32, #tpu.memory_space<vmem>>
    %dma_wait3A_410 = tpu.memref_squeeze %dma_wait3A_409 : memref<1x80xi32, #tpu.memory_space<vmem>> -> memref<80xi32, #tpu.memory_space<vmem>>
    %dma_wait3A_411 = arith.constant 0 : i32
    %dma_wait3A_412 = arith.constant 0 : i32
    %dma_wait3A_413 = tpu.memref_slice %arg6[%dma_wait3A_411, %dma_wait3A_412] : memref<10240x128xf32, #tpu.memory_space<vmem_shared>> -> memref<10240x128xf32, #tpu.memory_space<vmem_shared>>
    tpu.wait_indirect_dma semaphore(%arg25 : memref<!tpu.dma_semaphore, #tpu.memory_space<semaphore_mem>>) src(%arg13 : memref<80x128xf32, #tpu.memory_space<vmem>>) dst(%dma_wait3A_413 : memref<10240x128xf32, #tpu.memory_space<vmem_shared>>)
    %dma_wait3A_414 = arith.constant 1 : i32
    %dma_wait3A_415 = arith.constant 0 : i32
    %dma_wait3A_416 = tpu.memref_slice %arg10[%dma_wait3A_414, %dma_wait3A_415] : memref<2x80xi32, #tpu.memory_space<vmem>> -> memref<1x80xi32, #tpu.memory_space<vmem>>
    %dma_wait3A_417 = tpu.memref_squeeze %dma_wait3A_416 : memref<1x80xi32, #tpu.memory_space<vmem>> -> memref<80xi32, #tpu.memory_space<vmem>>
    %dma_wait3A_418 = arith.constant 0 : i32
    %dma_wait3A_419 = arith.constant 0 : i32
    %dma_wait3A_420 = tpu.memref_slice %arg6[%dma_wait3A_418, %dma_wait3A_419] : memref<10240x128xf32, #tpu.memory_space<vmem_shared>> -> memref<10240x128xf32, #tpu.memory_space<vmem_shared>>
    tpu.wait_indirect_dma semaphore(%arg26 : memref<!tpu.dma_semaphore, #tpu.memory_space<semaphore_mem>>) src(%arg14 : memref<80x128xf32, #tpu.memory_space<vmem>>) dst(%dma_wait3A_420 : memref<10240x128xf32, #tpu.memory_space<vmem_shared>>)
    %dma_wait3A_421 = arith.constant 1 : i32
    %dma_wait3A_422 = arith.constant 0 : i32
    %dma_wait3A_423 = tpu.memref_slice %arg7[%dma_wait3A_421, %dma_wait3A_422] : memref<2x80xi32, #tpu.memory_space<vmem>> -> memref<1x80xi32, #tpu.memory_space<vmem>>
    %dma_wait3A_424 = tpu.memref_squeeze %dma_wait3A_423 : memref<1x80xi32, #tpu.memory_space<vmem>> -> memref<80xi32, #tpu.memory_space<vmem>>
    %dma_wait3A_425 = arith.constant 0 : i32
    %dma_wait3A_426 = arith.constant 0 : i32
    %dma_wait3A_427 = tpu.memref_slice %arg6[%dma_wait3A_425, %dma_wait3A_426] : memref<10240x128xf32, #tpu.memory_space<vmem_shared>> -> memref<10240x128xf32, #tpu.memory_space<vmem_shared>>
    tpu.wait_indirect_dma semaphore(%arg23 : memref<!tpu.dma_semaphore, #tpu.memory_space<semaphore_mem>>) src(%arg11 : memref<80x128xf32, #tpu.memory_space<vmem>>) dst(%dma_wait3A_427 : memref<10240x128xf32, #tpu.memory_space<vmem_shared>>)
    %barrier3A_428 = arith.constant 0 : index
    tpu.barrier barrier_id(%barrier3A_428)
    %mul3A_429 = arith.constant 10240 : i32
    %mul3A_430 = arith.muli %arg0, %mul3A_429 : i32
    %add3A_431 = arith.addi %mul3A_430, %mul3A_4 : i32
    "tpu.region"() ({
      %run_scoped3A = tpu.sem_alloc : memref<!tpu.dma_semaphore, #tpu.memory_space<semaphore_mem>>
      %dma_start3A_432 = arith.constant 0 : i32
      %dma_start3A_433 = tpu.memref_slice %arg5[%add3A_431, %dma_start3A_432] : memref<20480x128xf32, #tpu.memory_space<hbm>> -> memref<640x128xf32, #tpu.memory_space<hbm>>
      %dma_start3A_434 = arith.constant 0 : i32
      %dma_start3A_435 = tpu.memref_slice %arg6[%mul3A_4, %dma_start3A_434] : memref<10240x128xf32, #tpu.memory_space<vmem_shared>> -> memref<640x128xf32, #tpu.memory_space<vmem_shared>>
      tpu.enqueue_dma source(%dma_start3A_435 : memref<640x128xf32, #tpu.memory_space<vmem_shared>>) target(%dma_start3A_433 : memref<640x128xf32, #tpu.memory_space<hbm>>) target_semaphore(%run_scoped3A : memref<!tpu.dma_semaphore, #tpu.memory_space<semaphore_mem>>)
      %dma_wait3A_436 = arith.constant 0 : i32
      %dma_wait3A_437 = tpu.memref_slice %arg5[%add3A_431, %dma_wait3A_436] : memref<20480x128xf32, #tpu.memory_space<hbm>> -> memref<640x128xf32, #tpu.memory_space<hbm>>
      %dma_wait3A_438 = arith.constant 0 : i32
      %dma_wait3A_439 = tpu.memref_slice %arg6[%mul3A_4, %dma_wait3A_438] : memref<10240x128xf32, #tpu.memory_space<vmem_shared>> -> memref<640x128xf32, #tpu.memory_space<vmem_shared>>
      tpu.wait_dma2 semaphore(%run_scoped3A : memref<!tpu.dma_semaphore, #tpu.memory_space<semaphore_mem>>) src(%dma_wait3A_439 : memref<640x128xf32, #tpu.memory_space<vmem_shared>>) dst(%dma_wait3A_437 : memref<640x128xf32, #tpu.memory_space<hbm>>)
      tpu.yield
    }) : () -> ()
    return
  }
}

module attributes {stable_mosaic.version = 14 : i64} {
  func.func @_front_body(%arg0: i32, %arg1: memref<1000x128xf32, #tpu.memory_space<vmem>>, %arg2: memref<128x128xf32, #tpu.memory_space<vmem>>, %arg3: memref<128x128xf32, #tpu.memory_space<vmem>>, %arg4: memref<1x128xf32, #tpu.memory_space<vmem>>, %arg5: memref<1000x128xf32, #tpu.memory_space<vmem>>, %arg6: memref<1000x128xf32, #tpu.memory_space<vmem>>) attributes {dimension_semantics = [#tpu.dimension_semantics<arbitrary>], iteration_bounds = array<i64: 10>, scalar_prefetch = 0 : i64, scratch_operands = 0 : i64, tpu.core_type = #tpu.core_type<tc>, window_params = [{transform_indices = @transform_0, window_bounds = array<i64: 1000, 128>}, {pipeline_mode = #tpu.pipeline_mode<synchronous>, transform_indices = @transform_1, window_bounds = array<i64: 128, 128>}, {pipeline_mode = #tpu.pipeline_mode<synchronous>, transform_indices = @transform_2, window_bounds = array<i64: 128, 128>}, {pipeline_mode = #tpu.pipeline_mode<synchronous>, transform_indices = @transform_3, window_bounds = array<i64: 1, 128>}, {transform_indices = @transform_4, window_bounds = array<i64: 1000, 128>}, {transform_indices = @transform_5, window_bounds = array<i64: 1000, 128>}]} {
    %get3A = arith.constant 0 : index
    %get3A_0 = arith.constant 0 : index
    %get3A_1 = vector.load %arg1[%get3A, %get3A_0] : memref<1000x128xf32, #tpu.memory_space<vmem>>, vector<1000x128xf32>
    %get3A_2 = arith.constant 0 : index
    %get3A_3 = arith.constant 0 : index
    %get3A_4 = vector.load %arg2[%get3A_2, %get3A_3] : memref<128x128xf32, #tpu.memory_space<vmem>>, vector<128x128xf32>
    %dot_general3A = arith.constant dense<0.000000e+00> : vector<1000x128xf32>
    %dot_general3A_5 = tpu.matmul %get3A_1, %get3A_4, %dot_general3A {dimension_numbers = #tpu.dot_dimension_numbers<[1], [0], [0], [1], [0, 0, 1, 1], [], []>, transpose_lhs_hint = false} : vector<1000x128xf32>, vector<128x128xf32>, vector<1000x128xf32> -> vector<1000x128xf32>
    %swap3A = arith.constant 0 : index
    %swap3A_6 = arith.constant 0 : index
    %swap3A_7 = vector.load %arg5[%swap3A, %swap3A_6] : memref<1000x128xf32, #tpu.memory_space<vmem>>, vector<1000x128xf32>
    tpu.vector_store %arg5[%swap3A, %swap3A_6], %dot_general3A_5 {strides = array<i32>} : memref<1000x128xf32, #tpu.memory_space<vmem>>, vector<1000x128xf32>,
    %get3A_8 = arith.constant 0 : index
    %get3A_9 = arith.constant 0 : index
    %get3A_10 = vector.load %arg3[%get3A_8, %get3A_9] : memref<128x128xf32, #tpu.memory_space<vmem>>, vector<128x128xf32>
    %dot_general3A_11 = arith.constant dense<0.000000e+00> : vector<1000x128xf32>
    %dot_general3A_12 = tpu.matmul %get3A_1, %get3A_10, %dot_general3A_11 {dimension_numbers = #tpu.dot_dimension_numbers<[1], [0], [0], [1], [0, 0, 1, 1], [], []>, transpose_lhs_hint = false} : vector<1000x128xf32>, vector<128x128xf32>, vector<1000x128xf32> -> vector<1000x128xf32>
    %get3A_13 = arith.constant 0 : index
    %get3A_14 = arith.constant 0 : index
    %get3A_15 = vector.load %arg4[%get3A_13, %get3A_14] : memref<1x128xf32, #tpu.memory_space<vmem>>, vector<1x128xf32>
    %add3A = vector.broadcast %get3A_15 : vector<1x128xf32> to vector<1000x128xf32>
    %add3A_16 = arith.addf %dot_general3A_12, %add3A : vector<1000x128xf32>
    %mul3A = arith.constant 5.000000e-01 : f32
    %mul3A_17 = vector.broadcast %mul3A : f32 to vector<1000x128xf32>
    %mul3A_18 = arith.mulf %mul3A_17, %add3A_16 : vector<1000x128xf32>
    %swap3A_19 = arith.constant 0 : index
    %swap3A_20 = arith.constant 0 : index
    %swap3A_21 = vector.load %arg6[%swap3A_19, %swap3A_20] : memref<1000x128xf32, #tpu.memory_space<vmem>>, vector<1000x128xf32>
    tpu.vector_store %arg6[%swap3A_19, %swap3A_20], %mul3A_18 {strides = array<i32>} : memref<1000x128xf32, #tpu.memory_space<vmem>>, vector<1000x128xf32>,
    return
  }
  func.func @transform_0(%arg0: i32) -> (i32, i32) {
    %c0_i32 = arith.constant 0 : i32
    %c0_i32_0 = arith.constant 0 : i32
    return %arg0, %c0_i32 : i32, i32
  }
  func.func @transform_1(%arg0: i32) -> (i32, i32) {
    %c0_i32 = arith.constant 0 : i32
    %c0_i32_0 = arith.constant 0 : i32
    %c0_i32_1 = arith.constant 0 : i32
    return %c0_i32, %c0_i32_0 : i32, i32
  }
  func.func @transform_2(%arg0: i32) -> (i32, i32) {
    %c0_i32 = arith.constant 0 : i32
    %c0_i32_0 = arith.constant 0 : i32
    %c0_i32_1 = arith.constant 0 : i32
    return %c0_i32, %c0_i32_0 : i32, i32
  }
  func.func @transform_3(%arg0: i32) -> (i32, i32) {
    %c0_i32 = arith.constant 0 : i32
    %c0_i32_0 = arith.constant 0 : i32
    %c0_i32_1 = arith.constant 0 : i32
    return %c0_i32, %c0_i32_0 : i32, i32
  }
  func.func @transform_4(%arg0: i32) -> (i32, i32) {
    %c0_i32 = arith.constant 0 : i32
    %c0_i32_0 = arith.constant 0 : i32
    return %arg0, %c0_i32 : i32, i32
  }
  func.func @transform_5(%arg0: i32) -> (i32, i32) {
    %c0_i32 = arith.constant 0 : i32
    %c0_i32_0 = arith.constant 0 : i32
    return %arg0, %c0_i32 : i32, i32
  }
}

module attributes {stable_mosaic.version = 14 : i64} {
  func.func @_mid_body(%arg0: i32, %arg1: memref<1024x128xf32, #tpu.memory_space<vmem>>, %arg2: memref<1024x128xf32, #tpu.memory_space<vmem>>, %arg3: memref<128x128xf32, #tpu.memory_space<vmem>>, %arg4: memref<128x128xf32, #tpu.memory_space<vmem>>, %arg5: memref<1x128xf32, #tpu.memory_space<vmem>>, %arg6: memref<1024x128xf32, #tpu.memory_space<vmem>>, %arg7: memref<1024x128xf32, #tpu.memory_space<vmem>>) attributes {dimension_semantics = [#tpu.dimension_semantics<arbitrary>], iteration_bounds = array<i64: 10>, scalar_prefetch = 0 : i64, scratch_operands = 0 : i64, tpu.core_type = #tpu.core_type<tc>, window_params = [{transform_indices = @transform_0, window_bounds = array<i64: 1024, 128>}, {transform_indices = @transform_1, window_bounds = array<i64: 1024, 128>}, {pipeline_mode = #tpu.pipeline_mode<synchronous>, transform_indices = @transform_2, window_bounds = array<i64: 128, 128>}, {pipeline_mode = #tpu.pipeline_mode<synchronous>, transform_indices = @transform_3, window_bounds = array<i64: 128, 128>}, {pipeline_mode = #tpu.pipeline_mode<synchronous>, transform_indices = @transform_4, window_bounds = array<i64: 1, 128>}, {transform_indices = @transform_5, window_bounds = array<i64: 1024, 128>}, {transform_indices = @transform_6, window_bounds = array<i64: 1024, 128>}]} {
    %get3A = arith.constant 0 : index
    %get3A_0 = arith.constant 0 : index
    %get3A_1 = vector.load %arg1[%get3A, %get3A_0] : memref<1024x128xf32, #tpu.memory_space<vmem>>, vector<1024x128xf32>
    %get3A_2 = arith.constant 0 : index
    %get3A_3 = arith.constant 0 : index
    %get3A_4 = vector.load %arg2[%get3A_2, %get3A_3] : memref<1024x128xf32, #tpu.memory_space<vmem>>, vector<1024x128xf32>
    %add3A = arith.addf %get3A_1, %get3A_4 : vector<1024x128xf32>
    %max3A = arith.constant 0.000000e+00 : f32
    %max3A_5 = vector.broadcast %max3A : f32 to vector<1024x128xf32>
    %max3A_6 = arith.maximumf %add3A, %max3A_5 : vector<1024x128xf32>
    %get3A_7 = arith.constant 0 : index
    %get3A_8 = arith.constant 0 : index
    %get3A_9 = vector.load %arg3[%get3A_7, %get3A_8] : memref<128x128xf32, #tpu.memory_space<vmem>>, vector<128x128xf32>
    %dot_general3A = arith.constant dense<0.000000e+00> : vector<1024x128xf32>
    %dot_general3A_10 = tpu.matmul %max3A_6, %get3A_9, %dot_general3A {dimension_numbers = #tpu.dot_dimension_numbers<[1], [0], [0], [1], [0, 0, 1, 1], [], []>, transpose_lhs_hint = false} : vector<1024x128xf32>, vector<128x128xf32>, vector<1024x128xf32> -> vector<1024x128xf32>
    %swap3A = arith.constant 0 : index
    %swap3A_11 = arith.constant 0 : index
    %swap3A_12 = vector.load %arg6[%swap3A, %swap3A_11] : memref<1024x128xf32, #tpu.memory_space<vmem>>, vector<1024x128xf32>
    tpu.vector_store %arg6[%swap3A, %swap3A_11], %dot_general3A_10 {strides = array<i32>} : memref<1024x128xf32, #tpu.memory_space<vmem>>, vector<1024x128xf32>,
    %get3A_13 = arith.constant 0 : index
    %get3A_14 = arith.constant 0 : index
    %get3A_15 = vector.load %arg4[%get3A_13, %get3A_14] : memref<128x128xf32, #tpu.memory_space<vmem>>, vector<128x128xf32>
    %dot_general3A_16 = arith.constant dense<0.000000e+00> : vector<1024x128xf32>
    %dot_general3A_17 = tpu.matmul %max3A_6, %get3A_15, %dot_general3A_16 {dimension_numbers = #tpu.dot_dimension_numbers<[1], [0], [0], [1], [0, 0, 1, 1], [], []>, transpose_lhs_hint = false} : vector<1024x128xf32>, vector<128x128xf32>, vector<1024x128xf32> -> vector<1024x128xf32>
    %get3A_18 = arith.constant 0 : index
    %get3A_19 = arith.constant 0 : index
    %get3A_20 = vector.load %arg5[%get3A_18, %get3A_19] : memref<1x128xf32, #tpu.memory_space<vmem>>, vector<1x128xf32>
    %add3A_21 = vector.broadcast %get3A_20 : vector<1x128xf32> to vector<1024x128xf32>
    %add3A_22 = arith.addf %dot_general3A_17, %add3A_21 : vector<1024x128xf32>
    %mul3A = arith.constant 5.000000e-01 : f32
    %mul3A_23 = vector.broadcast %mul3A : f32 to vector<1024x128xf32>
    %mul3A_24 = arith.mulf %mul3A_23, %add3A_22 : vector<1024x128xf32>
    %swap3A_25 = arith.constant 0 : index
    %swap3A_26 = arith.constant 0 : index
    %swap3A_27 = vector.load %arg7[%swap3A_25, %swap3A_26] : memref<1024x128xf32, #tpu.memory_space<vmem>>, vector<1024x128xf32>
    tpu.vector_store %arg7[%swap3A_25, %swap3A_26], %mul3A_24 {strides = array<i32>} : memref<1024x128xf32, #tpu.memory_space<vmem>>, vector<1024x128xf32>,
    return
  }
  func.func @transform_0(%arg0: i32) -> (i32, i32) {
    %c0_i32 = arith.constant 0 : i32
    %c0_i32_0 = arith.constant 0 : i32
    return %arg0, %c0_i32 : i32, i32
  }
  func.func @transform_1(%arg0: i32) -> (i32, i32) {
    %add3A = arith.constant 10 : i32
    %add3A_0 = arith.addi %arg0, %add3A : i32
    %c0_i32 = arith.constant 0 : i32
    %c0_i32_1 = arith.constant 0 : i32
    return %add3A_0, %c0_i32 : i32, i32
  }
  func.func @transform_2(%arg0: i32) -> (i32, i32) {
    %c0_i32 = arith.constant 0 : i32
    %c0_i32_0 = arith.constant 0 : i32
    %c0_i32_1 = arith.constant 0 : i32
    return %c0_i32, %c0_i32_0 : i32, i32
  }
  func.func @transform_3(%arg0: i32) -> (i32, i32) {
    %c0_i32 = arith.constant 0 : i32
    %c0_i32_0 = arith.constant 0 : i32
    %c0_i32_1 = arith.constant 0 : i32
    return %c0_i32, %c0_i32_0 : i32, i32
  }
  func.func @transform_4(%arg0: i32) -> (i32, i32) {
    %c0_i32 = arith.constant 0 : i32
    %c0_i32_0 = arith.constant 0 : i32
    %c0_i32_1 = arith.constant 0 : i32
    return %c0_i32, %c0_i32_0 : i32, i32
  }
  func.func @transform_5(%arg0: i32) -> (i32, i32) {
    %c0_i32 = arith.constant 0 : i32
    %c0_i32_0 = arith.constant 0 : i32
    return %arg0, %c0_i32 : i32, i32
  }
  func.func @transform_6(%arg0: i32) -> (i32, i32) {
    %c0_i32 = arith.constant 0 : i32
    %c0_i32_0 = arith.constant 0 : i32
    return %arg0, %c0_i32 : i32, i32
  }
}

module attributes {stable_mosaic.version = 14 : i64} {
  func.func @_pool_body(%arg0: i32, %arg1: memref<1024x128xf32, #tpu.memory_space<vmem>>, %arg2: memref<1024x128xf32, #tpu.memory_space<vmem>>, %arg3: memref<1x1x1024xi32, #tpu.memory_space<vmem>>, %arg4: memref<64x16xf32, #tpu.memory_space<vmem>>, %arg5: memref<64x16xf32, #tpu.memory_space<vmem>>) attributes {dimension_semantics = [#tpu.dimension_semantics<arbitrary>], iteration_bounds = array<i64: 10>, scalar_prefetch = 0 : i64, scratch_operands = 1 : i64, tpu.core_type = #tpu.core_type<tc>, window_params = [{transform_indices = @transform_0, window_bounds = array<i64: 1024, 128>}, {transform_indices = @transform_1, window_bounds = array<i64: 1024, 128>}, {transform_indices = @transform_2, window_bounds = array<i64: 1, 1, 1024>}, {pipeline_mode = #tpu.pipeline_mode<synchronous>, transform_indices = @transform_3, window_bounds = array<i64: 64, 16>}]} {
    %get3A = arith.constant 0 : index
    %get3A_0 = arith.constant 0 : index
    %get3A_1 = vector.load %arg1[%get3A, %get3A_0] : memref<1024x128xf32, #tpu.memory_space<vmem>>, vector<1024x128xf32>
    %get3A_2 = arith.constant 0 : index
    %get3A_3 = arith.constant 0 : index
    %get3A_4 = vector.load %arg2[%get3A_2, %get3A_3] : memref<1024x128xf32, #tpu.memory_space<vmem>>, vector<1024x128xf32>
    %add3A = arith.addf %get3A_1, %get3A_4 : vector<1024x128xf32>
    %slice3A = vector.extract_strided_slice %add3A {offsets = [0, 0], sizes = [1024, 16], strides = [1, 1]} : vector<1024x128xf32> to vector<1024x16xf32>
    %get3A_5 = arith.constant 0 : index
    %get3A_6 = arith.constant 0 : index
    %get3A_7 = arith.constant 0 : index
    %get3A_8 = vector.load %arg3[%get3A_5, %get3A_6, %get3A_7] : memref<1x1x1024xi32, #tpu.memory_space<vmem>>, vector<1x1x1024xi32>
    %get3A_9 = vector.shape_cast %get3A_8 : vector<1x1x1024xi32> to vector<1024xi32>
    %broadcast_in_dim3A = vector.shape_cast %get3A_9 : vector<1024xi32> to vector<1024x1xi32>
    %iota3A = tpu.iota {dimensions = array<i32: 1>} : vector<1024x64xi32>
    %eq3A = vector.broadcast %broadcast_in_dim3A : vector<1024x1xi32> to vector<1024x64xi32>
    %eq3A_10 = arith.cmpi eq, %eq3A, %iota3A : vector<1024x64xi32>
    %convert_element_type3A = arith.extui %eq3A_10 : vector<1024x64xi1> to vector<1024x64xi32>
    %convert_element_type3A_11 = arith.sitofp %convert_element_type3A : vector<1024x64xi32> to vector<1024x64xf32>
    %dot_general3A = arith.constant dense<0.000000e+00> : vector<64x16xf32>
    %dot_general3A_12 = tpu.matmul %convert_element_type3A_11, %slice3A, %dot_general3A {dimension_numbers = #tpu.dot_dimension_numbers<[0], [0], [1], [1], [0, 1, 1, 1], [], []>, transpose_lhs_hint = false} : vector<1024x64xf32>, vector<1024x16xf32>, vector<64x16xf32> -> vector<64x16xf32>
    %broadcast_in_dim3A_13 = arith.constant 1.000000e+00 : f32
    %broadcast_in_dim3A_14 = vector.broadcast %broadcast_in_dim3A_13 : f32 to vector<1024x16xf32>
    %dot_general3A_15 = arith.constant dense<0.000000e+00> : vector<64x16xf32>
    %dot_general3A_16 = tpu.matmul %convert_element_type3A_11, %broadcast_in_dim3A_14, %dot_general3A_15 {dimension_numbers = #tpu.dot_dimension_numbers<[0], [0], [1], [1], [0, 1, 1, 1], [], []>, transpose_lhs_hint = false} : vector<1024x64xf32>, vector<1024x16xf32>, vector<64x16xf32> -> vector<64x16xf32>
    %eq3A_17 = arith.constant 0 : i32
    %eq3A_18 = arith.cmpi eq, %arg0, %eq3A_17 : i32
    %convert_element_type3A_19 = arith.extui %eq3A_18 : i1 to i32
    %cond3A = arith.constant 0 : i32
    %cond3A_20 = arith.cmpi ne, %convert_element_type3A_19, %cond3A : i32
    scf.if %cond3A_20 {
      %swap3A = arith.constant 0 : index
      %swap3A_30 = arith.constant 0 : index
      %swap3A_31 = vector.load %arg4[%swap3A, %swap3A_30] : memref<64x16xf32, #tpu.memory_space<vmem>>, vector<64x16xf32>
      tpu.vector_store %arg4[%swap3A, %swap3A_30], %dot_general3A_12 {strides = array<i32>} : memref<64x16xf32, #tpu.memory_space<vmem>>, vector<64x16xf32>,
      %swap3A_32 = arith.constant 0 : index
      %swap3A_33 = arith.constant 0 : index
      %swap3A_34 = vector.load %arg5[%swap3A_32, %swap3A_33] : memref<64x16xf32, #tpu.memory_space<vmem>>, vector<64x16xf32>
      tpu.vector_store %arg5[%swap3A_32, %swap3A_33], %dot_general3A_16 {strides = array<i32>} : memref<64x16xf32, #tpu.memory_space<vmem>>, vector<64x16xf32>,
    } else {
    }
    %gt3A = arith.constant 0 : i32
    %gt3A_21 = arith.cmpi sgt, %arg0, %gt3A : i32
    %convert_element_type3A_22 = arith.extui %gt3A_21 : i1 to i32
    %cond3A_23 = arith.constant 0 : i32
    %cond3A_24 = arith.cmpi ne, %convert_element_type3A_22, %cond3A_23 : i32
    scf.if %cond3A_24 {
      %get3A_30 = arith.constant 0 : index
      %get3A_31 = arith.constant 0 : index
      %get3A_32 = vector.load %arg4[%get3A_30, %get3A_31] : memref<64x16xf32, #tpu.memory_space<vmem>>, vector<64x16xf32>
      %add3A_33 = arith.addf %get3A_32, %dot_general3A_12 : vector<64x16xf32>
      %swap3A = arith.constant 0 : index
      %swap3A_34 = arith.constant 0 : index
      %swap3A_35 = vector.load %arg4[%swap3A, %swap3A_34] : memref<64x16xf32, #tpu.memory_space<vmem>>, vector<64x16xf32>
      tpu.vector_store %arg4[%swap3A, %swap3A_34], %add3A_33 {strides = array<i32>} : memref<64x16xf32, #tpu.memory_space<vmem>>, vector<64x16xf32>,
      %get3A_36 = arith.constant 0 : index
      %get3A_37 = arith.constant 0 : index
      %get3A_38 = vector.load %arg5[%get3A_36, %get3A_37] : memref<64x16xf32, #tpu.memory_space<vmem>>, vector<64x16xf32>
      %add3A_39 = arith.addf %get3A_38, %dot_general3A_16 : vector<64x16xf32>
      %swap3A_40 = arith.constant 0 : index
      %swap3A_41 = arith.constant 0 : index
      %swap3A_42 = vector.load %arg5[%swap3A_40, %swap3A_41] : memref<64x16xf32, #tpu.memory_space<vmem>>, vector<64x16xf32>
      tpu.vector_store %arg5[%swap3A_40, %swap3A_41], %add3A_39 {strides = array<i32>} : memref<64x16xf32, #tpu.memory_space<vmem>>, vector<64x16xf32>,
    } else {
    }
    %eq3A_25 = arith.constant 9 : i32
    %eq3A_26 = arith.cmpi eq, %arg0, %eq3A_25 : i32
    %convert_element_type3A_27 = arith.extui %eq3A_26 : i1 to i32
    %cond3A_28 = arith.constant 0 : i32
    %cond3A_29 = arith.cmpi ne, %convert_element_type3A_27, %cond3A_28 : i32
    scf.if %cond3A_29 {
      %get3A_30 = arith.constant 0 : index
      %get3A_31 = arith.constant 0 : index
      %get3A_32 = vector.load %arg4[%get3A_30, %get3A_31] : memref<64x16xf32, #tpu.memory_space<vmem>>, vector<64x16xf32>
      %get3A_33 = arith.constant 0 : index
      %get3A_34 = arith.constant 0 : index
      %get3A_35 = vector.load %arg5[%get3A_33, %get3A_34] : memref<64x16xf32, #tpu.memory_space<vmem>>, vector<64x16xf32>
      %max3A = arith.constant 1.000000e+00 : f32
      %max3A_36 = vector.broadcast %max3A : f32 to vector<64x16xf32>
      %max3A_37 = arith.maximumf %get3A_35, %max3A_36 : vector<64x16xf32>
      %div3A = arith.divf %get3A_32, %max3A_37 : vector<64x16xf32>
      %swap3A = arith.constant 0 : index
      %swap3A_38 = arith.constant 0 : index
      %swap3A_39 = vector.load %arg4[%swap3A, %swap3A_38] : memref<64x16xf32, #tpu.memory_space<vmem>>, vector<64x16xf32>
      tpu.vector_store %arg4[%swap3A, %swap3A_38], %div3A {strides = array<i32>} : memref<64x16xf32, #tpu.memory_space<vmem>>, vector<64x16xf32>,
    } else {
    }
    return
  }
  func.func @transform_0(%arg0: i32) -> (i32, i32) {
    %c0_i32 = arith.constant 0 : i32
    %c0_i32_0 = arith.constant 0 : i32
    return %arg0, %c0_i32 : i32, i32
  }
  func.func @transform_1(%arg0: i32) -> (i32, i32) {
    %add3A = arith.constant 10 : i32
    %add3A_0 = arith.addi %arg0, %add3A : i32
    %c0_i32 = arith.constant 0 : i32
    %c0_i32_1 = arith.constant 0 : i32
    return %add3A_0, %c0_i32 : i32, i32
  }
  func.func @transform_2(%arg0: i32) -> (i32, i32, i32) {
    %c0_i32 = arith.constant 0 : i32
    %c0_i32_0 = arith.constant 0 : i32
    %c0_i32_1 = arith.constant 0 : i32
    return %arg0, %c0_i32, %c0_i32_0 : i32, i32, i32
  }
  func.func @transform_3(%arg0: i32) -> (i32, i32) {
    %c0_i32 = arith.constant 0 : i32
    %c0_i32_0 = arith.constant 0 : i32
    %c0_i32_1 = arith.constant 0 : i32
    return %c0_i32, %c0_i32_0 : i32, i32
  }
}

</mosaic_0001>

<sc_bundles>
// kernel: kernel.12.cloned.1.call-start
scs
__scs_entry_jumppad:
0x0: {  	(pc) =	sbr.rel $0x88, $3  }
0x1: {  	(tag) =	ssettag $0x0;
	lr =	simm.s32 $0x1  }
0x2: {  	[smem:$0x3F95] =	sst lr;
	_ =	strace $0xD0000000  }
0x3: {  	_ = 	snop  }
0x4: {  	_ = 	snop  }
0x5: {  	_ = 	snop  }
0x6: {  	_ = 	snop  }
0x7: {  	_ = 	snop  }
__scs_overlays_trampoline_lowered:
0x8: {  	[smem:$0x3FA4] =	sst s0  }
0x9: {  	[smem:$0x3FA5] =	sst s1  }
0xa: {  	[smem:$0x3FA6] =	sst s2  }
0xb: {  	[smem:$0x3FA7] =	sst s3  }
0xc: {  	[smem:$0x3FA8] =	sst s4  }
0xd: {  	[smem:$0x3FA9] =	sst s5  }
0xe: {  	[smem:$0x3FAA] =	sst s6  }
0xf: {  	[smem:$0x3FAB] =	sst s7  }
0x10: {  	[smem:$0x3FAC] =	sst s8  }
0x11: {  	[smem:$0x3FAD] =	sst s9;
	s0 =	simm.s32 @!p0 $0x0  }
0x12: {  	s1 =	sld [smem:$0x3F93];
	s0 =	simm.s32 @p0 $0x1  }
0x13: {  	[smem:$0x3FAE] =	sst s0;
	s0 =	simm.s32 @!p1 $0x0  }
0x14: {  	s2 =	sld [smem:$0x3F92];
	s0 =	simm.s32 @p1 $0x1  }
0x15: {  	[smem:$0x3FAF] =	sst s0;
	s0 =	simm.s32 @!p2 $0x0  }
0x16: {  	s3 =	sld [smem:$0x3FDB];
	s0 =	simm.s32 @p2 $0x1  }
0x17: {  	s4 =	simm.s32 $0x1BF5;
	[smem:$0x3FB1] =	sst s0  }
0x18: {  	s0 =	sld [smem:$0x3F94];
	_ =	swait.ge [sflag:s4], $0x0  }
0x19: {  	s7 =	sld [smem:$0x3F95]  }
0x1a: {  	s8 =	sadd.s32 $0xFFFFE003, lr  }
0x1b: {  	s9 =	sadd.s32 $0xFFFFFEF7, lr;
	s5 =	simm.s32 $0xFFFFFFFF;
	p2 =	slt.u32 s8, $0xFFFFF086  }
0x1c: {  	p1 =	slt.u32 s9, $0xF7A;
	s5 =	simm.s32 @!p2 $0x0  }
0x1d: {  	s5 =	simm.s32 @p1 $0x1;
	p0 =	seq.s32 s7, s2  }
0x1e: {  	s7 =	smul.u32 @!p0 $0xF7A, s2;
	p2 =	seq.s32 @!p0 s5, $0x0  }
0x1f: {  	s9 =	smul.u32 $0xF7A, s1;
	s8 =	simm.s32 @!p0 $0x1BF5;
	p2 =	por !p2, p0  }
0x20: {  	[sflag:s8] =	ssyncset.s32 @!p0 $0xFFFFF086;
	s6 =	sadd.s32 @!p0 s3, s7;
	s7 =	simm.s32 @!p0 $0x108  }
0x21: {  	s3 =	sadd.s32 s3, s9;
	s6 =	sadd.s32 @!p0 $0x88, s6;
	s7 =	simm.s32 @p2 $0x1082  }
0x22: {  	[simem:s7], [sflag:s8] =	dma.local @!p0 [hbm:s6], $0xF7A  }
0x23: {  	s9 =	sor.u32 $0xD0000000, s2;
	s6 =	simm.s32 $0x108;
	_ =	swait.ge @!p0 [sflag:s8], $0x0  }
0x24: {  	s3 =	sadd.s32 $0x88, s3;
	s6 =	simm.s32 @!p1 $0x1082;
	[sflag:s4] =	ssyncset.s32 $0xFFFFF086  }
0x25: {  	[simem:s6], [sflag:s4] =	dma.local [hbm:s3], $0xF7A  }
0x26: {  	[smem:$0x3F95] =	sst s1;
	(tag) =	ssettag s2;
	_ =	strace s9  }
0x27: {  	s1 =	sld [smem:$0x3FA5]  }
0x28: {  	s2 =	sld [smem:$0x3FA6]  }
0x29: {  	s4 =	sld [smem:$0x3FA8]  }
0x2a: {  	p0 =	seq.s32 s5, $0x0;
	s5 =	sld [smem:$0x3FA9]  }
0x2b: {  	s6 =	sld [smem:$0x3FAA]  }
0x2c: {  	s7 =	sld [smem:$0x3FAB]  }
0x2d: {  	s3 =	simm.s32 $0x108;
	s8 =	sld [smem:$0x3FAC]  }
0x2e: {  	s3 =	simm.s32 @!p0 $0x1082;
	s9 =	sld [smem:$0x3FAD]  }
0x2f: {  	lr =	sadd.s32 s0, s3;
	s0 =	sld [smem:$0x3FA4]  }
0x30: {  	s3 =	sld [smem:$0x3FA7]  }
0x31: {  	[smem:$0x3FB0] =	sst s10  }
0x32: {  	s10 =	sld [smem:$0x3FAE];
	_ =	sdelay $0x3  }
0x33: {  	p0 =	seq.s32 s10, $0x1;
	s10 =	sld [smem:$0x3FB0];
	_ =	sdelay $0x3  }
0x34: {  	[smem:$0x3FB0] =	sst s10  }
0x35: {  	s10 =	sld [smem:$0x3FAF];
	_ =	sdelay $0x3  }
0x36: {  	p1 =	seq.s32 s10, $0x1;
	s10 =	sld [smem:$0x3FB0];
	_ =	sdelay $0x3  }
0x37: {  	[smem:$0x3FB0] =	sst s10  }
0x38: {  	s10 =	sld [smem:$0x3FB1]  }
0x39: {  	_ = 	snop;
	(pc) =	sbr.ind lr, $3  }
0x3a: {  	_ = 	snop  }
0x3b: {  	_ = 	snop  }
0x3c: {  	p2 =	seq.s32 s10, $0x1;
	s10 =	sld [smem:$0x3FB0]  }
0x3d: {  	_ =	shalt  }
0x3e: {  	_ =	shalt  }
0x3f: {  	_ =	shalt  }
0x40: {  	_ =	shalt  }
0x41: {  	_ =	shalt  }
0x42: {  	_ =	shalt  }
0x43: {  	_ =	shalt  }
0x44: {  	_ =	shalt  }
0x45: {  	_ =	shalt  }
0x46: {  	_ =	shalt  }
0x47: {  	_ =	shalt  }
0x48: {  	_ =	shalt  }
0x49: {  	_ =	shalt  }
0x4a: {  	_ =	shalt  }
0x4b: {  	_ =	shalt  }
0x4c: {  	_ =	shalt  }
0x4d: {  	_ =	shalt  }
0x4e: {  	_ =	shalt  }
0x4f: {  	_ =	shalt  }
0x50: {  	_ =	shalt  }
0x51: {  	_ =	shalt  }
0x52: {  	_ =	shalt  }
0x53: {  	_ =	shalt  }
0x54: {  	_ =	shalt  }
0x55: {  	_ =	shalt  }
0x56: {  	_ =	shalt  }
0x57: {  	_ =	shalt  }
0x58: {  	_ =	shalt  }
0x59: {  	_ =	shalt  }
0x5a: {  	_ =	shalt  }
0x5b: {  	_ =	shalt  }
0x5c: {  	_ =	shalt  }
0x5d: {  	_ =	shalt  }
0x5e: {  	_ =	shalt  }
0x5f: {  	_ =	shalt  }
0x60: {  	_ =	shalt  }
0x61: {  	_ =	shalt  }
0x62: {  	_ =	shalt  }
0x63: {  	_ =	shalt  }
0x64: {  	_ =	shalt  }
0x65: {  	_ =	shalt  }
0x66: {  	_ =	shalt  }
0x67: {  	_ =	shalt  }
0x68: {  	_ =	shalt  }
0x69: {  	_ =	shalt  }
0x6a: {  	_ =	shalt  }
0x6b: {  	_ =	shalt  }
0x6c: {  	_ =	shalt  }
0x6d: {  	_ =	shalt  }
0x6e: {  	_ =	shalt  }
0x6f: {  	_ =	shalt  }
0x70: {  	_ =	shalt  }
0x71: {  	_ =	shalt  }
0x72: {  	_ =	shalt  }
0x73: {  	_ =	shalt  }
0x74: {  	_ =	shalt  }
0x75: {  	_ =	shalt  }
0x76: {  	_ =	shalt  }
0x77: {  	_ =	shalt  }
0x78: {  	_ =	shalt  }
0x79: {  	_ =	shalt  }
0x7a: {  	_ =	shalt  }
0x7b: {  	_ =	shalt  }
0x7c: {  	_ =	shalt  }
0x7d: {  	_ =	shalt  }
0x7e: {  	_ =	shalt  }
0x7f: {  	_ =	shalt  }
0x80: {  	_ =	shalt  }
0x81: {  	_ =	shalt  }
0x82: {  	_ =	shalt  }
0x83: {  	_ =	shalt  }
0x84: {  	_ =	shalt  }
0x85: {  	_ =	shalt  }
0x86: {  	_ =	shalt  }
0x87: {  	_ =	shalt  }
.Lfunc_end0:
.L_simem_size_0:
called_computation.1_lowered:
.L_overlay_start_0:
0x88: {  	s2 =	sld [smem:$0x3FD9]  }
0x89: {  	s3 =	sld [smem:$0x3FFE];
	_ =	sdelay $0x1  }
0x8a: {  	s1 =	srdreg.scid  }
0x8b: {  	s0 =	sand.u32 $0x1, s1  }
0x8c: {  	s16 =	sshll.u32 s0, $0xA;
	s2 =	sadd.s32 s3, s2  }
0x8d: {  	s2 =	sadd.s32 s2, s16  }
0x8e: {  	[smem:$0x3FBC] =	sst s2  }
0x8f: {  	_ = 	snop  }
0x90: {  	(tm) =	ssettm $0x1  }
0x91: {  	s17 =	sld [smem:$0x3FFB];
	_ =	sdelay $0x3  }
0x92: {  	_ =	strace s17  }
0x93: {  	s2 =	sld [smem:$0x3FFC];
	_ =	sdelay $0x3  }
0x94: {  	_ =	strace s2  }
0x95: {  	s2 =	sld [smem:$0x3FFD];
	_ =	sdelay $0x3  }
0x96: {  	_ =	strace s2  }
0x97: {  	_ =	strace $0x8FFFFFFF  }
0x98: {  	s18 =	sld [smem:$0x3FDB];
	_ =	sdelay $0x1  }
0x99: {  	s19 =	simm.s32 $_scs_section_size  }
0x9a: {  	s4 =	simm.s32 $_size__tile_overlayer_lowered;
	s5 =	simm.s32 $_tile_overlayer_lowered  }
0x9b: {  	s22 =	simm.s32 $0x1BFF;
	s21 =	sshll.u32 s5, $0x1;
	s2 =	sadd.s32 s19, s18  }
0x9c: {  	s6 =	simm.s32 $0x0;
	s20 =	sshll.u32 s4, $0x1;
	s4 =	sadd.s32 s21, s2  }
0x9d: {  	[timem:s6], [sflag:s22] =	dma.local [hbm:s4], s20  }
0x9e: {  	_ =	swait.ge [sflag:s22], s20  }
0x9f: {  	s3 =	ssub.s32 $0x0, s20;
	[sflag:s22] =	ssyncset.done $0x0  }
0xa0: {  	[sflag:s22] =	ssyncadd.s32 s3;
	_ =	sdelay $0x1  }
0xa1: {  	s23 =	simm.s32 $0x1B8B  }
0xa2: {  	_ =	swait.ge [sflag:s23], $0x1  }
0xa3: {  	[sflag:s23] =	ssyncset.done $0x0  }
0xa4: {  	s25 =	simm.s32 $0x1B8E;
	s24 =	sld [smem:$0x3FFE];
	[sflag:s23] =	ssyncadd.s32 $0xFFFFFFFF  }
0xa5: {  	s26 =	simm.s32 $execute0_lowered;
	[smem:$0x3FD2] =	sst s25  }
0xa6: {  	s4 =	sshll.u32 s26, $0x1;
	_ =	strace $0x80000049;
	[dreg:$0x1] =	wrdreg $0xFFFFFFFF  }
0xa7: {  	s28 =	simm.s32 $_size_execute0_lowered;
	s2 =	sadd.s32 s2, s4;
	[dreg:$0x0] =	wrdreg $0x0  }
0xa8: {  	s4 =	sshll.u32 s28, $0x1;
	[dreg:$0x2] =	wrdreg s2  }
0xa9: {  	[dreg:$0x3] =	wrdreg s4  }
0xaa: {  	[dreg:$0x4] =	wrdreg $0xC0  }
0xab: {  	_ =	task [dreg:s6], $0x5FFFF  }
0xac: {  	[dreg:$0x1] =	wrdreg $0xFFFFFFFF  }
0xad: {  	[dreg:$0x0] =	wrdreg $0x60  }
0xae: {  	[dreg:$0x2] =	wrdreg s24  }
0xaf: {  	[dreg:$0x3] =	wrdreg $0x0  }
0xb0: {  	[dreg:$0x4] =	wrdreg $0x9  }
0xb1: {  	_ =	task.clear_ibuf [dreg:s6], $0x5FFFF;
	_ =	strace $0x90000049  }
0xb2: {  	s29 =	simm.s32 $0x9;
	_ =	strace $0x8000004B  }
0xb3: {  	_ =	swait.ge [sflag:s29], $0x1  }
0xb4: {  	[sflag:s29] =	ssyncadd.s32 $0xFFFFFFFF  }
0xb5: {  	_ =	strace $0x9000004B  }
0xb6: {  	_ =	sfence  }
0xb7: {  	s30 =	sld [smem:$0x0];
	_ =	sdelay $0x2  }
0xb8: {  	s31 =	sshll.u32 s1, $0xD;
	s1 =	sshrl.u32 s1, $0x2  }
0xb9: {  	s3 =	sand.u32 $0x4000, s31;
	s1 =	sadd.s32 s1, s30  }
0xba: {  	s0 =	sor.u32 s3, s0;
	s1 =	sshll.u32 s1, $0x11  }
0xbb: {  	s0 =	sor.u32 s1, s0  }
0xbc: {  	s0 =	sadd.s32 $0x8F2B, s0  }
0xbd: {  	[sflag:s0] =	ssyncadd.remote.s32 $0x1  }
0xbe: {  	_ =	sfence.sel $0xFFFF  }
0xbf: {  	[dreg:$0x0] =	wrdreg $0xFFFFFFFF;
	(pc) =	sbr.abs _section_cstart, $3  }
0xc0: {  	[dreg:$0x1] =	wrdreg $0xFFFFFFFF  }
0xc1: {  	_ =	task.clear_ibuf [dreg:s6], $0x2FFFF;
	_ =	strace $0x9FFFFFFF  }
0xc2: {  	(tm) =	ssettm $0x7FFFFFFF  }
0xc3: {  	_ =	shalt  }
tec
execute0_lowered:
.L_overlay_start_1:
0x0: {  	(tag) =	ssettag $0x1  }
0x1: {  	s0 =	rddreg [dreg:$0x0]  }
0x2: {  	s2 =	rddreg [dreg:$0x1];
	s3 =	simm.s32 $0x0;
	s13 =	stileid.u32  }
0x3: {  	s1 =	srdreg.scid;
	s28 =	simm.s32 $0x14200;
	s29 =	simm.s32 $0x5  }
0x4: {  	s30 =	simm.s32 $0x3;
	s31 =	simm.s32 $0x19400;
	s5 =	smul.u32 $0x2800, s13  }
0x5: {  	[smem:$0x7FF] =	sst s3;
	s1 =	sand.u32 $0x1, s1;
	s25 =	smul.u32 $0x50000, s13  }
0x6: {  	s4 =	sadd.s32 $0x22C00, s0;
	s8 =	sadd.s32 $0x3800, s0;
	s26 =	smul.u32 $0x7D, s13  }
0x7: {  	p0 =	seq.s32 s13, $0xF;
	_ =	strace $0x8000004A;
	s6 =	smul.u32 $0x28000, s1  }
0x8: {  	s9 =	sshll.u32 s1, $0x4;
	s10 =	ssub.s32 $0x2, s1;
	s1 =	smul.u32 $0x7D0, s1  }
0x9: {  	s7 =	sadd.s32 s5, s0;
	s24 =	sor.u32 s13, s9;
	s12 =	sshrl.u32 s10, $0x1  }
0xa: {  	s9 =	sshrl.u32 s25, $0x2;
	s13 =	simm.s32 $0xA;
	s11 =	smul.u32 $0xFA0, s24  }
0xb: {  	s5 =	sadd.s32 s5, s6;
	s6 =	smul.u32 $0x7D00, s24;
	s9 =	sadd.s32 s9, s2  }
0xc: {  	s10 =	ssub.s32 s10, s12;
	s7 =	sadd.s32 $0x4AC00, s7;
	[dreg:$0x7] =	wrdreg s9  }
0xd: {  	s1 =	sadd.s32 s26, s1;
	s5 =	sadd.s32 s5, s0;
	[dreg:$0x8] =	wrdreg s7  }
0xe: {  	s9 =	sadd.s32 $0x12C000, s2;
	s0 =	sadd.s32 $0x70400, s0;
	s1 =	sshll.u32 s1, $0x5  }
0xf: {  	s26 =	smax.u32 s10, $0x1;
	s7 =	simm.s32 $0x4;
	[dreg:$0x9] =	wrdreg s0  }
0x10: {  	s10 =	simm.s32 $0x9;
	s14 =	sadd.s32 s8, s11;
	[dreg:$0x14] =	wrdreg s26  }
0x11: {  	s1 =	sadd.s32 s8, s1;
	s5 =	sadd.s32 $0x72C00, s5;
	[dreg:$0xa] =	wrdreg s14  }
0x12: {  	s6 =	sshrl.u32 s6, $0x3;
	s22 =	sadd.s32 $0x120, s1;
	[dreg:$0x13] =	wrdreg s5  }
0x13: {  	s26 =	simm.s32 $0x16C00;
	s23 =	sadd.s32 $0x100, s1;
	[dreg:$0x3] =	wrdreg s22  }
0x14: {  	s11 =	simm.s32 $0x7;
	s24 =	sadd.s32 $0xE0, s1;
	[dreg:$0x4] =	wrdreg s23  }
0x15: {  	s12 =	sadd.s32 s8, s6;
	s25 =	sadd.s32 $0xC0, s1;
	[dreg:$0x5] =	wrdreg s24  }
0x16: {  	s6 =	simm.s32 $0x14300;
	s15 =	sadd.s32 $0x20, s12;
	[dreg:$0x6] =	wrdreg s25  }
0x17: {  	s1 =	simm.s32 $0x6;
	s16 =	sadd.s32 $0x40, s12;
	[dreg:$0xb] =	wrdreg s15  }
0x18: {  	s8 =	simm.s32 $0x1BC00;
	s17 =	sadd.s32 $0x60, s12;
	[dreg:$0xc] =	wrdreg s16  }
0x19: {  	s14 =	simm.s32 $0x8;
	s18 =	sadd.s32 $0x80, s12;
	[dreg:$0xd] =	wrdreg s17  }
0x1a: {  	s19 =	sadd.s32 $0xA0, s12;
	s20 =	sadd.s32 $0xF40, s12;
	[dreg:$0xe] =	wrdreg s18  }
0x1b: {  	s21 =	sadd.s32 $0xF60, s12;
	s0 =	sadd.s32 $0xF80, s12;
	[dreg:$0xf] =	wrdreg s19  }
0x1c: {  	s22 =	simm.s32 $0x50;
	s23 =	simm.s32 $0x14400;
	[dreg:$0x10] =	wrdreg s20  }
0x1d: {  	s24 =	simm.s32 $0x14100;
	s25 =	simm.s32 $0x2;
	[dreg:$0x11] =	wrdreg s21  }
0x1e: {  	s12 =	simm.s32 $0x14280;
	[dreg:$0x12] =	wrdreg s0;
	s0 =	sshrl.u32 @p0 s9, $0x3  }
0x1f: {  	s20 =	simm.s32 $0x14000;
	s21 =	simm.s32 $0x1;
	s9 =	simm.s32 $0x14180  }
0x20: {  	s15 =	simm.s32 $0x14380;
	s16 =	simm.s32 $0xB;
	s17 =	simm.s32 $0xC  }
0x21: {  	s19 =	simm.s32 $0x0;
	[dreg:$0x15] =	wrdreg s0;
	s0 =	simm.s32 $0x14080  }
.LBB2_1:
0x22: {  	[dreg:$0x16] =	wrdreg s19  }
0x23: {  	s18 =	rddreg [dreg:$0x9]  }
0x24: {  	s5 =	simm.s32 @p0 $0x1FCD;
	s19 =	rddreg [dreg:$0x15]  }
0x25: {  	[spmem:s19], [sflag:s5] =	dma.local @p0 [hbm:s18], $0x1900  }
0x26: {  	s5 =	simm.s32 @p0 $0xD  }
0x27: {  	s18 =	stileid.u32;
	_ =	swait.ge @p0 [sflag:s5], $0x1900  }
0x28: {  	s18 =	sshll.u32 @!p0 s18, $0x6;
	[sflag:s5] =	ssyncset.done @p0 $0x0  }
0x29: {  	[sflag:s5] =	ssyncadd.s32 @p0 $0xFFFFE700;
	s5 =	sor.u32 @!p0 $0x1C0D, s18;
	s18 =	rddreg [dreg:$0x7]  }
0x2a: {  	s19 =	rddreg [dreg:$0x8];
	s18 =	sshrl.u32 @!p0 s18, $0x3  }
0x2b: {  	[spmem:s18], [sflag:s5] =	dma.local @!p0 [hbm:s19], $0x2800  }
0x2c: {  	s5 =	simm.s32 @!p0 $0xD  }
0x2d: {  	_ =	swait.ge @!p0 [sflag:s5], $0x2800  }
0x2e: {  	[sflag:s5] =	ssyncset.done @!p0 $0x0  }
0x2f: {  	[sflag:s5] =	ssyncadd.s32 @!p0 $0xFFFFD800  }
0x30: {  	[bflag:$0x0] =	sbarrier.arrive $0xFFFF  }
0x31: {  	s18 =	rddreg [dreg:$0xa]  }
0x32: {  	[tilespmem:s20], [sflag:$0x1] =	stream.linear.gather [hbm4b:s18+s3], $0x100, $0x38;
	[tilespmem:$0x1E400] =	vst v63  }
0x33: {  	_ =	swait.ge [sflag:s21], $0x100  }
0x34: {  	[sflag:s21] =	ssyncset.done $0x0  }
0x35: {  	[sflag:s21] =	ssyncadd.s32 $0xFFFFFF00  }
0x36: {  	[tilespmem:s23], [sflag:$0x5] =	stream.indirect.gather [hbm4b:s4+s22], $0x80, s20, s22, $0xb8;
	[tilespmem:$0x1E400] =	vst v63  }
0x37: {  	s19 =	rddreg [dreg:$0xb]  }
0x38: {  	[tilespmem:s24], [sflag:$0x2] =	stream.linear.gather [hbm4b:s19+s3], $0x100, $0x38;
	[tilespmem:$0x1E400] =	vst v63  }
0x39: {  	_ =	swait.ge [sflag:s25], $0x100  }
0x3a: {  	[sflag:s25] =	ssyncset.done $0x0  }
0x3b: {  	[sflag:s25] =	ssyncadd.s32 $0xFFFFFF00  }
0x3c: {  	[tilespmem:s26], [sflag:$0x6] =	stream.indirect.gather [hbm4b:s4+s22], $0x80, s24, s22, $0xb8;
	[tilespmem:$0x1E400] =	vst v63  }
0x3d: {  	s18 =	rddreg [dreg:$0xc]  }
0x3e: {  	[tilespmem:s28], [sflag:$0x3] =	stream.linear.gather [hbm4b:s18+s3], $0x100, $0x38;
	[tilespmem:$0x1E400] =	vst v63  }
0x3f: {  	_ =	swait.ge [sflag:s29], $0x2800  }
0x40: {  	[sflag:s29] =	ssyncset.done $0x0  }
0x41: {  	[sflag:s29] =	ssyncadd.s32 $0xFFFFD800  }
0x42: {  	_ =	swait.ge [sflag:s30], $0x100  }
0x43: {  	[sflag:s30] =	ssyncset.done $0x0  }
0x44: {  	[sflag:s30] =	ssyncadd.s32 $0xFFFFFF00  }
0x45: {  	[tilespmem:s31], [sflag:$0x7] =	stream.indirect.gather [hbm4b:s4+s22], $0x80, s28, s22, $0xb8;
	[tilespmem:$0x1E400] =	vst v63  }
0x46: {  	_ = 	snop  }
0x47: {  	[spmem:s2] =	stream.indirect.scatter.add.f32 [tilespmem:s23], [sflag:$0x9], $0x80, s0, s22, $0xb8;
	[tilespmem:$0x1E400] =	vst v63  }
0x48: {  	s19 =	rddreg [dreg:$0xd]  }
0x49: {  	[tilespmem:s6], [sflag:$0x4] =	stream.linear.gather [hbm4b:s19+s3], $0x100, $0x38;
	[tilespmem:$0x1E400] =	vst v63  }
0x4a: {  	_ =	swait.ge [sflag:s1], $0x2800  }
0x4b: {  	[sflag:s1] =	ssyncset.done $0x0  }
0x4c: {  	[sflag:s1] =	ssyncadd.s32 $0xFFFFD800  }
0x4d: {  	_ =	swait.ge [sflag:s7], $0x100  }
0x4e: {  	[sflag:s7] =	ssyncset.done $0x0  }
0x4f: {  	[sflag:s7] =	ssyncadd.s32 $0xFFFFFF00  }
0x50: {  	[tilespmem:s8], [sflag:$0x8] =	stream.indirect.gather [hbm4b:s4+s22], $0x80, s6, s22, $0xb8;
	[tilespmem:$0x1E400] =	vst v63  }
0x51: {  	_ = 	snop  }
0x52: {  	[spmem:s2] =	stream.indirect.scatter.add.f32 [tilespmem:s26], [sflag:$0xA], $0x80, s9, s22, $0xb8;
	[tilespmem:$0x1E400] =	vst v63  }
0x53: {  	_ =	swait.ge [sflag:s10], $0x2800  }
0x54: {  	[sflag:s10] =	ssyncset.done $0x0  }
0x55: {  	s18 =	rddreg [dreg:$0xe];
	[sflag:s10] =	ssyncadd.s32 $0xFFFFD800  }
0x56: {  	[tilespmem:s20], [sflag:$0x1] =	stream.linear.gather [hbm4b:s18+s3], $0x100, $0x38;
	[tilespmem:$0x1E400] =	vst v63  }
0x57: {  	_ =	swait.ge [sflag:s11], $0x2800  }
0x58: {  	[sflag:s11] =	ssyncset.done $0x0  }
0x59: {  	[sflag:s11] =	ssyncadd.s32 $0xFFFFD800  }
0x5a: {  	_ =	swait.ge [sflag:s21], $0x100  }
0x5b: {  	[sflag:s21] =	ssyncset.done $0x0  }
0x5c: {  	[sflag:s21] =	ssyncadd.s32 $0xFFFFFF00  }
0x5d: {  	[tilespmem:s23], [sflag:$0x5] =	stream.indirect.gather [hbm4b:s4+s22], $0x80, s20, s22, $0xb8;
	[tilespmem:$0x1E400] =	vst v63  }
0x5e: {  	_ = 	snop  }
0x5f: {  	[spmem:s2] =	stream.indirect.scatter.add.f32 [tilespmem:s31], [sflag:$0xB], $0x80, s12, s22, $0xb8;
	[tilespmem:$0x1E400] =	vst v63  }
0x60: {  	_ =	swait.ge [sflag:s13], $0x2800  }
0x61: {  	[sflag:s13] =	ssyncset.done $0x0  }
0x62: {  	s19 =	rddreg [dreg:$0xf];
	[sflag:s13] =	ssyncadd.s32 $0xFFFFD800  }
0x63: {  	[tilespmem:s24], [sflag:$0x2] =	stream.linear.gather [hbm4b:s19+s3], $0x100, $0x38;
	[tilespmem:$0x1E400] =	vst v63  }
0x64: {  	_ =	swait.ge [sflag:s14], $0x2800  }
0x65: {  	[sflag:s14] =	ssyncset.done $0x0  }
0x66: {  	[sflag:s14] =	ssyncadd.s32 $0xFFFFD800  }
0x67: {  	_ =	swait.ge [sflag:s25], $0x100  }
0x68: {  	[sflag:s25] =	ssyncset.done $0x0  }
0x69: {  	[sflag:s25] =	ssyncadd.s32 $0xFFFFFF00  }
0x6a: {  	[tilespmem:s26], [sflag:$0x6] =	stream.indirect.gather [hbm4b:s4+s22], $0x80, s24, s22, $0xb8;
	[tilespmem:$0x1E400] =	vst v63  }
0x6b: {  	_ = 	snop  }
0x6c: {  	[spmem:s2] =	stream.indirect.scatter.add.f32 [tilespmem:s8], [sflag:$0xC], $0x80, s15, s22, $0xb8;
	[tilespmem:$0x1E400] =	vst v63  }
0x6d: {  	_ =	swait.ge [sflag:s16], $0x2800  }
0x6e: {  	s18 =	rddreg [dreg:$0x6];
	[sflag:s16] =	ssyncset.done $0x0  }
0x6f: {  	[sflag:s16] =	ssyncadd.s32 $0xFFFFD800;
	s5 =	sadd.s32 $0x0, s18  }
0x70: {  	[tilespmem:s28], [sflag:$0x3] =	stream.linear.gather [hbm4b:s5+s3], $0x100, $0x38;
	[tilespmem:$0x1E400] =	vst v63  }
0x71: {  	_ =	swait.ge [sflag:s29], $0x2800  }
0x72: {  	[sflag:s29] =	ssyncset.done $0x0  }
0x73: {  	[sflag:s29] =	ssyncadd.s32 $0xFFFFD800  }
0x74: {  	_ =	swait.ge [sflag:s30], $0x100  }
0x75: {  	[sflag:s30] =	ssyncset.done $0x0  }
0x76: {  	[sflag:s30] =	ssyncadd.s32 $0xFFFFFF00  }
0x77: {  	[tilespmem:s31], [sflag:$0x7] =	stream.indirect.gather [hbm4b:s4+s22], $0x80, s28, s22, $0xb8;
	[tilespmem:$0x1E400] =	vst v63  }
0x78: {  	_ = 	snop  }
0x79: {  	[spmem:s2] =	stream.indirect.scatter.add.f32 [tilespmem:s23], [sflag:$0x9], $0x80, s0, s22, $0xb8;
	[tilespmem:$0x1E400] =	vst v63  }
0x7a: {  	_ =	swait.ge [sflag:s17], $0x2800  }
0x7b: {  	s19 =	rddreg [dreg:$0x5];
	[sflag:s17] =	ssyncset.done $0x0  }
0x7c: {  	[sflag:s17] =	ssyncadd.s32 $0xFFFFD800;
	s5 =	sadd.s32 $0x0, s19  }
0x7d: {  	[tilespmem:s6], [sflag:$0x4] =	stream.linear.gather [hbm4b:s5+s3], $0x100, $0x38;
	[tilespmem:$0x1E400] =	vst v63  }
0x7e: {  	_ =	swait.ge [sflag:s1], $0x2800  }
0x7f: {  	[sflag:s1] =	ssyncset.done $0x0  }
0x80: {  	[sflag:s1] =	ssyncadd.s32 $0xFFFFD800  }
0x81: {  	_ =	swait.ge [sflag:s7], $0x100  }
0x82: {  	[sflag:s7] =	ssyncset.done $0x0  }
0x83: {  	[sflag:s7] =	ssyncadd.s32 $0xFFFFFF00  }
0x84: {  	[tilespmem:s8], [sflag:$0x8] =	stream.indirect.gather [hbm4b:s4+s22], $0x80, s6, s22, $0xb8;
	[tilespmem:$0x1E400] =	vst v63  }
0x85: {  	_ = 	snop  }
0x86: {  	[spmem:s2] =	stream.indirect.scatter.add.f32 [tilespmem:s26], [sflag:$0xA], $0x80, s9, s22, $0xb8;
	[tilespmem:$0x1E400] =	vst v63  }
0x87: {  	_ =	swait.ge [sflag:s10], $0x2800  }
0x88: {  	s18 =	rddreg [dreg:$0x4];
	[sflag:s10] =	ssyncset.done $0x0  }
0x89: {  	[sflag:s10] =	ssyncadd.s32 $0xFFFFD800;
	s5 =	sadd.s32 $0x0, s18  }
0x8a: {  	[tilespmem:s20], [sflag:$0x1] =	stream.linear.gather [hbm4b:s5+s3], $0x100, $0x38;
	[tilespmem:$0x1E400] =	vst v63  }
0x8b: {  	_ =	swait.ge [sflag:s11], $0x2800  }
0x8c: {  	[sflag:s11] =	ssyncset.done $0x0  }
0x8d: {  	[sflag:s11] =	ssyncadd.s32 $0xFFFFD800  }
0x8e: {  	_ =	swait.ge [sflag:s21], $0x100  }
0x8f: {  	[sflag:s21] =	ssyncset.done $0x0  }
0x90: {  	[sflag:s21] =	ssyncadd.s32 $0xFFFFFF00  }
0x91: {  	[tilespmem:s23], [sflag:$0x5] =	stream.indirect.gather [hbm4b:s4+s22], $0x80, s20, s22, $0xb8;
	[tilespmem:$0x1E400] =	vst v63  }
0x92: {  	_ = 	snop  }
0x93: {  	[spmem:s2] =	stream.indirect.scatter.add.f32 [tilespmem:s31], [sflag:$0xB], $0x80, s12, s22, $0xb8;
	[tilespmem:$0x1E400] =	vst v63  }
0x94: {  	_ =	swait.ge [sflag:s13], $0x2800  }
0x95: {  	s19 =	rddreg [dreg:$0x3];
	[sflag:s13] =	ssyncset.done $0x0  }
0x96: {  	[sflag:s13] =	ssyncadd.s32 $0xFFFFD800;
	s5 =	sadd.s32 $0x0, s19  }
0x97: {  	[tilespmem:s24], [sflag:$0x2] =	stream.linear.gather [hbm4b:s5+s3], $0x100, $0x38;
	[tilespmem:$0x1E400] =	vst v63  }
0x98: {  	_ =	swait.ge [sflag:s14], $0x2800  }
0x99: {  	[sflag:s14] =	ssyncset.done $0x0  }
0x9a: {  	[sflag:s14] =	ssyncadd.s32 $0xFFFFD800  }
0x9b: {  	_ =	swait.ge [sflag:s25], $0x100  }
0x9c: {  	[sflag:s25] =	ssyncset.done $0x0  }
0x9d: {  	s18 =	simm.s32 $0x80;
	[sflag:s25] =	ssyncadd.s32 $0xFFFFFF00  }
0x9e: {  	[tilespmem:s26], [sflag:$0x6] =	stream.indirect.gather [hbm4b:s4+s22], $0x80, s24, s22, $0xb8;
	[tilespmem:$0x1E400] =	vst v63  }
.LBB2_2:
0x9f: {  	[spmem:s2] =	stream.indirect.scatter.add.f32 [tilespmem:s8], [sflag:$0xC], $0x80, s15, s22, $0xb8;
	[tilespmem:$0x1E400] =	vst v63  }
0xa0: {  	_ =	swait.ge [sflag:s16], $0x2800  }
0xa1: {  	s5 =	smov.u32 s18;
	s19 =	rddreg [dreg:$0x6];
	[sflag:s16] =	ssyncset.done $0x0  }
0xa2: {  	[sflag:s16] =	ssyncadd.s32 $0xFFFFD800;
	s19 =	sadd.s32 s5, s19  }
0xa3: {  	[tilespmem:s28], [sflag:$0x3] =	stream.linear.gather [hbm4b:s19+s3], $0x100, $0x38;
	[tilespmem:$0x1E400] =	vst v63  }
0xa4: {  	_ =	swait.ge [sflag:s29], $0x2800  }
0xa5: {  	[sflag:s29] =	ssyncset.done $0x0  }
0xa6: {  	[sflag:s29] =	ssyncadd.s32 $0xFFFFD800  }
0xa7: {  	_ =	swait.ge [sflag:s30], $0x100  }
0xa8: {  	[sflag:s30] =	ssyncset.done $0x0  }
0xa9: {  	[sflag:s30] =	ssyncadd.s32 $0xFFFFFF00  }
0xaa: {  	[tilespmem:s31], [sflag:$0x7] =	stream.indirect.gather [hbm4b:s4+s22], $0x80, s28, s22, $0xb8;
	[tilespmem:$0x1E400] =	vst v63  }
0xab: {  	_ = 	snop  }
0xac: {  	[spmem:s2] =	stream.indirect.scatter.add.f32 [tilespmem:s23], [sflag:$0x9], $0x80, s0, s22, $0xb8;
	[tilespmem:$0x1E400] =	vst v63  }
0xad: {  	_ =	swait.ge [sflag:s17], $0x2800  }
0xae: {  	s19 =	rddreg [dreg:$0x5];
	[sflag:s17] =	ssyncset.done $0x0  }
0xaf: {  	[sflag:s17] =	ssyncadd.s32 $0xFFFFD800;
	s19 =	sadd.s32 s5, s19  }
0xb0: {  	[tilespmem:s6], [sflag:$0x4] =	stream.linear.gather [hbm4b:s19+s3], $0x100, $0x38;
	[tilespmem:$0x1E400] =	vst v63  }
0xb1: {  	_ =	swait.ge [sflag:s1], $0x2800  }
0xb2: {  	[sflag:s1] =	ssyncset.done $0x0  }
0xb3: {  	[sflag:s1] =	ssyncadd.s32 $0xFFFFD800  }
0xb4: {  	_ =	swait.ge [sflag:s7], $0x100  }
0xb5: {  	[sflag:s7] =	ssyncset.done $0x0  }
0xb6: {  	[sflag:s7] =	ssyncadd.s32 $0xFFFFFF00  }
0xb7: {  	[tilespmem:s8], [sflag:$0x8] =	stream.indirect.gather [hbm4b:s4+s22], $0x80, s6, s22, $0xb8;
	[tilespmem:$0x1E400] =	vst v63  }
0xb8: {  	_ = 	snop  }
0xb9: {  	[spmem:s2] =	stream.indirect.scatter.add.f32 [tilespmem:s26], [sflag:$0xA], $0x80, s9, s22, $0xb8;
	[tilespmem:$0x1E400] =	vst v63  }
0xba: {  	_ =	swait.ge [sflag:s10], $0x2800  }
0xbb: {  	s19 =	rddreg [dreg:$0x4];
	[sflag:s10] =	ssyncset.done $0x0  }
0xbc: {  	[sflag:s10] =	ssyncadd.s32 $0xFFFFD800;
	s19 =	sadd.s32 s5, s19  }
0xbd: {  	[tilespmem:s20], [sflag:$0x1] =	stream.linear.gather [hbm4b:s19+s3], $0x100, $0x38;
	[tilespmem:$0x1E400] =	vst v63  }
0xbe: {  	_ =	swait.ge [sflag:s11], $0x2800  }
0xbf: {  	[sflag:s11] =	ssyncset.done $0x0  }
0xc0: {  	[sflag:s11] =	ssyncadd.s32 $0xFFFFD800  }
0xc1: {  	_ =	swait.ge [sflag:s21], $0x100  }
0xc2: {  	[sflag:s21] =	ssyncset.done $0x0  }
0xc3: {  	[sflag:s21] =	ssyncadd.s32 $0xFFFFFF00  }
0xc4: {  	[tilespmem:s23], [sflag:$0x5] =	stream.indirect.gather [hbm4b:s4+s22], $0x80, s20, s22, $0xb8;
	[tilespmem:$0x1E400] =	vst v63  }
0xc5: {  	_ = 	snop  }
0xc6: {  	[spmem:s2] =	stream.indirect.scatter.add.f32 [tilespmem:s31], [sflag:$0xB], $0x80, s12, s22, $0xb8;
	[tilespmem:$0x1E400] =	vst v63  }
0xc7: {  	_ =	swait.ge [sflag:s13], $0x2800  }
0xc8: {  	s19 =	rddreg [dreg:$0x3];
	[sflag:s13] =	ssyncset.done $0x0  }
0xc9: {  	[sflag:s13] =	ssyncadd.s32 $0xFFFFD800;
	s5 =	sadd.s32 s5, s19  }
0xca: {  	[tilespmem:s24], [sflag:$0x2] =	stream.linear.gather [hbm4b:s5+s3], $0x100, $0x38;
	[tilespmem:$0x1E400] =	vst v63  }
0xcb: {  	_ =	swait.ge [sflag:s14], $0x2800  }
0xcc: {  	p1 =	sne.s32 s18, $0xE00;
	[sflag:s14] =	ssyncset.done $0x0  }
.Ltmp0:
0xcd: {  	[sflag:s14] =	ssyncadd.s32 $0xFFFFD800;
	(pc) =	sbr.rel @p1 .LBB2_2-.Ltmp0, $4  }
0xce: {  	_ =	swait.ge [sflag:s25], $0x100  }
0xcf: {  	[sflag:s25] =	ssyncset.done $0x0  }
0xd0: {  	s18 =	sadd.s32 $0x80, s18;
	[sflag:s25] =	ssyncadd.s32 $0xFFFFFF00  }
0xd1: {  	[tilespmem:s26], [sflag:$0x6] =	stream.indirect.gather [hbm4b:s4+s22], $0x80, s24, s22, $0xb8;
	[tilespmem:$0x1E400] =	vst v63  }
0xd2: {  	[spmem:s2] =	stream.indirect.scatter.add.f32 [tilespmem:s8], [sflag:$0xC], $0x80, s15, s22, $0xb8;
	[tilespmem:$0x1E400] =	vst v63  }
0xd3: {  	_ =	swait.ge [sflag:s16], $0x2800  }
0xd4: {  	[sflag:s16] =	ssyncset.done $0x0  }
0xd5: {  	s5 =	rddreg [dreg:$0x10];
	[sflag:s16] =	ssyncadd.s32 $0xFFFFD800  }
0xd6: {  	[tilespmem:s28], [sflag:$0x3] =	stream.linear.gather [hbm4b:s5+s3], $0x100, $0x38;
	[tilespmem:$0x1E400] =	vst v63  }
0xd7: {  	_ =	swait.ge [sflag:s29], $0x2800  }
0xd8: {  	[sflag:s29] =	ssyncset.done $0x0  }
0xd9: {  	[sflag:s29] =	ssyncadd.s32 $0xFFFFD800  }
0xda: {  	_ =	swait.ge [sflag:s30], $0x100  }
0xdb: {  	[sflag:s30] =	ssyncset.done $0x0  }
0xdc: {  	[sflag:s30] =	ssyncadd.s32 $0xFFFFFF00  }
0xdd: {  	[tilespmem:s31], [sflag:$0x7] =	stream.indirect.gather [hbm4b:s4+s22], $0x80, s28, s22, $0xb8;
	[tilespmem:$0x1E400] =	vst v63  }
0xde: {  	_ = 	snop  }
0xdf: {  	[spmem:s2] =	stream.indirect.scatter.add.f32 [tilespmem:s23], [sflag:$0x9], $0x80, s0, s22, $0xb8;
	[tilespmem:$0x1E400] =	vst v63  }
0xe0: {  	_ =	swait.ge [sflag:s17], $0x2800  }
0xe1: {  	[sflag:s17] =	ssyncset.done $0x0  }
0xe2: {  	s19 =	rddreg [dreg:$0x11];
	[sflag:s17] =	ssyncadd.s32 $0xFFFFD800  }
0xe3: {  	[tilespmem:s6], [sflag:$0x4] =	stream.linear.gather [hbm4b:s19+s3], $0x100, $0x38;
	[tilespmem:$0x1E400] =	vst v63  }
0xe4: {  	_ =	swait.ge [sflag:s1], $0x2800  }
0xe5: {  	[sflag:s1] =	ssyncset.done $0x0  }
0xe6: {  	[sflag:s1] =	ssyncadd.s32 $0xFFFFD800  }
0xe7: {  	_ =	swait.ge [sflag:s7], $0x100  }
0xe8: {  	[sflag:s7] =	ssyncset.done $0x0  }
0xe9: {  	[sflag:s7] =	ssyncadd.s32 $0xFFFFFF00  }
0xea: {  	[tilespmem:s8], [sflag:$0x8] =	stream.indirect.gather [hbm4b:s4+s22], $0x80, s6, s22, $0xb8;
	[tilespmem:$0x1E400] =	vst v63  }
0xeb: {  	_ = 	snop  }
0xec: {  	[spmem:s2] =	stream.indirect.scatter.add.f32 [tilespmem:s26], [sflag:$0xA], $0x80, s9, s22, $0xb8;
	[tilespmem:$0x1E400] =	vst v63  }
0xed: {  	_ =	swait.ge [sflag:s10], $0x2800  }
0xee: {  	[sflag:s10] =	ssyncset.done $0x0  }
0xef: {  	s18 =	rddreg [dreg:$0x12];
	[sflag:s10] =	ssyncadd.s32 $0xFFFFD800  }
0xf0: {  	[tilespmem:s20], [sflag:$0x1] =	stream.linear.gather [hbm4b:s18+s3], $0x100, $0x38;
	[tilespmem:$0x1E400] =	vst v63  }
0xf1: {  	_ =	swait.ge [sflag:s11], $0x2800  }
0xf2: {  	[sflag:s11] =	ssyncset.done $0x0  }
0xf3: {  	[sflag:s11] =	ssyncadd.s32 $0xFFFFD800  }
0xf4: {  	_ =	swait.ge [sflag:s21], $0x100  }
0xf5: {  	[sflag:s21] =	ssyncset.done $0x0  }
0xf6: {  	[sflag:s21] =	ssyncadd.s32 $0xFFFFFF00  }
0xf7: {  	[tilespmem:s23], [sflag:$0x5] =	stream.indirect.gather [hbm4b:s4+s22], $0x80, s20, s22, $0xb8;
	[tilespmem:$0x1E400] =	vst v63  }
0xf8: {  	_ = 	snop  }
0xf9: {  	[spmem:s2] =	stream.indirect.scatter.add.f32 [tilespmem:s31], [sflag:$0xB], $0x80, s12, s22, $0xb8;
	[tilespmem:$0x1E400] =	vst v63  }
0xfa: {  	_ =	swait.ge [sflag:s14], $0x2800  }
0xfb: {  	[sflag:s14] =	ssyncset.done $0x0  }
0xfc: {  	[sflag:s14] =	ssyncadd.s32 $0xFFFFD800  }
0xfd: {  	[spmem:s2] =	stream.indirect.scatter.add.f32 [tilespmem:s8], [sflag:$0xC], $0x80, s15, s22, $0xb8;
	[tilespmem:$0x1E400] =	vst v63  }
0xfe: {  	_ =	swait.ge [sflag:s29], $0x2800  }
0xff: {  	[sflag:s29] =	ssyncset.done $0x0  }
0x100: {  	[sflag:s29] =	ssyncadd.s32 $0xFFFFD800  }
0x101: {  	[spmem:s2] =	stream.indirect.scatter.add.f32 [tilespmem:s23], [sflag:$0x9], $0x80, s0, s22, $0xb8;
	[tilespmem:$0x1E400] =	vst v63  }
0x102: {  	_ =	swait.ge [sflag:s13], $0x2800  }
0x103: {  	[sflag:s13] =	ssyncset.done $0x0  }
0x104: {  	[sflag:s13] =	ssyncadd.s32 $0xFFFFD800  }
0x105: {  	_ =	swait.ge [sflag:s16], $0x2800  }
0x106: {  	[sflag:s16] =	ssyncset.done $0x0  }
0x107: {  	[sflag:s16] =	ssyncadd.s32 $0xFFFFD800  }
0x108: {  	_ =	swait.ge [sflag:s17], $0x2800  }
0x109: {  	[sflag:s17] =	ssyncset.done $0x0  }
0x10a: {  	[sflag:s17] =	ssyncadd.s32 $0xFFFFD800  }
0x10b: {  	_ =	swait.ge [sflag:s10], $0x2800  }
0x10c: {  	[sflag:s10] =	ssyncset.done $0x0  }
0x10d: {  	[sflag:s10] =	ssyncadd.s32 $0xFFFFD800  }
0x10e: {  	s19 =	stileid.u32;
	[bflag:$0x0] =	sbarrier.arrive $0xFFFF  }
0x10f: {  	s5 =	sshll.u32 s19, $0x6;
	s18 =	rddreg [dreg:$0x7]  }
0x110: {  	s5 =	sor.u32 $0x1C0D, s5;
	s19 =	rddreg [dreg:$0x13];
	s18 =	sshrl.u32 s18, $0x3  }
0x111: {  	[hbm:s19], [sflag:s5] =	dma.local [spmem:s18], $0x2800  }
0x112: {  	s18 =	simm.s32 $0xD  }
0x113: {  	_ =	swait.ge [sflag:s18], $0x2800  }
0x114: {  	s5 =	rddreg [dreg:$0x16]  }
0x115: {  	s19 =	sadd.s32 $0x1, s5;
	s5 =	rddreg [dreg:$0x14]  }
0x116: {  	p1 =	sne.s32 s19, s5  }
.Ltmp1:
0x117: {  	_ = 	snop;
	(pc) =	sbr.rel @p1 .LBB2_1-.Ltmp1, $3  }
0x118: {  	_ =	sdelay $0x1  }
0x119: {  	[sflag:s18] =	ssyncset.done $0x0  }
0x11a: {  	[sflag:s18] =	ssyncadd.s32 $0xFFFFD800  }
0x11b: {  	_ =	sfence.sel $0x180000  }
0x11c: {  	[bflag:$0x0] =	sbarrier.arrive $0xFFFF  }
0x11d: {  	_ =	strace $0x9000004A  }
0x11e: {  	s0 =	stileid.u32;
	[bflag:$0x2] =	sbarrier.arrive $0xFFFF  }
0x11f: {  	p0 =	sne.s32 s0, $0x0;
	s0 =	rddreg [dreg:$0x2]  }
0x120: {  	s0 =	sadd.s32 @!p0 $0x100000, s0  }
0x121: {  	[sflag:s0] =	ssyncadd.tile.s32 @!p0 $0x1;
	_ =	shalt  }
.Lfunc_end2:
_tile_overlayer_lowered:
.L_overlay_start_2:
0x122: {  	(tag) =	ssettag $0x2  }
0x123: {  	s0 =	rddreg [dreg:$0x0];
	s2 =	stileid.u32  }
0x124: {  	s1 =	rddreg [dreg:$0x1];
	p0 =	sne.s32 s2, $0x0  }
0x125: {  	s3 =	rddreg [dreg:$0x2];
	[bflag:$0x3] =	sbarrier.arrive $0xFFFF;
	s2 =	simm.s32 @!p0 $0x1C0D  }
0x126: {  	[timem:s3], [sflag:s2] =	dma.local @!p0 [hbm:s0], s1  }
0x127: {  	s0 =	simm.s32 @!p0 $0xD  }
0x128: {  	_ =	swait.ge @!p0 [sflag:s0], s1  }
0x129: {  	s1 =	ssub.s32 @!p0 $0x0, s1;
	[sflag:s0] =	ssyncset.done @!p0 $0x0  }
0x12a: {  	[sflag:s0] =	ssyncadd.s32 @!p0 s1  }
0x12b: {  	[bflag:$0x3] =	sbarrier.arrive $0xFFFF  }
0x12c: {  	_ =	shalt  }

// kernel: kernel.15.cloned.1.call-start
scs
__scs_entry_jumppad:
0x0: {  	(pc) =	sbr.rel $0x88, $3  }
0x1: {  	(tag) =	ssettag $0x0;
	lr =	simm.s32 $0x1  }
0x2: {  	[smem:$0x3F95] =	sst lr;
	_ =	strace $0xD0000000  }
0x3: {  	_ = 	snop  }
0x4: {  	_ = 	snop  }
0x5: {  	_ = 	snop  }
0x6: {  	_ = 	snop  }
0x7: {  	_ = 	snop  }
__scs_overlays_trampoline_lowered:
0x8: {  	[smem:$0x3FA4] =	sst s0  }
0x9: {  	[smem:$0x3FA5] =	sst s1  }
0xa: {  	[smem:$0x3FA6] =	sst s2  }
0xb: {  	[smem:$0x3FA7] =	sst s3  }
0xc: {  	[smem:$0x3FA8] =	sst s4  }
0xd: {  	[smem:$0x3FA9] =	sst s5  }
0xe: {  	[smem:$0x3FAA] =	sst s6  }
0xf: {  	[smem:$0x3FAB] =	sst s7  }
0x10: {  	[smem:$0x3FAC] =	sst s8  }
0x11: {  	[smem:$0x3FAD] =	sst s9;
	s0 =	simm.s32 @!p0 $0x0  }
0x12: {  	s1 =	sld [smem:$0x3F93];
	s0 =	simm.s32 @p0 $0x1  }
0x13: {  	[smem:$0x3FAE] =	sst s0;
	s0 =	simm.s32 @!p1 $0x0  }
0x14: {  	s2 =	sld [smem:$0x3F92];
	s0 =	simm.s32 @p1 $0x1  }
0x15: {  	[smem:$0x3FAF] =	sst s0;
	s0 =	simm.s32 @!p2 $0x0  }
0x16: {  	s3 =	sld [smem:$0x3FDB];
	s0 =	simm.s32 @p2 $0x1  }
0x17: {  	s4 =	simm.s32 $0x1BF5;
	[smem:$0x3FB1] =	sst s0  }
0x18: {  	s0 =	sld [smem:$0x3F94];
	_ =	swait.ge [sflag:s4], $0x0  }
0x19: {  	s7 =	sld [smem:$0x3F95]  }
0x1a: {  	s8 =	sadd.s32 $0xFFFFE003, lr  }
0x1b: {  	s9 =	sadd.s32 $0xFFFFFEF7, lr;
	s5 =	simm.s32 $0xFFFFFFFF;
	p2 =	slt.u32 s8, $0xFFFFF086  }
0x1c: {  	p1 =	slt.u32 s9, $0xF7A;
	s5 =	simm.s32 @!p2 $0x0  }
0x1d: {  	s5 =	simm.s32 @p1 $0x1;
	p0 =	seq.s32 s7, s2  }
0x1e: {  	s7 =	smul.u32 @!p0 $0xF7A, s2;
	p2 =	seq.s32 @!p0 s5, $0x0  }
0x1f: {  	s9 =	smul.u32 $0xF7A, s1;
	s8 =	simm.s32 @!p0 $0x1BF5;
	p2 =	por !p2, p0  }
0x20: {  	[sflag:s8] =	ssyncset.s32 @!p0 $0xFFFFF086;
	s6 =	sadd.s32 @!p0 s3, s7;
	s7 =	simm.s32 @!p0 $0x108  }
0x21: {  	s3 =	sadd.s32 s3, s9;
	s6 =	sadd.s32 @!p0 $0x88, s6;
	s7 =	simm.s32 @p2 $0x1082  }
0x22: {  	[simem:s7], [sflag:s8] =	dma.local @!p0 [hbm:s6], $0xF7A  }
0x23: {  	s9 =	sor.u32 $0xD0000000, s2;
	s6 =	simm.s32 $0x108;
	_ =	swait.ge @!p0 [sflag:s8], $0x0  }
0x24: {  	s3 =	sadd.s32 $0x88, s3;
	s6 =	simm.s32 @!p1 $0x1082;
	[sflag:s4] =	ssyncset.s32 $0xFFFFF086  }
0x25: {  	[simem:s6], [sflag:s4] =	dma.local [hbm:s3], $0xF7A  }
0x26: {  	[smem:$0x3F95] =	sst s1;
	(tag) =	ssettag s2;
	_ =	strace s9  }
0x27: {  	s1 =	sld [smem:$0x3FA5]  }
0x28: {  	s2 =	sld [smem:$0x3FA6]  }
0x29: {  	s4 =	sld [smem:$0x3FA8]  }
0x2a: {  	p0 =	seq.s32 s5, $0x0;
	s5 =	sld [smem:$0x3FA9]  }
0x2b: {  	s6 =	sld [smem:$0x3FAA]  }
0x2c: {  	s7 =	sld [smem:$0x3FAB]  }
0x2d: {  	s3 =	simm.s32 $0x108;
	s8 =	sld [smem:$0x3FAC]  }
0x2e: {  	s3 =	simm.s32 @!p0 $0x1082;
	s9 =	sld [smem:$0x3FAD]  }
0x2f: {  	lr =	sadd.s32 s0, s3;
	s0 =	sld [smem:$0x3FA4]  }
0x30: {  	s3 =	sld [smem:$0x3FA7]  }
0x31: {  	[smem:$0x3FB0] =	sst s10  }
0x32: {  	s10 =	sld [smem:$0x3FAE];
	_ =	sdelay $0x3  }
0x33: {  	p0 =	seq.s32 s10, $0x1;
	s10 =	sld [smem:$0x3FB0];
	_ =	sdelay $0x3  }
0x34: {  	[smem:$0x3FB0] =	sst s10  }
0x35: {  	s10 =	sld [smem:$0x3FAF];
	_ =	sdelay $0x3  }
0x36: {  	p1 =	seq.s32 s10, $0x1;
	s10 =	sld [smem:$0x3FB0];
	_ =	sdelay $0x3  }
0x37: {  	[smem:$0x3FB0] =	sst s10  }
0x38: {  	s10 =	sld [smem:$0x3FB1]  }
0x39: {  	_ = 	snop;
	(pc) =	sbr.ind lr, $3  }
0x3a: {  	_ = 	snop  }
0x3b: {  	_ = 	snop  }
0x3c: {  	p2 =	seq.s32 s10, $0x1;
	s10 =	sld [smem:$0x3FB0]  }
0x3d: {  	_ =	shalt  }
0x3e: {  	_ =	shalt  }
0x3f: {  	_ =	shalt  }
0x40: {  	_ =	shalt  }
0x41: {  	_ =	shalt  }
0x42: {  	_ =	shalt  }
0x43: {  	_ =	shalt  }
0x44: {  	_ =	shalt  }
0x45: {  	_ =	shalt  }
0x46: {  	_ =	shalt  }
0x47: {  	_ =	shalt  }
0x48: {  	_ =	shalt  }
0x49: {  	_ =	shalt  }
0x4a: {  	_ =	shalt  }
0x4b: {  	_ =	shalt  }
0x4c: {  	_ =	shalt  }
0x4d: {  	_ =	shalt  }
0x4e: {  	_ =	shalt  }
0x4f: {  	_ =	shalt  }
0x50: {  	_ =	shalt  }
0x51: {  	_ =	shalt  }
0x52: {  	_ =	shalt  }
0x53: {  	_ =	shalt  }
0x54: {  	_ =	shalt  }
0x55: {  	_ =	shalt  }
0x56: {  	_ =	shalt  }
0x57: {  	_ =	shalt  }
0x58: {  	_ =	shalt  }
0x59: {  	_ =	shalt  }
0x5a: {  	_ =	shalt  }
0x5b: {  	_ =	shalt  }
0x5c: {  	_ =	shalt  }
0x5d: {  	_ =	shalt  }
0x5e: {  	_ =	shalt  }
0x5f: {  	_ =	shalt  }
0x60: {  	_ =	shalt  }
0x61: {  	_ =	shalt  }
0x62: {  	_ =	shalt  }
0x63: {  	_ =	shalt  }
0x64: {  	_ =	shalt  }
0x65: {  	_ =	shalt  }
0x66: {  	_ =	shalt  }
0x67: {  	_ =	shalt  }
0x68: {  	_ =	shalt  }
0x69: {  	_ =	shalt  }
0x6a: {  	_ =	shalt  }
0x6b: {  	_ =	shalt  }
0x6c: {  	_ =	shalt  }
0x6d: {  	_ =	shalt  }
0x6e: {  	_ =	shalt  }
0x6f: {  	_ =	shalt  }
0x70: {  	_ =	shalt  }
0x71: {  	_ =	shalt  }
0x72: {  	_ =	shalt  }
0x73: {  	_ =	shalt  }
0x74: {  	_ =	shalt  }
0x75: {  	_ =	shalt  }
0x76: {  	_ =	shalt  }
0x77: {  	_ =	shalt  }
0x78: {  	_ =	shalt  }
0x79: {  	_ =	shalt  }
0x7a: {  	_ =	shalt  }
0x7b: {  	_ =	shalt  }
0x7c: {  	_ =	shalt  }
0x7d: {  	_ =	shalt  }
0x7e: {  	_ =	shalt  }
0x7f: {  	_ =	shalt  }
0x80: {  	_ =	shalt  }
0x81: {  	_ =	shalt  }
0x82: {  	_ =	shalt  }
0x83: {  	_ =	shalt  }
0x84: {  	_ =	shalt  }
0x85: {  	_ =	shalt  }
0x86: {  	_ =	shalt  }
0x87: {  	_ =	shalt  }
.Lfunc_end0:
.L_simem_size_0:
called_computation.2_lowered:
.L_overlay_start_0:
0x88: {  	s2 =	sld [smem:$0x3FD9]  }
0x89: {  	s3 =	sld [smem:$0x3FFE];
	_ =	sdelay $0x1  }
0x8a: {  	s1 =	srdreg.scid  }
0x8b: {  	s0 =	sand.u32 $0x1, s1  }
0x8c: {  	s16 =	sshll.u32 s0, $0xA;
	s2 =	sadd.s32 s3, s2  }
0x8d: {  	s2 =	sadd.s32 s2, s16  }
0x8e: {  	[smem:$0x3FBC] =	sst s2  }
0x8f: {  	_ = 	snop  }
0x90: {  	(tm) =	ssettm $0x1  }
0x91: {  	s17 =	sld [smem:$0x3FFB];
	_ =	sdelay $0x3  }
0x92: {  	_ =	strace s17  }
0x93: {  	s2 =	sld [smem:$0x3FFC];
	_ =	sdelay $0x3  }
0x94: {  	_ =	strace s2  }
0x95: {  	s2 =	sld [smem:$0x3FFD];
	_ =	sdelay $0x3  }
0x96: {  	_ =	strace s2  }
0x97: {  	_ =	strace $0x8FFFFFFF  }
0x98: {  	s18 =	sld [smem:$0x3FDB];
	_ =	sdelay $0x1  }
0x99: {  	s19 =	simm.s32 $_scs_section_size  }
0x9a: {  	s4 =	simm.s32 $_size__tile_overlayer_lowered;
	s5 =	simm.s32 $_tile_overlayer_lowered  }
0x9b: {  	s22 =	simm.s32 $0x1BFF;
	s21 =	sshll.u32 s5, $0x1;
	s2 =	sadd.s32 s19, s18  }
0x9c: {  	s6 =	simm.s32 $0x0;
	s20 =	sshll.u32 s4, $0x1;
	s4 =	sadd.s32 s21, s2  }
0x9d: {  	[timem:s6], [sflag:s22] =	dma.local [hbm:s4], s20  }
0x9e: {  	_ =	swait.ge [sflag:s22], s20  }
0x9f: {  	s3 =	ssub.s32 $0x0, s20;
	[sflag:s22] =	ssyncset.done $0x0  }
0xa0: {  	[sflag:s22] =	ssyncadd.s32 s3;
	_ =	sdelay $0x1  }
0xa1: {  	s23 =	simm.s32 $0x1B8B  }
0xa2: {  	_ =	swait.ge [sflag:s23], $0x1  }
0xa3: {  	[sflag:s23] =	ssyncset.done $0x0  }
0xa4: {  	s25 =	simm.s32 $0x1B8E;
	s24 =	sld [smem:$0x3FFE];
	[sflag:s23] =	ssyncadd.s32 $0xFFFFFFFF  }
0xa5: {  	s26 =	simm.s32 $execute0_lowered;
	[smem:$0x3FD2] =	sst s25  }
0xa6: {  	s4 =	sshll.u32 s26, $0x1;
	_ =	strace $0x8000004C;
	[dreg:$0x1] =	wrdreg $0xFFFFFFFF  }
0xa7: {  	s28 =	simm.s32 $_size_execute0_lowered;
	s2 =	sadd.s32 s2, s4;
	[dreg:$0x0] =	wrdreg $0x0  }
0xa8: {  	s4 =	sshll.u32 s28, $0x1;
	[dreg:$0x2] =	wrdreg s2  }
0xa9: {  	[dreg:$0x3] =	wrdreg s4  }
0xaa: {  	[dreg:$0x4] =	wrdreg $0xC0  }
0xab: {  	_ =	task [dreg:s6], $0x5FFFF  }
0xac: {  	[dreg:$0x1] =	wrdreg $0xFFFFFFFF  }
0xad: {  	[dreg:$0x0] =	wrdreg $0x60  }
0xae: {  	[dreg:$0x2] =	wrdreg s24  }
0xaf: {  	[dreg:$0x3] =	wrdreg $0x0  }
0xb0: {  	[dreg:$0x4] =	wrdreg $0x9  }
0xb1: {  	_ =	task.clear_ibuf [dreg:s6], $0x5FFFF;
	_ =	strace $0x9000004C  }
0xb2: {  	s29 =	simm.s32 $0x9;
	_ =	strace $0x8000004E  }
0xb3: {  	_ =	swait.ge [sflag:s29], $0x1  }
0xb4: {  	[sflag:s29] =	ssyncadd.s32 $0xFFFFFFFF  }
0xb5: {  	_ =	strace $0x9000004E  }
0xb6: {  	_ =	sfence  }
0xb7: {  	s30 =	sld [smem:$0x0];
	_ =	sdelay $0x2  }
0xb8: {  	s31 =	sshll.u32 s1, $0xD;
	s1 =	sshrl.u32 s1, $0x2  }
0xb9: {  	s3 =	sand.u32 $0x4000, s31;
	s1 =	sadd.s32 s1, s30  }
0xba: {  	s0 =	sor.u32 s3, s0;
	s1 =	sshll.u32 s1, $0x11  }
0xbb: {  	s0 =	sor.u32 s1, s0  }
0xbc: {  	s0 =	sadd.s32 $0x8F2B, s0  }
0xbd: {  	[sflag:s0] =	ssyncadd.remote.s32 $0x1  }
0xbe: {  	_ =	sfence.sel $0xFFFF  }
0xbf: {  	[dreg:$0x0] =	wrdreg $0xFFFFFFFF;
	(pc) =	sbr.abs _section_cstart, $3  }
0xc0: {  	[dreg:$0x1] =	wrdreg $0xFFFFFFFF  }
0xc1: {  	_ =	task.clear_ibuf [dreg:s6], $0x2FFFF;
	_ =	strace $0x9FFFFFFF  }
0xc2: {  	(tm) =	ssettm $0x7FFFFFFF  }
0xc3: {  	_ =	shalt  }
tec
execute0_lowered:
.L_overlay_start_1:
0x0: {  	(tag) =	ssettag $0x1  }
0x1: {  	s0 =	rddreg [dreg:$0x0]  }
0x2: {  	s2 =	rddreg [dreg:$0x1];
	s3 =	simm.s32 $0x0;
	s13 =	stileid.u32  }
0x3: {  	s1 =	srdreg.scid;
	s28 =	simm.s32 $0x14200;
	s29 =	simm.s32 $0x5  }
0x4: {  	s30 =	simm.s32 $0x3;
	s31 =	simm.s32 $0x19400;
	s5 =	smul.u32 $0x2800, s13  }
0x5: {  	[smem:$0x7FF] =	sst s3;
	s1 =	sand.u32 $0x1, s1;
	s25 =	smul.u32 $0x50000, s13  }
0x6: {  	s4 =	sadd.s32 $0x22C00, s0;
	s8 =	sadd.s32 $0x3800, s0;
	s26 =	smul.u32 $0x7D, s13  }
0x7: {  	p0 =	seq.s32 s13, $0xF;
	_ =	strace $0x8000004D;
	s6 =	smul.u32 $0x28000, s1  }
0x8: {  	s9 =	sshll.u32 s1, $0x4;
	s10 =	ssub.s32 $0x2, s1;
	s1 =	smul.u32 $0x7D0, s1  }
0x9: {  	s7 =	sadd.s32 s5, s0;
	s24 =	sor.u32 s13, s9;
	s12 =	sshrl.u32 s10, $0x1  }
0xa: {  	s9 =	sshrl.u32 s25, $0x2;
	s13 =	simm.s32 $0xA;
	s11 =	smul.u32 $0xFA0, s24  }
0xb: {  	s5 =	sadd.s32 s5, s6;
	s6 =	smul.u32 $0x7D00, s24;
	s9 =	sadd.s32 s9, s2  }
0xc: {  	s10 =	ssub.s32 s10, s12;
	s7 =	sadd.s32 $0x4AC00, s7;
	[dreg:$0x7] =	wrdreg s9  }
0xd: {  	s1 =	sadd.s32 s26, s1;
	s5 =	sadd.s32 s5, s0;
	[dreg:$0x8] =	wrdreg s7  }
0xe: {  	s9 =	sadd.s32 $0x12C000, s2;
	s0 =	sadd.s32 $0x70400, s0;
	s1 =	sshll.u32 s1, $0x5  }
0xf: {  	s26 =	smax.u32 s10, $0x1;
	s7 =	simm.s32 $0x4;
	[dreg:$0x9] =	wrdreg s0  }
0x10: {  	s10 =	simm.s32 $0x9;
	s14 =	sadd.s32 s8, s11;
	[dreg:$0x14] =	wrdreg s26  }
0x11: {  	s1 =	sadd.s32 s8, s1;
	s5 =	sadd.s32 $0x72C00, s5;
	[dreg:$0xa] =	wrdreg s14  }
0x12: {  	s6 =	sshrl.u32 s6, $0x3;
	s22 =	sadd.s32 $0x120, s1;
	[dreg:$0x13] =	wrdreg s5  }
0x13: {  	s26 =	simm.s32 $0x16C00;
	s23 =	sadd.s32 $0x100, s1;
	[dreg:$0x3] =	wrdreg s22  }
0x14: {  	s11 =	simm.s32 $0x7;
	s24 =	sadd.s32 $0xE0, s1;
	[dreg:$0x4] =	wrdreg s23  }
0x15: {  	s12 =	sadd.s32 s8, s6;
	s25 =	sadd.s32 $0xC0, s1;
	[dreg:$0x5] =	wrdreg s24  }
0x16: {  	s6 =	simm.s32 $0x14300;
	s15 =	sadd.s32 $0x20, s12;
	[dreg:$0x6] =	wrdreg s25  }
0x17: {  	s1 =	simm.s32 $0x6;
	s16 =	sadd.s32 $0x40, s12;
	[dreg:$0xb] =	wrdreg s15  }
0x18: {  	s8 =	simm.s32 $0x1BC00;
	s17 =	sadd.s32 $0x60, s12;
	[dreg:$0xc] =	wrdreg s16  }
0x19: {  	s14 =	simm.s32 $0x8;
	s18 =	sadd.s32 $0x80, s12;
	[dreg:$0xd] =	wrdreg s17  }
0x1a: {  	s19 =	sadd.s32 $0xA0, s12;
	s20 =	sadd.s32 $0xF40, s12;
	[dreg:$0xe] =	wrdreg s18  }
0x1b: {  	s21 =	sadd.s32 $0xF60, s12;
	s0 =	sadd.s32 $0xF80, s12;
	[dreg:$0xf] =	wrdreg s19  }
0x1c: {  	s22 =	simm.s32 $0x50;
	s23 =	simm.s32 $0x14400;
	[dreg:$0x10] =	wrdreg s20  }
0x1d: {  	s24 =	simm.s32 $0x14100;
	s25 =	simm.s32 $0x2;
	[dreg:$0x11] =	wrdreg s21  }
0x1e: {  	s12 =	simm.s32 $0x14280;
	[dreg:$0x12] =	wrdreg s0;
	s0 =	sshrl.u32 @p0 s9, $0x3  }
0x1f: {  	s20 =	simm.s32 $0x14000;
	s21 =	simm.s32 $0x1;
	s9 =	simm.s32 $0x14180  }
0x20: {  	s15 =	simm.s32 $0x14380;
	s16 =	simm.s32 $0xB;
	s17 =	simm.s32 $0xC  }
0x21: {  	s19 =	simm.s32 $0x0;
	[dreg:$0x15] =	wrdreg s0;
	s0 =	simm.s32 $0x14080  }
.LBB2_1:
0x22: {  	[dreg:$0x16] =	wrdreg s19  }
0x23: {  	s18 =	rddreg [dreg:$0x9]  }
0x24: {  	s5 =	simm.s32 @p0 $0x1FCD;
	s19 =	rddreg [dreg:$0x15]  }
0x25: {  	[spmem:s19], [sflag:s5] =	dma.local @p0 [hbm:s18], $0x1900  }
0x26: {  	s5 =	simm.s32 @p0 $0xD  }
0x27: {  	s18 =	stileid.u32;
	_ =	swait.ge @p0 [sflag:s5], $0x1900  }
0x28: {  	s18 =	sshll.u32 @!p0 s18, $0x6;
	[sflag:s5] =	ssyncset.done @p0 $0x0  }
0x29: {  	[sflag:s5] =	ssyncadd.s32 @p0 $0xFFFFE700;
	s5 =	sor.u32 @!p0 $0x1C0D, s18;
	s18 =	rddreg [dreg:$0x7]  }
0x2a: {  	s19 =	rddreg [dreg:$0x8];
	s18 =	sshrl.u32 @!p0 s18, $0x3  }
0x2b: {  	[spmem:s18], [sflag:s5] =	dma.local @!p0 [hbm:s19], $0x2800  }
0x2c: {  	s5 =	simm.s32 @!p0 $0xD  }
0x2d: {  	_ =	swait.ge @!p0 [sflag:s5], $0x2800  }
0x2e: {  	[sflag:s5] =	ssyncset.done @!p0 $0x0  }
0x2f: {  	[sflag:s5] =	ssyncadd.s32 @!p0 $0xFFFFD800  }
0x30: {  	[bflag:$0x0] =	sbarrier.arrive $0xFFFF  }
0x31: {  	s18 =	rddreg [dreg:$0xa]  }
0x32: {  	[tilespmem:s20], [sflag:$0x1] =	stream.linear.gather [hbm4b:s18+s3], $0x100, $0x38;
	[tilespmem:$0x1E400] =	vst v63  }
0x33: {  	_ =	swait.ge [sflag:s21], $0x100  }
0x34: {  	[sflag:s21] =	ssyncset.done $0x0  }
0x35: {  	[sflag:s21] =	ssyncadd.s32 $0xFFFFFF00  }
0x36: {  	[tilespmem:s23], [sflag:$0x5] =	stream.indirect.gather [hbm4b:s4+s22], $0x80, s20, s22, $0xb8;
	[tilespmem:$0x1E400] =	vst v63  }
0x37: {  	s19 =	rddreg [dreg:$0xb]  }
0x38: {  	[tilespmem:s24], [sflag:$0x2] =	stream.linear.gather [hbm4b:s19+s3], $0x100, $0x38;
	[tilespmem:$0x1E400] =	vst v63  }
0x39: {  	_ =	swait.ge [sflag:s25], $0x100  }
0x3a: {  	[sflag:s25] =	ssyncset.done $0x0  }
0x3b: {  	[sflag:s25] =	ssyncadd.s32 $0xFFFFFF00  }
0x3c: {  	[tilespmem:s26], [sflag:$0x6] =	stream.indirect.gather [hbm4b:s4+s22], $0x80, s24, s22, $0xb8;
	[tilespmem:$0x1E400] =	vst v63  }
0x3d: {  	s18 =	rddreg [dreg:$0xc]  }
0x3e: {  	[tilespmem:s28], [sflag:$0x3] =	stream.linear.gather [hbm4b:s18+s3], $0x100, $0x38;
	[tilespmem:$0x1E400] =	vst v63  }
0x3f: {  	_ =	swait.ge [sflag:s29], $0x2800  }
0x40: {  	[sflag:s29] =	ssyncset.done $0x0  }
0x41: {  	[sflag:s29] =	ssyncadd.s32 $0xFFFFD800  }
0x42: {  	_ =	swait.ge [sflag:s30], $0x100  }
0x43: {  	[sflag:s30] =	ssyncset.done $0x0  }
0x44: {  	[sflag:s30] =	ssyncadd.s32 $0xFFFFFF00  }
0x45: {  	[tilespmem:s31], [sflag:$0x7] =	stream.indirect.gather [hbm4b:s4+s22], $0x80, s28, s22, $0xb8;
	[tilespmem:$0x1E400] =	vst v63  }
0x46: {  	_ = 	snop  }
0x47: {  	[spmem:s2] =	stream.indirect.scatter.add.f32 [tilespmem:s23], [sflag:$0x9], $0x80, s0, s22, $0xb8;
	[tilespmem:$0x1E400] =	vst v63  }
0x48: {  	s19 =	rddreg [dreg:$0xd]  }
0x49: {  	[tilespmem:s6], [sflag:$0x4] =	stream.linear.gather [hbm4b:s19+s3], $0x100, $0x38;
	[tilespmem:$0x1E400] =	vst v63  }
0x4a: {  	_ =	swait.ge [sflag:s1], $0x2800  }
0x4b: {  	[sflag:s1] =	ssyncset.done $0x0  }
0x4c: {  	[sflag:s1] =	ssyncadd.s32 $0xFFFFD800  }
0x4d: {  	_ =	swait.ge [sflag:s7], $0x100  }
0x4e: {  	[sflag:s7] =	ssyncset.done $0x0  }
0x4f: {  	[sflag:s7] =	ssyncadd.s32 $0xFFFFFF00  }
0x50: {  	[tilespmem:s8], [sflag:$0x8] =	stream.indirect.gather [hbm4b:s4+s22], $0x80, s6, s22, $0xb8;
	[tilespmem:$0x1E400] =	vst v63  }
0x51: {  	_ = 	snop  }
0x52: {  	[spmem:s2] =	stream.indirect.scatter.add.f32 [tilespmem:s26], [sflag:$0xA], $0x80, s9, s22, $0xb8;
	[tilespmem:$0x1E400] =	vst v63  }
0x53: {  	_ =	swait.ge [sflag:s10], $0x2800  }
0x54: {  	[sflag:s10] =	ssyncset.done $0x0  }
0x55: {  	s18 =	rddreg [dreg:$0xe];
	[sflag:s10] =	ssyncadd.s32 $0xFFFFD800  }
0x56: {  	[tilespmem:s20], [sflag:$0x1] =	stream.linear.gather [hbm4b:s18+s3], $0x100, $0x38;
	[tilespmem:$0x1E400] =	vst v63  }
0x57: {  	_ =	swait.ge [sflag:s11], $0x2800  }
0x58: {  	[sflag:s11] =	ssyncset.done $0x0  }
0x59: {  	[sflag:s11] =	ssyncadd.s32 $0xFFFFD800  }
0x5a: {  	_ =	swait.ge [sflag:s21], $0x100  }
0x5b: {  	[sflag:s21] =	ssyncset.done $0x0  }
0x5c: {  	[sflag:s21] =	ssyncadd.s32 $0xFFFFFF00  }
0x5d: {  	[tilespmem:s23], [sflag:$0x5] =	stream.indirect.gather [hbm4b:s4+s22], $0x80, s20, s22, $0xb8;
	[tilespmem:$0x1E400] =	vst v63  }
0x5e: {  	_ = 	snop  }
0x5f: {  	[spmem:s2] =	stream.indirect.scatter.add.f32 [tilespmem:s31], [sflag:$0xB], $0x80, s12, s22, $0xb8;
	[tilespmem:$0x1E400] =	vst v63  }
0x60: {  	_ =	swait.ge [sflag:s13], $0x2800  }
0x61: {  	[sflag:s13] =	ssyncset.done $0x0  }
0x62: {  	s19 =	rddreg [dreg:$0xf];
	[sflag:s13] =	ssyncadd.s32 $0xFFFFD800  }
0x63: {  	[tilespmem:s24], [sflag:$0x2] =	stream.linear.gather [hbm4b:s19+s3], $0x100, $0x38;
	[tilespmem:$0x1E400] =	vst v63  }
0x64: {  	_ =	swait.ge [sflag:s14], $0x2800  }
0x65: {  	[sflag:s14] =	ssyncset.done $0x0  }
0x66: {  	[sflag:s14] =	ssyncadd.s32 $0xFFFFD800  }
0x67: {  	_ =	swait.ge [sflag:s25], $0x100  }
0x68: {  	[sflag:s25] =	ssyncset.done $0x0  }
0x69: {  	[sflag:s25] =	ssyncadd.s32 $0xFFFFFF00  }
0x6a: {  	[tilespmem:s26], [sflag:$0x6] =	stream.indirect.gather [hbm4b:s4+s22], $0x80, s24, s22, $0xb8;
	[tilespmem:$0x1E400] =	vst v63  }
0x6b: {  	_ = 	snop  }
0x6c: {  	[spmem:s2] =	stream.indirect.scatter.add.f32 [tilespmem:s8], [sflag:$0xC], $0x80, s15, s22, $0xb8;
	[tilespmem:$0x1E400] =	vst v63  }
0x6d: {  	_ =	swait.ge [sflag:s16], $0x2800  }
0x6e: {  	s18 =	rddreg [dreg:$0x6];
	[sflag:s16] =	ssyncset.done $0x0  }
0x6f: {  	[sflag:s16] =	ssyncadd.s32 $0xFFFFD800;
	s5 =	sadd.s32 $0x0, s18  }
0x70: {  	[tilespmem:s28], [sflag:$0x3] =	stream.linear.gather [hbm4b:s5+s3], $0x100, $0x38;
	[tilespmem:$0x1E400] =	vst v63  }
0x71: {  	_ =	swait.ge [sflag:s29], $0x2800  }
0x72: {  	[sflag:s29] =	ssyncset.done $0x0  }
0x73: {  	[sflag:s29] =	ssyncadd.s32 $0xFFFFD800  }
0x74: {  	_ =	swait.ge [sflag:s30], $0x100  }
0x75: {  	[sflag:s30] =	ssyncset.done $0x0  }
0x76: {  	[sflag:s30] =	ssyncadd.s32 $0xFFFFFF00  }
0x77: {  	[tilespmem:s31], [sflag:$0x7] =	stream.indirect.gather [hbm4b:s4+s22], $0x80, s28, s22, $0xb8;
	[tilespmem:$0x1E400] =	vst v63  }
0x78: {  	_ = 	snop  }
0x79: {  	[spmem:s2] =	stream.indirect.scatter.add.f32 [tilespmem:s23], [sflag:$0x9], $0x80, s0, s22, $0xb8;
	[tilespmem:$0x1E400] =	vst v63  }
0x7a: {  	_ =	swait.ge [sflag:s17], $0x2800  }
0x7b: {  	s19 =	rddreg [dreg:$0x5];
	[sflag:s17] =	ssyncset.done $0x0  }
0x7c: {  	[sflag:s17] =	ssyncadd.s32 $0xFFFFD800;
	s5 =	sadd.s32 $0x0, s19  }
0x7d: {  	[tilespmem:s6], [sflag:$0x4] =	stream.linear.gather [hbm4b:s5+s3], $0x100, $0x38;
	[tilespmem:$0x1E400] =	vst v63  }
0x7e: {  	_ =	swait.ge [sflag:s1], $0x2800  }
0x7f: {  	[sflag:s1] =	ssyncset.done $0x0  }
0x80: {  	[sflag:s1] =	ssyncadd.s32 $0xFFFFD800  }
0x81: {  	_ =	swait.ge [sflag:s7], $0x100  }
0x82: {  	[sflag:s7] =	ssyncset.done $0x0  }
0x83: {  	[sflag:s7] =	ssyncadd.s32 $0xFFFFFF00  }
0x84: {  	[tilespmem:s8], [sflag:$0x8] =	stream.indirect.gather [hbm4b:s4+s22], $0x80, s6, s22, $0xb8;
	[tilespmem:$0x1E400] =	vst v63  }
0x85: {  	_ = 	snop  }
0x86: {  	[spmem:s2] =	stream.indirect.scatter.add.f32 [tilespmem:s26], [sflag:$0xA], $0x80, s9, s22, $0xb8;
	[tilespmem:$0x1E400] =	vst v63  }
0x87: {  	_ =	swait.ge [sflag:s10], $0x2800  }
0x88: {  	s18 =	rddreg [dreg:$0x4];
	[sflag:s10] =	ssyncset.done $0x0  }
0x89: {  	[sflag:s10] =	ssyncadd.s32 $0xFFFFD800;
	s5 =	sadd.s32 $0x0, s18  }
0x8a: {  	[tilespmem:s20], [sflag:$0x1] =	stream.linear.gather [hbm4b:s5+s3], $0x100, $0x38;
	[tilespmem:$0x1E400] =	vst v63  }
0x8b: {  	_ =	swait.ge [sflag:s11], $0x2800  }
0x8c: {  	[sflag:s11] =	ssyncset.done $0x0  }
0x8d: {  	[sflag:s11] =	ssyncadd.s32 $0xFFFFD800  }
0x8e: {  	_ =	swait.ge [sflag:s21], $0x100  }
0x8f: {  	[sflag:s21] =	ssyncset.done $0x0  }
0x90: {  	[sflag:s21] =	ssyncadd.s32 $0xFFFFFF00  }
0x91: {  	[tilespmem:s23], [sflag:$0x5] =	stream.indirect.gather [hbm4b:s4+s22], $0x80, s20, s22, $0xb8;
	[tilespmem:$0x1E400] =	vst v63  }
0x92: {  	_ = 	snop  }
0x93: {  	[spmem:s2] =	stream.indirect.scatter.add.f32 [tilespmem:s31], [sflag:$0xB], $0x80, s12, s22, $0xb8;
	[tilespmem:$0x1E400] =	vst v63  }
0x94: {  	_ =	swait.ge [sflag:s13], $0x2800  }
0x95: {  	s19 =	rddreg [dreg:$0x3];
	[sflag:s13] =	ssyncset.done $0x0  }
0x96: {  	[sflag:s13] =	ssyncadd.s32 $0xFFFFD800;
	s5 =	sadd.s32 $0x0, s19  }
0x97: {  	[tilespmem:s24], [sflag:$0x2] =	stream.linear.gather [hbm4b:s5+s3], $0x100, $0x38;
	[tilespmem:$0x1E400] =	vst v63  }
0x98: {  	_ =	swait.ge [sflag:s14], $0x2800  }
0x99: {  	[sflag:s14] =	ssyncset.done $0x0  }
0x9a: {  	[sflag:s14] =	ssyncadd.s32 $0xFFFFD800  }
0x9b: {  	_ =	swait.ge [sflag:s25], $0x100  }
0x9c: {  	[sflag:s25] =	ssyncset.done $0x0  }
0x9d: {  	s18 =	simm.s32 $0x80;
	[sflag:s25] =	ssyncadd.s32 $0xFFFFFF00  }
0x9e: {  	[tilespmem:s26], [sflag:$0x6] =	stream.indirect.gather [hbm4b:s4+s22], $0x80, s24, s22, $0xb8;
	[tilespmem:$0x1E400] =	vst v63  }
.LBB2_2:
0x9f: {  	[spmem:s2] =	stream.indirect.scatter.add.f32 [tilespmem:s8], [sflag:$0xC], $0x80, s15, s22, $0xb8;
	[tilespmem:$0x1E400] =	vst v63  }
0xa0: {  	_ =	swait.ge [sflag:s16], $0x2800  }
0xa1: {  	s5 =	smov.u32 s18;
	s19 =	rddreg [dreg:$0x6];
	[sflag:s16] =	ssyncset.done $0x0  }
0xa2: {  	[sflag:s16] =	ssyncadd.s32 $0xFFFFD800;
	s19 =	sadd.s32 s5, s19  }
0xa3: {  	[tilespmem:s28], [sflag:$0x3] =	stream.linear.gather [hbm4b:s19+s3], $0x100, $0x38;
	[tilespmem:$0x1E400] =	vst v63  }
0xa4: {  	_ =	swait.ge [sflag:s29], $0x2800  }
0xa5: {  	[sflag:s29] =	ssyncset.done $0x0  }
0xa6: {  	[sflag:s29] =	ssyncadd.s32 $0xFFFFD800  }
0xa7: {  	_ =	swait.ge [sflag:s30], $0x100  }
0xa8: {  	[sflag:s30] =	ssyncset.done $0x0  }
0xa9: {  	[sflag:s30] =	ssyncadd.s32 $0xFFFFFF00  }
0xaa: {  	[tilespmem:s31], [sflag:$0x7] =	stream.indirect.gather [hbm4b:s4+s22], $0x80, s28, s22, $0xb8;
	[tilespmem:$0x1E400] =	vst v63  }
0xab: {  	_ = 	snop  }
0xac: {  	[spmem:s2] =	stream.indirect.scatter.add.f32 [tilespmem:s23], [sflag:$0x9], $0x80, s0, s22, $0xb8;
	[tilespmem:$0x1E400] =	vst v63  }
0xad: {  	_ =	swait.ge [sflag:s17], $0x2800  }
0xae: {  	s19 =	rddreg [dreg:$0x5];
	[sflag:s17] =	ssyncset.done $0x0  }
0xaf: {  	[sflag:s17] =	ssyncadd.s32 $0xFFFFD800;
	s19 =	sadd.s32 s5, s19  }
0xb0: {  	[tilespmem:s6], [sflag:$0x4] =	stream.linear.gather [hbm4b:s19+s3], $0x100, $0x38;
	[tilespmem:$0x1E400] =	vst v63  }
0xb1: {  	_ =	swait.ge [sflag:s1], $0x2800  }
0xb2: {  	[sflag:s1] =	ssyncset.done $0x0  }
0xb3: {  	[sflag:s1] =	ssyncadd.s32 $0xFFFFD800  }
0xb4: {  	_ =	swait.ge [sflag:s7], $0x100  }
0xb5: {  	[sflag:s7] =	ssyncset.done $0x0  }
0xb6: {  	[sflag:s7] =	ssyncadd.s32 $0xFFFFFF00  }
0xb7: {  	[tilespmem:s8], [sflag:$0x8] =	stream.indirect.gather [hbm4b:s4+s22], $0x80, s6, s22, $0xb8;
	[tilespmem:$0x1E400] =	vst v63  }
0xb8: {  	_ = 	snop  }
0xb9: {  	[spmem:s2] =	stream.indirect.scatter.add.f32 [tilespmem:s26], [sflag:$0xA], $0x80, s9, s22, $0xb8;
	[tilespmem:$0x1E400] =	vst v63  }
0xba: {  	_ =	swait.ge [sflag:s10], $0x2800  }
0xbb: {  	s19 =	rddreg [dreg:$0x4];
	[sflag:s10] =	ssyncset.done $0x0  }
0xbc: {  	[sflag:s10] =	ssyncadd.s32 $0xFFFFD800;
	s19 =	sadd.s32 s5, s19  }
0xbd: {  	[tilespmem:s20], [sflag:$0x1] =	stream.linear.gather [hbm4b:s19+s3], $0x100, $0x38;
	[tilespmem:$0x1E400] =	vst v63  }
0xbe: {  	_ =	swait.ge [sflag:s11], $0x2800  }
0xbf: {  	[sflag:s11] =	ssyncset.done $0x0  }
0xc0: {  	[sflag:s11] =	ssyncadd.s32 $0xFFFFD800  }
0xc1: {  	_ =	swait.ge [sflag:s21], $0x100  }
0xc2: {  	[sflag:s21] =	ssyncset.done $0x0  }
0xc3: {  	[sflag:s21] =	ssyncadd.s32 $0xFFFFFF00  }
0xc4: {  	[tilespmem:s23], [sflag:$0x5] =	stream.indirect.gather [hbm4b:s4+s22], $0x80, s20, s22, $0xb8;
	[tilespmem:$0x1E400] =	vst v63  }
0xc5: {  	_ = 	snop  }
0xc6: {  	[spmem:s2] =	stream.indirect.scatter.add.f32 [tilespmem:s31], [sflag:$0xB], $0x80, s12, s22, $0xb8;
	[tilespmem:$0x1E400] =	vst v63  }
0xc7: {  	_ =	swait.ge [sflag:s13], $0x2800  }
0xc8: {  	s19 =	rddreg [dreg:$0x3];
	[sflag:s13] =	ssyncset.done $0x0  }
0xc9: {  	[sflag:s13] =	ssyncadd.s32 $0xFFFFD800;
	s5 =	sadd.s32 s5, s19  }
0xca: {  	[tilespmem:s24], [sflag:$0x2] =	stream.linear.gather [hbm4b:s5+s3], $0x100, $0x38;
	[tilespmem:$0x1E400] =	vst v63  }
0xcb: {  	_ =	swait.ge [sflag:s14], $0x2800  }
0xcc: {  	p1 =	sne.s32 s18, $0xE00;
	[sflag:s14] =	ssyncset.done $0x0  }
.Ltmp0:
0xcd: {  	[sflag:s14] =	ssyncadd.s32 $0xFFFFD800;
	(pc) =	sbr.rel @p1 .LBB2_2-.Ltmp0, $4  }
0xce: {  	_ =	swait.ge [sflag:s25], $0x100  }
0xcf: {  	[sflag:s25] =	ssyncset.done $0x0  }
0xd0: {  	s18 =	sadd.s32 $0x80, s18;
	[sflag:s25] =	ssyncadd.s32 $0xFFFFFF00  }
0xd1: {  	[tilespmem:s26], [sflag:$0x6] =	stream.indirect.gather [hbm4b:s4+s22], $0x80, s24, s22, $0xb8;
	[tilespmem:$0x1E400] =	vst v63  }
0xd2: {  	[spmem:s2] =	stream.indirect.scatter.add.f32 [tilespmem:s8], [sflag:$0xC], $0x80, s15, s22, $0xb8;
	[tilespmem:$0x1E400] =	vst v63  }
0xd3: {  	_ =	swait.ge [sflag:s16], $0x2800  }
0xd4: {  	[sflag:s16] =	ssyncset.done $0x0  }
0xd5: {  	s5 =	rddreg [dreg:$0x10];
	[sflag:s16] =	ssyncadd.s32 $0xFFFFD800  }
0xd6: {  	[tilespmem:s28], [sflag:$0x3] =	stream.linear.gather [hbm4b:s5+s3], $0x100, $0x38;
	[tilespmem:$0x1E400] =	vst v63  }
0xd7: {  	_ =	swait.ge [sflag:s29], $0x2800  }
0xd8: {  	[sflag:s29] =	ssyncset.done $0x0  }
0xd9: {  	[sflag:s29] =	ssyncadd.s32 $0xFFFFD800  }
0xda: {  	_ =	swait.ge [sflag:s30], $0x100  }
0xdb: {  	[sflag:s30] =	ssyncset.done $0x0  }
0xdc: {  	[sflag:s30] =	ssyncadd.s32 $0xFFFFFF00  }
0xdd: {  	[tilespmem:s31], [sflag:$0x7] =	stream.indirect.gather [hbm4b:s4+s22], $0x80, s28, s22, $0xb8;
	[tilespmem:$0x1E400] =	vst v63  }
0xde: {  	_ = 	snop  }
0xdf: {  	[spmem:s2] =	stream.indirect.scatter.add.f32 [tilespmem:s23], [sflag:$0x9], $0x80, s0, s22, $0xb8;
	[tilespmem:$0x1E400] =	vst v63  }
0xe0: {  	_ =	swait.ge [sflag:s17], $0x2800  }
0xe1: {  	[sflag:s17] =	ssyncset.done $0x0  }
0xe2: {  	s19 =	rddreg [dreg:$0x11];
	[sflag:s17] =	ssyncadd.s32 $0xFFFFD800  }
0xe3: {  	[tilespmem:s6], [sflag:$0x4] =	stream.linear.gather [hbm4b:s19+s3], $0x100, $0x38;
	[tilespmem:$0x1E400] =	vst v63  }
0xe4: {  	_ =	swait.ge [sflag:s1], $0x2800  }
0xe5: {  	[sflag:s1] =	ssyncset.done $0x0  }
0xe6: {  	[sflag:s1] =	ssyncadd.s32 $0xFFFFD800  }
0xe7: {  	_ =	swait.ge [sflag:s7], $0x100  }
0xe8: {  	[sflag:s7] =	ssyncset.done $0x0  }
0xe9: {  	[sflag:s7] =	ssyncadd.s32 $0xFFFFFF00  }
0xea: {  	[tilespmem:s8], [sflag:$0x8] =	stream.indirect.gather [hbm4b:s4+s22], $0x80, s6, s22, $0xb8;
	[tilespmem:$0x1E400] =	vst v63  }
0xeb: {  	_ = 	snop  }
0xec: {  	[spmem:s2] =	stream.indirect.scatter.add.f32 [tilespmem:s26], [sflag:$0xA], $0x80, s9, s22, $0xb8;
	[tilespmem:$0x1E400] =	vst v63  }
0xed: {  	_ =	swait.ge [sflag:s10], $0x2800  }
0xee: {  	[sflag:s10] =	ssyncset.done $0x0  }
0xef: {  	s18 =	rddreg [dreg:$0x12];
	[sflag:s10] =	ssyncadd.s32 $0xFFFFD800  }
0xf0: {  	[tilespmem:s20], [sflag:$0x1] =	stream.linear.gather [hbm4b:s18+s3], $0x100, $0x38;
	[tilespmem:$0x1E400] =	vst v63  }
0xf1: {  	_ =	swait.ge [sflag:s11], $0x2800  }
0xf2: {  	[sflag:s11] =	ssyncset.done $0x0  }
0xf3: {  	[sflag:s11] =	ssyncadd.s32 $0xFFFFD800  }
0xf4: {  	_ =	swait.ge [sflag:s21], $0x100  }
0xf5: {  	[sflag:s21] =	ssyncset.done $0x0  }
0xf6: {  	[sflag:s21] =	ssyncadd.s32 $0xFFFFFF00  }
0xf7: {  	[tilespmem:s23], [sflag:$0x5] =	stream.indirect.gather [hbm4b:s4+s22], $0x80, s20, s22, $0xb8;
	[tilespmem:$0x1E400] =	vst v63  }
0xf8: {  	_ = 	snop  }
0xf9: {  	[spmem:s2] =	stream.indirect.scatter.add.f32 [tilespmem:s31], [sflag:$0xB], $0x80, s12, s22, $0xb8;
	[tilespmem:$0x1E400] =	vst v63  }
0xfa: {  	_ =	swait.ge [sflag:s14], $0x2800  }
0xfb: {  	[sflag:s14] =	ssyncset.done $0x0  }
0xfc: {  	[sflag:s14] =	ssyncadd.s32 $0xFFFFD800  }
0xfd: {  	[spmem:s2] =	stream.indirect.scatter.add.f32 [tilespmem:s8], [sflag:$0xC], $0x80, s15, s22, $0xb8;
	[tilespmem:$0x1E400] =	vst v63  }
0xfe: {  	_ =	swait.ge [sflag:s29], $0x2800  }
0xff: {  	[sflag:s29] =	ssyncset.done $0x0  }
0x100: {  	[sflag:s29] =	ssyncadd.s32 $0xFFFFD800  }
0x101: {  	[spmem:s2] =	stream.indirect.scatter.add.f32 [tilespmem:s23], [sflag:$0x9], $0x80, s0, s22, $0xb8;
	[tilespmem:$0x1E400] =	vst v63  }
0x102: {  	_ =	swait.ge [sflag:s13], $0x2800  }
0x103: {  	[sflag:s13] =	ssyncset.done $0x0  }
0x104: {  	[sflag:s13] =	ssyncadd.s32 $0xFFFFD800  }
0x105: {  	_ =	swait.ge [sflag:s16], $0x2800  }
0x106: {  	[sflag:s16] =	ssyncset.done $0x0  }
0x107: {  	[sflag:s16] =	ssyncadd.s32 $0xFFFFD800  }
0x108: {  	_ =	swait.ge [sflag:s17], $0x2800  }
0x109: {  	[sflag:s17] =	ssyncset.done $0x0  }
0x10a: {  	[sflag:s17] =	ssyncadd.s32 $0xFFFFD800  }
0x10b: {  	_ =	swait.ge [sflag:s10], $0x2800  }
0x10c: {  	[sflag:s10] =	ssyncset.done $0x0  }
0x10d: {  	[sflag:s10] =	ssyncadd.s32 $0xFFFFD800  }
0x10e: {  	s19 =	stileid.u32;
	[bflag:$0x0] =	sbarrier.arrive $0xFFFF  }
0x10f: {  	s5 =	sshll.u32 s19, $0x6;
	s18 =	rddreg [dreg:$0x7]  }
0x110: {  	s5 =	sor.u32 $0x1C0D, s5;
	s19 =	rddreg [dreg:$0x13];
	s18 =	sshrl.u32 s18, $0x3  }
0x111: {  	[hbm:s19], [sflag:s5] =	dma.local [spmem:s18], $0x2800  }
0x112: {  	s18 =	simm.s32 $0xD  }
0x113: {  	_ =	swait.ge [sflag:s18], $0x2800  }
0x114: {  	s5 =	rddreg [dreg:$0x16]  }
0x115: {  	s19 =	sadd.s32 $0x1, s5;
	s5 =	rddreg [dreg:$0x14]  }
0x116: {  	p1 =	sne.s32 s19, s5  }
.Ltmp1:
0x117: {  	_ = 	snop;
	(pc) =	sbr.rel @p1 .LBB2_1-.Ltmp1, $3  }
0x118: {  	_ =	sdelay $0x1  }
0x119: {  	[sflag:s18] =	ssyncset.done $0x0  }
0x11a: {  	[sflag:s18] =	ssyncadd.s32 $0xFFFFD800  }
0x11b: {  	_ =	sfence.sel $0x180000  }
0x11c: {  	[bflag:$0x0] =	sbarrier.arrive $0xFFFF  }
0x11d: {  	_ =	strace $0x9000004D  }
0x11e: {  	s0 =	stileid.u32;
	[bflag:$0x2] =	sbarrier.arrive $0xFFFF  }
0x11f: {  	p0 =	sne.s32 s0, $0x0;
	s0 =	rddreg [dreg:$0x2]  }
0x120: {  	s0 =	sadd.s32 @!p0 $0x100000, s0  }
0x121: {  	[sflag:s0] =	ssyncadd.tile.s32 @!p0 $0x1;
	_ =	shalt  }
.Lfunc_end2:
_tile_overlayer_lowered:
.L_overlay_start_2:
0x122: {  	(tag) =	ssettag $0x2  }
0x123: {  	s0 =	rddreg [dreg:$0x0];
	s2 =	stileid.u32  }
0x124: {  	s1 =	rddreg [dreg:$0x1];
	p0 =	sne.s32 s2, $0x0  }
0x125: {  	s3 =	rddreg [dreg:$0x2];
	[bflag:$0x3] =	sbarrier.arrive $0xFFFF;
	s2 =	simm.s32 @!p0 $0x1C0D  }
0x126: {  	[timem:s3], [sflag:s2] =	dma.local @!p0 [hbm:s0], s1  }
0x127: {  	s0 =	simm.s32 @!p0 $0xD  }
0x128: {  	_ =	swait.ge @!p0 [sflag:s0], s1  }
0x129: {  	s1 =	ssub.s32 @!p0 $0x0, s1;
	[sflag:s0] =	ssyncset.done @!p0 $0x0  }
0x12a: {  	[sflag:s0] =	ssyncadd.s32 @!p0 s1  }
0x12b: {  	[bflag:$0x3] =	sbarrier.arrive $0xFFFF  }
0x12c: {  	_ =	shalt  }

// kernel: kernel.9.cloned.1.call-start
scs
__scs_entry_jumppad:
0x0: {  	(pc) =	sbr.rel $0x88, $3  }
0x1: {  	(tag) =	ssettag $0x0;
	lr =	simm.s32 $0x1  }
0x2: {  	[smem:$0x3F95] =	sst lr;
	_ =	strace $0xD0000000  }
0x3: {  	_ = 	snop  }
0x4: {  	_ = 	snop  }
0x5: {  	_ = 	snop  }
0x6: {  	_ = 	snop  }
0x7: {  	_ = 	snop  }
__scs_overlays_trampoline_lowered:
0x8: {  	[smem:$0x3FA4] =	sst s0  }
0x9: {  	[smem:$0x3FA5] =	sst s1  }
0xa: {  	[smem:$0x3FA6] =	sst s2  }
0xb: {  	[smem:$0x3FA7] =	sst s3  }
0xc: {  	[smem:$0x3FA8] =	sst s4  }
0xd: {  	[smem:$0x3FA9] =	sst s5  }
0xe: {  	[smem:$0x3FAA] =	sst s6  }
0xf: {  	[smem:$0x3FAB] =	sst s7  }
0x10: {  	[smem:$0x3FAC] =	sst s8  }
0x11: {  	[smem:$0x3FAD] =	sst s9;
	s0 =	simm.s32 @!p0 $0x0  }
0x12: {  	s1 =	sld [smem:$0x3F93];
	s0 =	simm.s32 @p0 $0x1  }
0x13: {  	[smem:$0x3FAE] =	sst s0;
	s0 =	simm.s32 @!p1 $0x0  }
0x14: {  	s2 =	sld [smem:$0x3F92];
	s0 =	simm.s32 @p1 $0x1  }
0x15: {  	[smem:$0x3FAF] =	sst s0;
	s0 =	simm.s32 @!p2 $0x0  }
0x16: {  	s3 =	sld [smem:$0x3FDB];
	s0 =	simm.s32 @p2 $0x1  }
0x17: {  	s4 =	simm.s32 $0x1BF5;
	[smem:$0x3FB1] =	sst s0  }
0x18: {  	s0 =	sld [smem:$0x3F94];
	_ =	swait.ge [sflag:s4], $0x0  }
0x19: {  	s7 =	sld [smem:$0x3F95]  }
0x1a: {  	s8 =	sadd.s32 $0xFFFFE003, lr  }
0x1b: {  	s9 =	sadd.s32 $0xFFFFFEF7, lr;
	s5 =	simm.s32 $0xFFFFFFFF;
	p2 =	slt.u32 s8, $0xFFFFF086  }
0x1c: {  	p1 =	slt.u32 s9, $0xF7A;
	s5 =	simm.s32 @!p2 $0x0  }
0x1d: {  	s5 =	simm.s32 @p1 $0x1;
	p0 =	seq.s32 s7, s2  }
0x1e: {  	s7 =	smul.u32 @!p0 $0xF7A, s2;
	p2 =	seq.s32 @!p0 s5, $0x0  }
0x1f: {  	s9 =	smul.u32 $0xF7A, s1;
	s8 =	simm.s32 @!p0 $0x1BF5;
	p2 =	por !p2, p0  }
0x20: {  	[sflag:s8] =	ssyncset.s32 @!p0 $0xFFFFF086;
	s6 =	sadd.s32 @!p0 s3, s7;
	s7 =	simm.s32 @!p0 $0x108  }
0x21: {  	s3 =	sadd.s32 s3, s9;
	s6 =	sadd.s32 @!p0 $0x88, s6;
	s7 =	simm.s32 @p2 $0x1082  }
0x22: {  	[simem:s7], [sflag:s8] =	dma.local @!p0 [hbm:s6], $0xF7A  }
0x23: {  	s9 =	sor.u32 $0xD0000000, s2;
	s6 =	simm.s32 $0x108;
	_ =	swait.ge @!p0 [sflag:s8], $0x0  }
0x24: {  	s3 =	sadd.s32 $0x88, s3;
	s6 =	simm.s32 @!p1 $0x1082;
	[sflag:s4] =	ssyncset.s32 $0xFFFFF086  }
0x25: {  	[simem:s6], [sflag:s4] =	dma.local [hbm:s3], $0xF7A  }
0x26: {  	[smem:$0x3F95] =	sst s1;
	(tag) =	ssettag s2;
	_ =	strace s9  }
0x27: {  	s1 =	sld [smem:$0x3FA5]  }
0x28: {  	s2 =	sld [smem:$0x3FA6]  }
0x29: {  	s4 =	sld [smem:$0x3FA8]  }
0x2a: {  	p0 =	seq.s32 s5, $0x0;
	s5 =	sld [smem:$0x3FA9]  }
0x2b: {  	s6 =	sld [smem:$0x3FAA]  }
0x2c: {  	s7 =	sld [smem:$0x3FAB]  }
0x2d: {  	s3 =	simm.s32 $0x108;
	s8 =	sld [smem:$0x3FAC]  }
0x2e: {  	s3 =	simm.s32 @!p0 $0x1082;
	s9 =	sld [smem:$0x3FAD]  }
0x2f: {  	lr =	sadd.s32 s0, s3;
	s0 =	sld [smem:$0x3FA4]  }
0x30: {  	s3 =	sld [smem:$0x3FA7]  }
0x31: {  	[smem:$0x3FB0] =	sst s10  }
0x32: {  	s10 =	sld [smem:$0x3FAE];
	_ =	sdelay $0x3  }
0x33: {  	p0 =	seq.s32 s10, $0x1;
	s10 =	sld [smem:$0x3FB0];
	_ =	sdelay $0x3  }
0x34: {  	[smem:$0x3FB0] =	sst s10  }
0x35: {  	s10 =	sld [smem:$0x3FAF];
	_ =	sdelay $0x3  }
0x36: {  	p1 =	seq.s32 s10, $0x1;
	s10 =	sld [smem:$0x3FB0];
	_ =	sdelay $0x3  }
0x37: {  	[smem:$0x3FB0] =	sst s10  }
0x38: {  	s10 =	sld [smem:$0x3FB1]  }
0x39: {  	_ = 	snop;
	(pc) =	sbr.ind lr, $3  }
0x3a: {  	_ = 	snop  }
0x3b: {  	_ = 	snop  }
0x3c: {  	p2 =	seq.s32 s10, $0x1;
	s10 =	sld [smem:$0x3FB0]  }
0x3d: {  	_ =	shalt  }
0x3e: {  	_ =	shalt  }
0x3f: {  	_ =	shalt  }
0x40: {  	_ =	shalt  }
0x41: {  	_ =	shalt  }
0x42: {  	_ =	shalt  }
0x43: {  	_ =	shalt  }
0x44: {  	_ =	shalt  }
0x45: {  	_ =	shalt  }
0x46: {  	_ =	shalt  }
0x47: {  	_ =	shalt  }
0x48: {  	_ =	shalt  }
0x49: {  	_ =	shalt  }
0x4a: {  	_ =	shalt  }
0x4b: {  	_ =	shalt  }
0x4c: {  	_ =	shalt  }
0x4d: {  	_ =	shalt  }
0x4e: {  	_ =	shalt  }
0x4f: {  	_ =	shalt  }
0x50: {  	_ =	shalt  }
0x51: {  	_ =	shalt  }
0x52: {  	_ =	shalt  }
0x53: {  	_ =	shalt  }
0x54: {  	_ =	shalt  }
0x55: {  	_ =	shalt  }
0x56: {  	_ =	shalt  }
0x57: {  	_ =	shalt  }
0x58: {  	_ =	shalt  }
0x59: {  	_ =	shalt  }
0x5a: {  	_ =	shalt  }
0x5b: {  	_ =	shalt  }
0x5c: {  	_ =	shalt  }
0x5d: {  	_ =	shalt  }
0x5e: {  	_ =	shalt  }
0x5f: {  	_ =	shalt  }
0x60: {  	_ =	shalt  }
0x61: {  	_ =	shalt  }
0x62: {  	_ =	shalt  }
0x63: {  	_ =	shalt  }
0x64: {  	_ =	shalt  }
0x65: {  	_ =	shalt  }
0x66: {  	_ =	shalt  }
0x67: {  	_ =	shalt  }
0x68: {  	_ =	shalt  }
0x69: {  	_ =	shalt  }
0x6a: {  	_ =	shalt  }
0x6b: {  	_ =	shalt  }
0x6c: {  	_ =	shalt  }
0x6d: {  	_ =	shalt  }
0x6e: {  	_ =	shalt  }
0x6f: {  	_ =	shalt  }
0x70: {  	_ =	shalt  }
0x71: {  	_ =	shalt  }
0x72: {  	_ =	shalt  }
0x73: {  	_ =	shalt  }
0x74: {  	_ =	shalt  }
0x75: {  	_ =	shalt  }
0x76: {  	_ =	shalt  }
0x77: {  	_ =	shalt  }
0x78: {  	_ =	shalt  }
0x79: {  	_ =	shalt  }
0x7a: {  	_ =	shalt  }
0x7b: {  	_ =	shalt  }
0x7c: {  	_ =	shalt  }
0x7d: {  	_ =	shalt  }
0x7e: {  	_ =	shalt  }
0x7f: {  	_ =	shalt  }
0x80: {  	_ =	shalt  }
0x81: {  	_ =	shalt  }
0x82: {  	_ =	shalt  }
0x83: {  	_ =	shalt  }
0x84: {  	_ =	shalt  }
0x85: {  	_ =	shalt  }
0x86: {  	_ =	shalt  }
0x87: {  	_ =	shalt  }
.Lfunc_end0:
.L_simem_size_0:
called_computation_lowered:
.L_overlay_start_0:
0x88: {  	s2 =	sld [smem:$0x3FD9]  }
0x89: {  	s3 =	sld [smem:$0x3FFE];
	_ =	sdelay $0x1  }
0x8a: {  	s1 =	srdreg.scid  }
0x8b: {  	s0 =	sand.u32 $0x1, s1  }
0x8c: {  	s16 =	sshll.u32 s0, $0xA;
	s2 =	sadd.s32 s3, s2  }
0x8d: {  	s2 =	sadd.s32 s2, s16  }
0x8e: {  	[smem:$0x3FBC] =	sst s2  }
0x8f: {  	_ = 	snop  }
0x90: {  	(tm) =	ssettm $0x1  }
0x91: {  	s17 =	sld [smem:$0x3FFB];
	_ =	sdelay $0x3  }
0x92: {  	_ =	strace s17  }
0x93: {  	s2 =	sld [smem:$0x3FFC];
	_ =	sdelay $0x3  }
0x94: {  	_ =	strace s2  }
0x95: {  	s2 =	sld [smem:$0x3FFD];
	_ =	sdelay $0x3  }
0x96: {  	_ =	strace s2  }
0x97: {  	_ =	strace $0x8FFFFFFF  }
0x98: {  	s18 =	sld [smem:$0x3FDB];
	_ =	sdelay $0x1  }
0x99: {  	s19 =	simm.s32 $_scs_section_size  }
0x9a: {  	s4 =	simm.s32 $_size__tile_overlayer_lowered;
	s5 =	simm.s32 $_tile_overlayer_lowered  }
0x9b: {  	s22 =	simm.s32 $0x1BFF;
	s21 =	sshll.u32 s5, $0x1;
	s2 =	sadd.s32 s19, s18  }
0x9c: {  	s6 =	simm.s32 $0x0;
	s20 =	sshll.u32 s4, $0x1;
	s4 =	sadd.s32 s21, s2  }
0x9d: {  	[timem:s6], [sflag:s22] =	dma.local [hbm:s4], s20  }
0x9e: {  	_ =	swait.ge [sflag:s22], s20  }
0x9f: {  	s3 =	ssub.s32 $0x0, s20;
	[sflag:s22] =	ssyncset.done $0x0  }
0xa0: {  	[sflag:s22] =	ssyncadd.s32 s3;
	_ =	sdelay $0x1  }
0xa1: {  	s23 =	simm.s32 $0x1B8B  }
0xa2: {  	_ =	swait.ge [sflag:s23], $0x1  }
0xa3: {  	[sflag:s23] =	ssyncset.done $0x0  }
0xa4: {  	s25 =	simm.s32 $0x1B8E;
	s24 =	sld [smem:$0x3FFE];
	[sflag:s23] =	ssyncadd.s32 $0xFFFFFFFF  }
0xa5: {  	s26 =	simm.s32 $execute0_lowered;
	[smem:$0x3FD2] =	sst s25  }
0xa6: {  	s4 =	sshll.u32 s26, $0x1;
	_ =	strace $0x80000046;
	[dreg:$0x1] =	wrdreg $0xFFFFFFFF  }
0xa7: {  	s28 =	simm.s32 $_size_execute0_lowered;
	s2 =	sadd.s32 s2, s4;
	[dreg:$0x0] =	wrdreg $0x0  }
0xa8: {  	s4 =	sshll.u32 s28, $0x1;
	[dreg:$0x2] =	wrdreg s2  }
0xa9: {  	[dreg:$0x3] =	wrdreg s4  }
0xaa: {  	[dreg:$0x4] =	wrdreg $0xC0  }
0xab: {  	_ =	task [dreg:s6], $0x5FFFF  }
0xac: {  	[dreg:$0x1] =	wrdreg $0xFFFFFFFF  }
0xad: {  	[dreg:$0x0] =	wrdreg $0x60  }
0xae: {  	[dreg:$0x2] =	wrdreg s24  }
0xaf: {  	[dreg:$0x3] =	wrdreg $0x0  }
0xb0: {  	[dreg:$0x4] =	wrdreg $0x9  }
0xb1: {  	_ =	task.clear_ibuf [dreg:s6], $0x5FFFF;
	_ =	strace $0x90000046  }
0xb2: {  	s29 =	simm.s32 $0x9;
	_ =	strace $0x80000048  }
0xb3: {  	_ =	swait.ge [sflag:s29], $0x1  }
0xb4: {  	[sflag:s29] =	ssyncadd.s32 $0xFFFFFFFF  }
0xb5: {  	_ =	strace $0x90000048  }
0xb6: {  	_ =	sfence  }
0xb7: {  	s30 =	sld [smem:$0x0];
	_ =	sdelay $0x2  }
0xb8: {  	s31 =	sshll.u32 s1, $0xD;
	s1 =	sshrl.u32 s1, $0x2  }
0xb9: {  	s3 =	sand.u32 $0x4000, s31;
	s1 =	sadd.s32 s1, s30  }
0xba: {  	s0 =	sor.u32 s3, s0;
	s1 =	sshll.u32 s1, $0x11  }
0xbb: {  	s0 =	sor.u32 s1, s0  }
0xbc: {  	s0 =	sadd.s32 $0x8F2B, s0  }
0xbd: {  	[sflag:s0] =	ssyncadd.remote.s32 $0x1  }
0xbe: {  	_ =	sfence.sel $0xFFFF  }
0xbf: {  	[dreg:$0x0] =	wrdreg $0xFFFFFFFF;
	(pc) =	sbr.abs _section_cstart, $3  }
0xc0: {  	[dreg:$0x1] =	wrdreg $0xFFFFFFFF  }
0xc1: {  	_ =	task.clear_ibuf [dreg:s6], $0x2FFFF;
	_ =	strace $0x9FFFFFFF  }
0xc2: {  	(tm) =	ssettm $0x7FFFFFFF  }
0xc3: {  	_ =	shalt  }
tec
execute0_lowered:
.L_overlay_start_1:
0x0: {  	(tag) =	ssettag $0x1  }
0x1: {  	s0 =	rddreg [dreg:$0x0]  }
0x2: {  	s2 =	rddreg [dreg:$0x1];
	s3 =	simm.s32 $0x0;
	s13 =	stileid.u32  }
0x3: {  	s1 =	srdreg.scid;
	s28 =	simm.s32 $0x14200;
	s29 =	simm.s32 $0x5  }
0x4: {  	s30 =	simm.s32 $0x3;
	s31 =	simm.s32 $0x19400;
	s5 =	smul.u32 $0x2800, s13  }
0x5: {  	[smem:$0x7FF] =	sst s3;
	s1 =	sand.u32 $0x1, s1;
	s25 =	smul.u32 $0x50000, s13  }
0x6: {  	s4 =	sadd.s32 $0x22C00, s0;
	s8 =	sadd.s32 $0x3800, s0;
	s26 =	smul.u32 $0x7D, s13  }
0x7: {  	p0 =	seq.s32 s13, $0xF;
	_ =	strace $0x80000047;
	s6 =	smul.u32 $0x28000, s1  }
0x8: {  	s9 =	sshll.u32 s1, $0x4;
	s10 =	ssub.s32 $0x2, s1;
	s1 =	smul.u32 $0x7D0, s1  }
0x9: {  	s7 =	sadd.s32 s5, s0;
	s24 =	sor.u32 s13, s9;
	s12 =	sshrl.u32 s10, $0x1  }
0xa: {  	s9 =	sshrl.u32 s25, $0x2;
	s13 =	simm.s32 $0xA;
	s11 =	smul.u32 $0xFA0, s24  }
0xb: {  	s5 =	sadd.s32 s5, s6;
	s6 =	smul.u32 $0x7D00, s24;
	s9 =	sadd.s32 s9, s2  }
0xc: {  	s10 =	ssub.s32 s10, s12;
	s7 =	sadd.s32 $0x4AC00, s7;
	[dreg:$0x7] =	wrdreg s9  }
0xd: {  	s1 =	sadd.s32 s26, s1;
	s5 =	sadd.s32 s5, s0;
	[dreg:$0x8] =	wrdreg s7  }
0xe: {  	s9 =	sadd.s32 $0x12C000, s2;
	s0 =	sadd.s32 $0x70400, s0;
	s1 =	sshll.u32 s1, $0x5  }
0xf: {  	s26 =	smax.u32 s10, $0x1;
	s7 =	simm.s32 $0x4;
	[dreg:$0x9] =	wrdreg s0  }
0x10: {  	s10 =	simm.s32 $0x9;
	s14 =	sadd.s32 s8, s11;
	[dreg:$0x14] =	wrdreg s26  }
0x11: {  	s1 =	sadd.s32 s8, s1;
	s5 =	sadd.s32 $0x72C00, s5;
	[dreg:$0xa] =	wrdreg s14  }
0x12: {  	s6 =	sshrl.u32 s6, $0x3;
	s22 =	sadd.s32 $0x120, s1;
	[dreg:$0x13] =	wrdreg s5  }
0x13: {  	s26 =	simm.s32 $0x16C00;
	s23 =	sadd.s32 $0x100, s1;
	[dreg:$0x3] =	wrdreg s22  }
0x14: {  	s11 =	simm.s32 $0x7;
	s24 =	sadd.s32 $0xE0, s1;
	[dreg:$0x4] =	wrdreg s23  }
0x15: {  	s12 =	sadd.s32 s8, s6;
	s25 =	sadd.s32 $0xC0, s1;
	[dreg:$0x5] =	wrdreg s24  }
0x16: {  	s6 =	simm.s32 $0x14300;
	s15 =	sadd.s32 $0x20, s12;
	[dreg:$0x6] =	wrdreg s25  }
0x17: {  	s1 =	simm.s32 $0x6;
	s16 =	sadd.s32 $0x40, s12;
	[dreg:$0xb] =	wrdreg s15  }
0x18: {  	s8 =	simm.s32 $0x1BC00;
	s17 =	sadd.s32 $0x60, s12;
	[dreg:$0xc] =	wrdreg s16  }
0x19: {  	s14 =	simm.s32 $0x8;
	s18 =	sadd.s32 $0x80, s12;
	[dreg:$0xd] =	wrdreg s17  }
0x1a: {  	s19 =	sadd.s32 $0xA0, s12;
	s20 =	sadd.s32 $0xF40, s12;
	[dreg:$0xe] =	wrdreg s18  }
0x1b: {  	s21 =	sadd.s32 $0xF60, s12;
	s0 =	sadd.s32 $0xF80, s12;
	[dreg:$0xf] =	wrdreg s19  }
0x1c: {  	s22 =	simm.s32 $0x50;
	s23 =	simm.s32 $0x14400;
	[dreg:$0x10] =	wrdreg s20  }
0x1d: {  	s24 =	simm.s32 $0x14100;
	s25 =	simm.s32 $0x2;
	[dreg:$0x11] =	wrdreg s21  }
0x1e: {  	s12 =	simm.s32 $0x14280;
	[dreg:$0x12] =	wrdreg s0;
	s0 =	sshrl.u32 @p0 s9, $0x3  }
0x1f: {  	s20 =	simm.s32 $0x14000;
	s21 =	simm.s32 $0x1;
	s9 =	simm.s32 $0x14180  }
0x20: {  	s15 =	simm.s32 $0x14380;
	s16 =	simm.s32 $0xB;
	s17 =	simm.s32 $0xC  }
0x21: {  	s19 =	simm.s32 $0x0;
	[dreg:$0x15] =	wrdreg s0;
	s0 =	simm.s32 $0x14080  }
.LBB2_1:
0x22: {  	[dreg:$0x16] =	wrdreg s19  }
0x23: {  	s18 =	rddreg [dreg:$0x9]  }
0x24: {  	s5 =	simm.s32 @p0 $0x1FCD;
	s19 =	rddreg [dreg:$0x15]  }
0x25: {  	[spmem:s19], [sflag:s5] =	dma.local @p0 [hbm:s18], $0x1900  }
0x26: {  	s5 =	simm.s32 @p0 $0xD  }
0x27: {  	s18 =	stileid.u32;
	_ =	swait.ge @p0 [sflag:s5], $0x1900  }
0x28: {  	s18 =	sshll.u32 @!p0 s18, $0x6;
	[sflag:s5] =	ssyncset.done @p0 $0x0  }
0x29: {  	[sflag:s5] =	ssyncadd.s32 @p0 $0xFFFFE700;
	s5 =	sor.u32 @!p0 $0x1C0D, s18;
	s18 =	rddreg [dreg:$0x7]  }
0x2a: {  	s19 =	rddreg [dreg:$0x8];
	s18 =	sshrl.u32 @!p0 s18, $0x3  }
0x2b: {  	[spmem:s18], [sflag:s5] =	dma.local @!p0 [hbm:s19], $0x2800  }
0x2c: {  	s5 =	simm.s32 @!p0 $0xD  }
0x2d: {  	_ =	swait.ge @!p0 [sflag:s5], $0x2800  }
0x2e: {  	[sflag:s5] =	ssyncset.done @!p0 $0x0  }
0x2f: {  	[sflag:s5] =	ssyncadd.s32 @!p0 $0xFFFFD800  }
0x30: {  	[bflag:$0x0] =	sbarrier.arrive $0xFFFF  }
0x31: {  	s18 =	rddreg [dreg:$0xa]  }
0x32: {  	[tilespmem:s20], [sflag:$0x1] =	stream.linear.gather [hbm4b:s18+s3], $0x100, $0x38;
	[tilespmem:$0x1E400] =	vst v63  }
0x33: {  	_ =	swait.ge [sflag:s21], $0x100  }
0x34: {  	[sflag:s21] =	ssyncset.done $0x0  }
0x35: {  	[sflag:s21] =	ssyncadd.s32 $0xFFFFFF00  }
0x36: {  	[tilespmem:s23], [sflag:$0x5] =	stream.indirect.gather [hbm4b:s4+s22], $0x80, s20, s22, $0xb8;
	[tilespmem:$0x1E400] =	vst v63  }
0x37: {  	s19 =	rddreg [dreg:$0xb]  }
0x38: {  	[tilespmem:s24], [sflag:$0x2] =	stream.linear.gather [hbm4b:s19+s3], $0x100, $0x38;
	[tilespmem:$0x1E400] =	vst v63  }
0x39: {  	_ =	swait.ge [sflag:s25], $0x100  }
0x3a: {  	[sflag:s25] =	ssyncset.done $0x0  }
0x3b: {  	[sflag:s25] =	ssyncadd.s32 $0xFFFFFF00  }
0x3c: {  	[tilespmem:s26], [sflag:$0x6] =	stream.indirect.gather [hbm4b:s4+s22], $0x80, s24, s22, $0xb8;
	[tilespmem:$0x1E400] =	vst v63  }
0x3d: {  	s18 =	rddreg [dreg:$0xc]  }
0x3e: {  	[tilespmem:s28], [sflag:$0x3] =	stream.linear.gather [hbm4b:s18+s3], $0x100, $0x38;
	[tilespmem:$0x1E400] =	vst v63  }
0x3f: {  	_ =	swait.ge [sflag:s29], $0x2800  }
0x40: {  	[sflag:s29] =	ssyncset.done $0x0  }
0x41: {  	[sflag:s29] =	ssyncadd.s32 $0xFFFFD800  }
0x42: {  	_ =	swait.ge [sflag:s30], $0x100  }
0x43: {  	[sflag:s30] =	ssyncset.done $0x0  }
0x44: {  	[sflag:s30] =	ssyncadd.s32 $0xFFFFFF00  }
0x45: {  	[tilespmem:s31], [sflag:$0x7] =	stream.indirect.gather [hbm4b:s4+s22], $0x80, s28, s22, $0xb8;
	[tilespmem:$0x1E400] =	vst v63  }
0x46: {  	_ = 	snop  }
0x47: {  	[spmem:s2] =	stream.indirect.scatter.add.f32 [tilespmem:s23], [sflag:$0x9], $0x80, s0, s22, $0xb8;
	[tilespmem:$0x1E400] =	vst v63  }
0x48: {  	s19 =	rddreg [dreg:$0xd]  }
0x49: {  	[tilespmem:s6], [sflag:$0x4] =	stream.linear.gather [hbm4b:s19+s3], $0x100, $0x38;
	[tilespmem:$0x1E400] =	vst v63  }
0x4a: {  	_ =	swait.ge [sflag:s1], $0x2800  }
0x4b: {  	[sflag:s1] =	ssyncset.done $0x0  }
0x4c: {  	[sflag:s1] =	ssyncadd.s32 $0xFFFFD800  }
0x4d: {  	_ =	swait.ge [sflag:s7], $0x100  }
0x4e: {  	[sflag:s7] =	ssyncset.done $0x0  }
0x4f: {  	[sflag:s7] =	ssyncadd.s32 $0xFFFFFF00  }
0x50: {  	[tilespmem:s8], [sflag:$0x8] =	stream.indirect.gather [hbm4b:s4+s22], $0x80, s6, s22, $0xb8;
	[tilespmem:$0x1E400] =	vst v63  }
0x51: {  	_ = 	snop  }
0x52: {  	[spmem:s2] =	stream.indirect.scatter.add.f32 [tilespmem:s26], [sflag:$0xA], $0x80, s9, s22, $0xb8;
	[tilespmem:$0x1E400] =	vst v63  }
0x53: {  	_ =	swait.ge [sflag:s10], $0x2800  }
0x54: {  	[sflag:s10] =	ssyncset.done $0x0  }
0x55: {  	s18 =	rddreg [dreg:$0xe];
	[sflag:s10] =	ssyncadd.s32 $0xFFFFD800  }
0x56: {  	[tilespmem:s20], [sflag:$0x1] =	stream.linear.gather [hbm4b:s18+s3], $0x100, $0x38;
	[tilespmem:$0x1E400] =	vst v63  }
0x57: {  	_ =	swait.ge [sflag:s11], $0x2800  }
0x58: {  	[sflag:s11] =	ssyncset.done $0x0  }
0x59: {  	[sflag:s11] =	ssyncadd.s32 $0xFFFFD800  }
0x5a: {  	_ =	swait.ge [sflag:s21], $0x100  }
0x5b: {  	[sflag:s21] =	ssyncset.done $0x0  }
0x5c: {  	[sflag:s21] =	ssyncadd.s32 $0xFFFFFF00  }
0x5d: {  	[tilespmem:s23], [sflag:$0x5] =	stream.indirect.gather [hbm4b:s4+s22], $0x80, s20, s22, $0xb8;
	[tilespmem:$0x1E400] =	vst v63  }
0x5e: {  	_ = 	snop  }
0x5f: {  	[spmem:s2] =	stream.indirect.scatter.add.f32 [tilespmem:s31], [sflag:$0xB], $0x80, s12, s22, $0xb8;
	[tilespmem:$0x1E400] =	vst v63  }
0x60: {  	_ =	swait.ge [sflag:s13], $0x2800  }
0x61: {  	[sflag:s13] =	ssyncset.done $0x0  }
0x62: {  	s19 =	rddreg [dreg:$0xf];
	[sflag:s13] =	ssyncadd.s32 $0xFFFFD800  }
0x63: {  	[tilespmem:s24], [sflag:$0x2] =	stream.linear.gather [hbm4b:s19+s3], $0x100, $0x38;
	[tilespmem:$0x1E400] =	vst v63  }
0x64: {  	_ =	swait.ge [sflag:s14], $0x2800  }
0x65: {  	[sflag:s14] =	ssyncset.done $0x0  }
0x66: {  	[sflag:s14] =	ssyncadd.s32 $0xFFFFD800  }
0x67: {  	_ =	swait.ge [sflag:s25], $0x100  }
0x68: {  	[sflag:s25] =	ssyncset.done $0x0  }
0x69: {  	[sflag:s25] =	ssyncadd.s32 $0xFFFFFF00  }
0x6a: {  	[tilespmem:s26], [sflag:$0x6] =	stream.indirect.gather [hbm4b:s4+s22], $0x80, s24, s22, $0xb8;
	[tilespmem:$0x1E400] =	vst v63  }
0x6b: {  	_ = 	snop  }
0x6c: {  	[spmem:s2] =	stream.indirect.scatter.add.f32 [tilespmem:s8], [sflag:$0xC], $0x80, s15, s22, $0xb8;
	[tilespmem:$0x1E400] =	vst v63  }
0x6d: {  	_ =	swait.ge [sflag:s16], $0x2800  }
0x6e: {  	s18 =	rddreg [dreg:$0x6];
	[sflag:s16] =	ssyncset.done $0x0  }
0x6f: {  	[sflag:s16] =	ssyncadd.s32 $0xFFFFD800;
	s5 =	sadd.s32 $0x0, s18  }
0x70: {  	[tilespmem:s28], [sflag:$0x3] =	stream.linear.gather [hbm4b:s5+s3], $0x100, $0x38;
	[tilespmem:$0x1E400] =	vst v63  }
0x71: {  	_ =	swait.ge [sflag:s29], $0x2800  }
0x72: {  	[sflag:s29] =	ssyncset.done $0x0  }
0x73: {  	[sflag:s29] =	ssyncadd.s32 $0xFFFFD800  }
0x74: {  	_ =	swait.ge [sflag:s30], $0x100  }
0x75: {  	[sflag:s30] =	ssyncset.done $0x0  }
0x76: {  	[sflag:s30] =	ssyncadd.s32 $0xFFFFFF00  }
0x77: {  	[tilespmem:s31], [sflag:$0x7] =	stream.indirect.gather [hbm4b:s4+s22], $0x80, s28, s22, $0xb8;
	[tilespmem:$0x1E400] =	vst v63  }
0x78: {  	_ = 	snop  }
0x79: {  	[spmem:s2] =	stream.indirect.scatter.add.f32 [tilespmem:s23], [sflag:$0x9], $0x80, s0, s22, $0xb8;
	[tilespmem:$0x1E400] =	vst v63  }
0x7a: {  	_ =	swait.ge [sflag:s17], $0x2800  }
0x7b: {  	s19 =	rddreg [dreg:$0x5];
	[sflag:s17] =	ssyncset.done $0x0  }
0x7c: {  	[sflag:s17] =	ssyncadd.s32 $0xFFFFD800;
	s5 =	sadd.s32 $0x0, s19  }
0x7d: {  	[tilespmem:s6], [sflag:$0x4] =	stream.linear.gather [hbm4b:s5+s3], $0x100, $0x38;
	[tilespmem:$0x1E400] =	vst v63  }
0x7e: {  	_ =	swait.ge [sflag:s1], $0x2800  }
0x7f: {  	[sflag:s1] =	ssyncset.done $0x0  }
0x80: {  	[sflag:s1] =	ssyncadd.s32 $0xFFFFD800  }
0x81: {  	_ =	swait.ge [sflag:s7], $0x100  }
0x82: {  	[sflag:s7] =	ssyncset.done $0x0  }
0x83: {  	[sflag:s7] =	ssyncadd.s32 $0xFFFFFF00  }
0x84: {  	[tilespmem:s8], [sflag:$0x8] =	stream.indirect.gather [hbm4b:s4+s22], $0x80, s6, s22, $0xb8;
	[tilespmem:$0x1E400] =	vst v63  }
0x85: {  	_ = 	snop  }
0x86: {  	[spmem:s2] =	stream.indirect.scatter.add.f32 [tilespmem:s26], [sflag:$0xA], $0x80, s9, s22, $0xb8;
	[tilespmem:$0x1E400] =	vst v63  }
0x87: {  	_ =	swait.ge [sflag:s10], $0x2800  }
0x88: {  	s18 =	rddreg [dreg:$0x4];
	[sflag:s10] =	ssyncset.done $0x0  }
0x89: {  	[sflag:s10] =	ssyncadd.s32 $0xFFFFD800;
	s5 =	sadd.s32 $0x0, s18  }
0x8a: {  	[tilespmem:s20], [sflag:$0x1] =	stream.linear.gather [hbm4b:s5+s3], $0x100, $0x38;
	[tilespmem:$0x1E400] =	vst v63  }
0x8b: {  	_ =	swait.ge [sflag:s11], $0x2800  }
0x8c: {  	[sflag:s11] =	ssyncset.done $0x0  }
0x8d: {  	[sflag:s11] =	ssyncadd.s32 $0xFFFFD800  }
0x8e: {  	_ =	swait.ge [sflag:s21], $0x100  }
0x8f: {  	[sflag:s21] =	ssyncset.done $0x0  }
0x90: {  	[sflag:s21] =	ssyncadd.s32 $0xFFFFFF00  }
0x91: {  	[tilespmem:s23], [sflag:$0x5] =	stream.indirect.gather [hbm4b:s4+s22], $0x80, s20, s22, $0xb8;
	[tilespmem:$0x1E400] =	vst v63  }
0x92: {  	_ = 	snop  }
0x93: {  	[spmem:s2] =	stream.indirect.scatter.add.f32 [tilespmem:s31], [sflag:$0xB], $0x80, s12, s22, $0xb8;
	[tilespmem:$0x1E400] =	vst v63  }
0x94: {  	_ =	swait.ge [sflag:s13], $0x2800  }
0x95: {  	s19 =	rddreg [dreg:$0x3];
	[sflag:s13] =	ssyncset.done $0x0  }
0x96: {  	[sflag:s13] =	ssyncadd.s32 $0xFFFFD800;
	s5 =	sadd.s32 $0x0, s19  }
0x97: {  	[tilespmem:s24], [sflag:$0x2] =	stream.linear.gather [hbm4b:s5+s3], $0x100, $0x38;
	[tilespmem:$0x1E400] =	vst v63  }
0x98: {  	_ =	swait.ge [sflag:s14], $0x2800  }
0x99: {  	[sflag:s14] =	ssyncset.done $0x0  }
0x9a: {  	[sflag:s14] =	ssyncadd.s32 $0xFFFFD800  }
0x9b: {  	_ =	swait.ge [sflag:s25], $0x100  }
0x9c: {  	[sflag:s25] =	ssyncset.done $0x0  }
0x9d: {  	s18 =	simm.s32 $0x80;
	[sflag:s25] =	ssyncadd.s32 $0xFFFFFF00  }
0x9e: {  	[tilespmem:s26], [sflag:$0x6] =	stream.indirect.gather [hbm4b:s4+s22], $0x80, s24, s22, $0xb8;
	[tilespmem:$0x1E400] =	vst v63  }
.LBB2_2:
0x9f: {  	[spmem:s2] =	stream.indirect.scatter.add.f32 [tilespmem:s8], [sflag:$0xC], $0x80, s15, s22, $0xb8;
	[tilespmem:$0x1E400] =	vst v63  }
0xa0: {  	_ =	swait.ge [sflag:s16], $0x2800  }
0xa1: {  	s5 =	smov.u32 s18;
	s19 =	rddreg [dreg:$0x6];
	[sflag:s16] =	ssyncset.done $0x0  }
0xa2: {  	[sflag:s16] =	ssyncadd.s32 $0xFFFFD800;
	s19 =	sadd.s32 s5, s19  }
0xa3: {  	[tilespmem:s28], [sflag:$0x3] =	stream.linear.gather [hbm4b:s19+s3], $0x100, $0x38;
	[tilespmem:$0x1E400] =	vst v63  }
0xa4: {  	_ =	swait.ge [sflag:s29], $0x2800  }
0xa5: {  	[sflag:s29] =	ssyncset.done $0x0  }
0xa6: {  	[sflag:s29] =	ssyncadd.s32 $0xFFFFD800  }
0xa7: {  	_ =	swait.ge [sflag:s30], $0x100  }
0xa8: {  	[sflag:s30] =	ssyncset.done $0x0  }
0xa9: {  	[sflag:s30] =	ssyncadd.s32 $0xFFFFFF00  }
0xaa: {  	[tilespmem:s31], [sflag:$0x7] =	stream.indirect.gather [hbm4b:s4+s22], $0x80, s28, s22, $0xb8;
	[tilespmem:$0x1E400] =	vst v63  }
0xab: {  	_ = 	snop  }
0xac: {  	[spmem:s2] =	stream.indirect.scatter.add.f32 [tilespmem:s23], [sflag:$0x9], $0x80, s0, s22, $0xb8;
	[tilespmem:$0x1E400] =	vst v63  }
0xad: {  	_ =	swait.ge [sflag:s17], $0x2800  }
0xae: {  	s19 =	rddreg [dreg:$0x5];
	[sflag:s17] =	ssyncset.done $0x0  }
0xaf: {  	[sflag:s17] =	ssyncadd.s32 $0xFFFFD800;
	s19 =	sadd.s32 s5, s19  }
0xb0: {  	[tilespmem:s6], [sflag:$0x4] =	stream.linear.gather [hbm4b:s19+s3], $0x100, $0x38;
	[tilespmem:$0x1E400] =	vst v63  }
0xb1: {  	_ =	swait.ge [sflag:s1], $0x2800  }
0xb2: {  	[sflag:s1] =	ssyncset.done $0x0  }
0xb3: {  	[sflag:s1] =	ssyncadd.s32 $0xFFFFD800  }
0xb4: {  	_ =	swait.ge [sflag:s7], $0x100  }
0xb5: {  	[sflag:s7] =	ssyncset.done $0x0  }
0xb6: {  	[sflag:s7] =	ssyncadd.s32 $0xFFFFFF00  }
0xb7: {  	[tilespmem:s8], [sflag:$0x8] =	stream.indirect.gather [hbm4b:s4+s22], $0x80, s6, s22, $0xb8;
	[tilespmem:$0x1E400] =	vst v63  }
0xb8: {  	_ = 	snop  }
0xb9: {  	[spmem:s2] =	stream.indirect.scatter.add.f32 [tilespmem:s26], [sflag:$0xA], $0x80, s9, s22, $0xb8;
	[tilespmem:$0x1E400] =	vst v63  }
0xba: {  	_ =	swait.ge [sflag:s10], $0x2800  }
0xbb: {  	s19 =	rddreg [dreg:$0x4];
	[sflag:s10] =	ssyncset.done $0x0  }
0xbc: {  	[sflag:s10] =	ssyncadd.s32 $0xFFFFD800;
	s19 =	sadd.s32 s5, s19  }
0xbd: {  	[tilespmem:s20], [sflag:$0x1] =	stream.linear.gather [hbm4b:s19+s3], $0x100, $0x38;
	[tilespmem:$0x1E400] =	vst v63  }
0xbe: {  	_ =	swait.ge [sflag:s11], $0x2800  }
0xbf: {  	[sflag:s11] =	ssyncset.done $0x0  }
0xc0: {  	[sflag:s11] =	ssyncadd.s32 $0xFFFFD800  }
0xc1: {  	_ =	swait.ge [sflag:s21], $0x100  }
0xc2: {  	[sflag:s21] =	ssyncset.done $0x0  }
0xc3: {  	[sflag:s21] =	ssyncadd.s32 $0xFFFFFF00  }
0xc4: {  	[tilespmem:s23], [sflag:$0x5] =	stream.indirect.gather [hbm4b:s4+s22], $0x80, s20, s22, $0xb8;
	[tilespmem:$0x1E400] =	vst v63  }
0xc5: {  	_ = 	snop  }
0xc6: {  	[spmem:s2] =	stream.indirect.scatter.add.f32 [tilespmem:s31], [sflag:$0xB], $0x80, s12, s22, $0xb8;
	[tilespmem:$0x1E400] =	vst v63  }
0xc7: {  	_ =	swait.ge [sflag:s13], $0x2800  }
0xc8: {  	s19 =	rddreg [dreg:$0x3];
	[sflag:s13] =	ssyncset.done $0x0  }
0xc9: {  	[sflag:s13] =	ssyncadd.s32 $0xFFFFD800;
	s5 =	sadd.s32 s5, s19  }
0xca: {  	[tilespmem:s24], [sflag:$0x2] =	stream.linear.gather [hbm4b:s5+s3], $0x100, $0x38;
	[tilespmem:$0x1E400] =	vst v63  }
0xcb: {  	_ =	swait.ge [sflag:s14], $0x2800  }
0xcc: {  	p1 =	sne.s32 s18, $0xE00;
	[sflag:s14] =	ssyncset.done $0x0  }
.Ltmp0:
0xcd: {  	[sflag:s14] =	ssyncadd.s32 $0xFFFFD800;
	(pc) =	sbr.rel @p1 .LBB2_2-.Ltmp0, $4  }
0xce: {  	_ =	swait.ge [sflag:s25], $0x100  }
0xcf: {  	[sflag:s25] =	ssyncset.done $0x0  }
0xd0: {  	s18 =	sadd.s32 $0x80, s18;
	[sflag:s25] =	ssyncadd.s32 $0xFFFFFF00  }
0xd1: {  	[tilespmem:s26], [sflag:$0x6] =	stream.indirect.gather [hbm4b:s4+s22], $0x80, s24, s22, $0xb8;
	[tilespmem:$0x1E400] =	vst v63  }
0xd2: {  	[spmem:s2] =	stream.indirect.scatter.add.f32 [tilespmem:s8], [sflag:$0xC], $0x80, s15, s22, $0xb8;
	[tilespmem:$0x1E400] =	vst v63  }
0xd3: {  	_ =	swait.ge [sflag:s16], $0x2800  }
0xd4: {  	[sflag:s16] =	ssyncset.done $0x0  }
0xd5: {  	s5 =	rddreg [dreg:$0x10];
	[sflag:s16] =	ssyncadd.s32 $0xFFFFD800  }
0xd6: {  	[tilespmem:s28], [sflag:$0x3] =	stream.linear.gather [hbm4b:s5+s3], $0x100, $0x38;
	[tilespmem:$0x1E400] =	vst v63  }
0xd7: {  	_ =	swait.ge [sflag:s29], $0x2800  }
0xd8: {  	[sflag:s29] =	ssyncset.done $0x0  }
0xd9: {  	[sflag:s29] =	ssyncadd.s32 $0xFFFFD800  }
0xda: {  	_ =	swait.ge [sflag:s30], $0x100  }
0xdb: {  	[sflag:s30] =	ssyncset.done $0x0  }
0xdc: {  	[sflag:s30] =	ssyncadd.s32 $0xFFFFFF00  }
0xdd: {  	[tilespmem:s31], [sflag:$0x7] =	stream.indirect.gather [hbm4b:s4+s22], $0x80, s28, s22, $0xb8;
	[tilespmem:$0x1E400] =	vst v63  }
0xde: {  	_ = 	snop  }
0xdf: {  	[spmem:s2] =	stream.indirect.scatter.add.f32 [tilespmem:s23], [sflag:$0x9], $0x80, s0, s22, $0xb8;
	[tilespmem:$0x1E400] =	vst v63  }
0xe0: {  	_ =	swait.ge [sflag:s17], $0x2800  }
0xe1: {  	[sflag:s17] =	ssyncset.done $0x0  }
0xe2: {  	s19 =	rddreg [dreg:$0x11];
	[sflag:s17] =	ssyncadd.s32 $0xFFFFD800  }
0xe3: {  	[tilespmem:s6], [sflag:$0x4] =	stream.linear.gather [hbm4b:s19+s3], $0x100, $0x38;
	[tilespmem:$0x1E400] =	vst v63  }
0xe4: {  	_ =	swait.ge [sflag:s1], $0x2800  }
0xe5: {  	[sflag:s1] =	ssyncset.done $0x0  }
0xe6: {  	[sflag:s1] =	ssyncadd.s32 $0xFFFFD800  }
0xe7: {  	_ =	swait.ge [sflag:s7], $0x100  }
0xe8: {  	[sflag:s7] =	ssyncset.done $0x0  }
0xe9: {  	[sflag:s7] =	ssyncadd.s32 $0xFFFFFF00  }
0xea: {  	[tilespmem:s8], [sflag:$0x8] =	stream.indirect.gather [hbm4b:s4+s22], $0x80, s6, s22, $0xb8;
	[tilespmem:$0x1E400] =	vst v63  }
0xeb: {  	_ = 	snop  }
0xec: {  	[spmem:s2] =	stream.indirect.scatter.add.f32 [tilespmem:s26], [sflag:$0xA], $0x80, s9, s22, $0xb8;
	[tilespmem:$0x1E400] =	vst v63  }
0xed: {  	_ =	swait.ge [sflag:s10], $0x2800  }
0xee: {  	[sflag:s10] =	ssyncset.done $0x0  }
0xef: {  	s18 =	rddreg [dreg:$0x12];
	[sflag:s10] =	ssyncadd.s32 $0xFFFFD800  }
0xf0: {  	[tilespmem:s20], [sflag:$0x1] =	stream.linear.gather [hbm4b:s18+s3], $0x100, $0x38;
	[tilespmem:$0x1E400] =	vst v63  }
0xf1: {  	_ =	swait.ge [sflag:s11], $0x2800  }
0xf2: {  	[sflag:s11] =	ssyncset.done $0x0  }
0xf3: {  	[sflag:s11] =	ssyncadd.s32 $0xFFFFD800  }
0xf4: {  	_ =	swait.ge [sflag:s21], $0x100  }
0xf5: {  	[sflag:s21] =	ssyncset.done $0x0  }
0xf6: {  	[sflag:s21] =	ssyncadd.s32 $0xFFFFFF00  }
0xf7: {  	[tilespmem:s23], [sflag:$0x5] =	stream.indirect.gather [hbm4b:s4+s22], $0x80, s20, s22, $0xb8;
	[tilespmem:$0x1E400] =	vst v63  }
0xf8: {  	_ = 	snop  }
0xf9: {  	[spmem:s2] =	stream.indirect.scatter.add.f32 [tilespmem:s31], [sflag:$0xB], $0x80, s12, s22, $0xb8;
	[tilespmem:$0x1E400] =	vst v63  }
0xfa: {  	_ =	swait.ge [sflag:s14], $0x2800  }
0xfb: {  	[sflag:s14] =	ssyncset.done $0x0  }
0xfc: {  	[sflag:s14] =	ssyncadd.s32 $0xFFFFD800  }
0xfd: {  	[spmem:s2] =	stream.indirect.scatter.add.f32 [tilespmem:s8], [sflag:$0xC], $0x80, s15, s22, $0xb8;
	[tilespmem:$0x1E400] =	vst v63  }
0xfe: {  	_ =	swait.ge [sflag:s29], $0x2800  }
0xff: {  	[sflag:s29] =	ssyncset.done $0x0  }
0x100: {  	[sflag:s29] =	ssyncadd.s32 $0xFFFFD800  }
0x101: {  	[spmem:s2] =	stream.indirect.scatter.add.f32 [tilespmem:s23], [sflag:$0x9], $0x80, s0, s22, $0xb8;
	[tilespmem:$0x1E400] =	vst v63  }
0x102: {  	_ =	swait.ge [sflag:s13], $0x2800  }
0x103: {  	[sflag:s13] =	ssyncset.done $0x0  }
0x104: {  	[sflag:s13] =	ssyncadd.s32 $0xFFFFD800  }
0x105: {  	_ =	swait.ge [sflag:s16], $0x2800  }
0x106: {  	[sflag:s16] =	ssyncset.done $0x0  }
0x107: {  	[sflag:s16] =	ssyncadd.s32 $0xFFFFD800  }
0x108: {  	_ =	swait.ge [sflag:s17], $0x2800  }
0x109: {  	[sflag:s17] =	ssyncset.done $0x0  }
0x10a: {  	[sflag:s17] =	ssyncadd.s32 $0xFFFFD800  }
0x10b: {  	_ =	swait.ge [sflag:s10], $0x2800  }
0x10c: {  	[sflag:s10] =	ssyncset.done $0x0  }
0x10d: {  	[sflag:s10] =	ssyncadd.s32 $0xFFFFD800  }
0x10e: {  	s19 =	stileid.u32;
	[bflag:$0x0] =	sbarrier.arrive $0xFFFF  }
0x10f: {  	s5 =	sshll.u32 s19, $0x6;
	s18 =	rddreg [dreg:$0x7]  }
0x110: {  	s5 =	sor.u32 $0x1C0D, s5;
	s19 =	rddreg [dreg:$0x13];
	s18 =	sshrl.u32 s18, $0x3  }
0x111: {  	[hbm:s19], [sflag:s5] =	dma.local [spmem:s18], $0x2800  }
0x112: {  	s18 =	simm.s32 $0xD  }
0x113: {  	_ =	swait.ge [sflag:s18], $0x2800  }
0x114: {  	s5 =	rddreg [dreg:$0x16]  }
0x115: {  	s19 =	sadd.s32 $0x1, s5;
	s5 =	rddreg [dreg:$0x14]  }
0x116: {  	p1 =	sne.s32 s19, s5  }
.Ltmp1:
0x117: {  	_ = 	snop;
	(pc) =	sbr.rel @p1 .LBB2_1-.Ltmp1, $3  }
0x118: {  	_ =	sdelay $0x1  }
0x119: {  	[sflag:s18] =	ssyncset.done $0x0  }
0x11a: {  	[sflag:s18] =	ssyncadd.s32 $0xFFFFD800  }
0x11b: {  	_ =	sfence.sel $0x180000  }
0x11c: {  	[bflag:$0x0] =	sbarrier.arrive $0xFFFF  }
0x11d: {  	_ =	strace $0x90000047  }
0x11e: {  	s0 =	stileid.u32;
	[bflag:$0x2] =	sbarrier.arrive $0xFFFF  }
0x11f: {  	p0 =	sne.s32 s0, $0x0;
	s0 =	rddreg [dreg:$0x2]  }
0x120: {  	s0 =	sadd.s32 @!p0 $0x100000, s0  }
0x121: {  	[sflag:s0] =	ssyncadd.tile.s32 @!p0 $0x1;
	_ =	shalt  }
.Lfunc_end2:
_tile_overlayer_lowered:
.L_overlay_start_2:
0x122: {  	(tag) =	ssettag $0x2  }
0x123: {  	s0 =	rddreg [dreg:$0x0];
	s2 =	stileid.u32  }
0x124: {  	s1 =	rddreg [dreg:$0x1];
	p0 =	sne.s32 s2, $0x0  }
0x125: {  	s3 =	rddreg [dreg:$0x2];
	[bflag:$0x3] =	sbarrier.arrive $0xFFFF;
	s2 =	simm.s32 @!p0 $0x1C0D  }
0x126: {  	[timem:s3], [sflag:s2] =	dma.local @!p0 [hbm:s0], s1  }
0x127: {  	s0 =	simm.s32 @!p0 $0xD  }
0x128: {  	_ =	swait.ge @!p0 [sflag:s0], s1  }
0x129: {  	s1 =	ssub.s32 @!p0 $0x0, s1;
	[sflag:s0] =	ssyncset.done @!p0 $0x0  }
0x12a: {  	[sflag:s0] =	ssyncadd.s32 @!p0 s1  }
0x12b: {  	[bflag:$0x3] =	sbarrier.arrive $0xFFFF  }
0x12c: {  	_ =	shalt  }

</sc_bundles>
